<compile_context>
chip_gen: v7x
topology: tpu7x:2x2x1
jax: 0.10.2.dev20260603
libtpu: 0.0.44.dev20260713+nightly
codegen_flags: <defaults>
</compile_context>

<pallas_src>
import functools

import jax
import jax.numpy as jnp
from jax import lax
from jax.experimental import pallas as pl
from jax.experimental.pallas import tpu as pltpu
from jax.experimental.pallas import tpu_sc as plsc

N = 10000
E = 320000
D = 128
H = 16
FM = 16
OUT = 16

NC = 2
NS = 16
NW = NC * NS
EPW = E // NW
G = 80
CH_G = 25
CH = CH_G * G
NCH = EPW // CH
VG = G // 16

NP = N // 8
NSG = N // 16
SG_T = NSG // NS

_SPLAT_DNUMS = lax.GatherDimensionNumbers(
    offset_dims=(), collapsed_slice_dims=(0,), start_index_map=(0,))


def _splat_lane(v, j):
    idx = jnp.full((16, 1), j, jnp.int32)
    return lax.gather(v, idx, _SPLAT_DNUMS, (1,),
                      mode=lax.GatherScatterMode.PROMISE_IN_BOUNDS)



def _pre_body(xp_ref, bdw0_ref, kv_ref, h_ref, f12_ref):
    hb_p = jnp.dot(xp_ref[...], bdw0_ref[...],
                   preferred_element_type=jnp.float32)
    h_ref[...] = hb_p
    f12_ref[...] = jnp.exp(-jnp.dot(hb_p, kv_ref[...],
                                    preferred_element_type=jnp.float32))


def _pre(x_p, bdw0, kv):
    return pl.pallas_call(
        _pre_body,
        out_shape=[
            jax.ShapeDtypeStruct((NP, 128), jnp.float32),
            jax.ShapeDtypeStruct((NP, 16), jnp.float32),
        ],
    )(x_p, bdw0, kv)



def _sc_edges(ei, f12i, h, zu, zs):
    mesh = plsc.VectorSubcoreMesh(core_axis_name="c", subcore_axis_name="s")

    @functools.partial(
        pl.kernel,
        mesh=mesh,
        out_type=[
            jax.ShapeDtypeStruct((NC, N, H), jnp.float32),
            jax.ShapeDtypeStruct((NC, N, 16), jnp.float32),
        ],
        scratch_types=[
            pltpu.VMEM((2 * N,), jnp.float32),
            pltpu.VMEM((EPW,), jnp.int32),
            pltpu.VMEM((EPW,), jnp.int32),
            pltpu.VMEM((CH,), jnp.float32),
            pltpu.VMEM((CH,), jnp.float32),
            pltpu.VMEM((CH, H), jnp.float32),
            pltpu.VMEM((CH, H), jnp.float32),
            pltpu.VMEM(((SG_T + 1) * 16,), jnp.float32),
            pltpu.VMEM_SHARED((N, H), jnp.float32),
            pltpu.VMEM_SHARED((N,), jnp.float32),
            pltpu.SemaphoreType.DMA,
            pltpu.SemaphoreType.DMA,
            pltpu.SemaphoreType.DMA,
            pltpu.SemaphoreType.DMA,
            pltpu.SemaphoreType.DMA,
        ],
        compiler_params=pltpu.CompilerParams(
            needs_layout_passes=False, use_tc_tiling_on_sc=False),
    )
    def k(ei_hbm, f12_hbm, h_hbm, zu_hbm, zs_hbm,
          u_out, sw_out, f12_v, row_f, col_f, val0, val1, hr0, hr1,
          s_loc, u_sh, s_sh, sem_i, sem_g0, sem_g1, sem_s0, sem_s1):
        cid = lax.axis_index("c")
        sid = lax.axis_index("s")
        wid = cid * NS + sid
        base_e = wid * EPW

        vals = (val0, val1)
        hrows = (hr0, hr1)
        sem_g = (sem_g0, sem_g1)
        sem_s = (sem_s0, sem_s1)

        cp_r = pltpu.async_copy(ei_hbm.at[0, pl.ds(base_e, EPW)], row_f, sem_i)
        cp_c = pltpu.async_copy(ei_hbm.at[1, pl.ds(base_e, EPW)], col_f, sem_i)

        @pl.when(sid == 0)
        def _():
            pltpu.sync_copy(zu_hbm, u_sh)
            pltpu.sync_copy(zs_hbm, s_sh)

        pltpu.sync_copy(f12_hbm, f12_v)
        cp_r.wait()
        cp_c.wait()

        plsc.subcore_barrier()

        def fire_gathers(k_ch, b):
            def body(g, _):
                pltpu.async_copy(
                    h_hbm.at[col_f.at[pl.ds(k_ch * CH + g * G, G)]],
                    hrows[b].at[pl.ds(g * G, G)],
                    sem_g[b])
                return 0
            lax.fori_loop(0, CH_G, body, 0)

        def drain_gathers(b):
            pltpu.make_async_copy(h_hbm.at[pl.ds(0, CH)], hrows[b],
                                  sem_g[b]).wait()

        def drain_scatters(b):
            pltpu.make_async_copy(h_hbm.at[pl.ds(0, CH)], hrows[b],
                                  sem_s[b]).wait()
            pltpu.make_async_copy(f12_hbm.at[pl.ds(0, CH)], vals[b],
                                  sem_s[b]).wait()

        def compute_and_scatter(k_ch, b):
            def group_body(g, _):
                def _vg(t, _):
                    loc = g * G + t * 16
                    e0 = k_ch * CH + loc
                    rv = row_f[pl.ds(e0, 16)]
                    cv = col_f[pl.ds(e0, 16)]
                    ag = plsc.load_gather(f12_v, [rv + rv])
                    bg = plsc.load_gather(f12_v, [cv + cv + 1])
                    val = jnp.exp(1.0 / (1.0 + ag * bg))
                    vals[b][pl.ds(loc, 16)] = val
                    for j in range(16):
                        splat = _splat_lane(val, j)
                        hrows[b][loc + j] = hrows[b][loc + j] * splat
                    return 0
                lax.fori_loop(0, VG, _vg, 0)
                idx_slice = row_f.at[pl.ds(k_ch * CH + g * G, G)]
                pltpu.async_copy(hrows[b].at[pl.ds(g * G, G)],
                                 u_sh.at[idx_slice], sem_s[b], add=True)
                pltpu.async_copy(vals[b].at[pl.ds(g * G, G)],
                                 s_sh.at[idx_slice], sem_s[b], add=True)
                return 0
            lax.fori_loop(0, CH_G, group_body, 0)

        fire_gathers(0, 0)
        for k_ch in range(NCH):
            b = k_ch % 2
            nb = 1 - b
            if k_ch >= 1:
                drain_scatters(nb)
            if k_ch + 1 < NCH:
                fire_gathers(k_ch + 1, nb)
            drain_gathers(b)
            compute_and_scatter(k_ch, b)
        drain_scatters((NCH - 1) % 2)

        plsc.subcore_barrier()

        @pl.when(sid == 0)
        def _():
            pltpu.sync_copy(u_sh, u_out.at[cid])

        NPT = SG_T * 16
        pltpu.sync_copy(s_sh.at[pl.ds(sid * NPT, NPT)],
                        s_loc.at[pl.ds(0, NPT)])

        @pl.when(sid == NS - 1)
        def _():
            pltpu.sync_copy(s_sh.at[pl.ds(NS * NPT, 16)],
                            s_loc.at[pl.ds(NPT, 16)])

        def sw_body(i, _):
            s16 = s_loc[pl.ds(i * 16, 16)]
            for j in range(16):
                hr0[i * 16 + j] = _splat_lane(s16, j)
            return 0
        lax.fori_loop(0, SG_T, sw_body, 0)
        pltpu.sync_copy(hr0.at[pl.ds(0, NPT)],
                        sw_out.at[cid, pl.ds(sid * NPT, NPT)])

        @pl.when(sid == NS - 1)
        def _():
            s16 = s_loc[pl.ds(NPT, 16)]
            for j in range(16):
                hr1[j] = _splat_lane(s16, j)
            pltpu.sync_copy(hr1.at[pl.ds(0, 16)],
                            sw_out.at[cid, pl.ds(NS * NPT, 16)])

    return k(ei, f12i, h, zu, zs)



def _post_body(xp_ref, bdf_ref, bdf2_ref, u_ref, sw_ref, bdwg_ref, bdwn_ref,
               bp_ref, out_ref):
    xp = xp_ref[...]
    summed = jnp.dot(xp, bdf_ref[...], preferred_element_type=jnp.float32)
    sq = jnp.dot(xp, bdf2_ref[...], preferred_element_type=jnp.float32)
    nfm_p = 0.5 * (summed * summed - sq)
    gp = (u_ref[0] + u_ref[1]) * (1.0 / (sw_ref[0] + sw_ref[1] + 1e-16))
    out_p = (jnp.dot(gp, bdwg_ref[...], preferred_element_type=jnp.float32)
             + jnp.dot(nfm_p, bdwn_ref[...], preferred_element_type=jnp.float32)
             + bp_ref[...])
    out_ref[...] = out_p


def _post(x_p, bdf, bdf2, u_p, sw_p, bdwg, bdwn, b_p):
    return pl.pallas_call(
        _post_body,
        out_shape=jax.ShapeDtypeStruct((NP, 128), jnp.float32),
    )(x_p, bdf, bdf2, u_p, sw_p, bdwg, bdwn, b_p)



def kernel(x, edge_index, W0, v0, v1, fm_emb, W_proj, b_proj):
    edge_index = edge_index.astype(jnp.int32)
    v01 = jnp.concatenate([v0, v1], axis=1)

    eye8 = jnp.eye(8, dtype=jnp.float32)
    x_p = x.reshape(NP, 8 * D)
    bdw0 = jnp.kron(eye8, W0)
    kv = jnp.kron(eye8, v01)

    h_p, f12i_p = _pre(x_p, bdw0, kv)

    zu = jnp.zeros((N, H), jnp.float32)
    zs = jnp.zeros((N,), jnp.float32)
    u_part, sw = _sc_edges(edge_index, f12i_p.reshape(2 * N),
                           h_p.reshape(N, H), zu, zs)

    bdf = jnp.kron(eye8, fm_emb)
    bdf2 = jnp.kron(eye8, fm_emb * fm_emb)
    bdwg = jnp.kron(eye8, W_proj[:H])
    bdwn = jnp.kron(eye8, W_proj[H:])
    b_p = jnp.tile(b_proj, 8).reshape(1, 128)

    out_p = _post(x_p, bdf, bdf2,
                  u_part.reshape(NC, NP, 128), sw.reshape(NC, NP, 128),
                  bdwg, bdwn, b_p)
    return out_p.reshape(N, OUT)

# --- scband reference (transcript-rebuilt; emitter-appended) ---
"""Pipeline reference for scband-gat-nfm-7928509629244 (READ-ONLY COPY).

The authoritative reference and input builder live on the scoring server;
editing this copy changes nothing except your own understanding.
"""

import jax, jax.numpy as jnp
import numpy as np

N = 10000
E = 320000
D = 128
H_DIM = 16
FM = 16
OUT = 16


def setup_inputs(seed: int = 0) -> dict:
    key = jax.random.key(seed)
    ks = jax.random.split(key, 8)
    x = jax.random.normal(ks[0], (N, D), dtype=jnp.float32)
    edge_index = jax.random.randint(ks[1], (2, E), 0, N)
    W0 = jax.random.normal(ks[2], (D, H_DIM), dtype=jnp.float32) * (1.0 / np.sqrt(D))
    v0 = jax.random.normal(ks[3], (H_DIM, 1), dtype=jnp.float32) * (1.0 / np.sqrt(H_DIM))
    v1 = jax.random.normal(ks[4], (H_DIM, 1), dtype=jnp.float32) * (1.0 / np.sqrt(H_DIM))
    fm_emb = jax.random.normal(ks[5], (D, FM), dtype=jnp.float32) * 0.05
    W_proj = jax.random.normal(ks[6], (H_DIM + FM, OUT), dtype=jnp.float32) * (1.0 / np.sqrt(H_DIM + FM))
    b_proj = jnp.zeros((OUT,), dtype=jnp.float32)
    return {"x": x, "edge_index": edge_index, "W0": W0, "v0": v0, "v1": v1,
            "fm_emb": fm_emb, "W_proj": W_proj, "b_proj": b_proj}


def reference(x, edge_index, W0, v0, v1, fm_emb, W_proj, b_proj):
    # --- GAT encoder layer (dense inputs, single layer) ---
    h = x @ W0                                  # [N, H_DIM]
    f1 = (h @ v0)[:, 0]                         # [N]
    f2 = (h @ v1)[:, 0]                         # [N]
    row = edge_index[0]                         # destination rows of sparse A
    col = edge_index[1]                         # source cols
    # logits at edge (i,j) = f1[i] + f2[j]; unnormalized attn = sigmoid(logits)
    e = jax.nn.sigmoid(f1[row] + f2[col])       # [E]
    # sparse softmax over each row i
    m = jax.ops.segment_max(e, row, num_segments=N)
    e_exp = jnp.exp(e - m[row])
    s = jax.ops.segment_sum(e_exp, row, num_segments=N)
    att = e_exp / (s[row] + 1e-16)
    # sparse attn matmul: out[i] = sum_j att[i,j] * h[j]
    gat_out = jax.ops.segment_sum(att[:, None] * h[col], row, num_segments=N)  # [N, H_DIM]

    # --- NFM (neural factorization machine) pairwise interaction pooling ---
    summed = x @ fm_emb                          # [N, FM]
    sq_sum = x @ (fm_emb ** 2)                   # [N, FM]
    nfm = 0.5 * (summed ** 2 - sq_sum)           # [N, FM]

    # --- final projection of concat([gat_out, nfm]) ---
    feat = jnp.concatenate([gat_out, nfm], axis=1)  # [N, H_DIM+FM]
    out = feat @ W_proj + b_proj                     # [N, OUT]
    return out

if __name__ == "__main__":
    import jax
    _d = setup_inputs()
    print(jax.jit(kernel)(*tuple(_d.values())))

</pallas_src>

<mosaic_0001>
#map = affine_map<(d0, d1) -> (0, 0)>
#map1 = affine_map<(d0, d1) -> (0)>
#map2 = affine_map<(d0, d1) -> (0, 0, 0)>
module attributes {stable_mosaic.version = 14 : i64} {
  func.func @k(%arg0: i32, %arg1: i32, %arg2: memref<2x320000xi32, #tpu.memory_space<hbm>>, %arg3: memref<20000xf32, #tpu.memory_space<hbm>>, %arg4: memref<10000x16xf32, #tpu.memory_space<hbm>>, %arg5: memref<10000x16xf32, #tpu.memory_space<hbm>>, %arg6: memref<10000xf32, #tpu.memory_space<hbm>>, %arg7: memref<2x10000x16xf32, #tpu.memory_space<hbm>>, %arg8: memref<2x10000x16xf32, #tpu.memory_space<hbm>>, %arg9: memref<20000xf32, #tpu.memory_space<vmem>>, %arg10: memref<10000xi32, #tpu.memory_space<vmem>>, %arg11: memref<10000xi32, #tpu.memory_space<vmem>>, %arg12: memref<2000xf32, #tpu.memory_space<vmem>>, %arg13: memref<2000xf32, #tpu.memory_space<vmem>>, %arg14: memref<2000x16xf32, #tpu.memory_space<vmem>>, %arg15: memref<2000x16xf32, #tpu.memory_space<vmem>>, %arg16: memref<640xf32, #tpu.memory_space<vmem>>, %arg17: memref<10000x16xf32, #tpu.memory_space<vmem_shared>>, %arg18: memref<10000xf32, #tpu.memory_space<vmem_shared>>, %arg19: memref<!tpu.dma_semaphore, #tpu.memory_space<semaphore_mem>>, %arg20: memref<!tpu.dma_semaphore, #tpu.memory_space<semaphore_mem>>, %arg21: memref<!tpu.dma_semaphore, #tpu.memory_space<semaphore_mem>>, %arg22: memref<!tpu.dma_semaphore, #tpu.memory_space<semaphore_mem>>, %arg23: memref<!tpu.dma_semaphore, #tpu.memory_space<semaphore_mem>>) attributes {dimension_semantics = [#tpu.dimension_semantics<core_parallel>, #tpu.dimension_semantics<subcore_parallel>], iteration_bounds = array<i64: 2, 16>, scalar_prefetch = 0 : i64, scratch_operands = 15 : i64, tpu.core_type = #tpu.core_type<sc_vector_subcore>, window_params = [{transform_indices = #map}, {transform_indices = #map1}, {transform_indices = #map}, {transform_indices = #map}, {transform_indices = #map1}, {transform_indices = #map2}, {transform_indices = #map2}]} {
    %mul3A = arith.constant 16 : i32
    %mul3A_0 = arith.muli %arg0, %mul3A : i32
    %add3A = arith.addi %mul3A_0, %arg1 : i32
    %mul3A_1 = arith.constant 10000 : i32
    %mul3A_2 = arith.muli %add3A, %mul3A_1 : i32
    %dma_start3A = arith.constant 0 : i32
    %dma_start3A_3 = tpu.memref_slice %arg2[%dma_start3A, %mul3A_2] : memref<2x320000xi32, #tpu.memory_space<hbm>> -> memref<1x10000xi32, #tpu.memory_space<hbm>>
    %dma_start3A_4 = tpu.memref_squeeze %dma_start3A_3 : memref<1x10000xi32, #tpu.memory_space<hbm>> -> memref<10000xi32, #tpu.memory_space<hbm>>
    %dma_start3A_5 = tpu.memref_slice %arg2[%dma_start3A, %mul3A_2] : memref<2x320000xi32, #tpu.memory_space<hbm>> -> memref<1x10000xi32, #tpu.memory_space<hbm>>
    %dma_start3A_6 = tpu.memref_squeeze %dma_start3A_5 : memref<1x10000xi32, #tpu.memory_space<hbm>> -> memref<10000xi32, #tpu.memory_space<hbm>>
    tpu.enqueue_dma source(%dma_start3A_6 : memref<10000xi32, #tpu.memory_space<hbm>>) target(%arg10 : memref<10000xi32, #tpu.memory_space<vmem>>) target_semaphore(%arg19 : memref<!tpu.dma_semaphore, #tpu.memory_space<semaphore_mem>>)
    %dma_start3A_7 = arith.constant 1 : i32
    %dma_start3A_8 = tpu.memref_slice %arg2[%dma_start3A_7, %mul3A_2] : memref<2x320000xi32, #tpu.memory_space<hbm>> -> memref<1x10000xi32, #tpu.memory_space<hbm>>
    %dma_start3A_9 = tpu.memref_squeeze %dma_start3A_8 : memref<1x10000xi32, #tpu.memory_space<hbm>> -> memref<10000xi32, #tpu.memory_space<hbm>>
    %dma_start3A_10 = tpu.memref_slice %arg2[%dma_start3A_7, %mul3A_2] : memref<2x320000xi32, #tpu.memory_space<hbm>> -> memref<1x10000xi32, #tpu.memory_space<hbm>>
    %dma_start3A_11 = tpu.memref_squeeze %dma_start3A_10 : memref<1x10000xi32, #tpu.memory_space<hbm>> -> memref<10000xi32, #tpu.memory_space<hbm>>
    tpu.enqueue_dma source(%dma_start3A_11 : memref<10000xi32, #tpu.memory_space<hbm>>) target(%arg11 : memref<10000xi32, #tpu.memory_space<vmem>>) target_semaphore(%arg19 : memref<!tpu.dma_semaphore, #tpu.memory_space<semaphore_mem>>)
    %eq3A = arith.constant 0 : i32
    %eq3A_12 = arith.cmpi eq, %arg1, %eq3A : i32
    %convert_element_type3A = arith.extui %eq3A_12 : i1 to i32
    %cond3A = arith.constant 0 : i32
    %cond3A_13 = arith.cmpi ne, %convert_element_type3A, %cond3A : i32
    scf.if %cond3A_13 {
      "tpu.region"() ({
        %run_scoped3A = tpu.sem_alloc : memref<!tpu.dma_semaphore, #tpu.memory_space<semaphore_mem>>
        tpu.enqueue_dma source(%arg5 : memref<10000x16xf32, #tpu.memory_space<hbm>>) target(%arg17 : memref<10000x16xf32, #tpu.memory_space<vmem_shared>>) target_semaphore(%run_scoped3A : memref<!tpu.dma_semaphore, #tpu.memory_space<semaphore_mem>>)
        tpu.wait_dma2 semaphore(%run_scoped3A : memref<!tpu.dma_semaphore, #tpu.memory_space<semaphore_mem>>) src(%arg5 : memref<10000x16xf32, #tpu.memory_space<hbm>>) dst(%arg17 : memref<10000x16xf32, #tpu.memory_space<vmem_shared>>)
        tpu.yield
      }) : () -> ()
      "tpu.region"() ({
        %run_scoped3A = tpu.sem_alloc : memref<!tpu.dma_semaphore, #tpu.memory_space<semaphore_mem>>
        tpu.enqueue_dma source(%arg6 : memref<10000xf32, #tpu.memory_space<hbm>>) target(%arg18 : memref<10000xf32, #tpu.memory_space<vmem_shared>>) target_semaphore(%run_scoped3A : memref<!tpu.dma_semaphore, #tpu.memory_space<semaphore_mem>>)
        tpu.wait_dma2 semaphore(%run_scoped3A : memref<!tpu.dma_semaphore, #tpu.memory_space<semaphore_mem>>) src(%arg6 : memref<10000xf32, #tpu.memory_space<hbm>>) dst(%arg18 : memref<10000xf32, #tpu.memory_space<vmem_shared>>)
        tpu.yield
      }) : () -> ()
    } else {
    }
    "tpu.region"() ({
      %run_scoped3A = tpu.sem_alloc : memref<!tpu.dma_semaphore, #tpu.memory_space<semaphore_mem>>
      tpu.enqueue_dma source(%arg3 : memref<20000xf32, #tpu.memory_space<hbm>>) target(%arg9 : memref<20000xf32, #tpu.memory_space<vmem>>) target_semaphore(%run_scoped3A : memref<!tpu.dma_semaphore, #tpu.memory_space<semaphore_mem>>)
      tpu.wait_dma2 semaphore(%run_scoped3A : memref<!tpu.dma_semaphore, #tpu.memory_space<semaphore_mem>>) src(%arg3 : memref<20000xf32, #tpu.memory_space<hbm>>) dst(%arg9 : memref<20000xf32, #tpu.memory_space<vmem>>)
      tpu.yield
    }) : () -> ()
    %dma_wait3A = arith.constant 0 : i32
    %dma_wait3A_14 = tpu.memref_slice %arg2[%dma_wait3A, %mul3A_2] : memref<2x320000xi32, #tpu.memory_space<hbm>> -> memref<1x10000xi32, #tpu.memory_space<hbm>>
    %dma_wait3A_15 = tpu.memref_squeeze %dma_wait3A_14 : memref<1x10000xi32, #tpu.memory_space<hbm>> -> memref<10000xi32, #tpu.memory_space<hbm>>
    %dma_wait3A_16 = tpu.memref_slice %arg2[%dma_wait3A, %mul3A_2] : memref<2x320000xi32, #tpu.memory_space<hbm>> -> memref<1x10000xi32, #tpu.memory_space<hbm>>
    %dma_wait3A_17 = tpu.memref_squeeze %dma_wait3A_16 : memref<1x10000xi32, #tpu.memory_space<hbm>> -> memref<10000xi32, #tpu.memory_space<hbm>>
    tpu.wait_dma2 semaphore(%arg19 : memref<!tpu.dma_semaphore, #tpu.memory_space<semaphore_mem>>) src(%dma_wait3A_17 : memref<10000xi32, #tpu.memory_space<hbm>>) dst(%arg10 : memref<10000xi32, #tpu.memory_space<vmem>>)
    %dma_wait3A_18 = arith.constant 1 : i32
    %dma_wait3A_19 = tpu.memref_slice %arg2[%dma_wait3A_18, %mul3A_2] : memref<2x320000xi32, #tpu.memory_space<hbm>> -> memref<1x10000xi32, #tpu.memory_space<hbm>>
    %dma_wait3A_20 = tpu.memref_squeeze %dma_wait3A_19 : memref<1x10000xi32, #tpu.memory_space<hbm>> -> memref<10000xi32, #tpu.memory_space<hbm>>
    %dma_wait3A_21 = tpu.memref_slice %arg2[%dma_wait3A_18, %mul3A_2] : memref<2x320000xi32, #tpu.memory_space<hbm>> -> memref<1x10000xi32, #tpu.memory_space<hbm>>
    %dma_wait3A_22 = tpu.memref_squeeze %dma_wait3A_21 : memref<1x10000xi32, #tpu.memory_space<hbm>> -> memref<10000xi32, #tpu.memory_space<hbm>>
    tpu.wait_dma2 semaphore(%arg19 : memref<!tpu.dma_semaphore, #tpu.memory_space<semaphore_mem>>) src(%dma_wait3A_22 : memref<10000xi32, #tpu.memory_space<hbm>>) dst(%arg11 : memref<10000xi32, #tpu.memory_space<vmem>>)
    %barrier3A = arith.constant 0 : index
    tpu.barrier barrier_id(%barrier3A)
    %scan3A = arith.constant 0 : i32
    %scan3A_23 = arith.constant 0 : i32
    %scan3A_24 = arith.constant 25 : i32
    %scan3A_25 = arith.addi %scan3A_23, %scan3A_24 : i32
    %scan3A_26 = arith.constant 1 : i32
    %scan3A_27 = scf.for %scan3A_199 = %scan3A_23 to %scan3A_25 step %scan3A_26 iter_args(%scan3A_200 = %scan3A) -> (i32)  : i32 {
      %mul3A_201 = arith.constant 80 : i32
      %mul3A_202 = arith.muli %scan3A_199, %mul3A_201 : i32
      %add3A_203 = arith.constant 0 : i32
      %add3A_204 = arith.addi %add3A_203, %mul3A_202 : i32
      %mul3A_205 = arith.constant 80 : i32
      %mul3A_206 = arith.muli %scan3A_199, %mul3A_205 : i32
      %dma_start3A_207 = arith.constant 0 : i32
      %dma_start3A_208 = tpu.memref_slice %arg14[%mul3A_206, %dma_start3A_207] : memref<2000x16xf32, #tpu.memory_space<vmem>> -> memref<80x16xf32, #tpu.memory_space<vmem>>
      %dma_start3A_209 = tpu.memref_slice %arg11[%add3A_204] : memref<10000xi32, #tpu.memory_space<vmem>> -> memref<80xi32, #tpu.memory_space<vmem>>
      %dma_start3A_210 = arith.constant 0 : i32
      %dma_start3A_211 = arith.constant 0 : i32
      %dma_start3A_212 = tpu.memref_slice %arg4[%dma_start3A_210, %dma_start3A_211] : memref<10000x16xf32, #tpu.memory_space<hbm>> -> memref<10000x16xf32, #tpu.memory_space<hbm>>
      tpu.enqueue_indirect_dma source(%dma_start3A_212 : memref<10000x16xf32, #tpu.memory_space<hbm>>) target(%dma_start3A_208 : memref<80x16xf32, #tpu.memory_space<vmem>>) offsets(%dma_start3A_209 : memref<80xi32, #tpu.memory_space<vmem>>) semaphore(%arg20 : memref<!tpu.dma_semaphore, #tpu.memory_space<semaphore_mem>>)
      %scan3A_213 = arith.constant 0 : i32
      scf.yield %scan3A_213 : i32
    }
    %scan3A_28 = arith.constant 25 : i32
    %scan3A_29 = arith.constant 0 : i32
    %scan3A_30 = arith.constant 0 : i32
    %scan3A_31 = arith.constant 25 : i32
    %scan3A_32 = arith.addi %scan3A_30, %scan3A_31 : i32
    %scan3A_33 = arith.constant 1 : i32
    %scan3A_34 = scf.for %scan3A_199 = %scan3A_30 to %scan3A_32 step %scan3A_33 iter_args(%scan3A_200 = %scan3A_29) -> (i32)  : i32 {
      %mul3A_201 = arith.constant 80 : i32
      %mul3A_202 = arith.muli %scan3A_199, %mul3A_201 : i32
      %add3A_203 = arith.constant 2000 : i32
      %add3A_204 = arith.addi %add3A_203, %mul3A_202 : i32
      %mul3A_205 = arith.constant 80 : i32
      %mul3A_206 = arith.muli %scan3A_199, %mul3A_205 : i32
      %dma_start3A_207 = arith.constant 0 : i32
      %dma_start3A_208 = tpu.memref_slice %arg15[%mul3A_206, %dma_start3A_207] : memref<2000x16xf32, #tpu.memory_space<vmem>> -> memref<80x16xf32, #tpu.memory_space<vmem>>
      %dma_start3A_209 = tpu.memref_slice %arg11[%add3A_204] : memref<10000xi32, #tpu.memory_space<vmem>> -> memref<80xi32, #tpu.memory_space<vmem>>
      %dma_start3A_210 = arith.constant 0 : i32
      %dma_start3A_211 = arith.constant 0 : i32
      %dma_start3A_212 = tpu.memref_slice %arg4[%dma_start3A_210, %dma_start3A_211] : memref<10000x16xf32, #tpu.memory_space<hbm>> -> memref<10000x16xf32, #tpu.memory_space<hbm>>
      tpu.enqueue_indirect_dma source(%dma_start3A_212 : memref<10000x16xf32, #tpu.memory_space<hbm>>) target(%dma_start3A_208 : memref<80x16xf32, #tpu.memory_space<vmem>>) offsets(%dma_start3A_209 : memref<80xi32, #tpu.memory_space<vmem>>) semaphore(%arg21 : memref<!tpu.dma_semaphore, #tpu.memory_space<semaphore_mem>>)
      %scan3A_213 = arith.constant 0 : i32
      scf.yield %scan3A_213 : i32
    }
    %scan3A_35 = arith.constant 25 : i32
    %dma_wait3A_36 = arith.constant 0 : i32
    %dma_wait3A_37 = arith.constant 0 : i32
    %dma_wait3A_38 = tpu.memref_slice %arg4[%dma_wait3A_36, %dma_wait3A_37] : memref<10000x16xf32, #tpu.memory_space<hbm>> -> memref<2000x16xf32, #tpu.memory_space<hbm>>
    %dma_wait3A_39 = arith.constant 0 : i32
    %dma_wait3A_40 = arith.constant 0 : i32
    %dma_wait3A_41 = tpu.memref_slice %arg4[%dma_wait3A_39, %dma_wait3A_40] : memref<10000x16xf32, #tpu.memory_space<hbm>> -> memref<2000x16xf32, #tpu.memory_space<hbm>>
    tpu.wait_dma2 semaphore(%arg20 : memref<!tpu.dma_semaphore, #tpu.memory_space<semaphore_mem>>) src(%dma_wait3A_41 : memref<2000x16xf32, #tpu.memory_space<hbm>>) dst(%arg14 : memref<2000x16xf32, #tpu.memory_space<vmem>>)
    %scan3A_42 = arith.constant 0 : i32
    %scan3A_43 = arith.constant 0 : i32
    %scan3A_44 = arith.constant 25 : i32
    %scan3A_45 = arith.addi %scan3A_43, %scan3A_44 : i32
    %scan3A_46 = arith.constant 1 : i32
    %scan3A_47 = scf.for %scan3A_199 = %scan3A_43 to %scan3A_45 step %scan3A_46 iter_args(%scan3A_200 = %scan3A_42) -> (i32)  : i32 {
      %scan3A_201 = arith.constant 0 : i32
      %scan3A_202 = arith.constant 0 : i32
      %scan3A_203 = arith.constant 5 : i32
      %scan3A_204 = arith.addi %scan3A_202, %scan3A_203 : i32
      %scan3A_205 = arith.constant 1 : i32
      %scan3A_206 = scf.for %scan3A_227 = %scan3A_202 to %scan3A_204 step %scan3A_205 iter_args(%scan3A_228 = %scan3A_201) -> (i32)  : i32 {
        %mul3A_229 = arith.constant 80 : i32
        %mul3A_230 = arith.muli %scan3A_199, %mul3A_229 : i32
        %mul3A_231 = arith.constant 16 : i32
        %mul3A_232 = arith.muli %scan3A_227, %mul3A_231 : i32
        %add3A_233 = arith.addi %mul3A_230, %mul3A_232 : i32
        %add3A_234 = arith.constant 0 : i32
        %add3A_235 = arith.addi %add3A_234, %add3A_233 : i32
        %get3A = arith.index_cast %add3A_235 : i32 to index
        %get3A_236 = tpu.vector_load %arg10[%get3A] {strides = array<i32>} : memref<10000xi32, #tpu.memory_space<vmem>>, vector<16xi32>,
        %get3A_237 = arith.index_cast %add3A_235 : i32 to index
        %get3A_238 = tpu.vector_load %arg11[%get3A_237] {strides = array<i32>} : memref<10000xi32, #tpu.memory_space<vmem>>, vector<16xi32>,
        %add3A_239 = arith.addi %get3A_236, %get3A_236 : vector<16xi32>
        %gather3A = tpu.vector_load_idx %arg9[%add3A_239] : memref<20000xf32, #tpu.memory_space<vmem>>[vector<16xi32>], vector<16xf32>,
        %add3A_240 = arith.addi %get3A_238, %get3A_238 : vector<16xi32>
        %add3A_241 = arith.constant 1 : i32
        %add3A_242 = vector.broadcast %add3A_241 : i32 to vector<16xi32>
        %add3A_243 = arith.addi %add3A_240, %add3A_242 : vector<16xi32>
        %gather3A_244 = tpu.vector_load_idx %arg9[%add3A_243] : memref<20000xf32, #tpu.memory_space<vmem>>[vector<16xi32>], vector<16xf32>,
        %mul3A_245 = arith.mulf %gather3A, %gather3A_244 : vector<16xf32>
        %add3A_246 = arith.constant 1.000000e+00 : f32
        %add3A_247 = vector.broadcast %add3A_246 : f32 to vector<16xf32>
        %add3A_248 = arith.addf %add3A_247, %mul3A_245 : vector<16xf32>
        %div3A = arith.constant 1.000000e+00 : f32
        %div3A_249 = vector.broadcast %div3A : f32 to vector<16xf32>
        %div3A_250 = arith.divf %div3A_249, %add3A_248 : vector<16xf32>
        %exp3A = math.exp %div3A_250 : vector<16xf32>
        %swap3A = arith.index_cast %add3A_233 : i32 to index
        %swap3A_251 = tpu.vector_load %arg12[%swap3A] {strides = array<i32>} : memref<2000xf32, #tpu.memory_space<vmem>>, vector<16xf32>,
        tpu.vector_store %arg12[%swap3A], %exp3A {strides = array<i32>} : memref<2000xf32, #tpu.memory_space<vmem>>, vector<16xf32>,
        %broadcast_in_dim3A = arith.constant 0 : i32
        %broadcast_in_dim3A_252 = vector.broadcast %broadcast_in_dim3A : i32 to vector<16x1xi32>
        %gather3A_253 = vector.shape_cast %broadcast_in_dim3A_252 : vector<16x1xi32> to vector<16xi32>
        %gather3A_254 = tpu.dynamic_gather %exp3A[%gather3A_253] in [0] : vector<16xf32>, vector<16xi32> -> vector<16xf32>
        %add3A_255 = arith.constant 0 : i32
        %add3A_256 = arith.addi %add3A_233, %add3A_255 : i32
        %get3A_257 = arith.index_cast %add3A_256 : i32 to index
        %get3A_258 = arith.constant 0 : index
        %get3A_259 = tpu.vector_load %arg14[%get3A_257, %get3A_258] {strides = array<i32>} : memref<2000x16xf32, #tpu.memory_space<vmem>>, vector<16xf32>,
        %mul3A_260 = arith.mulf %get3A_259, %gather3A_254 : vector<16xf32>
        %add3A_261 = arith.constant 0 : i32
        %add3A_262 = arith.addi %add3A_233, %add3A_261 : i32
        %swap3A_263 = arith.index_cast %add3A_262 : i32 to index
        %swap3A_264 = arith.constant 0 : index
        %swap3A_265 = tpu.vector_load %arg14[%swap3A_263, %swap3A_264] {strides = array<i32>} : memref<2000x16xf32, #tpu.memory_space<vmem>>, vector<16xf32>,
        tpu.vector_store %arg14[%swap3A_263, %swap3A_264], %mul3A_260 {strides = array<i32>} : memref<2000x16xf32, #tpu.memory_space<vmem>>, vector<16xf32>,
        %broadcast_in_dim3A_266 = arith.constant 1 : i32
        %broadcast_in_dim3A_267 = vector.broadcast %broadcast_in_dim3A_266 : i32 to vector<16x1xi32>
        %gather3A_268 = vector.shape_cast %broadcast_in_dim3A_267 : vector<16x1xi32> to vector<16xi32>
        %gather3A_269 = tpu.dynamic_gather %exp3A[%gather3A_268] in [0] : vector<16xf32>, vector<16xi32> -> vector<16xf32>
        %add3A_270 = arith.constant 1 : i32
        %add3A_271 = arith.addi %add3A_233, %add3A_270 : i32
        %get3A_272 = arith.index_cast %add3A_271 : i32 to index
        %get3A_273 = arith.constant 0 : index
        %get3A_274 = tpu.vector_load %arg14[%get3A_272, %get3A_273] {strides = array<i32>} : memref<2000x16xf32, #tpu.memory_space<vmem>>, vector<16xf32>,
        %mul3A_275 = arith.mulf %get3A_274, %gather3A_269 : vector<16xf32>
        %add3A_276 = arith.constant 1 : i32
        %add3A_277 = arith.addi %add3A_233, %add3A_276 : i32
        %swap3A_278 = arith.index_cast %add3A_277 : i32 to index
        %swap3A_279 = arith.constant 0 : index
        %swap3A_280 = tpu.vector_load %arg14[%swap3A_278, %swap3A_279] {strides = array<i32>} : memref<2000x16xf32, #tpu.memory_space<vmem>>, vector<16xf32>,
        tpu.vector_store %arg14[%swap3A_278, %swap3A_279], %mul3A_275 {strides = array<i32>} : memref<2000x16xf32, #tpu.memory_space<vmem>>, vector<16xf32>,
        %broadcast_in_dim3A_281 = arith.constant 2 : i32
        %broadcast_in_dim3A_282 = vector.broadcast %broadcast_in_dim3A_281 : i32 to vector<16x1xi32>
        %gather3A_283 = vector.shape_cast %broadcast_in_dim3A_282 : vector<16x1xi32> to vector<16xi32>
        %gather3A_284 = tpu.dynamic_gather %exp3A[%gather3A_283] in [0] : vector<16xf32>, vector<16xi32> -> vector<16xf32>
        %add3A_285 = arith.constant 2 : i32
        %add3A_286 = arith.addi %add3A_233, %add3A_285 : i32
        %get3A_287 = arith.index_cast %add3A_286 : i32 to index
        %get3A_288 = arith.constant 0 : index
        %get3A_289 = tpu.vector_load %arg14[%get3A_287, %get3A_288] {strides = array<i32>} : memref<2000x16xf32, #tpu.memory_space<vmem>>, vector<16xf32>,
        %mul3A_290 = arith.mulf %get3A_289, %gather3A_284 : vector<16xf32>
        %add3A_291 = arith.constant 2 : i32
        %add3A_292 = arith.addi %add3A_233, %add3A_291 : i32
        %swap3A_293 = arith.index_cast %add3A_292 : i32 to index
        %swap3A_294 = arith.constant 0 : index
        %swap3A_295 = tpu.vector_load %arg14[%swap3A_293, %swap3A_294] {strides = array<i32>} : memref<2000x16xf32, #tpu.memory_space<vmem>>, vector<16xf32>,
        tpu.vector_store %arg14[%swap3A_293, %swap3A_294], %mul3A_290 {strides = array<i32>} : memref<2000x16xf32, #tpu.memory_space<vmem>>, vector<16xf32>,
        %broadcast_in_dim3A_296 = arith.constant 3 : i32
        %broadcast_in_dim3A_297 = vector.broadcast %broadcast_in_dim3A_296 : i32 to vector<16x1xi32>
        %gather3A_298 = vector.shape_cast %broadcast_in_dim3A_297 : vector<16x1xi32> to vector<16xi32>
        %gather3A_299 = tpu.dynamic_gather %exp3A[%gather3A_298] in [0] : vector<16xf32>, vector<16xi32> -> vector<16xf32>
        %add3A_300 = arith.constant 3 : i32
        %add3A_301 = arith.addi %add3A_233, %add3A_300 : i32
        %get3A_302 = arith.index_cast %add3A_301 : i32 to index
        %get3A_303 = arith.constant 0 : index
        %get3A_304 = tpu.vector_load %arg14[%get3A_302, %get3A_303] {strides = array<i32>} : memref<2000x16xf32, #tpu.memory_space<vmem>>, vector<16xf32>,
        %mul3A_305 = arith.mulf %get3A_304, %gather3A_299 : vector<16xf32>
        %add3A_306 = arith.constant 3 : i32
        %add3A_307 = arith.addi %add3A_233, %add3A_306 : i32
        %swap3A_308 = arith.index_cast %add3A_307 : i32 to index
        %swap3A_309 = arith.constant 0 : index
        %swap3A_310 = tpu.vector_load %arg14[%swap3A_308, %swap3A_309] {strides = array<i32>} : memref<2000x16xf32, #tpu.memory_space<vmem>>, vector<16xf32>,
        tpu.vector_store %arg14[%swap3A_308, %swap3A_309], %mul3A_305 {strides = array<i32>} : memref<2000x16xf32, #tpu.memory_space<vmem>>, vector<16xf32>,
        %broadcast_in_dim3A_311 = arith.constant 4 : i32
        %broadcast_in_dim3A_312 = vector.broadcast %broadcast_in_dim3A_311 : i32 to vector<16x1xi32>
        %gather3A_313 = vector.shape_cast %broadcast_in_dim3A_312 : vector<16x1xi32> to vector<16xi32>
        %gather3A_314 = tpu.dynamic_gather %exp3A[%gather3A_313] in [0] : vector<16xf32>, vector<16xi32> -> vector<16xf32>
        %add3A_315 = arith.constant 4 : i32
        %add3A_316 = arith.addi %add3A_233, %add3A_315 : i32
        %get3A_317 = arith.index_cast %add3A_316 : i32 to index
        %get3A_318 = arith.constant 0 : index
        %get3A_319 = tpu.vector_load %arg14[%get3A_317, %get3A_318] {strides = array<i32>} : memref<2000x16xf32, #tpu.memory_space<vmem>>, vector<16xf32>,
        %mul3A_320 = arith.mulf %get3A_319, %gather3A_314 : vector<16xf32>
        %add3A_321 = arith.constant 4 : i32
        %add3A_322 = arith.addi %add3A_233, %add3A_321 : i32
        %swap3A_323 = arith.index_cast %add3A_322 : i32 to index
        %swap3A_324 = arith.constant 0 : index
        %swap3A_325 = tpu.vector_load %arg14[%swap3A_323, %swap3A_324] {strides = array<i32>} : memref<2000x16xf32, #tpu.memory_space<vmem>>, vector<16xf32>,
        tpu.vector_store %arg14[%swap3A_323, %swap3A_324], %mul3A_320 {strides = array<i32>} : memref<2000x16xf32, #tpu.memory_space<vmem>>, vector<16xf32>,
        %broadcast_in_dim3A_326 = arith.constant 5 : i32
        %broadcast_in_dim3A_327 = vector.broadcast %broadcast_in_dim3A_326 : i32 to vector<16x1xi32>
        %gather3A_328 = vector.shape_cast %broadcast_in_dim3A_327 : vector<16x1xi32> to vector<16xi32>
        %gather3A_329 = tpu.dynamic_gather %exp3A[%gather3A_328] in [0] : vector<16xf32>, vector<16xi32> -> vector<16xf32>
        %add3A_330 = arith.constant 5 : i32
        %add3A_331 = arith.addi %add3A_233, %add3A_330 : i32
        %get3A_332 = arith.index_cast %add3A_331 : i32 to index
        %get3A_333 = arith.constant 0 : index
        %get3A_334 = tpu.vector_load %arg14[%get3A_332, %get3A_333] {strides = array<i32>} : memref<2000x16xf32, #tpu.memory_space<vmem>>, vector<16xf32>,
        %mul3A_335 = arith.mulf %get3A_334, %gather3A_329 : vector<16xf32>
        %add3A_336 = arith.constant 5 : i32
        %add3A_337 = arith.addi %add3A_233, %add3A_336 : i32
        %swap3A_338 = arith.index_cast %add3A_337 : i32 to index
        %swap3A_339 = arith.constant 0 : index
        %swap3A_340 = tpu.vector_load %arg14[%swap3A_338, %swap3A_339] {strides = array<i32>} : memref<2000x16xf32, #tpu.memory_space<vmem>>, vector<16xf32>,
        tpu.vector_store %arg14[%swap3A_338, %swap3A_339], %mul3A_335 {strides = array<i32>} : memref<2000x16xf32, #tpu.memory_space<vmem>>, vector<16xf32>,
        %broadcast_in_dim3A_341 = arith.constant 6 : i32
        %broadcast_in_dim3A_342 = vector.broadcast %broadcast_in_dim3A_341 : i32 to vector<16x1xi32>
        %gather3A_343 = vector.shape_cast %broadcast_in_dim3A_342 : vector<16x1xi32> to vector<16xi32>
        %gather3A_344 = tpu.dynamic_gather %exp3A[%gather3A_343] in [0] : vector<16xf32>, vector<16xi32> -> vector<16xf32>
        %add3A_345 = arith.constant 6 : i32
        %add3A_346 = arith.addi %add3A_233, %add3A_345 : i32
        %get3A_347 = arith.index_cast %add3A_346 : i32 to index
        %get3A_348 = arith.constant 0 : index
        %get3A_349 = tpu.vector_load %arg14[%get3A_347, %get3A_348] {strides = array<i32>} : memref<2000x16xf32, #tpu.memory_space<vmem>>, vector<16xf32>,
        %mul3A_350 = arith.mulf %get3A_349, %gather3A_344 : vector<16xf32>
        %add3A_351 = arith.constant 6 : i32
        %add3A_352 = arith.addi %add3A_233, %add3A_351 : i32
        %swap3A_353 = arith.index_cast %add3A_352 : i32 to index
        %swap3A_354 = arith.constant 0 : index
        %swap3A_355 = tpu.vector_load %arg14[%swap3A_353, %swap3A_354] {strides = array<i32>} : memref<2000x16xf32, #tpu.memory_space<vmem>>, vector<16xf32>,
        tpu.vector_store %arg14[%swap3A_353, %swap3A_354], %mul3A_350 {strides = array<i32>} : memref<2000x16xf32, #tpu.memory_space<vmem>>, vector<16xf32>,
        %broadcast_in_dim3A_356 = arith.constant 7 : i32
        %broadcast_in_dim3A_357 = vector.broadcast %broadcast_in_dim3A_356 : i32 to vector<16x1xi32>
        %gather3A_358 = vector.shape_cast %broadcast_in_dim3A_357 : vector<16x1xi32> to vector<16xi32>
        %gather3A_359 = tpu.dynamic_gather %exp3A[%gather3A_358] in [0] : vector<16xf32>, vector<16xi32> -> vector<16xf32>
        %add3A_360 = arith.constant 7 : i32
        %add3A_361 = arith.addi %add3A_233, %add3A_360 : i32
        %get3A_362 = arith.index_cast %add3A_361 : i32 to index
        %get3A_363 = arith.constant 0 : index
        %get3A_364 = tpu.vector_load %arg14[%get3A_362, %get3A_363] {strides = array<i32>} : memref<2000x16xf32, #tpu.memory_space<vmem>>, vector<16xf32>,
        %mul3A_365 = arith.mulf %get3A_364, %gather3A_359 : vector<16xf32>
        %add3A_366 = arith.constant 7 : i32
        %add3A_367 = arith.addi %add3A_233, %add3A_366 : i32
        %swap3A_368 = arith.index_cast %add3A_367 : i32 to index
        %swap3A_369 = arith.constant 0 : index
        %swap3A_370 = tpu.vector_load %arg14[%swap3A_368, %swap3A_369] {strides = array<i32>} : memref<2000x16xf32, #tpu.memory_space<vmem>>, vector<16xf32>,
        tpu.vector_store %arg14[%swap3A_368, %swap3A_369], %mul3A_365 {strides = array<i32>} : memref<2000x16xf32, #tpu.memory_space<vmem>>, vector<16xf32>,
        %broadcast_in_dim3A_371 = arith.constant 8 : i32
        %broadcast_in_dim3A_372 = vector.broadcast %broadcast_in_dim3A_371 : i32 to vector<16x1xi32>
        %gather3A_373 = vector.shape_cast %broadcast_in_dim3A_372 : vector<16x1xi32> to vector<16xi32>
        %gather3A_374 = tpu.dynamic_gather %exp3A[%gather3A_373] in [0] : vector<16xf32>, vector<16xi32> -> vector<16xf32>
        %add3A_375 = arith.constant 8 : i32
        %add3A_376 = arith.addi %add3A_233, %add3A_375 : i32
        %get3A_377 = arith.index_cast %add3A_376 : i32 to index
        %get3A_378 = arith.constant 0 : index
        %get3A_379 = tpu.vector_load %arg14[%get3A_377, %get3A_378] {strides = array<i32>} : memref<2000x16xf32, #tpu.memory_space<vmem>>, vector<16xf32>,
        %mul3A_380 = arith.mulf %get3A_379, %gather3A_374 : vector<16xf32>
        %add3A_381 = arith.constant 8 : i32
        %add3A_382 = arith.addi %add3A_233, %add3A_381 : i32
        %swap3A_383 = arith.index_cast %add3A_382 : i32 to index
        %swap3A_384 = arith.constant 0 : index
        %swap3A_385 = tpu.vector_load %arg14[%swap3A_383, %swap3A_384] {strides = array<i32>} : memref<2000x16xf32, #tpu.memory_space<vmem>>, vector<16xf32>,
        tpu.vector_store %arg14[%swap3A_383, %swap3A_384], %mul3A_380 {strides = array<i32>} : memref<2000x16xf32, #tpu.memory_space<vmem>>, vector<16xf32>,
        %broadcast_in_dim3A_386 = arith.constant 9 : i32
        %broadcast_in_dim3A_387 = vector.broadcast %broadcast_in_dim3A_386 : i32 to vector<16x1xi32>
        %gather3A_388 = vector.shape_cast %broadcast_in_dim3A_387 : vector<16x1xi32> to vector<16xi32>
        %gather3A_389 = tpu.dynamic_gather %exp3A[%gather3A_388] in [0] : vector<16xf32>, vector<16xi32> -> vector<16xf32>
        %add3A_390 = arith.constant 9 : i32
        %add3A_391 = arith.addi %add3A_233, %add3A_390 : i32
        %get3A_392 = arith.index_cast %add3A_391 : i32 to index
        %get3A_393 = arith.constant 0 : index
        %get3A_394 = tpu.vector_load %arg14[%get3A_392, %get3A_393] {strides = array<i32>} : memref<2000x16xf32, #tpu.memory_space<vmem>>, vector<16xf32>,
        %mul3A_395 = arith.mulf %get3A_394, %gather3A_389 : vector<16xf32>
        %add3A_396 = arith.constant 9 : i32
        %add3A_397 = arith.addi %add3A_233, %add3A_396 : i32
        %swap3A_398 = arith.index_cast %add3A_397 : i32 to index
        %swap3A_399 = arith.constant 0 : index
        %swap3A_400 = tpu.vector_load %arg14[%swap3A_398, %swap3A_399] {strides = array<i32>} : memref<2000x16xf32, #tpu.memory_space<vmem>>, vector<16xf32>,
        tpu.vector_store %arg14[%swap3A_398, %swap3A_399], %mul3A_395 {strides = array<i32>} : memref<2000x16xf32, #tpu.memory_space<vmem>>, vector<16xf32>,
        %broadcast_in_dim3A_401 = arith.constant 10 : i32
        %broadcast_in_dim3A_402 = vector.broadcast %broadcast_in_dim3A_401 : i32 to vector<16x1xi32>
        %gather3A_403 = vector.shape_cast %broadcast_in_dim3A_402 : vector<16x1xi32> to vector<16xi32>
        %gather3A_404 = tpu.dynamic_gather %exp3A[%gather3A_403] in [0] : vector<16xf32>, vector<16xi32> -> vector<16xf32>
        %add3A_405 = arith.constant 10 : i32
        %add3A_406 = arith.addi %add3A_233, %add3A_405 : i32
        %get3A_407 = arith.index_cast %add3A_406 : i32 to index
        %get3A_408 = arith.constant 0 : index
        %get3A_409 = tpu.vector_load %arg14[%get3A_407, %get3A_408] {strides = array<i32>} : memref<2000x16xf32, #tpu.memory_space<vmem>>, vector<16xf32>,
        %mul3A_410 = arith.mulf %get3A_409, %gather3A_404 : vector<16xf32>
        %add3A_411 = arith.constant 10 : i32
        %add3A_412 = arith.addi %add3A_233, %add3A_411 : i32
        %swap3A_413 = arith.index_cast %add3A_412 : i32 to index
        %swap3A_414 = arith.constant 0 : index
        %swap3A_415 = tpu.vector_load %arg14[%swap3A_413, %swap3A_414] {strides = array<i32>} : memref<2000x16xf32, #tpu.memory_space<vmem>>, vector<16xf32>,
        tpu.vector_store %arg14[%swap3A_413, %swap3A_414], %mul3A_410 {strides = array<i32>} : memref<2000x16xf32, #tpu.memory_space<vmem>>, vector<16xf32>,
        %broadcast_in_dim3A_416 = arith.constant 11 : i32
        %broadcast_in_dim3A_417 = vector.broadcast %broadcast_in_dim3A_416 : i32 to vector<16x1xi32>
        %gather3A_418 = vector.shape_cast %broadcast_in_dim3A_417 : vector<16x1xi32> to vector<16xi32>
        %gather3A_419 = tpu.dynamic_gather %exp3A[%gather3A_418] in [0] : vector<16xf32>, vector<16xi32> -> vector<16xf32>
        %add3A_420 = arith.constant 11 : i32
        %add3A_421 = arith.addi %add3A_233, %add3A_420 : i32
        %get3A_422 = arith.index_cast %add3A_421 : i32 to index
        %get3A_423 = arith.constant 0 : index
        %get3A_424 = tpu.vector_load %arg14[%get3A_422, %get3A_423] {strides = array<i32>} : memref<2000x16xf32, #tpu.memory_space<vmem>>, vector<16xf32>,
        %mul3A_425 = arith.mulf %get3A_424, %gather3A_419 : vector<16xf32>
        %add3A_426 = arith.constant 11 : i32
        %add3A_427 = arith.addi %add3A_233, %add3A_426 : i32
        %swap3A_428 = arith.index_cast %add3A_427 : i32 to index
        %swap3A_429 = arith.constant 0 : index
        %swap3A_430 = tpu.vector_load %arg14[%swap3A_428, %swap3A_429] {strides = array<i32>} : memref<2000x16xf32, #tpu.memory_space<vmem>>, vector<16xf32>,
        tpu.vector_store %arg14[%swap3A_428, %swap3A_429], %mul3A_425 {strides = array<i32>} : memref<2000x16xf32, #tpu.memory_space<vmem>>, vector<16xf32>,
        %broadcast_in_dim3A_431 = arith.constant 12 : i32
        %broadcast_in_dim3A_432 = vector.broadcast %broadcast_in_dim3A_431 : i32 to vector<16x1xi32>
        %gather3A_433 = vector.shape_cast %broadcast_in_dim3A_432 : vector<16x1xi32> to vector<16xi32>
        %gather3A_434 = tpu.dynamic_gather %exp3A[%gather3A_433] in [0] : vector<16xf32>, vector<16xi32> -> vector<16xf32>
        %add3A_435 = arith.constant 12 : i32
        %add3A_436 = arith.addi %add3A_233, %add3A_435 : i32
        %get3A_437 = arith.index_cast %add3A_436 : i32 to index
        %get3A_438 = arith.constant 0 : index
        %get3A_439 = tpu.vector_load %arg14[%get3A_437, %get3A_438] {strides = array<i32>} : memref<2000x16xf32, #tpu.memory_space<vmem>>, vector<16xf32>,
        %mul3A_440 = arith.mulf %get3A_439, %gather3A_434 : vector<16xf32>
        %add3A_441 = arith.constant 12 : i32
        %add3A_442 = arith.addi %add3A_233, %add3A_441 : i32
        %swap3A_443 = arith.index_cast %add3A_442 : i32 to index
        %swap3A_444 = arith.constant 0 : index
        %swap3A_445 = tpu.vector_load %arg14[%swap3A_443, %swap3A_444] {strides = array<i32>} : memref<2000x16xf32, #tpu.memory_space<vmem>>, vector<16xf32>,
        tpu.vector_store %arg14[%swap3A_443, %swap3A_444], %mul3A_440 {strides = array<i32>} : memref<2000x16xf32, #tpu.memory_space<vmem>>, vector<16xf32>,
        %broadcast_in_dim3A_446 = arith.constant 13 : i32
        %broadcast_in_dim3A_447 = vector.broadcast %broadcast_in_dim3A_446 : i32 to vector<16x1xi32>
        %gather3A_448 = vector.shape_cast %broadcast_in_dim3A_447 : vector<16x1xi32> to vector<16xi32>
        %gather3A_449 = tpu.dynamic_gather %exp3A[%gather3A_448] in [0] : vector<16xf32>, vector<16xi32> -> vector<16xf32>
        %add3A_450 = arith.constant 13 : i32
        %add3A_451 = arith.addi %add3A_233, %add3A_450 : i32
        %get3A_452 = arith.index_cast %add3A_451 : i32 to index
        %get3A_453 = arith.constant 0 : index
        %get3A_454 = tpu.vector_load %arg14[%get3A_452, %get3A_453] {strides = array<i32>} : memref<2000x16xf32, #tpu.memory_space<vmem>>, vector<16xf32>,
        %mul3A_455 = arith.mulf %get3A_454, %gather3A_449 : vector<16xf32>
        %add3A_456 = arith.constant 13 : i32
        %add3A_457 = arith.addi %add3A_233, %add3A_456 : i32
        %swap3A_458 = arith.index_cast %add3A_457 : i32 to index
        %swap3A_459 = arith.constant 0 : index
        %swap3A_460 = tpu.vector_load %arg14[%swap3A_458, %swap3A_459] {strides = array<i32>} : memref<2000x16xf32, #tpu.memory_space<vmem>>, vector<16xf32>,
        tpu.vector_store %arg14[%swap3A_458, %swap3A_459], %mul3A_455 {strides = array<i32>} : memref<2000x16xf32, #tpu.memory_space<vmem>>, vector<16xf32>,
        %broadcast_in_dim3A_461 = arith.constant 14 : i32
        %broadcast_in_dim3A_462 = vector.broadcast %broadcast_in_dim3A_461 : i32 to vector<16x1xi32>
        %gather3A_463 = vector.shape_cast %broadcast_in_dim3A_462 : vector<16x1xi32> to vector<16xi32>
        %gather3A_464 = tpu.dynamic_gather %exp3A[%gather3A_463] in [0] : vector<16xf32>, vector<16xi32> -> vector<16xf32>
        %add3A_465 = arith.constant 14 : i32
        %add3A_466 = arith.addi %add3A_233, %add3A_465 : i32
        %get3A_467 = arith.index_cast %add3A_466 : i32 to index
        %get3A_468 = arith.constant 0 : index
        %get3A_469 = tpu.vector_load %arg14[%get3A_467, %get3A_468] {strides = array<i32>} : memref<2000x16xf32, #tpu.memory_space<vmem>>, vector<16xf32>,
        %mul3A_470 = arith.mulf %get3A_469, %gather3A_464 : vector<16xf32>
        %add3A_471 = arith.constant 14 : i32
        %add3A_472 = arith.addi %add3A_233, %add3A_471 : i32
        %swap3A_473 = arith.index_cast %add3A_472 : i32 to index
        %swap3A_474 = arith.constant 0 : index
        %swap3A_475 = tpu.vector_load %arg14[%swap3A_473, %swap3A_474] {strides = array<i32>} : memref<2000x16xf32, #tpu.memory_space<vmem>>, vector<16xf32>,
        tpu.vector_store %arg14[%swap3A_473, %swap3A_474], %mul3A_470 {strides = array<i32>} : memref<2000x16xf32, #tpu.memory_space<vmem>>, vector<16xf32>,
        %broadcast_in_dim3A_476 = arith.constant 15 : i32
        %broadcast_in_dim3A_477 = vector.broadcast %broadcast_in_dim3A_476 : i32 to vector<16x1xi32>
        %gather3A_478 = vector.shape_cast %broadcast_in_dim3A_477 : vector<16x1xi32> to vector<16xi32>
        %gather3A_479 = tpu.dynamic_gather %exp3A[%gather3A_478] in [0] : vector<16xf32>, vector<16xi32> -> vector<16xf32>
        %add3A_480 = arith.constant 15 : i32
        %add3A_481 = arith.addi %add3A_233, %add3A_480 : i32
        %get3A_482 = arith.index_cast %add3A_481 : i32 to index
        %get3A_483 = arith.constant 0 : index
        %get3A_484 = tpu.vector_load %arg14[%get3A_482, %get3A_483] {strides = array<i32>} : memref<2000x16xf32, #tpu.memory_space<vmem>>, vector<16xf32>,
        %mul3A_485 = arith.mulf %get3A_484, %gather3A_479 : vector<16xf32>
        %add3A_486 = arith.constant 15 : i32
        %add3A_487 = arith.addi %add3A_233, %add3A_486 : i32
        %swap3A_488 = arith.index_cast %add3A_487 : i32 to index
        %swap3A_489 = arith.constant 0 : index
        %swap3A_490 = tpu.vector_load %arg14[%swap3A_488, %swap3A_489] {strides = array<i32>} : memref<2000x16xf32, #tpu.memory_space<vmem>>, vector<16xf32>,
        tpu.vector_store %arg14[%swap3A_488, %swap3A_489], %mul3A_485 {strides = array<i32>} : memref<2000x16xf32, #tpu.memory_space<vmem>>, vector<16xf32>,
        %scan3A_491 = arith.constant 0 : i32
        scf.yield %scan3A_491 : i32
      }
      %scan3A_207 = arith.constant 5 : i32
      %mul3A_208 = arith.constant 80 : i32
      %mul3A_209 = arith.muli %scan3A_199, %mul3A_208 : i32
      %add3A_210 = arith.constant 0 : i32
      %add3A_211 = arith.addi %add3A_210, %mul3A_209 : i32
      %mul3A_212 = arith.constant 80 : i32
      %mul3A_213 = arith.muli %scan3A_199, %mul3A_212 : i32
      %dma_start3A_214 = arith.constant 0 : i32
      %dma_start3A_215 = tpu.memref_slice %arg14[%mul3A_213, %dma_start3A_214] : memref<2000x16xf32, #tpu.memory_space<vmem>> -> memref<80x16xf32, #tpu.memory_space<vmem>>
      %dma_start3A_216 = tpu.memref_slice %arg10[%add3A_211] : memref<10000xi32, #tpu.memory_space<vmem>> -> memref<80xi32, #tpu.memory_space<vmem>>
      %dma_start3A_217 = arith.constant 0 : i32
      %dma_start3A_218 = arith.constant 0 : i32
      %dma_start3A_219 = tpu.memref_slice %arg17[%dma_start3A_217, %dma_start3A_218] : memref<10000x16xf32, #tpu.memory_space<vmem_shared>> -> memref<10000x16xf32, #tpu.memory_space<vmem_shared>>
      tpu.enqueue_indirect_dma source(%dma_start3A_215 : memref<80x16xf32, #tpu.memory_space<vmem>>) target(%dma_start3A_219 : memref<10000x16xf32, #tpu.memory_space<vmem_shared>>) offsets(%dma_start3A_216 : memref<80xi32, #tpu.memory_space<vmem>>) semaphore(%arg22 : memref<!tpu.dma_semaphore, #tpu.memory_space<semaphore_mem>>) {add = true}
      %mul3A_220 = arith.constant 80 : i32
      %mul3A_221 = arith.muli %scan3A_199, %mul3A_220 : i32
      %dma_start3A_222 = tpu.memref_slice %arg12[%mul3A_221] : memref<2000xf32, #tpu.memory_space<vmem>> -> memref<80xf32, #tpu.memory_space<vmem>>
      %dma_start3A_223 = tpu.memref_slice %arg10[%add3A_211] : memref<10000xi32, #tpu.memory_space<vmem>> -> memref<80xi32, #tpu.memory_space<vmem>>
      %dma_start3A_224 = arith.constant 0 : i32
      %dma_start3A_225 = tpu.memref_slice %arg18[%dma_start3A_224] : memref<10000xf32, #tpu.memory_space<vmem_shared>> -> memref<10000xf32, #tpu.memory_space<vmem_shared>>
      tpu.enqueue_indirect_dma source(%dma_start3A_222 : memref<80xf32, #tpu.memory_space<vmem>>) target(%dma_start3A_225 : memref<10000xf32, #tpu.memory_space<vmem_shared>>) offsets(%dma_start3A_223 : memref<80xi32, #tpu.memory_space<vmem>>) semaphore(%arg22 : memref<!tpu.dma_semaphore, #tpu.memory_space<semaphore_mem>>) {add = true}
      %scan3A_226 = arith.constant 0 : i32
      scf.yield %scan3A_226 : i32
    }
    %scan3A_48 = arith.constant 25 : i32
    %dma_wait3A_49 = arith.constant 0 : i32
    %dma_wait3A_50 = arith.constant 0 : i32
    %dma_wait3A_51 = tpu.memref_slice %arg4[%dma_wait3A_49, %dma_wait3A_50] : memref<10000x16xf32, #tpu.memory_space<hbm>> -> memref<2000x16xf32, #tpu.memory_space<hbm>>
    %dma_wait3A_52 = arith.constant 0 : i32
    %dma_wait3A_53 = arith.constant 0 : i32
    %dma_wait3A_54 = tpu.memref_slice %arg4[%dma_wait3A_52, %dma_wait3A_53] : memref<10000x16xf32, #tpu.memory_space<hbm>> -> memref<2000x16xf32, #tpu.memory_space<hbm>>
    tpu.wait_dma2 semaphore(%arg22 : memref<!tpu.dma_semaphore, #tpu.memory_space<semaphore_mem>>) src(%dma_wait3A_54 : memref<2000x16xf32, #tpu.memory_space<hbm>>) dst(%arg14 : memref<2000x16xf32, #tpu.memory_space<vmem>>)
    %dma_wait3A_55 = arith.constant 0 : i32
    %dma_wait3A_56 = tpu.memref_slice %arg3[%dma_wait3A_55] : memref<20000xf32, #tpu.memory_space<hbm>> -> memref<2000xf32, #tpu.memory_space<hbm>>
    %dma_wait3A_57 = arith.constant 0 : i32
    %dma_wait3A_58 = tpu.memref_slice %arg3[%dma_wait3A_57] : memref<20000xf32, #tpu.memory_space<hbm>> -> memref<2000xf32, #tpu.memory_space<hbm>>
    tpu.wait_dma2 semaphore(%arg22 : memref<!tpu.dma_semaphore, #tpu.memory_space<semaphore_mem>>) src(%dma_wait3A_58 : memref<2000xf32, #tpu.memory_space<hbm>>) dst(%arg12 : memref<2000xf32, #tpu.memory_space<vmem>>)
    %scan3A_59 = arith.constant 0 : i32
    %scan3A_60 = arith.constant 0 : i32
    %scan3A_61 = arith.constant 25 : i32
    %scan3A_62 = arith.addi %scan3A_60, %scan3A_61 : i32
    %scan3A_63 = arith.constant 1 : i32
    %scan3A_64 = scf.for %scan3A_199 = %scan3A_60 to %scan3A_62 step %scan3A_63 iter_args(%scan3A_200 = %scan3A_59) -> (i32)  : i32 {
      %mul3A_201 = arith.constant 80 : i32
      %mul3A_202 = arith.muli %scan3A_199, %mul3A_201 : i32
      %add3A_203 = arith.constant 4000 : i32
      %add3A_204 = arith.addi %add3A_203, %mul3A_202 : i32
      %mul3A_205 = arith.constant 80 : i32
      %mul3A_206 = arith.muli %scan3A_199, %mul3A_205 : i32
      %dma_start3A_207 = arith.constant 0 : i32
      %dma_start3A_208 = tpu.memref_slice %arg14[%mul3A_206, %dma_start3A_207] : memref<2000x16xf32, #tpu.memory_space<vmem>> -> memref<80x16xf32, #tpu.memory_space<vmem>>
      %dma_start3A_209 = tpu.memref_slice %arg11[%add3A_204] : memref<10000xi32, #tpu.memory_space<vmem>> -> memref<80xi32, #tpu.memory_space<vmem>>
      %dma_start3A_210 = arith.constant 0 : i32
      %dma_start3A_211 = arith.constant 0 : i32
      %dma_start3A_212 = tpu.memref_slice %arg4[%dma_start3A_210, %dma_start3A_211] : memref<10000x16xf32, #tpu.memory_space<hbm>> -> memref<10000x16xf32, #tpu.memory_space<hbm>>
      tpu.enqueue_indirect_dma source(%dma_start3A_212 : memref<10000x16xf32, #tpu.memory_space<hbm>>) target(%dma_start3A_208 : memref<80x16xf32, #tpu.memory_space<vmem>>) offsets(%dma_start3A_209 : memref<80xi32, #tpu.memory_space<vmem>>) semaphore(%arg20 : memref<!tpu.dma_semaphore, #tpu.memory_space<semaphore_mem>>)
      %scan3A_213 = arith.constant 0 : i32
      scf.yield %scan3A_213 : i32
    }
    %scan3A_65 = arith.constant 25 : i32
    %dma_wait3A_66 = arith.constant 0 : i32
    %dma_wait3A_67 = arith.constant 0 : i32
    %dma_wait3A_68 = tpu.memref_slice %arg4[%dma_wait3A_66, %dma_wait3A_67] : memref<10000x16xf32, #tpu.memory_space<hbm>> -> memref<2000x16xf32, #tpu.memory_space<hbm>>
    %dma_wait3A_69 = arith.constant 0 : i32
    %dma_wait3A_70 = arith.constant 0 : i32
    %dma_wait3A_71 = tpu.memref_slice %arg4[%dma_wait3A_69, %dma_wait3A_70] : memref<10000x16xf32, #tpu.memory_space<hbm>> -> memref<2000x16xf32, #tpu.memory_space<hbm>>
    tpu.wait_dma2 semaphore(%arg21 : memref<!tpu.dma_semaphore, #tpu.memory_space<semaphore_mem>>) src(%dma_wait3A_71 : memref<2000x16xf32, #tpu.memory_space<hbm>>) dst(%arg15 : memref<2000x16xf32, #tpu.memory_space<vmem>>)
    %scan3A_72 = arith.constant 0 : i32
    %scan3A_73 = arith.constant 0 : i32
    %scan3A_74 = arith.constant 25 : i32
    %scan3A_75 = arith.addi %scan3A_73, %scan3A_74 : i32
    %scan3A_76 = arith.constant 1 : i32
    %scan3A_77 = scf.for %scan3A_199 = %scan3A_73 to %scan3A_75 step %scan3A_76 iter_args(%scan3A_200 = %scan3A_72) -> (i32)  : i32 {
      %scan3A_201 = arith.constant 0 : i32
      %scan3A_202 = arith.constant 0 : i32
      %scan3A_203 = arith.constant 5 : i32
      %scan3A_204 = arith.addi %scan3A_202, %scan3A_203 : i32
      %scan3A_205 = arith.constant 1 : i32
      %scan3A_206 = scf.for %scan3A_227 = %scan3A_202 to %scan3A_204 step %scan3A_205 iter_args(%scan3A_228 = %scan3A_201) -> (i32)  : i32 {
        %mul3A_229 = arith.constant 80 : i32
        %mul3A_230 = arith.muli %scan3A_199, %mul3A_229 : i32
        %mul3A_231 = arith.constant 16 : i32
        %mul3A_232 = arith.muli %scan3A_227, %mul3A_231 : i32
        %add3A_233 = arith.addi %mul3A_230, %mul3A_232 : i32
        %add3A_234 = arith.constant 2000 : i32
        %add3A_235 = arith.addi %add3A_234, %add3A_233 : i32
        %get3A = arith.index_cast %add3A_235 : i32 to index
        %get3A_236 = tpu.vector_load %arg10[%get3A] {strides = array<i32>} : memref<10000xi32, #tpu.memory_space<vmem>>, vector<16xi32>,
        %get3A_237 = arith.index_cast %add3A_235 : i32 to index
        %get3A_238 = tpu.vector_load %arg11[%get3A_237] {strides = array<i32>} : memref<10000xi32, #tpu.memory_space<vmem>>, vector<16xi32>,
        %add3A_239 = arith.addi %get3A_236, %get3A_236 : vector<16xi32>
        %gather3A = tpu.vector_load_idx %arg9[%add3A_239] : memref<20000xf32, #tpu.memory_space<vmem>>[vector<16xi32>], vector<16xf32>,
        %add3A_240 = arith.addi %get3A_238, %get3A_238 : vector<16xi32>
        %add3A_241 = arith.constant 1 : i32
        %add3A_242 = vector.broadcast %add3A_241 : i32 to vector<16xi32>
        %add3A_243 = arith.addi %add3A_240, %add3A_242 : vector<16xi32>
        %gather3A_244 = tpu.vector_load_idx %arg9[%add3A_243] : memref<20000xf32, #tpu.memory_space<vmem>>[vector<16xi32>], vector<16xf32>,
        %mul3A_245 = arith.mulf %gather3A, %gather3A_244 : vector<16xf32>
        %add3A_246 = arith.constant 1.000000e+00 : f32
        %add3A_247 = vector.broadcast %add3A_246 : f32 to vector<16xf32>
        %add3A_248 = arith.addf %add3A_247, %mul3A_245 : vector<16xf32>
        %div3A = arith.constant 1.000000e+00 : f32
        %div3A_249 = vector.broadcast %div3A : f32 to vector<16xf32>
        %div3A_250 = arith.divf %div3A_249, %add3A_248 : vector<16xf32>
        %exp3A = math.exp %div3A_250 : vector<16xf32>
        %swap3A = arith.index_cast %add3A_233 : i32 to index
        %swap3A_251 = tpu.vector_load %arg13[%swap3A] {strides = array<i32>} : memref<2000xf32, #tpu.memory_space<vmem>>, vector<16xf32>,
        tpu.vector_store %arg13[%swap3A], %exp3A {strides = array<i32>} : memref<2000xf32, #tpu.memory_space<vmem>>, vector<16xf32>,
        %broadcast_in_dim3A = arith.constant 0 : i32
        %broadcast_in_dim3A_252 = vector.broadcast %broadcast_in_dim3A : i32 to vector<16x1xi32>
        %gather3A_253 = vector.shape_cast %broadcast_in_dim3A_252 : vector<16x1xi32> to vector<16xi32>
        %gather3A_254 = tpu.dynamic_gather %exp3A[%gather3A_253] in [0] : vector<16xf32>, vector<16xi32> -> vector<16xf32>
        %add3A_255 = arith.constant 0 : i32
        %add3A_256 = arith.addi %add3A_233, %add3A_255 : i32
        %get3A_257 = arith.index_cast %add3A_256 : i32 to index
        %get3A_258 = arith.constant 0 : index
        %get3A_259 = tpu.vector_load %arg15[%get3A_257, %get3A_258] {strides = array<i32>} : memref<2000x16xf32, #tpu.memory_space<vmem>>, vector<16xf32>,
        %mul3A_260 = arith.mulf %get3A_259, %gather3A_254 : vector<16xf32>
        %add3A_261 = arith.constant 0 : i32
        %add3A_262 = arith.addi %add3A_233, %add3A_261 : i32
        %swap3A_263 = arith.index_cast %add3A_262 : i32 to index
        %swap3A_264 = arith.constant 0 : index
        %swap3A_265 = tpu.vector_load %arg15[%swap3A_263, %swap3A_264] {strides = array<i32>} : memref<2000x16xf32, #tpu.memory_space<vmem>>, vector<16xf32>,
        tpu.vector_store %arg15[%swap3A_263, %swap3A_264], %mul3A_260 {strides = array<i32>} : memref<2000x16xf32, #tpu.memory_space<vmem>>, vector<16xf32>,
        %broadcast_in_dim3A_266 = arith.constant 1 : i32
        %broadcast_in_dim3A_267 = vector.broadcast %broadcast_in_dim3A_266 : i32 to vector<16x1xi32>
        %gather3A_268 = vector.shape_cast %broadcast_in_dim3A_267 : vector<16x1xi32> to vector<16xi32>
        %gather3A_269 = tpu.dynamic_gather %exp3A[%gather3A_268] in [0] : vector<16xf32>, vector<16xi32> -> vector<16xf32>
        %add3A_270 = arith.constant 1 : i32
        %add3A_271 = arith.addi %add3A_233, %add3A_270 : i32
        %get3A_272 = arith.index_cast %add3A_271 : i32 to index
        %get3A_273 = arith.constant 0 : index
        %get3A_274 = tpu.vector_load %arg15[%get3A_272, %get3A_273] {strides = array<i32>} : memref<2000x16xf32, #tpu.memory_space<vmem>>, vector<16xf32>,
        %mul3A_275 = arith.mulf %get3A_274, %gather3A_269 : vector<16xf32>
        %add3A_276 = arith.constant 1 : i32
        %add3A_277 = arith.addi %add3A_233, %add3A_276 : i32
        %swap3A_278 = arith.index_cast %add3A_277 : i32 to index
        %swap3A_279 = arith.constant 0 : index
        %swap3A_280 = tpu.vector_load %arg15[%swap3A_278, %swap3A_279] {strides = array<i32>} : memref<2000x16xf32, #tpu.memory_space<vmem>>, vector<16xf32>,
        tpu.vector_store %arg15[%swap3A_278, %swap3A_279], %mul3A_275 {strides = array<i32>} : memref<2000x16xf32, #tpu.memory_space<vmem>>, vector<16xf32>,
        %broadcast_in_dim3A_281 = arith.constant 2 : i32
        %broadcast_in_dim3A_282 = vector.broadcast %broadcast_in_dim3A_281 : i32 to vector<16x1xi32>
        %gather3A_283 = vector.shape_cast %broadcast_in_dim3A_282 : vector<16x1xi32> to vector<16xi32>
        %gather3A_284 = tpu.dynamic_gather %exp3A[%gather3A_283] in [0] : vector<16xf32>, vector<16xi32> -> vector<16xf32>
        %add3A_285 = arith.constant 2 : i32
        %add3A_286 = arith.addi %add3A_233, %add3A_285 : i32
        %get3A_287 = arith.index_cast %add3A_286 : i32 to index
        %get3A_288 = arith.constant 0 : index
        %get3A_289 = tpu.vector_load %arg15[%get3A_287, %get3A_288] {strides = array<i32>} : memref<2000x16xf32, #tpu.memory_space<vmem>>, vector<16xf32>,
        %mul3A_290 = arith.mulf %get3A_289, %gather3A_284 : vector<16xf32>
        %add3A_291 = arith.constant 2 : i32
        %add3A_292 = arith.addi %add3A_233, %add3A_291 : i32
        %swap3A_293 = arith.index_cast %add3A_292 : i32 to index
        %swap3A_294 = arith.constant 0 : index
        %swap3A_295 = tpu.vector_load %arg15[%swap3A_293, %swap3A_294] {strides = array<i32>} : memref<2000x16xf32, #tpu.memory_space<vmem>>, vector<16xf32>,
        tpu.vector_store %arg15[%swap3A_293, %swap3A_294], %mul3A_290 {strides = array<i32>} : memref<2000x16xf32, #tpu.memory_space<vmem>>, vector<16xf32>,
        %broadcast_in_dim3A_296 = arith.constant 3 : i32
        %broadcast_in_dim3A_297 = vector.broadcast %broadcast_in_dim3A_296 : i32 to vector<16x1xi32>
        %gather3A_298 = vector.shape_cast %broadcast_in_dim3A_297 : vector<16x1xi32> to vector<16xi32>
        %gather3A_299 = tpu.dynamic_gather %exp3A[%gather3A_298] in [0] : vector<16xf32>, vector<16xi32> -> vector<16xf32>
        %add3A_300 = arith.constant 3 : i32
        %add3A_301 = arith.addi %add3A_233, %add3A_300 : i32
        %get3A_302 = arith.index_cast %add3A_301 : i32 to index
        %get3A_303 = arith.constant 0 : index
        %get3A_304 = tpu.vector_load %arg15[%get3A_302, %get3A_303] {strides = array<i32>} : memref<2000x16xf32, #tpu.memory_space<vmem>>, vector<16xf32>,
        %mul3A_305 = arith.mulf %get3A_304, %gather3A_299 : vector<16xf32>
        %add3A_306 = arith.constant 3 : i32
        %add3A_307 = arith.addi %add3A_233, %add3A_306 : i32
        %swap3A_308 = arith.index_cast %add3A_307 : i32 to index
        %swap3A_309 = arith.constant 0 : index
        %swap3A_310 = tpu.vector_load %arg15[%swap3A_308, %swap3A_309] {strides = array<i32>} : memref<2000x16xf32, #tpu.memory_space<vmem>>, vector<16xf32>,
        tpu.vector_store %arg15[%swap3A_308, %swap3A_309], %mul3A_305 {strides = array<i32>} : memref<2000x16xf32, #tpu.memory_space<vmem>>, vector<16xf32>,
        %broadcast_in_dim3A_311 = arith.constant 4 : i32
        %broadcast_in_dim3A_312 = vector.broadcast %broadcast_in_dim3A_311 : i32 to vector<16x1xi32>
        %gather3A_313 = vector.shape_cast %broadcast_in_dim3A_312 : vector<16x1xi32> to vector<16xi32>
        %gather3A_314 = tpu.dynamic_gather %exp3A[%gather3A_313] in [0] : vector<16xf32>, vector<16xi32> -> vector<16xf32>
        %add3A_315 = arith.constant 4 : i32
        %add3A_316 = arith.addi %add3A_233, %add3A_315 : i32
        %get3A_317 = arith.index_cast %add3A_316 : i32 to index
        %get3A_318 = arith.constant 0 : index
        %get3A_319 = tpu.vector_load %arg15[%get3A_317, %get3A_318] {strides = array<i32>} : memref<2000x16xf32, #tpu.memory_space<vmem>>, vector<16xf32>,
        %mul3A_320 = arith.mulf %get3A_319, %gather3A_314 : vector<16xf32>
        %add3A_321 = arith.constant 4 : i32
        %add3A_322 = arith.addi %add3A_233, %add3A_321 : i32
        %swap3A_323 = arith.index_cast %add3A_322 : i32 to index
        %swap3A_324 = arith.constant 0 : index
        %swap3A_325 = tpu.vector_load %arg15[%swap3A_323, %swap3A_324] {strides = array<i32>} : memref<2000x16xf32, #tpu.memory_space<vmem>>, vector<16xf32>,
        tpu.vector_store %arg15[%swap3A_323, %swap3A_324], %mul3A_320 {strides = array<i32>} : memref<2000x16xf32, #tpu.memory_space<vmem>>, vector<16xf32>,
        %broadcast_in_dim3A_326 = arith.constant 5 : i32
        %broadcast_in_dim3A_327 = vector.broadcast %broadcast_in_dim3A_326 : i32 to vector<16x1xi32>
        %gather3A_328 = vector.shape_cast %broadcast_in_dim3A_327 : vector<16x1xi32> to vector<16xi32>
        %gather3A_329 = tpu.dynamic_gather %exp3A[%gather3A_328] in [0] : vector<16xf32>, vector<16xi32> -> vector<16xf32>
        %add3A_330 = arith.constant 5 : i32
        %add3A_331 = arith.addi %add3A_233, %add3A_330 : i32
        %get3A_332 = arith.index_cast %add3A_331 : i32 to index
        %get3A_333 = arith.constant 0 : index
        %get3A_334 = tpu.vector_load %arg15[%get3A_332, %get3A_333] {strides = array<i32>} : memref<2000x16xf32, #tpu.memory_space<vmem>>, vector<16xf32>,
        %mul3A_335 = arith.mulf %get3A_334, %gather3A_329 : vector<16xf32>
        %add3A_336 = arith.constant 5 : i32
        %add3A_337 = arith.addi %add3A_233, %add3A_336 : i32
        %swap3A_338 = arith.index_cast %add3A_337 : i32 to index
        %swap3A_339 = arith.constant 0 : index
        %swap3A_340 = tpu.vector_load %arg15[%swap3A_338, %swap3A_339] {strides = array<i32>} : memref<2000x16xf32, #tpu.memory_space<vmem>>, vector<16xf32>,
        tpu.vector_store %arg15[%swap3A_338, %swap3A_339], %mul3A_335 {strides = array<i32>} : memref<2000x16xf32, #tpu.memory_space<vmem>>, vector<16xf32>,
        %broadcast_in_dim3A_341 = arith.constant 6 : i32
        %broadcast_in_dim3A_342 = vector.broadcast %broadcast_in_dim3A_341 : i32 to vector<16x1xi32>
        %gather3A_343 = vector.shape_cast %broadcast_in_dim3A_342 : vector<16x1xi32> to vector<16xi32>
        %gather3A_344 = tpu.dynamic_gather %exp3A[%gather3A_343] in [0] : vector<16xf32>, vector<16xi32> -> vector<16xf32>
        %add3A_345 = arith.constant 6 : i32
        %add3A_346 = arith.addi %add3A_233, %add3A_345 : i32
        %get3A_347 = arith.index_cast %add3A_346 : i32 to index
        %get3A_348 = arith.constant 0 : index
        %get3A_349 = tpu.vector_load %arg15[%get3A_347, %get3A_348] {strides = array<i32>} : memref<2000x16xf32, #tpu.memory_space<vmem>>, vector<16xf32>,
        %mul3A_350 = arith.mulf %get3A_349, %gather3A_344 : vector<16xf32>
        %add3A_351 = arith.constant 6 : i32
        %add3A_352 = arith.addi %add3A_233, %add3A_351 : i32
        %swap3A_353 = arith.index_cast %add3A_352 : i32 to index
        %swap3A_354 = arith.constant 0 : index
        %swap3A_355 = tpu.vector_load %arg15[%swap3A_353, %swap3A_354] {strides = array<i32>} : memref<2000x16xf32, #tpu.memory_space<vmem>>, vector<16xf32>,
        tpu.vector_store %arg15[%swap3A_353, %swap3A_354], %mul3A_350 {strides = array<i32>} : memref<2000x16xf32, #tpu.memory_space<vmem>>, vector<16xf32>,
        %broadcast_in_dim3A_356 = arith.constant 7 : i32
        %broadcast_in_dim3A_357 = vector.broadcast %broadcast_in_dim3A_356 : i32 to vector<16x1xi32>
        %gather3A_358 = vector.shape_cast %broadcast_in_dim3A_357 : vector<16x1xi32> to vector<16xi32>
        %gather3A_359 = tpu.dynamic_gather %exp3A[%gather3A_358] in [0] : vector<16xf32>, vector<16xi32> -> vector<16xf32>
        %add3A_360 = arith.constant 7 : i32
        %add3A_361 = arith.addi %add3A_233, %add3A_360 : i32
        %get3A_362 = arith.index_cast %add3A_361 : i32 to index
        %get3A_363 = arith.constant 0 : index
        %get3A_364 = tpu.vector_load %arg15[%get3A_362, %get3A_363] {strides = array<i32>} : memref<2000x16xf32, #tpu.memory_space<vmem>>, vector<16xf32>,
        %mul3A_365 = arith.mulf %get3A_364, %gather3A_359 : vector<16xf32>
        %add3A_366 = arith.constant 7 : i32
        %add3A_367 = arith.addi %add3A_233, %add3A_366 : i32
        %swap3A_368 = arith.index_cast %add3A_367 : i32 to index
        %swap3A_369 = arith.constant 0 : index
        %swap3A_370 = tpu.vector_load %arg15[%swap3A_368, %swap3A_369] {strides = array<i32>} : memref<2000x16xf32, #tpu.memory_space<vmem>>, vector<16xf32>,
        tpu.vector_store %arg15[%swap3A_368, %swap3A_369], %mul3A_365 {strides = array<i32>} : memref<2000x16xf32, #tpu.memory_space<vmem>>, vector<16xf32>,
        %broadcast_in_dim3A_371 = arith.constant 8 : i32
        %broadcast_in_dim3A_372 = vector.broadcast %broadcast_in_dim3A_371 : i32 to vector<16x1xi32>
        %gather3A_373 = vector.shape_cast %broadcast_in_dim3A_372 : vector<16x1xi32> to vector<16xi32>
        %gather3A_374 = tpu.dynamic_gather %exp3A[%gather3A_373] in [0] : vector<16xf32>, vector<16xi32> -> vector<16xf32>
        %add3A_375 = arith.constant 8 : i32
        %add3A_376 = arith.addi %add3A_233, %add3A_375 : i32
        %get3A_377 = arith.index_cast %add3A_376 : i32 to index
        %get3A_378 = arith.constant 0 : index
        %get3A_379 = tpu.vector_load %arg15[%get3A_377, %get3A_378] {strides = array<i32>} : memref<2000x16xf32, #tpu.memory_space<vmem>>, vector<16xf32>,
        %mul3A_380 = arith.mulf %get3A_379, %gather3A_374 : vector<16xf32>
        %add3A_381 = arith.constant 8 : i32
        %add3A_382 = arith.addi %add3A_233, %add3A_381 : i32
        %swap3A_383 = arith.index_cast %add3A_382 : i32 to index
        %swap3A_384 = arith.constant 0 : index
        %swap3A_385 = tpu.vector_load %arg15[%swap3A_383, %swap3A_384] {strides = array<i32>} : memref<2000x16xf32, #tpu.memory_space<vmem>>, vector<16xf32>,
        tpu.vector_store %arg15[%swap3A_383, %swap3A_384], %mul3A_380 {strides = array<i32>} : memref<2000x16xf32, #tpu.memory_space<vmem>>, vector<16xf32>,
        %broadcast_in_dim3A_386 = arith.constant 9 : i32
        %broadcast_in_dim3A_387 = vector.broadcast %broadcast_in_dim3A_386 : i32 to vector<16x1xi32>
        %gather3A_388 = vector.shape_cast %broadcast_in_dim3A_387 : vector<16x1xi32> to vector<16xi32>
        %gather3A_389 = tpu.dynamic_gather %exp3A[%gather3A_388] in [0] : vector<16xf32>, vector<16xi32> -> vector<16xf32>
        %add3A_390 = arith.constant 9 : i32
        %add3A_391 = arith.addi %add3A_233, %add3A_390 : i32
        %get3A_392 = arith.index_cast %add3A_391 : i32 to index
        %get3A_393 = arith.constant 0 : index
        %get3A_394 = tpu.vector_load %arg15[%get3A_392, %get3A_393] {strides = array<i32>} : memref<2000x16xf32, #tpu.memory_space<vmem>>, vector<16xf32>,
        %mul3A_395 = arith.mulf %get3A_394, %gather3A_389 : vector<16xf32>
        %add3A_396 = arith.constant 9 : i32
        %add3A_397 = arith.addi %add3A_233, %add3A_396 : i32
        %swap3A_398 = arith.index_cast %add3A_397 : i32 to index
        %swap3A_399 = arith.constant 0 : index
        %swap3A_400 = tpu.vector_load %arg15[%swap3A_398, %swap3A_399] {strides = array<i32>} : memref<2000x16xf32, #tpu.memory_space<vmem>>, vector<16xf32>,
        tpu.vector_store %arg15[%swap3A_398, %swap3A_399], %mul3A_395 {strides = array<i32>} : memref<2000x16xf32, #tpu.memory_space<vmem>>, vector<16xf32>,
        %broadcast_in_dim3A_401 = arith.constant 10 : i32
        %broadcast_in_dim3A_402 = vector.broadcast %broadcast_in_dim3A_401 : i32 to vector<16x1xi32>
        %gather3A_403 = vector.shape_cast %broadcast_in_dim3A_402 : vector<16x1xi32> to vector<16xi32>
        %gather3A_404 = tpu.dynamic_gather %exp3A[%gather3A_403] in [0] : vector<16xf32>, vector<16xi32> -> vector<16xf32>
        %add3A_405 = arith.constant 10 : i32
        %add3A_406 = arith.addi %add3A_233, %add3A_405 : i32
        %get3A_407 = arith.index_cast %add3A_406 : i32 to index
        %get3A_408 = arith.constant 0 : index
        %get3A_409 = tpu.vector_load %arg15[%get3A_407, %get3A_408] {strides = array<i32>} : memref<2000x16xf32, #tpu.memory_space<vmem>>, vector<16xf32>,
        %mul3A_410 = arith.mulf %get3A_409, %gather3A_404 : vector<16xf32>
        %add3A_411 = arith.constant 10 : i32
        %add3A_412 = arith.addi %add3A_233, %add3A_411 : i32
        %swap3A_413 = arith.index_cast %add3A_412 : i32 to index
        %swap3A_414 = arith.constant 0 : index
        %swap3A_415 = tpu.vector_load %arg15[%swap3A_413, %swap3A_414] {strides = array<i32>} : memref<2000x16xf32, #tpu.memory_space<vmem>>, vector<16xf32>,
        tpu.vector_store %arg15[%swap3A_413, %swap3A_414], %mul3A_410 {strides = array<i32>} : memref<2000x16xf32, #tpu.memory_space<vmem>>, vector<16xf32>,
        %broadcast_in_dim3A_416 = arith.constant 11 : i32
        %broadcast_in_dim3A_417 = vector.broadcast %broadcast_in_dim3A_416 : i32 to vector<16x1xi32>
        %gather3A_418 = vector.shape_cast %broadcast_in_dim3A_417 : vector<16x1xi32> to vector<16xi32>
        %gather3A_419 = tpu.dynamic_gather %exp3A[%gather3A_418] in [0] : vector<16xf32>, vector<16xi32> -> vector<16xf32>
        %add3A_420 = arith.constant 11 : i32
        %add3A_421 = arith.addi %add3A_233, %add3A_420 : i32
        %get3A_422 = arith.index_cast %add3A_421 : i32 to index
        %get3A_423 = arith.constant 0 : index
        %get3A_424 = tpu.vector_load %arg15[%get3A_422, %get3A_423] {strides = array<i32>} : memref<2000x16xf32, #tpu.memory_space<vmem>>, vector<16xf32>,
        %mul3A_425 = arith.mulf %get3A_424, %gather3A_419 : vector<16xf32>
        %add3A_426 = arith.constant 11 : i32
        %add3A_427 = arith.addi %add3A_233, %add3A_426 : i32
        %swap3A_428 = arith.index_cast %add3A_427 : i32 to index
        %swap3A_429 = arith.constant 0 : index
        %swap3A_430 = tpu.vector_load %arg15[%swap3A_428, %swap3A_429] {strides = array<i32>} : memref<2000x16xf32, #tpu.memory_space<vmem>>, vector<16xf32>,
        tpu.vector_store %arg15[%swap3A_428, %swap3A_429], %mul3A_425 {strides = array<i32>} : memref<2000x16xf32, #tpu.memory_space<vmem>>, vector<16xf32>,
        %broadcast_in_dim3A_431 = arith.constant 12 : i32
        %broadcast_in_dim3A_432 = vector.broadcast %broadcast_in_dim3A_431 : i32 to vector<16x1xi32>
        %gather3A_433 = vector.shape_cast %broadcast_in_dim3A_432 : vector<16x1xi32> to vector<16xi32>
        %gather3A_434 = tpu.dynamic_gather %exp3A[%gather3A_433] in [0] : vector<16xf32>, vector<16xi32> -> vector<16xf32>
        %add3A_435 = arith.constant 12 : i32
        %add3A_436 = arith.addi %add3A_233, %add3A_435 : i32
        %get3A_437 = arith.index_cast %add3A_436 : i32 to index
        %get3A_438 = arith.constant 0 : index
        %get3A_439 = tpu.vector_load %arg15[%get3A_437, %get3A_438] {strides = array<i32>} : memref<2000x16xf32, #tpu.memory_space<vmem>>, vector<16xf32>,
        %mul3A_440 = arith.mulf %get3A_439, %gather3A_434 : vector<16xf32>
        %add3A_441 = arith.constant 12 : i32
        %add3A_442 = arith.addi %add3A_233, %add3A_441 : i32
        %swap3A_443 = arith.index_cast %add3A_442 : i32 to index
        %swap3A_444 = arith.constant 0 : index
        %swap3A_445 = tpu.vector_load %arg15[%swap3A_443, %swap3A_444] {strides = array<i32>} : memref<2000x16xf32, #tpu.memory_space<vmem>>, vector<16xf32>,
        tpu.vector_store %arg15[%swap3A_443, %swap3A_444], %mul3A_440 {strides = array<i32>} : memref<2000x16xf32, #tpu.memory_space<vmem>>, vector<16xf32>,
        %broadcast_in_dim3A_446 = arith.constant 13 : i32
        %broadcast_in_dim3A_447 = vector.broadcast %broadcast_in_dim3A_446 : i32 to vector<16x1xi32>
        %gather3A_448 = vector.shape_cast %broadcast_in_dim3A_447 : vector<16x1xi32> to vector<16xi32>
        %gather3A_449 = tpu.dynamic_gather %exp3A[%gather3A_448] in [0] : vector<16xf32>, vector<16xi32> -> vector<16xf32>
        %add3A_450 = arith.constant 13 : i32
        %add3A_451 = arith.addi %add3A_233, %add3A_450 : i32
        %get3A_452 = arith.index_cast %add3A_451 : i32 to index
        %get3A_453 = arith.constant 0 : index
        %get3A_454 = tpu.vector_load %arg15[%get3A_452, %get3A_453] {strides = array<i32>} : memref<2000x16xf32, #tpu.memory_space<vmem>>, vector<16xf32>,
        %mul3A_455 = arith.mulf %get3A_454, %gather3A_449 : vector<16xf32>
        %add3A_456 = arith.constant 13 : i32
        %add3A_457 = arith.addi %add3A_233, %add3A_456 : i32
        %swap3A_458 = arith.index_cast %add3A_457 : i32 to index
        %swap3A_459 = arith.constant 0 : index
        %swap3A_460 = tpu.vector_load %arg15[%swap3A_458, %swap3A_459] {strides = array<i32>} : memref<2000x16xf32, #tpu.memory_space<vmem>>, vector<16xf32>,
        tpu.vector_store %arg15[%swap3A_458, %swap3A_459], %mul3A_455 {strides = array<i32>} : memref<2000x16xf32, #tpu.memory_space<vmem>>, vector<16xf32>,
        %broadcast_in_dim3A_461 = arith.constant 14 : i32
        %broadcast_in_dim3A_462 = vector.broadcast %broadcast_in_dim3A_461 : i32 to vector<16x1xi32>
        %gather3A_463 = vector.shape_cast %broadcast_in_dim3A_462 : vector<16x1xi32> to vector<16xi32>
        %gather3A_464 = tpu.dynamic_gather %exp3A[%gather3A_463] in [0] : vector<16xf32>, vector<16xi32> -> vector<16xf32>
        %add3A_465 = arith.constant 14 : i32
        %add3A_466 = arith.addi %add3A_233, %add3A_465 : i32
        %get3A_467 = arith.index_cast %add3A_466 : i32 to index
        %get3A_468 = arith.constant 0 : index
        %get3A_469 = tpu.vector_load %arg15[%get3A_467, %get3A_468] {strides = array<i32>} : memref<2000x16xf32, #tpu.memory_space<vmem>>, vector<16xf32>,
        %mul3A_470 = arith.mulf %get3A_469, %gather3A_464 : vector<16xf32>
        %add3A_471 = arith.constant 14 : i32
        %add3A_472 = arith.addi %add3A_233, %add3A_471 : i32
        %swap3A_473 = arith.index_cast %add3A_472 : i32 to index
        %swap3A_474 = arith.constant 0 : index
        %swap3A_475 = tpu.vector_load %arg15[%swap3A_473, %swap3A_474] {strides = array<i32>} : memref<2000x16xf32, #tpu.memory_space<vmem>>, vector<16xf32>,
        tpu.vector_store %arg15[%swap3A_473, %swap3A_474], %mul3A_470 {strides = array<i32>} : memref<2000x16xf32, #tpu.memory_space<vmem>>, vector<16xf32>,
        %broadcast_in_dim3A_476 = arith.constant 15 : i32
        %broadcast_in_dim3A_477 = vector.broadcast %broadcast_in_dim3A_476 : i32 to vector<16x1xi32>
        %gather3A_478 = vector.shape_cast %broadcast_in_dim3A_477 : vector<16x1xi32> to vector<16xi32>
        %gather3A_479 = tpu.dynamic_gather %exp3A[%gather3A_478] in [0] : vector<16xf32>, vector<16xi32> -> vector<16xf32>
        %add3A_480 = arith.constant 15 : i32
        %add3A_481 = arith.addi %add3A_233, %add3A_480 : i32
        %get3A_482 = arith.index_cast %add3A_481 : i32 to index
        %get3A_483 = arith.constant 0 : index
        %get3A_484 = tpu.vector_load %arg15[%get3A_482, %get3A_483] {strides = array<i32>} : memref<2000x16xf32, #tpu.memory_space<vmem>>, vector<16xf32>,
        %mul3A_485 = arith.mulf %get3A_484, %gather3A_479 : vector<16xf32>
        %add3A_486 = arith.constant 15 : i32
        %add3A_487 = arith.addi %add3A_233, %add3A_486 : i32
        %swap3A_488 = arith.index_cast %add3A_487 : i32 to index
        %swap3A_489 = arith.constant 0 : index
        %swap3A_490 = tpu.vector_load %arg15[%swap3A_488, %swap3A_489] {strides = array<i32>} : memref<2000x16xf32, #tpu.memory_space<vmem>>, vector<16xf32>,
        tpu.vector_store %arg15[%swap3A_488, %swap3A_489], %mul3A_485 {strides = array<i32>} : memref<2000x16xf32, #tpu.memory_space<vmem>>, vector<16xf32>,
        %scan3A_491 = arith.constant 0 : i32
        scf.yield %scan3A_491 : i32
      }
      %scan3A_207 = arith.constant 5 : i32
      %mul3A_208 = arith.constant 80 : i32
      %mul3A_209 = arith.muli %scan3A_199, %mul3A_208 : i32
      %add3A_210 = arith.constant 2000 : i32
      %add3A_211 = arith.addi %add3A_210, %mul3A_209 : i32
      %mul3A_212 = arith.constant 80 : i32
      %mul3A_213 = arith.muli %scan3A_199, %mul3A_212 : i32
      %dma_start3A_214 = arith.constant 0 : i32
      %dma_start3A_215 = tpu.memref_slice %arg15[%mul3A_213, %dma_start3A_214] : memref<2000x16xf32, #tpu.memory_space<vmem>> -> memref<80x16xf32, #tpu.memory_space<vmem>>
      %dma_start3A_216 = tpu.memref_slice %arg10[%add3A_211] : memref<10000xi32, #tpu.memory_space<vmem>> -> memref<80xi32, #tpu.memory_space<vmem>>
      %dma_start3A_217 = arith.constant 0 : i32
      %dma_start3A_218 = arith.constant 0 : i32
      %dma_start3A_219 = tpu.memref_slice %arg17[%dma_start3A_217, %dma_start3A_218] : memref<10000x16xf32, #tpu.memory_space<vmem_shared>> -> memref<10000x16xf32, #tpu.memory_space<vmem_shared>>
      tpu.enqueue_indirect_dma source(%dma_start3A_215 : memref<80x16xf32, #tpu.memory_space<vmem>>) target(%dma_start3A_219 : memref<10000x16xf32, #tpu.memory_space<vmem_shared>>) offsets(%dma_start3A_216 : memref<80xi32, #tpu.memory_space<vmem>>) semaphore(%arg23 : memref<!tpu.dma_semaphore, #tpu.memory_space<semaphore_mem>>) {add = true}
      %mul3A_220 = arith.constant 80 : i32
      %mul3A_221 = arith.muli %scan3A_199, %mul3A_220 : i32
      %dma_start3A_222 = tpu.memref_slice %arg13[%mul3A_221] : memref<2000xf32, #tpu.memory_space<vmem>> -> memref<80xf32, #tpu.memory_space<vmem>>
      %dma_start3A_223 = tpu.memref_slice %arg10[%add3A_211] : memref<10000xi32, #tpu.memory_space<vmem>> -> memref<80xi32, #tpu.memory_space<vmem>>
      %dma_start3A_224 = arith.constant 0 : i32
      %dma_start3A_225 = tpu.memref_slice %arg18[%dma_start3A_224] : memref<10000xf32, #tpu.memory_space<vmem_shared>> -> memref<10000xf32, #tpu.memory_space<vmem_shared>>
      tpu.enqueue_indirect_dma source(%dma_start3A_222 : memref<80xf32, #tpu.memory_space<vmem>>) target(%dma_start3A_225 : memref<10000xf32, #tpu.memory_space<vmem_shared>>) offsets(%dma_start3A_223 : memref<80xi32, #tpu.memory_space<vmem>>) semaphore(%arg23 : memref<!tpu.dma_semaphore, #tpu.memory_space<semaphore_mem>>) {add = true}
      %scan3A_226 = arith.constant 0 : i32
      scf.yield %scan3A_226 : i32
    }
    %scan3A_78 = arith.constant 25 : i32
    %dma_wait3A_79 = arith.constant 0 : i32
    %dma_wait3A_80 = arith.constant 0 : i32
    %dma_wait3A_81 = tpu.memref_slice %arg4[%dma_wait3A_79, %dma_wait3A_80] : memref<10000x16xf32, #tpu.memory_space<hbm>> -> memref<2000x16xf32, #tpu.memory_space<hbm>>
    %dma_wait3A_82 = arith.constant 0 : i32
    %dma_wait3A_83 = arith.constant 0 : i32
    %dma_wait3A_84 = tpu.memref_slice %arg4[%dma_wait3A_82, %dma_wait3A_83] : memref<10000x16xf32, #tpu.memory_space<hbm>> -> memref<2000x16xf32, #tpu.memory_space<hbm>>
    tpu.wait_dma2 semaphore(%arg23 : memref<!tpu.dma_semaphore, #tpu.memory_space<semaphore_mem>>) src(%dma_wait3A_84 : memref<2000x16xf32, #tpu.memory_space<hbm>>) dst(%arg15 : memref<2000x16xf32, #tpu.memory_space<vmem>>)
    %dma_wait3A_85 = arith.constant 0 : i32
    %dma_wait3A_86 = tpu.memref_slice %arg3[%dma_wait3A_85] : memref<20000xf32, #tpu.memory_space<hbm>> -> memref<2000xf32, #tpu.memory_space<hbm>>
    %dma_wait3A_87 = arith.constant 0 : i32
    %dma_wait3A_88 = tpu.memref_slice %arg3[%dma_wait3A_87] : memref<20000xf32, #tpu.memory_space<hbm>> -> memref<2000xf32, #tpu.memory_space<hbm>>
    tpu.wait_dma2 semaphore(%arg23 : memref<!tpu.dma_semaphore, #tpu.memory_space<semaphore_mem>>) src(%dma_wait3A_88 : memref<2000xf32, #tpu.memory_space<hbm>>) dst(%arg13 : memref<2000xf32, #tpu.memory_space<vmem>>)
    %scan3A_89 = arith.constant 0 : i32
    %scan3A_90 = arith.constant 0 : i32
    %scan3A_91 = arith.constant 25 : i32
    %scan3A_92 = arith.addi %scan3A_90, %scan3A_91 : i32
    %scan3A_93 = arith.constant 1 : i32
    %scan3A_94 = scf.for %scan3A_199 = %scan3A_90 to %scan3A_92 step %scan3A_93 iter_args(%scan3A_200 = %scan3A_89) -> (i32)  : i32 {
      %mul3A_201 = arith.constant 80 : i32
      %mul3A_202 = arith.muli %scan3A_199, %mul3A_201 : i32
      %add3A_203 = arith.constant 6000 : i32
      %add3A_204 = arith.addi %add3A_203, %mul3A_202 : i32
      %mul3A_205 = arith.constant 80 : i32
      %mul3A_206 = arith.muli %scan3A_199, %mul3A_205 : i32
      %dma_start3A_207 = arith.constant 0 : i32
      %dma_start3A_208 = tpu.memref_slice %arg15[%mul3A_206, %dma_start3A_207] : memref<2000x16xf32, #tpu.memory_space<vmem>> -> memref<80x16xf32, #tpu.memory_space<vmem>>
      %dma_start3A_209 = tpu.memref_slice %arg11[%add3A_204] : memref<10000xi32, #tpu.memory_space<vmem>> -> memref<80xi32, #tpu.memory_space<vmem>>
      %dma_start3A_210 = arith.constant 0 : i32
      %dma_start3A_211 = arith.constant 0 : i32
      %dma_start3A_212 = tpu.memref_slice %arg4[%dma_start3A_210, %dma_start3A_211] : memref<10000x16xf32, #tpu.memory_space<hbm>> -> memref<10000x16xf32, #tpu.memory_space<hbm>>
      tpu.enqueue_indirect_dma source(%dma_start3A_212 : memref<10000x16xf32, #tpu.memory_space<hbm>>) target(%dma_start3A_208 : memref<80x16xf32, #tpu.memory_space<vmem>>) offsets(%dma_start3A_209 : memref<80xi32, #tpu.memory_space<vmem>>) semaphore(%arg21 : memref<!tpu.dma_semaphore, #tpu.memory_space<semaphore_mem>>)
      %scan3A_213 = arith.constant 0 : i32
      scf.yield %scan3A_213 : i32
    }
    %scan3A_95 = arith.constant 25 : i32
    %dma_wait3A_96 = arith.constant 0 : i32
    %dma_wait3A_97 = arith.constant 0 : i32
    %dma_wait3A_98 = tpu.memref_slice %arg4[%dma_wait3A_96, %dma_wait3A_97] : memref<10000x16xf32, #tpu.memory_space<hbm>> -> memref<2000x16xf32, #tpu.memory_space<hbm>>
    %dma_wait3A_99 = arith.constant 0 : i32
    %dma_wait3A_100 = arith.constant 0 : i32
    %dma_wait3A_101 = tpu.memref_slice %arg4[%dma_wait3A_99, %dma_wait3A_100] : memref<10000x16xf32, #tpu.memory_space<hbm>> -> memref<2000x16xf32, #tpu.memory_space<hbm>>
    tpu.wait_dma2 semaphore(%arg20 : memref<!tpu.dma_semaphore, #tpu.memory_space<semaphore_mem>>) src(%dma_wait3A_101 : memref<2000x16xf32, #tpu.memory_space<hbm>>) dst(%arg14 : memref<2000x16xf32, #tpu.memory_space<vmem>>)
    %scan3A_102 = arith.constant 0 : i32
    %scan3A_103 = arith.constant 0 : i32
    %scan3A_104 = arith.constant 25 : i32
    %scan3A_105 = arith.addi %scan3A_103, %scan3A_104 : i32
    %scan3A_106 = arith.constant 1 : i32
    %scan3A_107 = scf.for %scan3A_199 = %scan3A_103 to %scan3A_105 step %scan3A_106 iter_args(%scan3A_200 = %scan3A_102) -> (i32)  : i32 {
      %scan3A_201 = arith.constant 0 : i32
      %scan3A_202 = arith.constant 0 : i32
      %scan3A_203 = arith.constant 5 : i32
      %scan3A_204 = arith.addi %scan3A_202, %scan3A_203 : i32
      %scan3A_205 = arith.constant 1 : i32
      %scan3A_206 = scf.for %scan3A_227 = %scan3A_202 to %scan3A_204 step %scan3A_205 iter_args(%scan3A_228 = %scan3A_201) -> (i32)  : i32 {
        %mul3A_229 = arith.constant 80 : i32
        %mul3A_230 = arith.muli %scan3A_199, %mul3A_229 : i32
        %mul3A_231 = arith.constant 16 : i32
        %mul3A_232 = arith.muli %scan3A_227, %mul3A_231 : i32
        %add3A_233 = arith.addi %mul3A_230, %mul3A_232 : i32
        %add3A_234 = arith.constant 4000 : i32
        %add3A_235 = arith.addi %add3A_234, %add3A_233 : i32
        %get3A = arith.index_cast %add3A_235 : i32 to index
        %get3A_236 = tpu.vector_load %arg10[%get3A] {strides = array<i32>} : memref<10000xi32, #tpu.memory_space<vmem>>, vector<16xi32>,
        %get3A_237 = arith.index_cast %add3A_235 : i32 to index
        %get3A_238 = tpu.vector_load %arg11[%get3A_237] {strides = array<i32>} : memref<10000xi32, #tpu.memory_space<vmem>>, vector<16xi32>,
        %add3A_239 = arith.addi %get3A_236, %get3A_236 : vector<16xi32>
        %gather3A = tpu.vector_load_idx %arg9[%add3A_239] : memref<20000xf32, #tpu.memory_space<vmem>>[vector<16xi32>], vector<16xf32>,
        %add3A_240 = arith.addi %get3A_238, %get3A_238 : vector<16xi32>
        %add3A_241 = arith.constant 1 : i32
        %add3A_242 = vector.broadcast %add3A_241 : i32 to vector<16xi32>
        %add3A_243 = arith.addi %add3A_240, %add3A_242 : vector<16xi32>
        %gather3A_244 = tpu.vector_load_idx %arg9[%add3A_243] : memref<20000xf32, #tpu.memory_space<vmem>>[vector<16xi32>], vector<16xf32>,
        %mul3A_245 = arith.mulf %gather3A, %gather3A_244 : vector<16xf32>
        %add3A_246 = arith.constant 1.000000e+00 : f32
        %add3A_247 = vector.broadcast %add3A_246 : f32 to vector<16xf32>
        %add3A_248 = arith.addf %add3A_247, %mul3A_245 : vector<16xf32>
        %div3A = arith.constant 1.000000e+00 : f32
        %div3A_249 = vector.broadcast %div3A : f32 to vector<16xf32>
        %div3A_250 = arith.divf %div3A_249, %add3A_248 : vector<16xf32>
        %exp3A = math.exp %div3A_250 : vector<16xf32>
        %swap3A = arith.index_cast %add3A_233 : i32 to index
        %swap3A_251 = tpu.vector_load %arg12[%swap3A] {strides = array<i32>} : memref<2000xf32, #tpu.memory_space<vmem>>, vector<16xf32>,
        tpu.vector_store %arg12[%swap3A], %exp3A {strides = array<i32>} : memref<2000xf32, #tpu.memory_space<vmem>>, vector<16xf32>,
        %broadcast_in_dim3A = arith.constant 0 : i32
        %broadcast_in_dim3A_252 = vector.broadcast %broadcast_in_dim3A : i32 to vector<16x1xi32>
        %gather3A_253 = vector.shape_cast %broadcast_in_dim3A_252 : vector<16x1xi32> to vector<16xi32>
        %gather3A_254 = tpu.dynamic_gather %exp3A[%gather3A_253] in [0] : vector<16xf32>, vector<16xi32> -> vector<16xf32>
        %add3A_255 = arith.constant 0 : i32
        %add3A_256 = arith.addi %add3A_233, %add3A_255 : i32
        %get3A_257 = arith.index_cast %add3A_256 : i32 to index
        %get3A_258 = arith.constant 0 : index
        %get3A_259 = tpu.vector_load %arg14[%get3A_257, %get3A_258] {strides = array<i32>} : memref<2000x16xf32, #tpu.memory_space<vmem>>, vector<16xf32>,
        %mul3A_260 = arith.mulf %get3A_259, %gather3A_254 : vector<16xf32>
        %add3A_261 = arith.constant 0 : i32
        %add3A_262 = arith.addi %add3A_233, %add3A_261 : i32
        %swap3A_263 = arith.index_cast %add3A_262 : i32 to index
        %swap3A_264 = arith.constant 0 : index
        %swap3A_265 = tpu.vector_load %arg14[%swap3A_263, %swap3A_264] {strides = array<i32>} : memref<2000x16xf32, #tpu.memory_space<vmem>>, vector<16xf32>,
        tpu.vector_store %arg14[%swap3A_263, %swap3A_264], %mul3A_260 {strides = array<i32>} : memref<2000x16xf32, #tpu.memory_space<vmem>>, vector<16xf32>,
        %broadcast_in_dim3A_266 = arith.constant 1 : i32
        %broadcast_in_dim3A_267 = vector.broadcast %broadcast_in_dim3A_266 : i32 to vector<16x1xi32>
        %gather3A_268 = vector.shape_cast %broadcast_in_dim3A_267 : vector<16x1xi32> to vector<16xi32>
        %gather3A_269 = tpu.dynamic_gather %exp3A[%gather3A_268] in [0] : vector<16xf32>, vector<16xi32> -> vector<16xf32>
        %add3A_270 = arith.constant 1 : i32
        %add3A_271 = arith.addi %add3A_233, %add3A_270 : i32
        %get3A_272 = arith.index_cast %add3A_271 : i32 to index
        %get3A_273 = arith.constant 0 : index
        %get3A_274 = tpu.vector_load %arg14[%get3A_272, %get3A_273] {strides = array<i32>} : memref<2000x16xf32, #tpu.memory_space<vmem>>, vector<16xf32>,
        %mul3A_275 = arith.mulf %get3A_274, %gather3A_269 : vector<16xf32>
        %add3A_276 = arith.constant 1 : i32
        %add3A_277 = arith.addi %add3A_233, %add3A_276 : i32
        %swap3A_278 = arith.index_cast %add3A_277 : i32 to index
        %swap3A_279 = arith.constant 0 : index
        %swap3A_280 = tpu.vector_load %arg14[%swap3A_278, %swap3A_279] {strides = array<i32>} : memref<2000x16xf32, #tpu.memory_space<vmem>>, vector<16xf32>,
        tpu.vector_store %arg14[%swap3A_278, %swap3A_279], %mul3A_275 {strides = array<i32>} : memref<2000x16xf32, #tpu.memory_space<vmem>>, vector<16xf32>,
        %broadcast_in_dim3A_281 = arith.constant 2 : i32
        %broadcast_in_dim3A_282 = vector.broadcast %broadcast_in_dim3A_281 : i32 to vector<16x1xi32>
        %gather3A_283 = vector.shape_cast %broadcast_in_dim3A_282 : vector<16x1xi32> to vector<16xi32>
        %gather3A_284 = tpu.dynamic_gather %exp3A[%gather3A_283] in [0] : vector<16xf32>, vector<16xi32> -> vector<16xf32>
        %add3A_285 = arith.constant 2 : i32
        %add3A_286 = arith.addi %add3A_233, %add3A_285 : i32
        %get3A_287 = arith.index_cast %add3A_286 : i32 to index
        %get3A_288 = arith.constant 0 : index
        %get3A_289 = tpu.vector_load %arg14[%get3A_287, %get3A_288] {strides = array<i32>} : memref<2000x16xf32, #tpu.memory_space<vmem>>, vector<16xf32>,
        %mul3A_290 = arith.mulf %get3A_289, %gather3A_284 : vector<16xf32>
        %add3A_291 = arith.constant 2 : i32
        %add3A_292 = arith.addi %add3A_233, %add3A_291 : i32
        %swap3A_293 = arith.index_cast %add3A_292 : i32 to index
        %swap3A_294 = arith.constant 0 : index
        %swap3A_295 = tpu.vector_load %arg14[%swap3A_293, %swap3A_294] {strides = array<i32>} : memref<2000x16xf32, #tpu.memory_space<vmem>>, vector<16xf32>,
        tpu.vector_store %arg14[%swap3A_293, %swap3A_294], %mul3A_290 {strides = array<i32>} : memref<2000x16xf32, #tpu.memory_space<vmem>>, vector<16xf32>,
        %broadcast_in_dim3A_296 = arith.constant 3 : i32
        %broadcast_in_dim3A_297 = vector.broadcast %broadcast_in_dim3A_296 : i32 to vector<16x1xi32>
        %gather3A_298 = vector.shape_cast %broadcast_in_dim3A_297 : vector<16x1xi32> to vector<16xi32>
        %gather3A_299 = tpu.dynamic_gather %exp3A[%gather3A_298] in [0] : vector<16xf32>, vector<16xi32> -> vector<16xf32>
        %add3A_300 = arith.constant 3 : i32
        %add3A_301 = arith.addi %add3A_233, %add3A_300 : i32
        %get3A_302 = arith.index_cast %add3A_301 : i32 to index
        %get3A_303 = arith.constant 0 : index
        %get3A_304 = tpu.vector_load %arg14[%get3A_302, %get3A_303] {strides = array<i32>} : memref<2000x16xf32, #tpu.memory_space<vmem>>, vector<16xf32>,
        %mul3A_305 = arith.mulf %get3A_304, %gather3A_299 : vector<16xf32>
        %add3A_306 = arith.constant 3 : i32
        %add3A_307 = arith.addi %add3A_233, %add3A_306 : i32
        %swap3A_308 = arith.index_cast %add3A_307 : i32 to index
        %swap3A_309 = arith.constant 0 : index
        %swap3A_310 = tpu.vector_load %arg14[%swap3A_308, %swap3A_309] {strides = array<i32>} : memref<2000x16xf32, #tpu.memory_space<vmem>>, vector<16xf32>,
        tpu.vector_store %arg14[%swap3A_308, %swap3A_309], %mul3A_305 {strides = array<i32>} : memref<2000x16xf32, #tpu.memory_space<vmem>>, vector<16xf32>,
        %broadcast_in_dim3A_311 = arith.constant 4 : i32
        %broadcast_in_dim3A_312 = vector.broadcast %broadcast_in_dim3A_311 : i32 to vector<16x1xi32>
        %gather3A_313 = vector.shape_cast %broadcast_in_dim3A_312 : vector<16x1xi32> to vector<16xi32>
        %gather3A_314 = tpu.dynamic_gather %exp3A[%gather3A_313] in [0] : vector<16xf32>, vector<16xi32> -> vector<16xf32>
        %add3A_315 = arith.constant 4 : i32
        %add3A_316 = arith.addi %add3A_233, %add3A_315 : i32
        %get3A_317 = arith.index_cast %add3A_316 : i32 to index
        %get3A_318 = arith.constant 0 : index
        %get3A_319 = tpu.vector_load %arg14[%get3A_317, %get3A_318] {strides = array<i32>} : memref<2000x16xf32, #tpu.memory_space<vmem>>, vector<16xf32>,
        %mul3A_320 = arith.mulf %get3A_319, %gather3A_314 : vector<16xf32>
        %add3A_321 = arith.constant 4 : i32
        %add3A_322 = arith.addi %add3A_233, %add3A_321 : i32
        %swap3A_323 = arith.index_cast %add3A_322 : i32 to index
        %swap3A_324 = arith.constant 0 : index
        %swap3A_325 = tpu.vector_load %arg14[%swap3A_323, %swap3A_324] {strides = array<i32>} : memref<2000x16xf32, #tpu.memory_space<vmem>>, vector<16xf32>,
        tpu.vector_store %arg14[%swap3A_323, %swap3A_324], %mul3A_320 {strides = array<i32>} : memref<2000x16xf32, #tpu.memory_space<vmem>>, vector<16xf32>,
        %broadcast_in_dim3A_326 = arith.constant 5 : i32
        %broadcast_in_dim3A_327 = vector.broadcast %broadcast_in_dim3A_326 : i32 to vector<16x1xi32>
        %gather3A_328 = vector.shape_cast %broadcast_in_dim3A_327 : vector<16x1xi32> to vector<16xi32>
        %gather3A_329 = tpu.dynamic_gather %exp3A[%gather3A_328] in [0] : vector<16xf32>, vector<16xi32> -> vector<16xf32>
        %add3A_330 = arith.constant 5 : i32
        %add3A_331 = arith.addi %add3A_233, %add3A_330 : i32
        %get3A_332 = arith.index_cast %add3A_331 : i32 to index
        %get3A_333 = arith.constant 0 : index
        %get3A_334 = tpu.vector_load %arg14[%get3A_332, %get3A_333] {strides = array<i32>} : memref<2000x16xf32, #tpu.memory_space<vmem>>, vector<16xf32>,
        %mul3A_335 = arith.mulf %get3A_334, %gather3A_329 : vector<16xf32>
        %add3A_336 = arith.constant 5 : i32
        %add3A_337 = arith.addi %add3A_233, %add3A_336 : i32
        %swap3A_338 = arith.index_cast %add3A_337 : i32 to index
        %swap3A_339 = arith.constant 0 : index
        %swap3A_340 = tpu.vector_load %arg14[%swap3A_338, %swap3A_339] {strides = array<i32>} : memref<2000x16xf32, #tpu.memory_space<vmem>>, vector<16xf32>,
        tpu.vector_store %arg14[%swap3A_338, %swap3A_339], %mul3A_335 {strides = array<i32>} : memref<2000x16xf32, #tpu.memory_space<vmem>>, vector<16xf32>,
        %broadcast_in_dim3A_341 = arith.constant 6 : i32
        %broadcast_in_dim3A_342 = vector.broadcast %broadcast_in_dim3A_341 : i32 to vector<16x1xi32>
        %gather3A_343 = vector.shape_cast %broadcast_in_dim3A_342 : vector<16x1xi32> to vector<16xi32>
        %gather3A_344 = tpu.dynamic_gather %exp3A[%gather3A_343] in [0] : vector<16xf32>, vector<16xi32> -> vector<16xf32>
        %add3A_345 = arith.constant 6 : i32
        %add3A_346 = arith.addi %add3A_233, %add3A_345 : i32
        %get3A_347 = arith.index_cast %add3A_346 : i32 to index
        %get3A_348 = arith.constant 0 : index
        %get3A_349 = tpu.vector_load %arg14[%get3A_347, %get3A_348] {strides = array<i32>} : memref<2000x16xf32, #tpu.memory_space<vmem>>, vector<16xf32>,
        %mul3A_350 = arith.mulf %get3A_349, %gather3A_344 : vector<16xf32>
        %add3A_351 = arith.constant 6 : i32
        %add3A_352 = arith.addi %add3A_233, %add3A_351 : i32
        %swap3A_353 = arith.index_cast %add3A_352 : i32 to index
        %swap3A_354 = arith.constant 0 : index
        %swap3A_355 = tpu.vector_load %arg14[%swap3A_353, %swap3A_354] {strides = array<i32>} : memref<2000x16xf32, #tpu.memory_space<vmem>>, vector<16xf32>,
        tpu.vector_store %arg14[%swap3A_353, %swap3A_354], %mul3A_350 {strides = array<i32>} : memref<2000x16xf32, #tpu.memory_space<vmem>>, vector<16xf32>,
        %broadcast_in_dim3A_356 = arith.constant 7 : i32
        %broadcast_in_dim3A_357 = vector.broadcast %broadcast_in_dim3A_356 : i32 to vector<16x1xi32>
        %gather3A_358 = vector.shape_cast %broadcast_in_dim3A_357 : vector<16x1xi32> to vector<16xi32>
        %gather3A_359 = tpu.dynamic_gather %exp3A[%gather3A_358] in [0] : vector<16xf32>, vector<16xi32> -> vector<16xf32>
        %add3A_360 = arith.constant 7 : i32
        %add3A_361 = arith.addi %add3A_233, %add3A_360 : i32
        %get3A_362 = arith.index_cast %add3A_361 : i32 to index
        %get3A_363 = arith.constant 0 : index
        %get3A_364 = tpu.vector_load %arg14[%get3A_362, %get3A_363] {strides = array<i32>} : memref<2000x16xf32, #tpu.memory_space<vmem>>, vector<16xf32>,
        %mul3A_365 = arith.mulf %get3A_364, %gather3A_359 : vector<16xf32>
        %add3A_366 = arith.constant 7 : i32
        %add3A_367 = arith.addi %add3A_233, %add3A_366 : i32
        %swap3A_368 = arith.index_cast %add3A_367 : i32 to index
        %swap3A_369 = arith.constant 0 : index
        %swap3A_370 = tpu.vector_load %arg14[%swap3A_368, %swap3A_369] {strides = array<i32>} : memref<2000x16xf32, #tpu.memory_space<vmem>>, vector<16xf32>,
        tpu.vector_store %arg14[%swap3A_368, %swap3A_369], %mul3A_365 {strides = array<i32>} : memref<2000x16xf32, #tpu.memory_space<vmem>>, vector<16xf32>,
        %broadcast_in_dim3A_371 = arith.constant 8 : i32
        %broadcast_in_dim3A_372 = vector.broadcast %broadcast_in_dim3A_371 : i32 to vector<16x1xi32>
        %gather3A_373 = vector.shape_cast %broadcast_in_dim3A_372 : vector<16x1xi32> to vector<16xi32>
        %gather3A_374 = tpu.dynamic_gather %exp3A[%gather3A_373] in [0] : vector<16xf32>, vector<16xi32> -> vector<16xf32>
        %add3A_375 = arith.constant 8 : i32
        %add3A_376 = arith.addi %add3A_233, %add3A_375 : i32
        %get3A_377 = arith.index_cast %add3A_376 : i32 to index
        %get3A_378 = arith.constant 0 : index
        %get3A_379 = tpu.vector_load %arg14[%get3A_377, %get3A_378] {strides = array<i32>} : memref<2000x16xf32, #tpu.memory_space<vmem>>, vector<16xf32>,
        %mul3A_380 = arith.mulf %get3A_379, %gather3A_374 : vector<16xf32>
        %add3A_381 = arith.constant 8 : i32
        %add3A_382 = arith.addi %add3A_233, %add3A_381 : i32
        %swap3A_383 = arith.index_cast %add3A_382 : i32 to index
        %swap3A_384 = arith.constant 0 : index
        %swap3A_385 = tpu.vector_load %arg14[%swap3A_383, %swap3A_384] {strides = array<i32>} : memref<2000x16xf32, #tpu.memory_space<vmem>>, vector<16xf32>,
        tpu.vector_store %arg14[%swap3A_383, %swap3A_384], %mul3A_380 {strides = array<i32>} : memref<2000x16xf32, #tpu.memory_space<vmem>>, vector<16xf32>,
        %broadcast_in_dim3A_386 = arith.constant 9 : i32
        %broadcast_in_dim3A_387 = vector.broadcast %broadcast_in_dim3A_386 : i32 to vector<16x1xi32>
        %gather3A_388 = vector.shape_cast %broadcast_in_dim3A_387 : vector<16x1xi32> to vector<16xi32>
        %gather3A_389 = tpu.dynamic_gather %exp3A[%gather3A_388] in [0] : vector<16xf32>, vector<16xi32> -> vector<16xf32>
        %add3A_390 = arith.constant 9 : i32
        %add3A_391 = arith.addi %add3A_233, %add3A_390 : i32
        %get3A_392 = arith.index_cast %add3A_391 : i32 to index
        %get3A_393 = arith.constant 0 : index
        %get3A_394 = tpu.vector_load %arg14[%get3A_392, %get3A_393] {strides = array<i32>} : memref<2000x16xf32, #tpu.memory_space<vmem>>, vector<16xf32>,
        %mul3A_395 = arith.mulf %get3A_394, %gather3A_389 : vector<16xf32>
        %add3A_396 = arith.constant 9 : i32
        %add3A_397 = arith.addi %add3A_233, %add3A_396 : i32
        %swap3A_398 = arith.index_cast %add3A_397 : i32 to index
        %swap3A_399 = arith.constant 0 : index
        %swap3A_400 = tpu.vector_load %arg14[%swap3A_398, %swap3A_399] {strides = array<i32>} : memref<2000x16xf32, #tpu.memory_space<vmem>>, vector<16xf32>,
        tpu.vector_store %arg14[%swap3A_398, %swap3A_399], %mul3A_395 {strides = array<i32>} : memref<2000x16xf32, #tpu.memory_space<vmem>>, vector<16xf32>,
        %broadcast_in_dim3A_401 = arith.constant 10 : i32
        %broadcast_in_dim3A_402 = vector.broadcast %broadcast_in_dim3A_401 : i32 to vector<16x1xi32>
        %gather3A_403 = vector.shape_cast %broadcast_in_dim3A_402 : vector<16x1xi32> to vector<16xi32>
        %gather3A_404 = tpu.dynamic_gather %exp3A[%gather3A_403] in [0] : vector<16xf32>, vector<16xi32> -> vector<16xf32>
        %add3A_405 = arith.constant 10 : i32
        %add3A_406 = arith.addi %add3A_233, %add3A_405 : i32
        %get3A_407 = arith.index_cast %add3A_406 : i32 to index
        %get3A_408 = arith.constant 0 : index
        %get3A_409 = tpu.vector_load %arg14[%get3A_407, %get3A_408] {strides = array<i32>} : memref<2000x16xf32, #tpu.memory_space<vmem>>, vector<16xf32>,
        %mul3A_410 = arith.mulf %get3A_409, %gather3A_404 : vector<16xf32>
        %add3A_411 = arith.constant 10 : i32
        %add3A_412 = arith.addi %add3A_233, %add3A_411 : i32
        %swap3A_413 = arith.index_cast %add3A_412 : i32 to index
        %swap3A_414 = arith.constant 0 : index
        %swap3A_415 = tpu.vector_load %arg14[%swap3A_413, %swap3A_414] {strides = array<i32>} : memref<2000x16xf32, #tpu.memory_space<vmem>>, vector<16xf32>,
        tpu.vector_store %arg14[%swap3A_413, %swap3A_414], %mul3A_410 {strides = array<i32>} : memref<2000x16xf32, #tpu.memory_space<vmem>>, vector<16xf32>,
        %broadcast_in_dim3A_416 = arith.constant 11 : i32
        %broadcast_in_dim3A_417 = vector.broadcast %broadcast_in_dim3A_416 : i32 to vector<16x1xi32>
        %gather3A_418 = vector.shape_cast %broadcast_in_dim3A_417 : vector<16x1xi32> to vector<16xi32>
        %gather3A_419 = tpu.dynamic_gather %exp3A[%gather3A_418] in [0] : vector<16xf32>, vector<16xi32> -> vector<16xf32>
        %add3A_420 = arith.constant 11 : i32
        %add3A_421 = arith.addi %add3A_233, %add3A_420 : i32
        %get3A_422 = arith.index_cast %add3A_421 : i32 to index
        %get3A_423 = arith.constant 0 : index
        %get3A_424 = tpu.vector_load %arg14[%get3A_422, %get3A_423] {strides = array<i32>} : memref<2000x16xf32, #tpu.memory_space<vmem>>, vector<16xf32>,
        %mul3A_425 = arith.mulf %get3A_424, %gather3A_419 : vector<16xf32>
        %add3A_426 = arith.constant 11 : i32
        %add3A_427 = arith.addi %add3A_233, %add3A_426 : i32
        %swap3A_428 = arith.index_cast %add3A_427 : i32 to index
        %swap3A_429 = arith.constant 0 : index
        %swap3A_430 = tpu.vector_load %arg14[%swap3A_428, %swap3A_429] {strides = array<i32>} : memref<2000x16xf32, #tpu.memory_space<vmem>>, vector<16xf32>,
        tpu.vector_store %arg14[%swap3A_428, %swap3A_429], %mul3A_425 {strides = array<i32>} : memref<2000x16xf32, #tpu.memory_space<vmem>>, vector<16xf32>,
        %broadcast_in_dim3A_431 = arith.constant 12 : i32
        %broadcast_in_dim3A_432 = vector.broadcast %broadcast_in_dim3A_431 : i32 to vector<16x1xi32>
        %gather3A_433 = vector.shape_cast %broadcast_in_dim3A_432 : vector<16x1xi32> to vector<16xi32>
        %gather3A_434 = tpu.dynamic_gather %exp3A[%gather3A_433] in [0] : vector<16xf32>, vector<16xi32> -> vector<16xf32>
        %add3A_435 = arith.constant 12 : i32
        %add3A_436 = arith.addi %add3A_233, %add3A_435 : i32
        %get3A_437 = arith.index_cast %add3A_436 : i32 to index
        %get3A_438 = arith.constant 0 : index
        %get3A_439 = tpu.vector_load %arg14[%get3A_437, %get3A_438] {strides = array<i32>} : memref<2000x16xf32, #tpu.memory_space<vmem>>, vector<16xf32>,
        %mul3A_440 = arith.mulf %get3A_439, %gather3A_434 : vector<16xf32>
        %add3A_441 = arith.constant 12 : i32
        %add3A_442 = arith.addi %add3A_233, %add3A_441 : i32
        %swap3A_443 = arith.index_cast %add3A_442 : i32 to index
        %swap3A_444 = arith.constant 0 : index
        %swap3A_445 = tpu.vector_load %arg14[%swap3A_443, %swap3A_444] {strides = array<i32>} : memref<2000x16xf32, #tpu.memory_space<vmem>>, vector<16xf32>,
        tpu.vector_store %arg14[%swap3A_443, %swap3A_444], %mul3A_440 {strides = array<i32>} : memref<2000x16xf32, #tpu.memory_space<vmem>>, vector<16xf32>,
        %broadcast_in_dim3A_446 = arith.constant 13 : i32
        %broadcast_in_dim3A_447 = vector.broadcast %broadcast_in_dim3A_446 : i32 to vector<16x1xi32>
        %gather3A_448 = vector.shape_cast %broadcast_in_dim3A_447 : vector<16x1xi32> to vector<16xi32>
        %gather3A_449 = tpu.dynamic_gather %exp3A[%gather3A_448] in [0] : vector<16xf32>, vector<16xi32> -> vector<16xf32>
        %add3A_450 = arith.constant 13 : i32
        %add3A_451 = arith.addi %add3A_233, %add3A_450 : i32
        %get3A_452 = arith.index_cast %add3A_451 : i32 to index
        %get3A_453 = arith.constant 0 : index
        %get3A_454 = tpu.vector_load %arg14[%get3A_452, %get3A_453] {strides = array<i32>} : memref<2000x16xf32, #tpu.memory_space<vmem>>, vector<16xf32>,
        %mul3A_455 = arith.mulf %get3A_454, %gather3A_449 : vector<16xf32>
        %add3A_456 = arith.constant 13 : i32
        %add3A_457 = arith.addi %add3A_233, %add3A_456 : i32
        %swap3A_458 = arith.index_cast %add3A_457 : i32 to index
        %swap3A_459 = arith.constant 0 : index
        %swap3A_460 = tpu.vector_load %arg14[%swap3A_458, %swap3A_459] {strides = array<i32>} : memref<2000x16xf32, #tpu.memory_space<vmem>>, vector<16xf32>,
        tpu.vector_store %arg14[%swap3A_458, %swap3A_459], %mul3A_455 {strides = array<i32>} : memref<2000x16xf32, #tpu.memory_space<vmem>>, vector<16xf32>,
        %broadcast_in_dim3A_461 = arith.constant 14 : i32
        %broadcast_in_dim3A_462 = vector.broadcast %broadcast_in_dim3A_461 : i32 to vector<16x1xi32>
        %gather3A_463 = vector.shape_cast %broadcast_in_dim3A_462 : vector<16x1xi32> to vector<16xi32>
        %gather3A_464 = tpu.dynamic_gather %exp3A[%gather3A_463] in [0] : vector<16xf32>, vector<16xi32> -> vector<16xf32>
        %add3A_465 = arith.constant 14 : i32
        %add3A_466 = arith.addi %add3A_233, %add3A_465 : i32
        %get3A_467 = arith.index_cast %add3A_466 : i32 to index
        %get3A_468 = arith.constant 0 : index
        %get3A_469 = tpu.vector_load %arg14[%get3A_467, %get3A_468] {strides = array<i32>} : memref<2000x16xf32, #tpu.memory_space<vmem>>, vector<16xf32>,
        %mul3A_470 = arith.mulf %get3A_469, %gather3A_464 : vector<16xf32>
        %add3A_471 = arith.constant 14 : i32
        %add3A_472 = arith.addi %add3A_233, %add3A_471 : i32
        %swap3A_473 = arith.index_cast %add3A_472 : i32 to index
        %swap3A_474 = arith.constant 0 : index
        %swap3A_475 = tpu.vector_load %arg14[%swap3A_473, %swap3A_474] {strides = array<i32>} : memref<2000x16xf32, #tpu.memory_space<vmem>>, vector<16xf32>,
        tpu.vector_store %arg14[%swap3A_473, %swap3A_474], %mul3A_470 {strides = array<i32>} : memref<2000x16xf32, #tpu.memory_space<vmem>>, vector<16xf32>,
        %broadcast_in_dim3A_476 = arith.constant 15 : i32
        %broadcast_in_dim3A_477 = vector.broadcast %broadcast_in_dim3A_476 : i32 to vector<16x1xi32>
        %gather3A_478 = vector.shape_cast %broadcast_in_dim3A_477 : vector<16x1xi32> to vector<16xi32>
        %gather3A_479 = tpu.dynamic_gather %exp3A[%gather3A_478] in [0] : vector<16xf32>, vector<16xi32> -> vector<16xf32>
        %add3A_480 = arith.constant 15 : i32
        %add3A_481 = arith.addi %add3A_233, %add3A_480 : i32
        %get3A_482 = arith.index_cast %add3A_481 : i32 to index
        %get3A_483 = arith.constant 0 : index
        %get3A_484 = tpu.vector_load %arg14[%get3A_482, %get3A_483] {strides = array<i32>} : memref<2000x16xf32, #tpu.memory_space<vmem>>, vector<16xf32>,
        %mul3A_485 = arith.mulf %get3A_484, %gather3A_479 : vector<16xf32>
        %add3A_486 = arith.constant 15 : i32
        %add3A_487 = arith.addi %add3A_233, %add3A_486 : i32
        %swap3A_488 = arith.index_cast %add3A_487 : i32 to index
        %swap3A_489 = arith.constant 0 : index
        %swap3A_490 = tpu.vector_load %arg14[%swap3A_488, %swap3A_489] {strides = array<i32>} : memref<2000x16xf32, #tpu.memory_space<vmem>>, vector<16xf32>,
        tpu.vector_store %arg14[%swap3A_488, %swap3A_489], %mul3A_485 {strides = array<i32>} : memref<2000x16xf32, #tpu.memory_space<vmem>>, vector<16xf32>,
        %scan3A_491 = arith.constant 0 : i32
        scf.yield %scan3A_491 : i32
      }
      %scan3A_207 = arith.constant 5 : i32
      %mul3A_208 = arith.constant 80 : i32
      %mul3A_209 = arith.muli %scan3A_199, %mul3A_208 : i32
      %add3A_210 = arith.constant 4000 : i32
      %add3A_211 = arith.addi %add3A_210, %mul3A_209 : i32
      %mul3A_212 = arith.constant 80 : i32
      %mul3A_213 = arith.muli %scan3A_199, %mul3A_212 : i32
      %dma_start3A_214 = arith.constant 0 : i32
      %dma_start3A_215 = tpu.memref_slice %arg14[%mul3A_213, %dma_start3A_214] : memref<2000x16xf32, #tpu.memory_space<vmem>> -> memref<80x16xf32, #tpu.memory_space<vmem>>
      %dma_start3A_216 = tpu.memref_slice %arg10[%add3A_211] : memref<10000xi32, #tpu.memory_space<vmem>> -> memref<80xi32, #tpu.memory_space<vmem>>
      %dma_start3A_217 = arith.constant 0 : i32
      %dma_start3A_218 = arith.constant 0 : i32
      %dma_start3A_219 = tpu.memref_slice %arg17[%dma_start3A_217, %dma_start3A_218] : memref<10000x16xf32, #tpu.memory_space<vmem_shared>> -> memref<10000x16xf32, #tpu.memory_space<vmem_shared>>
      tpu.enqueue_indirect_dma source(%dma_start3A_215 : memref<80x16xf32, #tpu.memory_space<vmem>>) target(%dma_start3A_219 : memref<10000x16xf32, #tpu.memory_space<vmem_shared>>) offsets(%dma_start3A_216 : memref<80xi32, #tpu.memory_space<vmem>>) semaphore(%arg22 : memref<!tpu.dma_semaphore, #tpu.memory_space<semaphore_mem>>) {add = true}
      %mul3A_220 = arith.constant 80 : i32
      %mul3A_221 = arith.muli %scan3A_199, %mul3A_220 : i32
      %dma_start3A_222 = tpu.memref_slice %arg12[%mul3A_221] : memref<2000xf32, #tpu.memory_space<vmem>> -> memref<80xf32, #tpu.memory_space<vmem>>
      %dma_start3A_223 = tpu.memref_slice %arg10[%add3A_211] : memref<10000xi32, #tpu.memory_space<vmem>> -> memref<80xi32, #tpu.memory_space<vmem>>
      %dma_start3A_224 = arith.constant 0 : i32
      %dma_start3A_225 = tpu.memref_slice %arg18[%dma_start3A_224] : memref<10000xf32, #tpu.memory_space<vmem_shared>> -> memref<10000xf32, #tpu.memory_space<vmem_shared>>
      tpu.enqueue_indirect_dma source(%dma_start3A_222 : memref<80xf32, #tpu.memory_space<vmem>>) target(%dma_start3A_225 : memref<10000xf32, #tpu.memory_space<vmem_shared>>) offsets(%dma_start3A_223 : memref<80xi32, #tpu.memory_space<vmem>>) semaphore(%arg22 : memref<!tpu.dma_semaphore, #tpu.memory_space<semaphore_mem>>) {add = true}
      %scan3A_226 = arith.constant 0 : i32
      scf.yield %scan3A_226 : i32
    }
    %scan3A_108 = arith.constant 25 : i32
    %dma_wait3A_109 = arith.constant 0 : i32
    %dma_wait3A_110 = arith.constant 0 : i32
    %dma_wait3A_111 = tpu.memref_slice %arg4[%dma_wait3A_109, %dma_wait3A_110] : memref<10000x16xf32, #tpu.memory_space<hbm>> -> memref<2000x16xf32, #tpu.memory_space<hbm>>
    %dma_wait3A_112 = arith.constant 0 : i32
    %dma_wait3A_113 = arith.constant 0 : i32
    %dma_wait3A_114 = tpu.memref_slice %arg4[%dma_wait3A_112, %dma_wait3A_113] : memref<10000x16xf32, #tpu.memory_space<hbm>> -> memref<2000x16xf32, #tpu.memory_space<hbm>>
    tpu.wait_dma2 semaphore(%arg22 : memref<!tpu.dma_semaphore, #tpu.memory_space<semaphore_mem>>) src(%dma_wait3A_114 : memref<2000x16xf32, #tpu.memory_space<hbm>>) dst(%arg14 : memref<2000x16xf32, #tpu.memory_space<vmem>>)
    %dma_wait3A_115 = arith.constant 0 : i32
    %dma_wait3A_116 = tpu.memref_slice %arg3[%dma_wait3A_115] : memref<20000xf32, #tpu.memory_space<hbm>> -> memref<2000xf32, #tpu.memory_space<hbm>>
    %dma_wait3A_117 = arith.constant 0 : i32
    %dma_wait3A_118 = tpu.memref_slice %arg3[%dma_wait3A_117] : memref<20000xf32, #tpu.memory_space<hbm>> -> memref<2000xf32, #tpu.memory_space<hbm>>
    tpu.wait_dma2 semaphore(%arg22 : memref<!tpu.dma_semaphore, #tpu.memory_space<semaphore_mem>>) src(%dma_wait3A_118 : memref<2000xf32, #tpu.memory_space<hbm>>) dst(%arg12 : memref<2000xf32, #tpu.memory_space<vmem>>)
    %scan3A_119 = arith.constant 0 : i32
    %scan3A_120 = arith.constant 0 : i32
    %scan3A_121 = arith.constant 25 : i32
    %scan3A_122 = arith.addi %scan3A_120, %scan3A_121 : i32
    %scan3A_123 = arith.constant 1 : i32
    %scan3A_124 = scf.for %scan3A_199 = %scan3A_120 to %scan3A_122 step %scan3A_123 iter_args(%scan3A_200 = %scan3A_119) -> (i32)  : i32 {
      %mul3A_201 = arith.constant 80 : i32
      %mul3A_202 = arith.muli %scan3A_199, %mul3A_201 : i32
      %add3A_203 = arith.constant 8000 : i32
      %add3A_204 = arith.addi %add3A_203, %mul3A_202 : i32
      %mul3A_205 = arith.constant 80 : i32
      %mul3A_206 = arith.muli %scan3A_199, %mul3A_205 : i32
      %dma_start3A_207 = arith.constant 0 : i32
      %dma_start3A_208 = tpu.memref_slice %arg14[%mul3A_206, %dma_start3A_207] : memref<2000x16xf32, #tpu.memory_space<vmem>> -> memref<80x16xf32, #tpu.memory_space<vmem>>
      %dma_start3A_209 = tpu.memref_slice %arg11[%add3A_204] : memref<10000xi32, #tpu.memory_space<vmem>> -> memref<80xi32, #tpu.memory_space<vmem>>
      %dma_start3A_210 = arith.constant 0 : i32
      %dma_start3A_211 = arith.constant 0 : i32
      %dma_start3A_212 = tpu.memref_slice %arg4[%dma_start3A_210, %dma_start3A_211] : memref<10000x16xf32, #tpu.memory_space<hbm>> -> memref<10000x16xf32, #tpu.memory_space<hbm>>
      tpu.enqueue_indirect_dma source(%dma_start3A_212 : memref<10000x16xf32, #tpu.memory_space<hbm>>) target(%dma_start3A_208 : memref<80x16xf32, #tpu.memory_space<vmem>>) offsets(%dma_start3A_209 : memref<80xi32, #tpu.memory_space<vmem>>) semaphore(%arg20 : memref<!tpu.dma_semaphore, #tpu.memory_space<semaphore_mem>>)
      %scan3A_213 = arith.constant 0 : i32
      scf.yield %scan3A_213 : i32
    }
    %scan3A_125 = arith.constant 25 : i32
    %dma_wait3A_126 = arith.constant 0 : i32
    %dma_wait3A_127 = arith.constant 0 : i32
    %dma_wait3A_128 = tpu.memref_slice %arg4[%dma_wait3A_126, %dma_wait3A_127] : memref<10000x16xf32, #tpu.memory_space<hbm>> -> memref<2000x16xf32, #tpu.memory_space<hbm>>
    %dma_wait3A_129 = arith.constant 0 : i32
    %dma_wait3A_130 = arith.constant 0 : i32
    %dma_wait3A_131 = tpu.memref_slice %arg4[%dma_wait3A_129, %dma_wait3A_130] : memref<10000x16xf32, #tpu.memory_space<hbm>> -> memref<2000x16xf32, #tpu.memory_space<hbm>>
    tpu.wait_dma2 semaphore(%arg21 : memref<!tpu.dma_semaphore, #tpu.memory_space<semaphore_mem>>) src(%dma_wait3A_131 : memref<2000x16xf32, #tpu.memory_space<hbm>>) dst(%arg15 : memref<2000x16xf32, #tpu.memory_space<vmem>>)
    %scan3A_132 = arith.constant 0 : i32
    %scan3A_133 = arith.constant 0 : i32
    %scan3A_134 = arith.constant 25 : i32
    %scan3A_135 = arith.addi %scan3A_133, %scan3A_134 : i32
    %scan3A_136 = arith.constant 1 : i32
    %scan3A_137 = scf.for %scan3A_199 = %scan3A_133 to %scan3A_135 step %scan3A_136 iter_args(%scan3A_200 = %scan3A_132) -> (i32)  : i32 {
      %scan3A_201 = arith.constant 0 : i32
      %scan3A_202 = arith.constant 0 : i32
      %scan3A_203 = arith.constant 5 : i32
      %scan3A_204 = arith.addi %scan3A_202, %scan3A_203 : i32
      %scan3A_205 = arith.constant 1 : i32
      %scan3A_206 = scf.for %scan3A_227 = %scan3A_202 to %scan3A_204 step %scan3A_205 iter_args(%scan3A_228 = %scan3A_201) -> (i32)  : i32 {
        %mul3A_229 = arith.constant 80 : i32
        %mul3A_230 = arith.muli %scan3A_199, %mul3A_229 : i32
        %mul3A_231 = arith.constant 16 : i32
        %mul3A_232 = arith.muli %scan3A_227, %mul3A_231 : i32
        %add3A_233 = arith.addi %mul3A_230, %mul3A_232 : i32
        %add3A_234 = arith.constant 6000 : i32
        %add3A_235 = arith.addi %add3A_234, %add3A_233 : i32
        %get3A = arith.index_cast %add3A_235 : i32 to index
        %get3A_236 = tpu.vector_load %arg10[%get3A] {strides = array<i32>} : memref<10000xi32, #tpu.memory_space<vmem>>, vector<16xi32>,
        %get3A_237 = arith.index_cast %add3A_235 : i32 to index
        %get3A_238 = tpu.vector_load %arg11[%get3A_237] {strides = array<i32>} : memref<10000xi32, #tpu.memory_space<vmem>>, vector<16xi32>,
        %add3A_239 = arith.addi %get3A_236, %get3A_236 : vector<16xi32>
        %gather3A = tpu.vector_load_idx %arg9[%add3A_239] : memref<20000xf32, #tpu.memory_space<vmem>>[vector<16xi32>], vector<16xf32>,
        %add3A_240 = arith.addi %get3A_238, %get3A_238 : vector<16xi32>
        %add3A_241 = arith.constant 1 : i32
        %add3A_242 = vector.broadcast %add3A_241 : i32 to vector<16xi32>
        %add3A_243 = arith.addi %add3A_240, %add3A_242 : vector<16xi32>
        %gather3A_244 = tpu.vector_load_idx %arg9[%add3A_243] : memref<20000xf32, #tpu.memory_space<vmem>>[vector<16xi32>], vector<16xf32>,
        %mul3A_245 = arith.mulf %gather3A, %gather3A_244 : vector<16xf32>
        %add3A_246 = arith.constant 1.000000e+00 : f32
        %add3A_247 = vector.broadcast %add3A_246 : f32 to vector<16xf32>
        %add3A_248 = arith.addf %add3A_247, %mul3A_245 : vector<16xf32>
        %div3A = arith.constant 1.000000e+00 : f32
        %div3A_249 = vector.broadcast %div3A : f32 to vector<16xf32>
        %div3A_250 = arith.divf %div3A_249, %add3A_248 : vector<16xf32>
        %exp3A = math.exp %div3A_250 : vector<16xf32>
        %swap3A = arith.index_cast %add3A_233 : i32 to index
        %swap3A_251 = tpu.vector_load %arg13[%swap3A] {strides = array<i32>} : memref<2000xf32, #tpu.memory_space<vmem>>, vector<16xf32>,
        tpu.vector_store %arg13[%swap3A], %exp3A {strides = array<i32>} : memref<2000xf32, #tpu.memory_space<vmem>>, vector<16xf32>,
        %broadcast_in_dim3A = arith.constant 0 : i32
        %broadcast_in_dim3A_252 = vector.broadcast %broadcast_in_dim3A : i32 to vector<16x1xi32>
        %gather3A_253 = vector.shape_cast %broadcast_in_dim3A_252 : vector<16x1xi32> to vector<16xi32>
        %gather3A_254 = tpu.dynamic_gather %exp3A[%gather3A_253] in [0] : vector<16xf32>, vector<16xi32> -> vector<16xf32>
        %add3A_255 = arith.constant 0 : i32
        %add3A_256 = arith.addi %add3A_233, %add3A_255 : i32
        %get3A_257 = arith.index_cast %add3A_256 : i32 to index
        %get3A_258 = arith.constant 0 : index
        %get3A_259 = tpu.vector_load %arg15[%get3A_257, %get3A_258] {strides = array<i32>} : memref<2000x16xf32, #tpu.memory_space<vmem>>, vector<16xf32>,
        %mul3A_260 = arith.mulf %get3A_259, %gather3A_254 : vector<16xf32>
        %add3A_261 = arith.constant 0 : i32
        %add3A_262 = arith.addi %add3A_233, %add3A_261 : i32
        %swap3A_263 = arith.index_cast %add3A_262 : i32 to index
        %swap3A_264 = arith.constant 0 : index
        %swap3A_265 = tpu.vector_load %arg15[%swap3A_263, %swap3A_264] {strides = array<i32>} : memref<2000x16xf32, #tpu.memory_space<vmem>>, vector<16xf32>,
        tpu.vector_store %arg15[%swap3A_263, %swap3A_264], %mul3A_260 {strides = array<i32>} : memref<2000x16xf32, #tpu.memory_space<vmem>>, vector<16xf32>,
        %broadcast_in_dim3A_266 = arith.constant 1 : i32
        %broadcast_in_dim3A_267 = vector.broadcast %broadcast_in_dim3A_266 : i32 to vector<16x1xi32>
        %gather3A_268 = vector.shape_cast %broadcast_in_dim3A_267 : vector<16x1xi32> to vector<16xi32>
        %gather3A_269 = tpu.dynamic_gather %exp3A[%gather3A_268] in [0] : vector<16xf32>, vector<16xi32> -> vector<16xf32>
        %add3A_270 = arith.constant 1 : i32
        %add3A_271 = arith.addi %add3A_233, %add3A_270 : i32
        %get3A_272 = arith.index_cast %add3A_271 : i32 to index
        %get3A_273 = arith.constant 0 : index
        %get3A_274 = tpu.vector_load %arg15[%get3A_272, %get3A_273] {strides = array<i32>} : memref<2000x16xf32, #tpu.memory_space<vmem>>, vector<16xf32>,
        %mul3A_275 = arith.mulf %get3A_274, %gather3A_269 : vector<16xf32>
        %add3A_276 = arith.constant 1 : i32
        %add3A_277 = arith.addi %add3A_233, %add3A_276 : i32
        %swap3A_278 = arith.index_cast %add3A_277 : i32 to index
        %swap3A_279 = arith.constant 0 : index
        %swap3A_280 = tpu.vector_load %arg15[%swap3A_278, %swap3A_279] {strides = array<i32>} : memref<2000x16xf32, #tpu.memory_space<vmem>>, vector<16xf32>,
        tpu.vector_store %arg15[%swap3A_278, %swap3A_279], %mul3A_275 {strides = array<i32>} : memref<2000x16xf32, #tpu.memory_space<vmem>>, vector<16xf32>,
        %broadcast_in_dim3A_281 = arith.constant 2 : i32
        %broadcast_in_dim3A_282 = vector.broadcast %broadcast_in_dim3A_281 : i32 to vector<16x1xi32>
        %gather3A_283 = vector.shape_cast %broadcast_in_dim3A_282 : vector<16x1xi32> to vector<16xi32>
        %gather3A_284 = tpu.dynamic_gather %exp3A[%gather3A_283] in [0] : vector<16xf32>, vector<16xi32> -> vector<16xf32>
        %add3A_285 = arith.constant 2 : i32
        %add3A_286 = arith.addi %add3A_233, %add3A_285 : i32
        %get3A_287 = arith.index_cast %add3A_286 : i32 to index
        %get3A_288 = arith.constant 0 : index
        %get3A_289 = tpu.vector_load %arg15[%get3A_287, %get3A_288] {strides = array<i32>} : memref<2000x16xf32, #tpu.memory_space<vmem>>, vector<16xf32>,
        %mul3A_290 = arith.mulf %get3A_289, %gather3A_284 : vector<16xf32>
        %add3A_291 = arith.constant 2 : i32
        %add3A_292 = arith.addi %add3A_233, %add3A_291 : i32
        %swap3A_293 = arith.index_cast %add3A_292 : i32 to index
        %swap3A_294 = arith.constant 0 : index
        %swap3A_295 = tpu.vector_load %arg15[%swap3A_293, %swap3A_294] {strides = array<i32>} : memref<2000x16xf32, #tpu.memory_space<vmem>>, vector<16xf32>,
        tpu.vector_store %arg15[%swap3A_293, %swap3A_294], %mul3A_290 {strides = array<i32>} : memref<2000x16xf32, #tpu.memory_space<vmem>>, vector<16xf32>,
        %broadcast_in_dim3A_296 = arith.constant 3 : i32
        %broadcast_in_dim3A_297 = vector.broadcast %broadcast_in_dim3A_296 : i32 to vector<16x1xi32>
        %gather3A_298 = vector.shape_cast %broadcast_in_dim3A_297 : vector<16x1xi32> to vector<16xi32>
        %gather3A_299 = tpu.dynamic_gather %exp3A[%gather3A_298] in [0] : vector<16xf32>, vector<16xi32> -> vector<16xf32>
        %add3A_300 = arith.constant 3 : i32
        %add3A_301 = arith.addi %add3A_233, %add3A_300 : i32
        %get3A_302 = arith.index_cast %add3A_301 : i32 to index
        %get3A_303 = arith.constant 0 : index
        %get3A_304 = tpu.vector_load %arg15[%get3A_302, %get3A_303] {strides = array<i32>} : memref<2000x16xf32, #tpu.memory_space<vmem>>, vector<16xf32>,
        %mul3A_305 = arith.mulf %get3A_304, %gather3A_299 : vector<16xf32>
        %add3A_306 = arith.constant 3 : i32
        %add3A_307 = arith.addi %add3A_233, %add3A_306 : i32
        %swap3A_308 = arith.index_cast %add3A_307 : i32 to index
        %swap3A_309 = arith.constant 0 : index
        %swap3A_310 = tpu.vector_load %arg15[%swap3A_308, %swap3A_309] {strides = array<i32>} : memref<2000x16xf32, #tpu.memory_space<vmem>>, vector<16xf32>,
        tpu.vector_store %arg15[%swap3A_308, %swap3A_309], %mul3A_305 {strides = array<i32>} : memref<2000x16xf32, #tpu.memory_space<vmem>>, vector<16xf32>,
        %broadcast_in_dim3A_311 = arith.constant 4 : i32
        %broadcast_in_dim3A_312 = vector.broadcast %broadcast_in_dim3A_311 : i32 to vector<16x1xi32>
        %gather3A_313 = vector.shape_cast %broadcast_in_dim3A_312 : vector<16x1xi32> to vector<16xi32>
        %gather3A_314 = tpu.dynamic_gather %exp3A[%gather3A_313] in [0] : vector<16xf32>, vector<16xi32> -> vector<16xf32>
        %add3A_315 = arith.constant 4 : i32
        %add3A_316 = arith.addi %add3A_233, %add3A_315 : i32
        %get3A_317 = arith.index_cast %add3A_316 : i32 to index
        %get3A_318 = arith.constant 0 : index
        %get3A_319 = tpu.vector_load %arg15[%get3A_317, %get3A_318] {strides = array<i32>} : memref<2000x16xf32, #tpu.memory_space<vmem>>, vector<16xf32>,
        %mul3A_320 = arith.mulf %get3A_319, %gather3A_314 : vector<16xf32>
        %add3A_321 = arith.constant 4 : i32
        %add3A_322 = arith.addi %add3A_233, %add3A_321 : i32
        %swap3A_323 = arith.index_cast %add3A_322 : i32 to index
        %swap3A_324 = arith.constant 0 : index
        %swap3A_325 = tpu.vector_load %arg15[%swap3A_323, %swap3A_324] {strides = array<i32>} : memref<2000x16xf32, #tpu.memory_space<vmem>>, vector<16xf32>,
        tpu.vector_store %arg15[%swap3A_323, %swap3A_324], %mul3A_320 {strides = array<i32>} : memref<2000x16xf32, #tpu.memory_space<vmem>>, vector<16xf32>,
        %broadcast_in_dim3A_326 = arith.constant 5 : i32
        %broadcast_in_dim3A_327 = vector.broadcast %broadcast_in_dim3A_326 : i32 to vector<16x1xi32>
        %gather3A_328 = vector.shape_cast %broadcast_in_dim3A_327 : vector<16x1xi32> to vector<16xi32>
        %gather3A_329 = tpu.dynamic_gather %exp3A[%gather3A_328] in [0] : vector<16xf32>, vector<16xi32> -> vector<16xf32>
        %add3A_330 = arith.constant 5 : i32
        %add3A_331 = arith.addi %add3A_233, %add3A_330 : i32
        %get3A_332 = arith.index_cast %add3A_331 : i32 to index
        %get3A_333 = arith.constant 0 : index
        %get3A_334 = tpu.vector_load %arg15[%get3A_332, %get3A_333] {strides = array<i32>} : memref<2000x16xf32, #tpu.memory_space<vmem>>, vector<16xf32>,
        %mul3A_335 = arith.mulf %get3A_334, %gather3A_329 : vector<16xf32>
        %add3A_336 = arith.constant 5 : i32
        %add3A_337 = arith.addi %add3A_233, %add3A_336 : i32
        %swap3A_338 = arith.index_cast %add3A_337 : i32 to index
        %swap3A_339 = arith.constant 0 : index
        %swap3A_340 = tpu.vector_load %arg15[%swap3A_338, %swap3A_339] {strides = array<i32>} : memref<2000x16xf32, #tpu.memory_space<vmem>>, vector<16xf32>,
        tpu.vector_store %arg15[%swap3A_338, %swap3A_339], %mul3A_335 {strides = array<i32>} : memref<2000x16xf32, #tpu.memory_space<vmem>>, vector<16xf32>,
        %broadcast_in_dim3A_341 = arith.constant 6 : i32
        %broadcast_in_dim3A_342 = vector.broadcast %broadcast_in_dim3A_341 : i32 to vector<16x1xi32>
        %gather3A_343 = vector.shape_cast %broadcast_in_dim3A_342 : vector<16x1xi32> to vector<16xi32>
        %gather3A_344 = tpu.dynamic_gather %exp3A[%gather3A_343] in [0] : vector<16xf32>, vector<16xi32> -> vector<16xf32>
        %add3A_345 = arith.constant 6 : i32
        %add3A_346 = arith.addi %add3A_233, %add3A_345 : i32
        %get3A_347 = arith.index_cast %add3A_346 : i32 to index
        %get3A_348 = arith.constant 0 : index
        %get3A_349 = tpu.vector_load %arg15[%get3A_347, %get3A_348] {strides = array<i32>} : memref<2000x16xf32, #tpu.memory_space<vmem>>, vector<16xf32>,
        %mul3A_350 = arith.mulf %get3A_349, %gather3A_344 : vector<16xf32>
        %add3A_351 = arith.constant 6 : i32
        %add3A_352 = arith.addi %add3A_233, %add3A_351 : i32
        %swap3A_353 = arith.index_cast %add3A_352 : i32 to index
        %swap3A_354 = arith.constant 0 : index
        %swap3A_355 = tpu.vector_load %arg15[%swap3A_353, %swap3A_354] {strides = array<i32>} : memref<2000x16xf32, #tpu.memory_space<vmem>>, vector<16xf32>,
        tpu.vector_store %arg15[%swap3A_353, %swap3A_354], %mul3A_350 {strides = array<i32>} : memref<2000x16xf32, #tpu.memory_space<vmem>>, vector<16xf32>,
        %broadcast_in_dim3A_356 = arith.constant 7 : i32
        %broadcast_in_dim3A_357 = vector.broadcast %broadcast_in_dim3A_356 : i32 to vector<16x1xi32>
        %gather3A_358 = vector.shape_cast %broadcast_in_dim3A_357 : vector<16x1xi32> to vector<16xi32>
        %gather3A_359 = tpu.dynamic_gather %exp3A[%gather3A_358] in [0] : vector<16xf32>, vector<16xi32> -> vector<16xf32>
        %add3A_360 = arith.constant 7 : i32
        %add3A_361 = arith.addi %add3A_233, %add3A_360 : i32
        %get3A_362 = arith.index_cast %add3A_361 : i32 to index
        %get3A_363 = arith.constant 0 : index
        %get3A_364 = tpu.vector_load %arg15[%get3A_362, %get3A_363] {strides = array<i32>} : memref<2000x16xf32, #tpu.memory_space<vmem>>, vector<16xf32>,
        %mul3A_365 = arith.mulf %get3A_364, %gather3A_359 : vector<16xf32>
        %add3A_366 = arith.constant 7 : i32
        %add3A_367 = arith.addi %add3A_233, %add3A_366 : i32
        %swap3A_368 = arith.index_cast %add3A_367 : i32 to index
        %swap3A_369 = arith.constant 0 : index
        %swap3A_370 = tpu.vector_load %arg15[%swap3A_368, %swap3A_369] {strides = array<i32>} : memref<2000x16xf32, #tpu.memory_space<vmem>>, vector<16xf32>,
        tpu.vector_store %arg15[%swap3A_368, %swap3A_369], %mul3A_365 {strides = array<i32>} : memref<2000x16xf32, #tpu.memory_space<vmem>>, vector<16xf32>,
        %broadcast_in_dim3A_371 = arith.constant 8 : i32
        %broadcast_in_dim3A_372 = vector.broadcast %broadcast_in_dim3A_371 : i32 to vector<16x1xi32>
        %gather3A_373 = vector.shape_cast %broadcast_in_dim3A_372 : vector<16x1xi32> to vector<16xi32>
        %gather3A_374 = tpu.dynamic_gather %exp3A[%gather3A_373] in [0] : vector<16xf32>, vector<16xi32> -> vector<16xf32>
        %add3A_375 = arith.constant 8 : i32
        %add3A_376 = arith.addi %add3A_233, %add3A_375 : i32
        %get3A_377 = arith.index_cast %add3A_376 : i32 to index
        %get3A_378 = arith.constant 0 : index
        %get3A_379 = tpu.vector_load %arg15[%get3A_377, %get3A_378] {strides = array<i32>} : memref<2000x16xf32, #tpu.memory_space<vmem>>, vector<16xf32>,
        %mul3A_380 = arith.mulf %get3A_379, %gather3A_374 : vector<16xf32>
        %add3A_381 = arith.constant 8 : i32
        %add3A_382 = arith.addi %add3A_233, %add3A_381 : i32
        %swap3A_383 = arith.index_cast %add3A_382 : i32 to index
        %swap3A_384 = arith.constant 0 : index
        %swap3A_385 = tpu.vector_load %arg15[%swap3A_383, %swap3A_384] {strides = array<i32>} : memref<2000x16xf32, #tpu.memory_space<vmem>>, vector<16xf32>,
        tpu.vector_store %arg15[%swap3A_383, %swap3A_384], %mul3A_380 {strides = array<i32>} : memref<2000x16xf32, #tpu.memory_space<vmem>>, vector<16xf32>,
        %broadcast_in_dim3A_386 = arith.constant 9 : i32
        %broadcast_in_dim3A_387 = vector.broadcast %broadcast_in_dim3A_386 : i32 to vector<16x1xi32>
        %gather3A_388 = vector.shape_cast %broadcast_in_dim3A_387 : vector<16x1xi32> to vector<16xi32>
        %gather3A_389 = tpu.dynamic_gather %exp3A[%gather3A_388] in [0] : vector<16xf32>, vector<16xi32> -> vector<16xf32>
        %add3A_390 = arith.constant 9 : i32
        %add3A_391 = arith.addi %add3A_233, %add3A_390 : i32
        %get3A_392 = arith.index_cast %add3A_391 : i32 to index
        %get3A_393 = arith.constant 0 : index
        %get3A_394 = tpu.vector_load %arg15[%get3A_392, %get3A_393] {strides = array<i32>} : memref<2000x16xf32, #tpu.memory_space<vmem>>, vector<16xf32>,
        %mul3A_395 = arith.mulf %get3A_394, %gather3A_389 : vector<16xf32>
        %add3A_396 = arith.constant 9 : i32
        %add3A_397 = arith.addi %add3A_233, %add3A_396 : i32
        %swap3A_398 = arith.index_cast %add3A_397 : i32 to index
        %swap3A_399 = arith.constant 0 : index
        %swap3A_400 = tpu.vector_load %arg15[%swap3A_398, %swap3A_399] {strides = array<i32>} : memref<2000x16xf32, #tpu.memory_space<vmem>>, vector<16xf32>,
        tpu.vector_store %arg15[%swap3A_398, %swap3A_399], %mul3A_395 {strides = array<i32>} : memref<2000x16xf32, #tpu.memory_space<vmem>>, vector<16xf32>,
        %broadcast_in_dim3A_401 = arith.constant 10 : i32
        %broadcast_in_dim3A_402 = vector.broadcast %broadcast_in_dim3A_401 : i32 to vector<16x1xi32>
        %gather3A_403 = vector.shape_cast %broadcast_in_dim3A_402 : vector<16x1xi32> to vector<16xi32>
        %gather3A_404 = tpu.dynamic_gather %exp3A[%gather3A_403] in [0] : vector<16xf32>, vector<16xi32> -> vector<16xf32>
        %add3A_405 = arith.constant 10 : i32
        %add3A_406 = arith.addi %add3A_233, %add3A_405 : i32
        %get3A_407 = arith.index_cast %add3A_406 : i32 to index
        %get3A_408 = arith.constant 0 : index
        %get3A_409 = tpu.vector_load %arg15[%get3A_407, %get3A_408] {strides = array<i32>} : memref<2000x16xf32, #tpu.memory_space<vmem>>, vector<16xf32>,
        %mul3A_410 = arith.mulf %get3A_409, %gather3A_404 : vector<16xf32>
        %add3A_411 = arith.constant 10 : i32
        %add3A_412 = arith.addi %add3A_233, %add3A_411 : i32
        %swap3A_413 = arith.index_cast %add3A_412 : i32 to index
        %swap3A_414 = arith.constant 0 : index
        %swap3A_415 = tpu.vector_load %arg15[%swap3A_413, %swap3A_414] {strides = array<i32>} : memref<2000x16xf32, #tpu.memory_space<vmem>>, vector<16xf32>,
        tpu.vector_store %arg15[%swap3A_413, %swap3A_414], %mul3A_410 {strides = array<i32>} : memref<2000x16xf32, #tpu.memory_space<vmem>>, vector<16xf32>,
        %broadcast_in_dim3A_416 = arith.constant 11 : i32
        %broadcast_in_dim3A_417 = vector.broadcast %broadcast_in_dim3A_416 : i32 to vector<16x1xi32>
        %gather3A_418 = vector.shape_cast %broadcast_in_dim3A_417 : vector<16x1xi32> to vector<16xi32>
        %gather3A_419 = tpu.dynamic_gather %exp3A[%gather3A_418] in [0] : vector<16xf32>, vector<16xi32> -> vector<16xf32>
        %add3A_420 = arith.constant 11 : i32
        %add3A_421 = arith.addi %add3A_233, %add3A_420 : i32
        %get3A_422 = arith.index_cast %add3A_421 : i32 to index
        %get3A_423 = arith.constant 0 : index
        %get3A_424 = tpu.vector_load %arg15[%get3A_422, %get3A_423] {strides = array<i32>} : memref<2000x16xf32, #tpu.memory_space<vmem>>, vector<16xf32>,
        %mul3A_425 = arith.mulf %get3A_424, %gather3A_419 : vector<16xf32>
        %add3A_426 = arith.constant 11 : i32
        %add3A_427 = arith.addi %add3A_233, %add3A_426 : i32
        %swap3A_428 = arith.index_cast %add3A_427 : i32 to index
        %swap3A_429 = arith.constant 0 : index
        %swap3A_430 = tpu.vector_load %arg15[%swap3A_428, %swap3A_429] {strides = array<i32>} : memref<2000x16xf32, #tpu.memory_space<vmem>>, vector<16xf32>,
        tpu.vector_store %arg15[%swap3A_428, %swap3A_429], %mul3A_425 {strides = array<i32>} : memref<2000x16xf32, #tpu.memory_space<vmem>>, vector<16xf32>,
        %broadcast_in_dim3A_431 = arith.constant 12 : i32
        %broadcast_in_dim3A_432 = vector.broadcast %broadcast_in_dim3A_431 : i32 to vector<16x1xi32>
        %gather3A_433 = vector.shape_cast %broadcast_in_dim3A_432 : vector<16x1xi32> to vector<16xi32>
        %gather3A_434 = tpu.dynamic_gather %exp3A[%gather3A_433] in [0] : vector<16xf32>, vector<16xi32> -> vector<16xf32>
        %add3A_435 = arith.constant 12 : i32
        %add3A_436 = arith.addi %add3A_233, %add3A_435 : i32
        %get3A_437 = arith.index_cast %add3A_436 : i32 to index
        %get3A_438 = arith.constant 0 : index
        %get3A_439 = tpu.vector_load %arg15[%get3A_437, %get3A_438] {strides = array<i32>} : memref<2000x16xf32, #tpu.memory_space<vmem>>, vector<16xf32>,
        %mul3A_440 = arith.mulf %get3A_439, %gather3A_434 : vector<16xf32>
        %add3A_441 = arith.constant 12 : i32
        %add3A_442 = arith.addi %add3A_233, %add3A_441 : i32
        %swap3A_443 = arith.index_cast %add3A_442 : i32 to index
        %swap3A_444 = arith.constant 0 : index
        %swap3A_445 = tpu.vector_load %arg15[%swap3A_443, %swap3A_444] {strides = array<i32>} : memref<2000x16xf32, #tpu.memory_space<vmem>>, vector<16xf32>,
        tpu.vector_store %arg15[%swap3A_443, %swap3A_444], %mul3A_440 {strides = array<i32>} : memref<2000x16xf32, #tpu.memory_space<vmem>>, vector<16xf32>,
        %broadcast_in_dim3A_446 = arith.constant 13 : i32
        %broadcast_in_dim3A_447 = vector.broadcast %broadcast_in_dim3A_446 : i32 to vector<16x1xi32>
        %gather3A_448 = vector.shape_cast %broadcast_in_dim3A_447 : vector<16x1xi32> to vector<16xi32>
        %gather3A_449 = tpu.dynamic_gather %exp3A[%gather3A_448] in [0] : vector<16xf32>, vector<16xi32> -> vector<16xf32>
        %add3A_450 = arith.constant 13 : i32
        %add3A_451 = arith.addi %add3A_233, %add3A_450 : i32
        %get3A_452 = arith.index_cast %add3A_451 : i32 to index
        %get3A_453 = arith.constant 0 : index
        %get3A_454 = tpu.vector_load %arg15[%get3A_452, %get3A_453] {strides = array<i32>} : memref<2000x16xf32, #tpu.memory_space<vmem>>, vector<16xf32>,
        %mul3A_455 = arith.mulf %get3A_454, %gather3A_449 : vector<16xf32>
        %add3A_456 = arith.constant 13 : i32
        %add3A_457 = arith.addi %add3A_233, %add3A_456 : i32
        %swap3A_458 = arith.index_cast %add3A_457 : i32 to index
        %swap3A_459 = arith.constant 0 : index
        %swap3A_460 = tpu.vector_load %arg15[%swap3A_458, %swap3A_459] {strides = array<i32>} : memref<2000x16xf32, #tpu.memory_space<vmem>>, vector<16xf32>,
        tpu.vector_store %arg15[%swap3A_458, %swap3A_459], %mul3A_455 {strides = array<i32>} : memref<2000x16xf32, #tpu.memory_space<vmem>>, vector<16xf32>,
        %broadcast_in_dim3A_461 = arith.constant 14 : i32
        %broadcast_in_dim3A_462 = vector.broadcast %broadcast_in_dim3A_461 : i32 to vector<16x1xi32>
        %gather3A_463 = vector.shape_cast %broadcast_in_dim3A_462 : vector<16x1xi32> to vector<16xi32>
        %gather3A_464 = tpu.dynamic_gather %exp3A[%gather3A_463] in [0] : vector<16xf32>, vector<16xi32> -> vector<16xf32>
        %add3A_465 = arith.constant 14 : i32
        %add3A_466 = arith.addi %add3A_233, %add3A_465 : i32
        %get3A_467 = arith.index_cast %add3A_466 : i32 to index
        %get3A_468 = arith.constant 0 : index
        %get3A_469 = tpu.vector_load %arg15[%get3A_467, %get3A_468] {strides = array<i32>} : memref<2000x16xf32, #tpu.memory_space<vmem>>, vector<16xf32>,
        %mul3A_470 = arith.mulf %get3A_469, %gather3A_464 : vector<16xf32>
        %add3A_471 = arith.constant 14 : i32
        %add3A_472 = arith.addi %add3A_233, %add3A_471 : i32
        %swap3A_473 = arith.index_cast %add3A_472 : i32 to index
        %swap3A_474 = arith.constant 0 : index
        %swap3A_475 = tpu.vector_load %arg15[%swap3A_473, %swap3A_474] {strides = array<i32>} : memref<2000x16xf32, #tpu.memory_space<vmem>>, vector<16xf32>,
        tpu.vector_store %arg15[%swap3A_473, %swap3A_474], %mul3A_470 {strides = array<i32>} : memref<2000x16xf32, #tpu.memory_space<vmem>>, vector<16xf32>,
        %broadcast_in_dim3A_476 = arith.constant 15 : i32
        %broadcast_in_dim3A_477 = vector.broadcast %broadcast_in_dim3A_476 : i32 to vector<16x1xi32>
        %gather3A_478 = vector.shape_cast %broadcast_in_dim3A_477 : vector<16x1xi32> to vector<16xi32>
        %gather3A_479 = tpu.dynamic_gather %exp3A[%gather3A_478] in [0] : vector<16xf32>, vector<16xi32> -> vector<16xf32>
        %add3A_480 = arith.constant 15 : i32
        %add3A_481 = arith.addi %add3A_233, %add3A_480 : i32
        %get3A_482 = arith.index_cast %add3A_481 : i32 to index
        %get3A_483 = arith.constant 0 : index
        %get3A_484 = tpu.vector_load %arg15[%get3A_482, %get3A_483] {strides = array<i32>} : memref<2000x16xf32, #tpu.memory_space<vmem>>, vector<16xf32>,
        %mul3A_485 = arith.mulf %get3A_484, %gather3A_479 : vector<16xf32>
        %add3A_486 = arith.constant 15 : i32
        %add3A_487 = arith.addi %add3A_233, %add3A_486 : i32
        %swap3A_488 = arith.index_cast %add3A_487 : i32 to index
        %swap3A_489 = arith.constant 0 : index
        %swap3A_490 = tpu.vector_load %arg15[%swap3A_488, %swap3A_489] {strides = array<i32>} : memref<2000x16xf32, #tpu.memory_space<vmem>>, vector<16xf32>,
        tpu.vector_store %arg15[%swap3A_488, %swap3A_489], %mul3A_485 {strides = array<i32>} : memref<2000x16xf32, #tpu.memory_space<vmem>>, vector<16xf32>,
        %scan3A_491 = arith.constant 0 : i32
        scf.yield %scan3A_491 : i32
      }
      %scan3A_207 = arith.constant 5 : i32
      %mul3A_208 = arith.constant 80 : i32
      %mul3A_209 = arith.muli %scan3A_199, %mul3A_208 : i32
      %add3A_210 = arith.constant 6000 : i32
      %add3A_211 = arith.addi %add3A_210, %mul3A_209 : i32
      %mul3A_212 = arith.constant 80 : i32
      %mul3A_213 = arith.muli %scan3A_199, %mul3A_212 : i32
      %dma_start3A_214 = arith.constant 0 : i32
      %dma_start3A_215 = tpu.memref_slice %arg15[%mul3A_213, %dma_start3A_214] : memref<2000x16xf32, #tpu.memory_space<vmem>> -> memref<80x16xf32, #tpu.memory_space<vmem>>
      %dma_start3A_216 = tpu.memref_slice %arg10[%add3A_211] : memref<10000xi32, #tpu.memory_space<vmem>> -> memref<80xi32, #tpu.memory_space<vmem>>
      %dma_start3A_217 = arith.constant 0 : i32
      %dma_start3A_218 = arith.constant 0 : i32
      %dma_start3A_219 = tpu.memref_slice %arg17[%dma_start3A_217, %dma_start3A_218] : memref<10000x16xf32, #tpu.memory_space<vmem_shared>> -> memref<10000x16xf32, #tpu.memory_space<vmem_shared>>
      tpu.enqueue_indirect_dma source(%dma_start3A_215 : memref<80x16xf32, #tpu.memory_space<vmem>>) target(%dma_start3A_219 : memref<10000x16xf32, #tpu.memory_space<vmem_shared>>) offsets(%dma_start3A_216 : memref<80xi32, #tpu.memory_space<vmem>>) semaphore(%arg23 : memref<!tpu.dma_semaphore, #tpu.memory_space<semaphore_mem>>) {add = true}
      %mul3A_220 = arith.constant 80 : i32
      %mul3A_221 = arith.muli %scan3A_199, %mul3A_220 : i32
      %dma_start3A_222 = tpu.memref_slice %arg13[%mul3A_221] : memref<2000xf32, #tpu.memory_space<vmem>> -> memref<80xf32, #tpu.memory_space<vmem>>
      %dma_start3A_223 = tpu.memref_slice %arg10[%add3A_211] : memref<10000xi32, #tpu.memory_space<vmem>> -> memref<80xi32, #tpu.memory_space<vmem>>
      %dma_start3A_224 = arith.constant 0 : i32
      %dma_start3A_225 = tpu.memref_slice %arg18[%dma_start3A_224] : memref<10000xf32, #tpu.memory_space<vmem_shared>> -> memref<10000xf32, #tpu.memory_space<vmem_shared>>
      tpu.enqueue_indirect_dma source(%dma_start3A_222 : memref<80xf32, #tpu.memory_space<vmem>>) target(%dma_start3A_225 : memref<10000xf32, #tpu.memory_space<vmem_shared>>) offsets(%dma_start3A_223 : memref<80xi32, #tpu.memory_space<vmem>>) semaphore(%arg23 : memref<!tpu.dma_semaphore, #tpu.memory_space<semaphore_mem>>) {add = true}
      %scan3A_226 = arith.constant 0 : i32
      scf.yield %scan3A_226 : i32
    }
    %scan3A_138 = arith.constant 25 : i32
    %dma_wait3A_139 = arith.constant 0 : i32
    %dma_wait3A_140 = arith.constant 0 : i32
    %dma_wait3A_141 = tpu.memref_slice %arg4[%dma_wait3A_139, %dma_wait3A_140] : memref<10000x16xf32, #tpu.memory_space<hbm>> -> memref<2000x16xf32, #tpu.memory_space<hbm>>
    %dma_wait3A_142 = arith.constant 0 : i32
    %dma_wait3A_143 = arith.constant 0 : i32
    %dma_wait3A_144 = tpu.memref_slice %arg4[%dma_wait3A_142, %dma_wait3A_143] : memref<10000x16xf32, #tpu.memory_space<hbm>> -> memref<2000x16xf32, #tpu.memory_space<hbm>>
    tpu.wait_dma2 semaphore(%arg23 : memref<!tpu.dma_semaphore, #tpu.memory_space<semaphore_mem>>) src(%dma_wait3A_144 : memref<2000x16xf32, #tpu.memory_space<hbm>>) dst(%arg15 : memref<2000x16xf32, #tpu.memory_space<vmem>>)
    %dma_wait3A_145 = arith.constant 0 : i32
    %dma_wait3A_146 = tpu.memref_slice %arg3[%dma_wait3A_145] : memref<20000xf32, #tpu.memory_space<hbm>> -> memref<2000xf32, #tpu.memory_space<hbm>>
    %dma_wait3A_147 = arith.constant 0 : i32
    %dma_wait3A_148 = tpu.memref_slice %arg3[%dma_wait3A_147] : memref<20000xf32, #tpu.memory_space<hbm>> -> memref<2000xf32, #tpu.memory_space<hbm>>
    tpu.wait_dma2 semaphore(%arg23 : memref<!tpu.dma_semaphore, #tpu.memory_space<semaphore_mem>>) src(%dma_wait3A_148 : memref<2000xf32, #tpu.memory_space<hbm>>) dst(%arg13 : memref<2000xf32, #tpu.memory_space<vmem>>)
    %dma_wait3A_149 = arith.constant 0 : i32
    %dma_wait3A_150 = arith.constant 0 : i32
    %dma_wait3A_151 = tpu.memref_slice %arg4[%dma_wait3A_149, %dma_wait3A_150] : memref<10000x16xf32, #tpu.memory_space<hbm>> -> memref<2000x16xf32, #tpu.memory_space<hbm>>
    %dma_wait3A_152 = arith.constant 0 : i32
    %dma_wait3A_153 = arith.constant 0 : i32
    %dma_wait3A_154 = tpu.memref_slice %arg4[%dma_wait3A_152, %dma_wait3A_153] : memref<10000x16xf32, #tpu.memory_space<hbm>> -> memref<2000x16xf32, #tpu.memory_space<hbm>>
    tpu.wait_dma2 semaphore(%arg20 : memref<!tpu.dma_semaphore, #tpu.memory_space<semaphore_mem>>) src(%dma_wait3A_154 : memref<2000x16xf32, #tpu.memory_space<hbm>>) dst(%arg14 : memref<2000x16xf32, #tpu.memory_space<vmem>>)
    %scan3A_155 = arith.constant 0 : i32
    %scan3A_156 = arith.constant 0 : i32
    %scan3A_157 = arith.constant 25 : i32
    %scan3A_158 = arith.addi %scan3A_156, %scan3A_157 : i32
    %scan3A_159 = arith.constant 1 : i32
    %scan3A_160 = scf.for %scan3A_199 = %scan3A_156 to %scan3A_158 step %scan3A_159 iter_args(%scan3A_200 = %scan3A_155) -> (i32)  : i32 {
      %scan3A_201 = arith.constant 0 : i32
      %scan3A_202 = arith.constant 0 : i32
      %scan3A_203 = arith.constant 5 : i32
      %scan3A_204 = arith.addi %scan3A_202, %scan3A_203 : i32
      %scan3A_205 = arith.constant 1 : i32
      %scan3A_206 = scf.for %scan3A_227 = %scan3A_202 to %scan3A_204 step %scan3A_205 iter_args(%scan3A_228 = %scan3A_201) -> (i32)  : i32 {
        %mul3A_229 = arith.constant 80 : i32
        %mul3A_230 = arith.muli %scan3A_199, %mul3A_229 : i32
        %mul3A_231 = arith.constant 16 : i32
        %mul3A_232 = arith.muli %scan3A_227, %mul3A_231 : i32
        %add3A_233 = arith.addi %mul3A_230, %mul3A_232 : i32
        %add3A_234 = arith.constant 8000 : i32
        %add3A_235 = arith.addi %add3A_234, %add3A_233 : i32
        %get3A = arith.index_cast %add3A_235 : i32 to index
        %get3A_236 = tpu.vector_load %arg10[%get3A] {strides = array<i32>} : memref<10000xi32, #tpu.memory_space<vmem>>, vector<16xi32>,
        %get3A_237 = arith.index_cast %add3A_235 : i32 to index
        %get3A_238 = tpu.vector_load %arg11[%get3A_237] {strides = array<i32>} : memref<10000xi32, #tpu.memory_space<vmem>>, vector<16xi32>,
        %add3A_239 = arith.addi %get3A_236, %get3A_236 : vector<16xi32>
        %gather3A = tpu.vector_load_idx %arg9[%add3A_239] : memref<20000xf32, #tpu.memory_space<vmem>>[vector<16xi32>], vector<16xf32>,
        %add3A_240 = arith.addi %get3A_238, %get3A_238 : vector<16xi32>
        %add3A_241 = arith.constant 1 : i32
        %add3A_242 = vector.broadcast %add3A_241 : i32 to vector<16xi32>
        %add3A_243 = arith.addi %add3A_240, %add3A_242 : vector<16xi32>
        %gather3A_244 = tpu.vector_load_idx %arg9[%add3A_243] : memref<20000xf32, #tpu.memory_space<vmem>>[vector<16xi32>], vector<16xf32>,
        %mul3A_245 = arith.mulf %gather3A, %gather3A_244 : vector<16xf32>
        %add3A_246 = arith.constant 1.000000e+00 : f32
        %add3A_247 = vector.broadcast %add3A_246 : f32 to vector<16xf32>
        %add3A_248 = arith.addf %add3A_247, %mul3A_245 : vector<16xf32>
        %div3A = arith.constant 1.000000e+00 : f32
        %div3A_249 = vector.broadcast %div3A : f32 to vector<16xf32>
        %div3A_250 = arith.divf %div3A_249, %add3A_248 : vector<16xf32>
        %exp3A = math.exp %div3A_250 : vector<16xf32>
        %swap3A = arith.index_cast %add3A_233 : i32 to index
        %swap3A_251 = tpu.vector_load %arg12[%swap3A] {strides = array<i32>} : memref<2000xf32, #tpu.memory_space<vmem>>, vector<16xf32>,
        tpu.vector_store %arg12[%swap3A], %exp3A {strides = array<i32>} : memref<2000xf32, #tpu.memory_space<vmem>>, vector<16xf32>,
        %broadcast_in_dim3A = arith.constant 0 : i32
        %broadcast_in_dim3A_252 = vector.broadcast %broadcast_in_dim3A : i32 to vector<16x1xi32>
        %gather3A_253 = vector.shape_cast %broadcast_in_dim3A_252 : vector<16x1xi32> to vector<16xi32>
        %gather3A_254 = tpu.dynamic_gather %exp3A[%gather3A_253] in [0] : vector<16xf32>, vector<16xi32> -> vector<16xf32>
        %add3A_255 = arith.constant 0 : i32
        %add3A_256 = arith.addi %add3A_233, %add3A_255 : i32
        %get3A_257 = arith.index_cast %add3A_256 : i32 to index
        %get3A_258 = arith.constant 0 : index
        %get3A_259 = tpu.vector_load %arg14[%get3A_257, %get3A_258] {strides = array<i32>} : memref<2000x16xf32, #tpu.memory_space<vmem>>, vector<16xf32>,
        %mul3A_260 = arith.mulf %get3A_259, %gather3A_254 : vector<16xf32>
        %add3A_261 = arith.constant 0 : i32
        %add3A_262 = arith.addi %add3A_233, %add3A_261 : i32
        %swap3A_263 = arith.index_cast %add3A_262 : i32 to index
        %swap3A_264 = arith.constant 0 : index
        %swap3A_265 = tpu.vector_load %arg14[%swap3A_263, %swap3A_264] {strides = array<i32>} : memref<2000x16xf32, #tpu.memory_space<vmem>>, vector<16xf32>,
        tpu.vector_store %arg14[%swap3A_263, %swap3A_264], %mul3A_260 {strides = array<i32>} : memref<2000x16xf32, #tpu.memory_space<vmem>>, vector<16xf32>,
        %broadcast_in_dim3A_266 = arith.constant 1 : i32
        %broadcast_in_dim3A_267 = vector.broadcast %broadcast_in_dim3A_266 : i32 to vector<16x1xi32>
        %gather3A_268 = vector.shape_cast %broadcast_in_dim3A_267 : vector<16x1xi32> to vector<16xi32>
        %gather3A_269 = tpu.dynamic_gather %exp3A[%gather3A_268] in [0] : vector<16xf32>, vector<16xi32> -> vector<16xf32>
        %add3A_270 = arith.constant 1 : i32
        %add3A_271 = arith.addi %add3A_233, %add3A_270 : i32
        %get3A_272 = arith.index_cast %add3A_271 : i32 to index
        %get3A_273 = arith.constant 0 : index
        %get3A_274 = tpu.vector_load %arg14[%get3A_272, %get3A_273] {strides = array<i32>} : memref<2000x16xf32, #tpu.memory_space<vmem>>, vector<16xf32>,
        %mul3A_275 = arith.mulf %get3A_274, %gather3A_269 : vector<16xf32>
        %add3A_276 = arith.constant 1 : i32
        %add3A_277 = arith.addi %add3A_233, %add3A_276 : i32
        %swap3A_278 = arith.index_cast %add3A_277 : i32 to index
        %swap3A_279 = arith.constant 0 : index
        %swap3A_280 = tpu.vector_load %arg14[%swap3A_278, %swap3A_279] {strides = array<i32>} : memref<2000x16xf32, #tpu.memory_space<vmem>>, vector<16xf32>,
        tpu.vector_store %arg14[%swap3A_278, %swap3A_279], %mul3A_275 {strides = array<i32>} : memref<2000x16xf32, #tpu.memory_space<vmem>>, vector<16xf32>,
        %broadcast_in_dim3A_281 = arith.constant 2 : i32
        %broadcast_in_dim3A_282 = vector.broadcast %broadcast_in_dim3A_281 : i32 to vector<16x1xi32>
        %gather3A_283 = vector.shape_cast %broadcast_in_dim3A_282 : vector<16x1xi32> to vector<16xi32>
        %gather3A_284 = tpu.dynamic_gather %exp3A[%gather3A_283] in [0] : vector<16xf32>, vector<16xi32> -> vector<16xf32>
        %add3A_285 = arith.constant 2 : i32
        %add3A_286 = arith.addi %add3A_233, %add3A_285 : i32
        %get3A_287 = arith.index_cast %add3A_286 : i32 to index
        %get3A_288 = arith.constant 0 : index
        %get3A_289 = tpu.vector_load %arg14[%get3A_287, %get3A_288] {strides = array<i32>} : memref<2000x16xf32, #tpu.memory_space<vmem>>, vector<16xf32>,
        %mul3A_290 = arith.mulf %get3A_289, %gather3A_284 : vector<16xf32>
        %add3A_291 = arith.constant 2 : i32
        %add3A_292 = arith.addi %add3A_233, %add3A_291 : i32
        %swap3A_293 = arith.index_cast %add3A_292 : i32 to index
        %swap3A_294 = arith.constant 0 : index
        %swap3A_295 = tpu.vector_load %arg14[%swap3A_293, %swap3A_294] {strides = array<i32>} : memref<2000x16xf32, #tpu.memory_space<vmem>>, vector<16xf32>,
        tpu.vector_store %arg14[%swap3A_293, %swap3A_294], %mul3A_290 {strides = array<i32>} : memref<2000x16xf32, #tpu.memory_space<vmem>>, vector<16xf32>,
        %broadcast_in_dim3A_296 = arith.constant 3 : i32
        %broadcast_in_dim3A_297 = vector.broadcast %broadcast_in_dim3A_296 : i32 to vector<16x1xi32>
        %gather3A_298 = vector.shape_cast %broadcast_in_dim3A_297 : vector<16x1xi32> to vector<16xi32>
        %gather3A_299 = tpu.dynamic_gather %exp3A[%gather3A_298] in [0] : vector<16xf32>, vector<16xi32> -> vector<16xf32>
        %add3A_300 = arith.constant 3 : i32
        %add3A_301 = arith.addi %add3A_233, %add3A_300 : i32
        %get3A_302 = arith.index_cast %add3A_301 : i32 to index
        %get3A_303 = arith.constant 0 : index
        %get3A_304 = tpu.vector_load %arg14[%get3A_302, %get3A_303] {strides = array<i32>} : memref<2000x16xf32, #tpu.memory_space<vmem>>, vector<16xf32>,
        %mul3A_305 = arith.mulf %get3A_304, %gather3A_299 : vector<16xf32>
        %add3A_306 = arith.constant 3 : i32
        %add3A_307 = arith.addi %add3A_233, %add3A_306 : i32
        %swap3A_308 = arith.index_cast %add3A_307 : i32 to index
        %swap3A_309 = arith.constant 0 : index
        %swap3A_310 = tpu.vector_load %arg14[%swap3A_308, %swap3A_309] {strides = array<i32>} : memref<2000x16xf32, #tpu.memory_space<vmem>>, vector<16xf32>,
        tpu.vector_store %arg14[%swap3A_308, %swap3A_309], %mul3A_305 {strides = array<i32>} : memref<2000x16xf32, #tpu.memory_space<vmem>>, vector<16xf32>,
        %broadcast_in_dim3A_311 = arith.constant 4 : i32
        %broadcast_in_dim3A_312 = vector.broadcast %broadcast_in_dim3A_311 : i32 to vector<16x1xi32>
        %gather3A_313 = vector.shape_cast %broadcast_in_dim3A_312 : vector<16x1xi32> to vector<16xi32>
        %gather3A_314 = tpu.dynamic_gather %exp3A[%gather3A_313] in [0] : vector<16xf32>, vector<16xi32> -> vector<16xf32>
        %add3A_315 = arith.constant 4 : i32
        %add3A_316 = arith.addi %add3A_233, %add3A_315 : i32
        %get3A_317 = arith.index_cast %add3A_316 : i32 to index
        %get3A_318 = arith.constant 0 : index
        %get3A_319 = tpu.vector_load %arg14[%get3A_317, %get3A_318] {strides = array<i32>} : memref<2000x16xf32, #tpu.memory_space<vmem>>, vector<16xf32>,
        %mul3A_320 = arith.mulf %get3A_319, %gather3A_314 : vector<16xf32>
        %add3A_321 = arith.constant 4 : i32
        %add3A_322 = arith.addi %add3A_233, %add3A_321 : i32
        %swap3A_323 = arith.index_cast %add3A_322 : i32 to index
        %swap3A_324 = arith.constant 0 : index
        %swap3A_325 = tpu.vector_load %arg14[%swap3A_323, %swap3A_324] {strides = array<i32>} : memref<2000x16xf32, #tpu.memory_space<vmem>>, vector<16xf32>,
        tpu.vector_store %arg14[%swap3A_323, %swap3A_324], %mul3A_320 {strides = array<i32>} : memref<2000x16xf32, #tpu.memory_space<vmem>>, vector<16xf32>,
        %broadcast_in_dim3A_326 = arith.constant 5 : i32
        %broadcast_in_dim3A_327 = vector.broadcast %broadcast_in_dim3A_326 : i32 to vector<16x1xi32>
        %gather3A_328 = vector.shape_cast %broadcast_in_dim3A_327 : vector<16x1xi32> to vector<16xi32>
        %gather3A_329 = tpu.dynamic_gather %exp3A[%gather3A_328] in [0] : vector<16xf32>, vector<16xi32> -> vector<16xf32>
        %add3A_330 = arith.constant 5 : i32
        %add3A_331 = arith.addi %add3A_233, %add3A_330 : i32
        %get3A_332 = arith.index_cast %add3A_331 : i32 to index
        %get3A_333 = arith.constant 0 : index
        %get3A_334 = tpu.vector_load %arg14[%get3A_332, %get3A_333] {strides = array<i32>} : memref<2000x16xf32, #tpu.memory_space<vmem>>, vector<16xf32>,
        %mul3A_335 = arith.mulf %get3A_334, %gather3A_329 : vector<16xf32>
        %add3A_336 = arith.constant 5 : i32
        %add3A_337 = arith.addi %add3A_233, %add3A_336 : i32
        %swap3A_338 = arith.index_cast %add3A_337 : i32 to index
        %swap3A_339 = arith.constant 0 : index
        %swap3A_340 = tpu.vector_load %arg14[%swap3A_338, %swap3A_339] {strides = array<i32>} : memref<2000x16xf32, #tpu.memory_space<vmem>>, vector<16xf32>,
        tpu.vector_store %arg14[%swap3A_338, %swap3A_339], %mul3A_335 {strides = array<i32>} : memref<2000x16xf32, #tpu.memory_space<vmem>>, vector<16xf32>,
        %broadcast_in_dim3A_341 = arith.constant 6 : i32
        %broadcast_in_dim3A_342 = vector.broadcast %broadcast_in_dim3A_341 : i32 to vector<16x1xi32>
        %gather3A_343 = vector.shape_cast %broadcast_in_dim3A_342 : vector<16x1xi32> to vector<16xi32>
        %gather3A_344 = tpu.dynamic_gather %exp3A[%gather3A_343] in [0] : vector<16xf32>, vector<16xi32> -> vector<16xf32>
        %add3A_345 = arith.constant 6 : i32
        %add3A_346 = arith.addi %add3A_233, %add3A_345 : i32
        %get3A_347 = arith.index_cast %add3A_346 : i32 to index
        %get3A_348 = arith.constant 0 : index
        %get3A_349 = tpu.vector_load %arg14[%get3A_347, %get3A_348] {strides = array<i32>} : memref<2000x16xf32, #tpu.memory_space<vmem>>, vector<16xf32>,
        %mul3A_350 = arith.mulf %get3A_349, %gather3A_344 : vector<16xf32>
        %add3A_351 = arith.constant 6 : i32
        %add3A_352 = arith.addi %add3A_233, %add3A_351 : i32
        %swap3A_353 = arith.index_cast %add3A_352 : i32 to index
        %swap3A_354 = arith.constant 0 : index
        %swap3A_355 = tpu.vector_load %arg14[%swap3A_353, %swap3A_354] {strides = array<i32>} : memref<2000x16xf32, #tpu.memory_space<vmem>>, vector<16xf32>,
        tpu.vector_store %arg14[%swap3A_353, %swap3A_354], %mul3A_350 {strides = array<i32>} : memref<2000x16xf32, #tpu.memory_space<vmem>>, vector<16xf32>,
        %broadcast_in_dim3A_356 = arith.constant 7 : i32
        %broadcast_in_dim3A_357 = vector.broadcast %broadcast_in_dim3A_356 : i32 to vector<16x1xi32>
        %gather3A_358 = vector.shape_cast %broadcast_in_dim3A_357 : vector<16x1xi32> to vector<16xi32>
        %gather3A_359 = tpu.dynamic_gather %exp3A[%gather3A_358] in [0] : vector<16xf32>, vector<16xi32> -> vector<16xf32>
        %add3A_360 = arith.constant 7 : i32
        %add3A_361 = arith.addi %add3A_233, %add3A_360 : i32
        %get3A_362 = arith.index_cast %add3A_361 : i32 to index
        %get3A_363 = arith.constant 0 : index
        %get3A_364 = tpu.vector_load %arg14[%get3A_362, %get3A_363] {strides = array<i32>} : memref<2000x16xf32, #tpu.memory_space<vmem>>, vector<16xf32>,
        %mul3A_365 = arith.mulf %get3A_364, %gather3A_359 : vector<16xf32>
        %add3A_366 = arith.constant 7 : i32
        %add3A_367 = arith.addi %add3A_233, %add3A_366 : i32
        %swap3A_368 = arith.index_cast %add3A_367 : i32 to index
        %swap3A_369 = arith.constant 0 : index
        %swap3A_370 = tpu.vector_load %arg14[%swap3A_368, %swap3A_369] {strides = array<i32>} : memref<2000x16xf32, #tpu.memory_space<vmem>>, vector<16xf32>,
        tpu.vector_store %arg14[%swap3A_368, %swap3A_369], %mul3A_365 {strides = array<i32>} : memref<2000x16xf32, #tpu.memory_space<vmem>>, vector<16xf32>,
        %broadcast_in_dim3A_371 = arith.constant 8 : i32
        %broadcast_in_dim3A_372 = vector.broadcast %broadcast_in_dim3A_371 : i32 to vector<16x1xi32>
        %gather3A_373 = vector.shape_cast %broadcast_in_dim3A_372 : vector<16x1xi32> to vector<16xi32>
        %gather3A_374 = tpu.dynamic_gather %exp3A[%gather3A_373] in [0] : vector<16xf32>, vector<16xi32> -> vector<16xf32>
        %add3A_375 = arith.constant 8 : i32
        %add3A_376 = arith.addi %add3A_233, %add3A_375 : i32
        %get3A_377 = arith.index_cast %add3A_376 : i32 to index
        %get3A_378 = arith.constant 0 : index
        %get3A_379 = tpu.vector_load %arg14[%get3A_377, %get3A_378] {strides = array<i32>} : memref<2000x16xf32, #tpu.memory_space<vmem>>, vector<16xf32>,
        %mul3A_380 = arith.mulf %get3A_379, %gather3A_374 : vector<16xf32>
        %add3A_381 = arith.constant 8 : i32
        %add3A_382 = arith.addi %add3A_233, %add3A_381 : i32
        %swap3A_383 = arith.index_cast %add3A_382 : i32 to index
        %swap3A_384 = arith.constant 0 : index
        %swap3A_385 = tpu.vector_load %arg14[%swap3A_383, %swap3A_384] {strides = array<i32>} : memref<2000x16xf32, #tpu.memory_space<vmem>>, vector<16xf32>,
        tpu.vector_store %arg14[%swap3A_383, %swap3A_384], %mul3A_380 {strides = array<i32>} : memref<2000x16xf32, #tpu.memory_space<vmem>>, vector<16xf32>,
        %broadcast_in_dim3A_386 = arith.constant 9 : i32
        %broadcast_in_dim3A_387 = vector.broadcast %broadcast_in_dim3A_386 : i32 to vector<16x1xi32>
        %gather3A_388 = vector.shape_cast %broadcast_in_dim3A_387 : vector<16x1xi32> to vector<16xi32>
        %gather3A_389 = tpu.dynamic_gather %exp3A[%gather3A_388] in [0] : vector<16xf32>, vector<16xi32> -> vector<16xf32>
        %add3A_390 = arith.constant 9 : i32
        %add3A_391 = arith.addi %add3A_233, %add3A_390 : i32
        %get3A_392 = arith.index_cast %add3A_391 : i32 to index
        %get3A_393 = arith.constant 0 : index
        %get3A_394 = tpu.vector_load %arg14[%get3A_392, %get3A_393] {strides = array<i32>} : memref<2000x16xf32, #tpu.memory_space<vmem>>, vector<16xf32>,
        %mul3A_395 = arith.mulf %get3A_394, %gather3A_389 : vector<16xf32>
        %add3A_396 = arith.constant 9 : i32
        %add3A_397 = arith.addi %add3A_233, %add3A_396 : i32
        %swap3A_398 = arith.index_cast %add3A_397 : i32 to index
        %swap3A_399 = arith.constant 0 : index
        %swap3A_400 = tpu.vector_load %arg14[%swap3A_398, %swap3A_399] {strides = array<i32>} : memref<2000x16xf32, #tpu.memory_space<vmem>>, vector<16xf32>,
        tpu.vector_store %arg14[%swap3A_398, %swap3A_399], %mul3A_395 {strides = array<i32>} : memref<2000x16xf32, #tpu.memory_space<vmem>>, vector<16xf32>,
        %broadcast_in_dim3A_401 = arith.constant 10 : i32
        %broadcast_in_dim3A_402 = vector.broadcast %broadcast_in_dim3A_401 : i32 to vector<16x1xi32>
        %gather3A_403 = vector.shape_cast %broadcast_in_dim3A_402 : vector<16x1xi32> to vector<16xi32>
        %gather3A_404 = tpu.dynamic_gather %exp3A[%gather3A_403] in [0] : vector<16xf32>, vector<16xi32> -> vector<16xf32>
        %add3A_405 = arith.constant 10 : i32
        %add3A_406 = arith.addi %add3A_233, %add3A_405 : i32
        %get3A_407 = arith.index_cast %add3A_406 : i32 to index
        %get3A_408 = arith.constant 0 : index
        %get3A_409 = tpu.vector_load %arg14[%get3A_407, %get3A_408] {strides = array<i32>} : memref<2000x16xf32, #tpu.memory_space<vmem>>, vector<16xf32>,
        %mul3A_410 = arith.mulf %get3A_409, %gather3A_404 : vector<16xf32>
        %add3A_411 = arith.constant 10 : i32
        %add3A_412 = arith.addi %add3A_233, %add3A_411 : i32
        %swap3A_413 = arith.index_cast %add3A_412 : i32 to index
        %swap3A_414 = arith.constant 0 : index
        %swap3A_415 = tpu.vector_load %arg14[%swap3A_413, %swap3A_414] {strides = array<i32>} : memref<2000x16xf32, #tpu.memory_space<vmem>>, vector<16xf32>,
        tpu.vector_store %arg14[%swap3A_413, %swap3A_414], %mul3A_410 {strides = array<i32>} : memref<2000x16xf32, #tpu.memory_space<vmem>>, vector<16xf32>,
        %broadcast_in_dim3A_416 = arith.constant 11 : i32
        %broadcast_in_dim3A_417 = vector.broadcast %broadcast_in_dim3A_416 : i32 to vector<16x1xi32>
        %gather3A_418 = vector.shape_cast %broadcast_in_dim3A_417 : vector<16x1xi32> to vector<16xi32>
        %gather3A_419 = tpu.dynamic_gather %exp3A[%gather3A_418] in [0] : vector<16xf32>, vector<16xi32> -> vector<16xf32>
        %add3A_420 = arith.constant 11 : i32
        %add3A_421 = arith.addi %add3A_233, %add3A_420 : i32
        %get3A_422 = arith.index_cast %add3A_421 : i32 to index
        %get3A_423 = arith.constant 0 : index
        %get3A_424 = tpu.vector_load %arg14[%get3A_422, %get3A_423] {strides = array<i32>} : memref<2000x16xf32, #tpu.memory_space<vmem>>, vector<16xf32>,
        %mul3A_425 = arith.mulf %get3A_424, %gather3A_419 : vector<16xf32>
        %add3A_426 = arith.constant 11 : i32
        %add3A_427 = arith.addi %add3A_233, %add3A_426 : i32
        %swap3A_428 = arith.index_cast %add3A_427 : i32 to index
        %swap3A_429 = arith.constant 0 : index
        %swap3A_430 = tpu.vector_load %arg14[%swap3A_428, %swap3A_429] {strides = array<i32>} : memref<2000x16xf32, #tpu.memory_space<vmem>>, vector<16xf32>,
        tpu.vector_store %arg14[%swap3A_428, %swap3A_429], %mul3A_425 {strides = array<i32>} : memref<2000x16xf32, #tpu.memory_space<vmem>>, vector<16xf32>,
        %broadcast_in_dim3A_431 = arith.constant 12 : i32
        %broadcast_in_dim3A_432 = vector.broadcast %broadcast_in_dim3A_431 : i32 to vector<16x1xi32>
        %gather3A_433 = vector.shape_cast %broadcast_in_dim3A_432 : vector<16x1xi32> to vector<16xi32>
        %gather3A_434 = tpu.dynamic_gather %exp3A[%gather3A_433] in [0] : vector<16xf32>, vector<16xi32> -> vector<16xf32>
        %add3A_435 = arith.constant 12 : i32
        %add3A_436 = arith.addi %add3A_233, %add3A_435 : i32
        %get3A_437 = arith.index_cast %add3A_436 : i32 to index
        %get3A_438 = arith.constant 0 : index
        %get3A_439 = tpu.vector_load %arg14[%get3A_437, %get3A_438] {strides = array<i32>} : memref<2000x16xf32, #tpu.memory_space<vmem>>, vector<16xf32>,
        %mul3A_440 = arith.mulf %get3A_439, %gather3A_434 : vector<16xf32>
        %add3A_441 = arith.constant 12 : i32
        %add3A_442 = arith.addi %add3A_233, %add3A_441 : i32
        %swap3A_443 = arith.index_cast %add3A_442 : i32 to index
        %swap3A_444 = arith.constant 0 : index
        %swap3A_445 = tpu.vector_load %arg14[%swap3A_443, %swap3A_444] {strides = array<i32>} : memref<2000x16xf32, #tpu.memory_space<vmem>>, vector<16xf32>,
        tpu.vector_store %arg14[%swap3A_443, %swap3A_444], %mul3A_440 {strides = array<i32>} : memref<2000x16xf32, #tpu.memory_space<vmem>>, vector<16xf32>,
        %broadcast_in_dim3A_446 = arith.constant 13 : i32
        %broadcast_in_dim3A_447 = vector.broadcast %broadcast_in_dim3A_446 : i32 to vector<16x1xi32>
        %gather3A_448 = vector.shape_cast %broadcast_in_dim3A_447 : vector<16x1xi32> to vector<16xi32>
        %gather3A_449 = tpu.dynamic_gather %exp3A[%gather3A_448] in [0] : vector<16xf32>, vector<16xi32> -> vector<16xf32>
        %add3A_450 = arith.constant 13 : i32
        %add3A_451 = arith.addi %add3A_233, %add3A_450 : i32
        %get3A_452 = arith.index_cast %add3A_451 : i32 to index
        %get3A_453 = arith.constant 0 : index
        %get3A_454 = tpu.vector_load %arg14[%get3A_452, %get3A_453] {strides = array<i32>} : memref<2000x16xf32, #tpu.memory_space<vmem>>, vector<16xf32>,
        %mul3A_455 = arith.mulf %get3A_454, %gather3A_449 : vector<16xf32>
        %add3A_456 = arith.constant 13 : i32
        %add3A_457 = arith.addi %add3A_233, %add3A_456 : i32
        %swap3A_458 = arith.index_cast %add3A_457 : i32 to index
        %swap3A_459 = arith.constant 0 : index
        %swap3A_460 = tpu.vector_load %arg14[%swap3A_458, %swap3A_459] {strides = array<i32>} : memref<2000x16xf32, #tpu.memory_space<vmem>>, vector<16xf32>,
        tpu.vector_store %arg14[%swap3A_458, %swap3A_459], %mul3A_455 {strides = array<i32>} : memref<2000x16xf32, #tpu.memory_space<vmem>>, vector<16xf32>,
        %broadcast_in_dim3A_461 = arith.constant 14 : i32
        %broadcast_in_dim3A_462 = vector.broadcast %broadcast_in_dim3A_461 : i32 to vector<16x1xi32>
        %gather3A_463 = vector.shape_cast %broadcast_in_dim3A_462 : vector<16x1xi32> to vector<16xi32>
        %gather3A_464 = tpu.dynamic_gather %exp3A[%gather3A_463] in [0] : vector<16xf32>, vector<16xi32> -> vector<16xf32>
        %add3A_465 = arith.constant 14 : i32
        %add3A_466 = arith.addi %add3A_233, %add3A_465 : i32
        %get3A_467 = arith.index_cast %add3A_466 : i32 to index
        %get3A_468 = arith.constant 0 : index
        %get3A_469 = tpu.vector_load %arg14[%get3A_467, %get3A_468] {strides = array<i32>} : memref<2000x16xf32, #tpu.memory_space<vmem>>, vector<16xf32>,
        %mul3A_470 = arith.mulf %get3A_469, %gather3A_464 : vector<16xf32>
        %add3A_471 = arith.constant 14 : i32
        %add3A_472 = arith.addi %add3A_233, %add3A_471 : i32
        %swap3A_473 = arith.index_cast %add3A_472 : i32 to index
        %swap3A_474 = arith.constant 0 : index
        %swap3A_475 = tpu.vector_load %arg14[%swap3A_473, %swap3A_474] {strides = array<i32>} : memref<2000x16xf32, #tpu.memory_space<vmem>>, vector<16xf32>,
        tpu.vector_store %arg14[%swap3A_473, %swap3A_474], %mul3A_470 {strides = array<i32>} : memref<2000x16xf32, #tpu.memory_space<vmem>>, vector<16xf32>,
        %broadcast_in_dim3A_476 = arith.constant 15 : i32
        %broadcast_in_dim3A_477 = vector.broadcast %broadcast_in_dim3A_476 : i32 to vector<16x1xi32>
        %gather3A_478 = vector.shape_cast %broadcast_in_dim3A_477 : vector<16x1xi32> to vector<16xi32>
        %gather3A_479 = tpu.dynamic_gather %exp3A[%gather3A_478] in [0] : vector<16xf32>, vector<16xi32> -> vector<16xf32>
        %add3A_480 = arith.constant 15 : i32
        %add3A_481 = arith.addi %add3A_233, %add3A_480 : i32
        %get3A_482 = arith.index_cast %add3A_481 : i32 to index
        %get3A_483 = arith.constant 0 : index
        %get3A_484 = tpu.vector_load %arg14[%get3A_482, %get3A_483] {strides = array<i32>} : memref<2000x16xf32, #tpu.memory_space<vmem>>, vector<16xf32>,
        %mul3A_485 = arith.mulf %get3A_484, %gather3A_479 : vector<16xf32>
        %add3A_486 = arith.constant 15 : i32
        %add3A_487 = arith.addi %add3A_233, %add3A_486 : i32
        %swap3A_488 = arith.index_cast %add3A_487 : i32 to index
        %swap3A_489 = arith.constant 0 : index
        %swap3A_490 = tpu.vector_load %arg14[%swap3A_488, %swap3A_489] {strides = array<i32>} : memref<2000x16xf32, #tpu.memory_space<vmem>>, vector<16xf32>,
        tpu.vector_store %arg14[%swap3A_488, %swap3A_489], %mul3A_485 {strides = array<i32>} : memref<2000x16xf32, #tpu.memory_space<vmem>>, vector<16xf32>,
        %scan3A_491 = arith.constant 0 : i32
        scf.yield %scan3A_491 : i32
      }
      %scan3A_207 = arith.constant 5 : i32
      %mul3A_208 = arith.constant 80 : i32
      %mul3A_209 = arith.muli %scan3A_199, %mul3A_208 : i32
      %add3A_210 = arith.constant 8000 : i32
      %add3A_211 = arith.addi %add3A_210, %mul3A_209 : i32
      %mul3A_212 = arith.constant 80 : i32
      %mul3A_213 = arith.muli %scan3A_199, %mul3A_212 : i32
      %dma_start3A_214 = arith.constant 0 : i32
      %dma_start3A_215 = tpu.memref_slice %arg14[%mul3A_213, %dma_start3A_214] : memref<2000x16xf32, #tpu.memory_space<vmem>> -> memref<80x16xf32, #tpu.memory_space<vmem>>
      %dma_start3A_216 = tpu.memref_slice %arg10[%add3A_211] : memref<10000xi32, #tpu.memory_space<vmem>> -> memref<80xi32, #tpu.memory_space<vmem>>
      %dma_start3A_217 = arith.constant 0 : i32
      %dma_start3A_218 = arith.constant 0 : i32
      %dma_start3A_219 = tpu.memref_slice %arg17[%dma_start3A_217, %dma_start3A_218] : memref<10000x16xf32, #tpu.memory_space<vmem_shared>> -> memref<10000x16xf32, #tpu.memory_space<vmem_shared>>
      tpu.enqueue_indirect_dma source(%dma_start3A_215 : memref<80x16xf32, #tpu.memory_space<vmem>>) target(%dma_start3A_219 : memref<10000x16xf32, #tpu.memory_space<vmem_shared>>) offsets(%dma_start3A_216 : memref<80xi32, #tpu.memory_space<vmem>>) semaphore(%arg22 : memref<!tpu.dma_semaphore, #tpu.memory_space<semaphore_mem>>) {add = true}
      %mul3A_220 = arith.constant 80 : i32
      %mul3A_221 = arith.muli %scan3A_199, %mul3A_220 : i32
      %dma_start3A_222 = tpu.memref_slice %arg12[%mul3A_221] : memref<2000xf32, #tpu.memory_space<vmem>> -> memref<80xf32, #tpu.memory_space<vmem>>
      %dma_start3A_223 = tpu.memref_slice %arg10[%add3A_211] : memref<10000xi32, #tpu.memory_space<vmem>> -> memref<80xi32, #tpu.memory_space<vmem>>
      %dma_start3A_224 = arith.constant 0 : i32
      %dma_start3A_225 = tpu.memref_slice %arg18[%dma_start3A_224] : memref<10000xf32, #tpu.memory_space<vmem_shared>> -> memref<10000xf32, #tpu.memory_space<vmem_shared>>
      tpu.enqueue_indirect_dma source(%dma_start3A_222 : memref<80xf32, #tpu.memory_space<vmem>>) target(%dma_start3A_225 : memref<10000xf32, #tpu.memory_space<vmem_shared>>) offsets(%dma_start3A_223 : memref<80xi32, #tpu.memory_space<vmem>>) semaphore(%arg22 : memref<!tpu.dma_semaphore, #tpu.memory_space<semaphore_mem>>) {add = true}
      %scan3A_226 = arith.constant 0 : i32
      scf.yield %scan3A_226 : i32
    }
    %scan3A_161 = arith.constant 25 : i32
    %dma_wait3A_162 = arith.constant 0 : i32
    %dma_wait3A_163 = arith.constant 0 : i32
    %dma_wait3A_164 = tpu.memref_slice %arg4[%dma_wait3A_162, %dma_wait3A_163] : memref<10000x16xf32, #tpu.memory_space<hbm>> -> memref<2000x16xf32, #tpu.memory_space<hbm>>
    %dma_wait3A_165 = arith.constant 0 : i32
    %dma_wait3A_166 = arith.constant 0 : i32
    %dma_wait3A_167 = tpu.memref_slice %arg4[%dma_wait3A_165, %dma_wait3A_166] : memref<10000x16xf32, #tpu.memory_space<hbm>> -> memref<2000x16xf32, #tpu.memory_space<hbm>>
    tpu.wait_dma2 semaphore(%arg22 : memref<!tpu.dma_semaphore, #tpu.memory_space<semaphore_mem>>) src(%dma_wait3A_167 : memref<2000x16xf32, #tpu.memory_space<hbm>>) dst(%arg14 : memref<2000x16xf32, #tpu.memory_space<vmem>>)
    %dma_wait3A_168 = arith.constant 0 : i32
    %dma_wait3A_169 = tpu.memref_slice %arg3[%dma_wait3A_168] : memref<20000xf32, #tpu.memory_space<hbm>> -> memref<2000xf32, #tpu.memory_space<hbm>>
    %dma_wait3A_170 = arith.constant 0 : i32
    %dma_wait3A_171 = tpu.memref_slice %arg3[%dma_wait3A_170] : memref<20000xf32, #tpu.memory_space<hbm>> -> memref<2000xf32, #tpu.memory_space<hbm>>
    tpu.wait_dma2 semaphore(%arg22 : memref<!tpu.dma_semaphore, #tpu.memory_space<semaphore_mem>>) src(%dma_wait3A_171 : memref<2000xf32, #tpu.memory_space<hbm>>) dst(%arg12 : memref<2000xf32, #tpu.memory_space<vmem>>)
    %barrier3A_172 = arith.constant 0 : index
    tpu.barrier barrier_id(%barrier3A_172)
    %eq3A_173 = arith.constant 0 : i32
    %eq3A_174 = arith.cmpi eq, %arg1, %eq3A_173 : i32
    %convert_element_type3A_175 = arith.extui %eq3A_174 : i1 to i32
    %cond3A_176 = arith.constant 0 : i32
    %cond3A_177 = arith.cmpi ne, %convert_element_type3A_175, %cond3A_176 : i32
    scf.if %cond3A_177 {
      "tpu.region"() ({
        %run_scoped3A = tpu.sem_alloc : memref<!tpu.dma_semaphore, #tpu.memory_space<semaphore_mem>>
        %dma_start3A_199 = arith.constant 0 : i32
        %dma_start3A_200 = arith.constant 0 : i32
        %dma_start3A_201 = tpu.memref_slice %arg7[%arg0, %dma_start3A_199, %dma_start3A_200] : memref<2x10000x16xf32, #tpu.memory_space<hbm>> -> memref<1x10000x16xf32, #tpu.memory_space<hbm>>
        %dma_start3A_202 = tpu.memref_squeeze %dma_start3A_201 : memref<1x10000x16xf32, #tpu.memory_space<hbm>> -> memref<10000x16xf32, #tpu.memory_space<hbm>>
        tpu.enqueue_dma source(%arg17 : memref<10000x16xf32, #tpu.memory_space<vmem_shared>>) target(%dma_start3A_202 : memref<10000x16xf32, #tpu.memory_space<hbm>>) target_semaphore(%run_scoped3A : memref<!tpu.dma_semaphore, #tpu.memory_space<semaphore_mem>>)
        %dma_wait3A_203 = arith.constant 0 : i32
        %dma_wait3A_204 = arith.constant 0 : i32
        %dma_wait3A_205 = tpu.memref_slice %arg7[%arg0, %dma_wait3A_203, %dma_wait3A_204] : memref<2x10000x16xf32, #tpu.memory_space<hbm>> -> memref<1x10000x16xf32, #tpu.memory_space<hbm>>
        %dma_wait3A_206 = tpu.memref_squeeze %dma_wait3A_205 : memref<1x10000x16xf32, #tpu.memory_space<hbm>> -> memref<10000x16xf32, #tpu.memory_space<hbm>>
        tpu.wait_dma2 semaphore(%run_scoped3A : memref<!tpu.dma_semaphore, #tpu.memory_space<semaphore_mem>>) src(%arg17 : memref<10000x16xf32, #tpu.memory_space<vmem_shared>>) dst(%dma_wait3A_206 : memref<10000x16xf32, #tpu.memory_space<hbm>>)
        tpu.yield
      }) : () -> ()
    } else {
    }
    %mul3A_178 = arith.constant 624 : i32
    %mul3A_179 = arith.muli %arg1, %mul3A_178 : i32
    "tpu.region"() ({
      %run_scoped3A = tpu.sem_alloc : memref<!tpu.dma_semaphore, #tpu.memory_space<semaphore_mem>>
      %dma_start3A_199 = arith.constant 0 : i32
      %dma_start3A_200 = tpu.memref_slice %arg16[%dma_start3A_199] : memref<640xf32, #tpu.memory_space<vmem>> -> memref<624xf32, #tpu.memory_space<vmem>>
      %dma_start3A_201 = tpu.memref_slice %arg18[%mul3A_179] : memref<10000xf32, #tpu.memory_space<vmem_shared>> -> memref<624xf32, #tpu.memory_space<vmem_shared>>
      %dma_start3A_202 = arith.constant 0 : i32
      %dma_start3A_203 = tpu.memref_slice %arg16[%dma_start3A_202] : memref<640xf32, #tpu.memory_space<vmem>> -> memref<624xf32, #tpu.memory_space<vmem>>
      %dma_start3A_204 = tpu.memref_slice %arg18[%mul3A_179] : memref<10000xf32, #tpu.memory_space<vmem_shared>> -> memref<624xf32, #tpu.memory_space<vmem_shared>>
      tpu.enqueue_dma source(%dma_start3A_204 : memref<624xf32, #tpu.memory_space<vmem_shared>>) target(%dma_start3A_203 : memref<624xf32, #tpu.memory_space<vmem>>) target_semaphore(%run_scoped3A : memref<!tpu.dma_semaphore, #tpu.memory_space<semaphore_mem>>)
      %dma_wait3A_205 = arith.constant 0 : i32
      %dma_wait3A_206 = tpu.memref_slice %arg16[%dma_wait3A_205] : memref<640xf32, #tpu.memory_space<vmem>> -> memref<624xf32, #tpu.memory_space<vmem>>
      %dma_wait3A_207 = tpu.memref_slice %arg18[%mul3A_179] : memref<10000xf32, #tpu.memory_space<vmem_shared>> -> memref<624xf32, #tpu.memory_space<vmem_shared>>
      %dma_wait3A_208 = arith.constant 0 : i32
      %dma_wait3A_209 = tpu.memref_slice %arg16[%dma_wait3A_208] : memref<640xf32, #tpu.memory_space<vmem>> -> memref<624xf32, #tpu.memory_space<vmem>>
      %dma_wait3A_210 = tpu.memref_slice %arg18[%mul3A_179] : memref<10000xf32, #tpu.memory_space<vmem_shared>> -> memref<624xf32, #tpu.memory_space<vmem_shared>>
      tpu.wait_dma2 semaphore(%run_scoped3A : memref<!tpu.dma_semaphore, #tpu.memory_space<semaphore_mem>>) src(%dma_wait3A_210 : memref<624xf32, #tpu.memory_space<vmem_shared>>) dst(%dma_wait3A_209 : memref<624xf32, #tpu.memory_space<vmem>>)
      tpu.yield
    }) : () -> ()
    %eq3A_180 = arith.constant 15 : i32
    %eq3A_181 = arith.cmpi eq, %arg1, %eq3A_180 : i32
    %convert_element_type3A_182 = arith.extui %eq3A_181 : i1 to i32
    %cond3A_183 = arith.constant 0 : i32
    %cond3A_184 = arith.cmpi ne, %convert_element_type3A_182, %cond3A_183 : i32
    scf.if %cond3A_184 {
      "tpu.region"() ({
        %run_scoped3A = tpu.sem_alloc : memref<!tpu.dma_semaphore, #tpu.memory_space<semaphore_mem>>
        %dma_start3A_199 = arith.constant 624 : i32
        %dma_start3A_200 = tpu.memref_slice %arg16[%dma_start3A_199] : memref<640xf32, #tpu.memory_space<vmem>> -> memref<16xf32, #tpu.memory_space<vmem>>
        %dma_start3A_201 = arith.constant 9984 : i32
        %dma_start3A_202 = tpu.memref_slice %arg18[%dma_start3A_201] : memref<10000xf32, #tpu.memory_space<vmem_shared>> -> memref<16xf32, #tpu.memory_space<vmem_shared>>
        %dma_start3A_203 = arith.constant 624 : i32
        %dma_start3A_204 = tpu.memref_slice %arg16[%dma_start3A_203] : memref<640xf32, #tpu.memory_space<vmem>> -> memref<16xf32, #tpu.memory_space<vmem>>
        %dma_start3A_205 = arith.constant 9984 : i32
        %dma_start3A_206 = tpu.memref_slice %arg18[%dma_start3A_205] : memref<10000xf32, #tpu.memory_space<vmem_shared>> -> memref<16xf32, #tpu.memory_space<vmem_shared>>
        tpu.enqueue_dma source(%dma_start3A_206 : memref<16xf32, #tpu.memory_space<vmem_shared>>) target(%dma_start3A_204 : memref<16xf32, #tpu.memory_space<vmem>>) target_semaphore(%run_scoped3A : memref<!tpu.dma_semaphore, #tpu.memory_space<semaphore_mem>>)
        %dma_wait3A_207 = arith.constant 624 : i32
        %dma_wait3A_208 = tpu.memref_slice %arg16[%dma_wait3A_207] : memref<640xf32, #tpu.memory_space<vmem>> -> memref<16xf32, #tpu.memory_space<vmem>>
        %dma_wait3A_209 = arith.constant 9984 : i32
        %dma_wait3A_210 = tpu.memref_slice %arg18[%dma_wait3A_209] : memref<10000xf32, #tpu.memory_space<vmem_shared>> -> memref<16xf32, #tpu.memory_space<vmem_shared>>
        %dma_wait3A_211 = arith.constant 624 : i32
        %dma_wait3A_212 = tpu.memref_slice %arg16[%dma_wait3A_211] : memref<640xf32, #tpu.memory_space<vmem>> -> memref<16xf32, #tpu.memory_space<vmem>>
        %dma_wait3A_213 = arith.constant 9984 : i32
        %dma_wait3A_214 = tpu.memref_slice %arg18[%dma_wait3A_213] : memref<10000xf32, #tpu.memory_space<vmem_shared>> -> memref<16xf32, #tpu.memory_space<vmem_shared>>
        tpu.wait_dma2 semaphore(%run_scoped3A : memref<!tpu.dma_semaphore, #tpu.memory_space<semaphore_mem>>) src(%dma_wait3A_214 : memref<16xf32, #tpu.memory_space<vmem_shared>>) dst(%dma_wait3A_212 : memref<16xf32, #tpu.memory_space<vmem>>)
        tpu.yield
      }) : () -> ()
    } else {
    }
    %scan3A_185 = arith.constant 0 : i32
    %scan3A_186 = arith.constant 0 : i32
    %scan3A_187 = arith.constant 39 : i32
    %scan3A_188 = arith.addi %scan3A_186, %scan3A_187 : i32
    %scan3A_189 = arith.constant 1 : i32
    %scan3A_190 = scf.for %scan3A_199 = %scan3A_186 to %scan3A_188 step %scan3A_189 iter_args(%scan3A_200 = %scan3A_185) -> (i32)  : i32 {
      %mul3A_201 = arith.constant 16 : i32
      %mul3A_202 = arith.muli %scan3A_199, %mul3A_201 : i32
      %get3A = arith.index_cast %mul3A_202 : i32 to index
      %get3A_203 = tpu.vector_load %arg16[%get3A] {strides = array<i32>} : memref<640xf32, #tpu.memory_space<vmem>>, vector<16xf32>,
      %broadcast_in_dim3A = arith.constant 0 : i32
      %broadcast_in_dim3A_204 = vector.broadcast %broadcast_in_dim3A : i32 to vector<16x1xi32>
      %gather3A = vector.shape_cast %broadcast_in_dim3A_204 : vector<16x1xi32> to vector<16xi32>
      %gather3A_205 = tpu.dynamic_gather %get3A_203[%gather3A] in [0] : vector<16xf32>, vector<16xi32> -> vector<16xf32>
      %mul3A_206 = arith.constant 16 : i32
      %mul3A_207 = arith.muli %scan3A_199, %mul3A_206 : i32
      %add3A_208 = arith.constant 0 : i32
      %add3A_209 = arith.addi %mul3A_207, %add3A_208 : i32
      %swap3A = arith.index_cast %add3A_209 : i32 to index
      %swap3A_210 = arith.constant 0 : index
      %swap3A_211 = tpu.vector_load %arg14[%swap3A, %swap3A_210] {strides = array<i32>} : memref<2000x16xf32, #tpu.memory_space<vmem>>, vector<16xf32>,
      tpu.vector_store %arg14[%swap3A, %swap3A_210], %gather3A_205 {strides = array<i32>} : memref<2000x16xf32, #tpu.memory_space<vmem>>, vector<16xf32>,
      %broadcast_in_dim3A_212 = arith.constant 1 : i32
      %broadcast_in_dim3A_213 = vector.broadcast %broadcast_in_dim3A_212 : i32 to vector<16x1xi32>
      %gather3A_214 = vector.shape_cast %broadcast_in_dim3A_213 : vector<16x1xi32> to vector<16xi32>
      %gather3A_215 = tpu.dynamic_gather %get3A_203[%gather3A_214] in [0] : vector<16xf32>, vector<16xi32> -> vector<16xf32>
      %mul3A_216 = arith.constant 16 : i32
      %mul3A_217 = arith.muli %scan3A_199, %mul3A_216 : i32
      %add3A_218 = arith.constant 1 : i32
      %add3A_219 = arith.addi %mul3A_217, %add3A_218 : i32
      %swap3A_220 = arith.index_cast %add3A_219 : i32 to index
      %swap3A_221 = arith.constant 0 : index
      %swap3A_222 = tpu.vector_load %arg14[%swap3A_220, %swap3A_221] {strides = array<i32>} : memref<2000x16xf32, #tpu.memory_space<vmem>>, vector<16xf32>,
      tpu.vector_store %arg14[%swap3A_220, %swap3A_221], %gather3A_215 {strides = array<i32>} : memref<2000x16xf32, #tpu.memory_space<vmem>>, vector<16xf32>,
      %broadcast_in_dim3A_223 = arith.constant 2 : i32
      %broadcast_in_dim3A_224 = vector.broadcast %broadcast_in_dim3A_223 : i32 to vector<16x1xi32>
      %gather3A_225 = vector.shape_cast %broadcast_in_dim3A_224 : vector<16x1xi32> to vector<16xi32>
      %gather3A_226 = tpu.dynamic_gather %get3A_203[%gather3A_225] in [0] : vector<16xf32>, vector<16xi32> -> vector<16xf32>
      %mul3A_227 = arith.constant 16 : i32
      %mul3A_228 = arith.muli %scan3A_199, %mul3A_227 : i32
      %add3A_229 = arith.constant 2 : i32
      %add3A_230 = arith.addi %mul3A_228, %add3A_229 : i32
      %swap3A_231 = arith.index_cast %add3A_230 : i32 to index
      %swap3A_232 = arith.constant 0 : index
      %swap3A_233 = tpu.vector_load %arg14[%swap3A_231, %swap3A_232] {strides = array<i32>} : memref<2000x16xf32, #tpu.memory_space<vmem>>, vector<16xf32>,
      tpu.vector_store %arg14[%swap3A_231, %swap3A_232], %gather3A_226 {strides = array<i32>} : memref<2000x16xf32, #tpu.memory_space<vmem>>, vector<16xf32>,
      %broadcast_in_dim3A_234 = arith.constant 3 : i32
      %broadcast_in_dim3A_235 = vector.broadcast %broadcast_in_dim3A_234 : i32 to vector<16x1xi32>
      %gather3A_236 = vector.shape_cast %broadcast_in_dim3A_235 : vector<16x1xi32> to vector<16xi32>
      %gather3A_237 = tpu.dynamic_gather %get3A_203[%gather3A_236] in [0] : vector<16xf32>, vector<16xi32> -> vector<16xf32>
      %mul3A_238 = arith.constant 16 : i32
      %mul3A_239 = arith.muli %scan3A_199, %mul3A_238 : i32
      %add3A_240 = arith.constant 3 : i32
      %add3A_241 = arith.addi %mul3A_239, %add3A_240 : i32
      %swap3A_242 = arith.index_cast %add3A_241 : i32 to index
      %swap3A_243 = arith.constant 0 : index
      %swap3A_244 = tpu.vector_load %arg14[%swap3A_242, %swap3A_243] {strides = array<i32>} : memref<2000x16xf32, #tpu.memory_space<vmem>>, vector<16xf32>,
      tpu.vector_store %arg14[%swap3A_242, %swap3A_243], %gather3A_237 {strides = array<i32>} : memref<2000x16xf32, #tpu.memory_space<vmem>>, vector<16xf32>,
      %broadcast_in_dim3A_245 = arith.constant 4 : i32
      %broadcast_in_dim3A_246 = vector.broadcast %broadcast_in_dim3A_245 : i32 to vector<16x1xi32>
      %gather3A_247 = vector.shape_cast %broadcast_in_dim3A_246 : vector<16x1xi32> to vector<16xi32>
      %gather3A_248 = tpu.dynamic_gather %get3A_203[%gather3A_247] in [0] : vector<16xf32>, vector<16xi32> -> vector<16xf32>
      %mul3A_249 = arith.constant 16 : i32
      %mul3A_250 = arith.muli %scan3A_199, %mul3A_249 : i32
      %add3A_251 = arith.constant 4 : i32
      %add3A_252 = arith.addi %mul3A_250, %add3A_251 : i32
      %swap3A_253 = arith.index_cast %add3A_252 : i32 to index
      %swap3A_254 = arith.constant 0 : index
      %swap3A_255 = tpu.vector_load %arg14[%swap3A_253, %swap3A_254] {strides = array<i32>} : memref<2000x16xf32, #tpu.memory_space<vmem>>, vector<16xf32>,
      tpu.vector_store %arg14[%swap3A_253, %swap3A_254], %gather3A_248 {strides = array<i32>} : memref<2000x16xf32, #tpu.memory_space<vmem>>, vector<16xf32>,
      %broadcast_in_dim3A_256 = arith.constant 5 : i32
      %broadcast_in_dim3A_257 = vector.broadcast %broadcast_in_dim3A_256 : i32 to vector<16x1xi32>
      %gather3A_258 = vector.shape_cast %broadcast_in_dim3A_257 : vector<16x1xi32> to vector<16xi32>
      %gather3A_259 = tpu.dynamic_gather %get3A_203[%gather3A_258] in [0] : vector<16xf32>, vector<16xi32> -> vector<16xf32>
      %mul3A_260 = arith.constant 16 : i32
      %mul3A_261 = arith.muli %scan3A_199, %mul3A_260 : i32
      %add3A_262 = arith.constant 5 : i32
      %add3A_263 = arith.addi %mul3A_261, %add3A_262 : i32
      %swap3A_264 = arith.index_cast %add3A_263 : i32 to index
      %swap3A_265 = arith.constant 0 : index
      %swap3A_266 = tpu.vector_load %arg14[%swap3A_264, %swap3A_265] {strides = array<i32>} : memref<2000x16xf32, #tpu.memory_space<vmem>>, vector<16xf32>,
      tpu.vector_store %arg14[%swap3A_264, %swap3A_265], %gather3A_259 {strides = array<i32>} : memref<2000x16xf32, #tpu.memory_space<vmem>>, vector<16xf32>,
      %broadcast_in_dim3A_267 = arith.constant 6 : i32
      %broadcast_in_dim3A_268 = vector.broadcast %broadcast_in_dim3A_267 : i32 to vector<16x1xi32>
      %gather3A_269 = vector.shape_cast %broadcast_in_dim3A_268 : vector<16x1xi32> to vector<16xi32>
      %gather3A_270 = tpu.dynamic_gather %get3A_203[%gather3A_269] in [0] : vector<16xf32>, vector<16xi32> -> vector<16xf32>
      %mul3A_271 = arith.constant 16 : i32
      %mul3A_272 = arith.muli %scan3A_199, %mul3A_271 : i32
      %add3A_273 = arith.constant 6 : i32
      %add3A_274 = arith.addi %mul3A_272, %add3A_273 : i32
      %swap3A_275 = arith.index_cast %add3A_274 : i32 to index
      %swap3A_276 = arith.constant 0 : index
      %swap3A_277 = tpu.vector_load %arg14[%swap3A_275, %swap3A_276] {strides = array<i32>} : memref<2000x16xf32, #tpu.memory_space<vmem>>, vector<16xf32>,
      tpu.vector_store %arg14[%swap3A_275, %swap3A_276], %gather3A_270 {strides = array<i32>} : memref<2000x16xf32, #tpu.memory_space<vmem>>, vector<16xf32>,
      %broadcast_in_dim3A_278 = arith.constant 7 : i32
      %broadcast_in_dim3A_279 = vector.broadcast %broadcast_in_dim3A_278 : i32 to vector<16x1xi32>
      %gather3A_280 = vector.shape_cast %broadcast_in_dim3A_279 : vector<16x1xi32> to vector<16xi32>
      %gather3A_281 = tpu.dynamic_gather %get3A_203[%gather3A_280] in [0] : vector<16xf32>, vector<16xi32> -> vector<16xf32>
      %mul3A_282 = arith.constant 16 : i32
      %mul3A_283 = arith.muli %scan3A_199, %mul3A_282 : i32
      %add3A_284 = arith.constant 7 : i32
      %add3A_285 = arith.addi %mul3A_283, %add3A_284 : i32
      %swap3A_286 = arith.index_cast %add3A_285 : i32 to index
      %swap3A_287 = arith.constant 0 : index
      %swap3A_288 = tpu.vector_load %arg14[%swap3A_286, %swap3A_287] {strides = array<i32>} : memref<2000x16xf32, #tpu.memory_space<vmem>>, vector<16xf32>,
      tpu.vector_store %arg14[%swap3A_286, %swap3A_287], %gather3A_281 {strides = array<i32>} : memref<2000x16xf32, #tpu.memory_space<vmem>>, vector<16xf32>,
      %broadcast_in_dim3A_289 = arith.constant 8 : i32
      %broadcast_in_dim3A_290 = vector.broadcast %broadcast_in_dim3A_289 : i32 to vector<16x1xi32>
      %gather3A_291 = vector.shape_cast %broadcast_in_dim3A_290 : vector<16x1xi32> to vector<16xi32>
      %gather3A_292 = tpu.dynamic_gather %get3A_203[%gather3A_291] in [0] : vector<16xf32>, vector<16xi32> -> vector<16xf32>
      %mul3A_293 = arith.constant 16 : i32
      %mul3A_294 = arith.muli %scan3A_199, %mul3A_293 : i32
      %add3A_295 = arith.constant 8 : i32
      %add3A_296 = arith.addi %mul3A_294, %add3A_295 : i32
      %swap3A_297 = arith.index_cast %add3A_296 : i32 to index
      %swap3A_298 = arith.constant 0 : index
      %swap3A_299 = tpu.vector_load %arg14[%swap3A_297, %swap3A_298] {strides = array<i32>} : memref<2000x16xf32, #tpu.memory_space<vmem>>, vector<16xf32>,
      tpu.vector_store %arg14[%swap3A_297, %swap3A_298], %gather3A_292 {strides = array<i32>} : memref<2000x16xf32, #tpu.memory_space<vmem>>, vector<16xf32>,
      %broadcast_in_dim3A_300 = arith.constant 9 : i32
      %broadcast_in_dim3A_301 = vector.broadcast %broadcast_in_dim3A_300 : i32 to vector<16x1xi32>
      %gather3A_302 = vector.shape_cast %broadcast_in_dim3A_301 : vector<16x1xi32> to vector<16xi32>
      %gather3A_303 = tpu.dynamic_gather %get3A_203[%gather3A_302] in [0] : vector<16xf32>, vector<16xi32> -> vector<16xf32>
      %mul3A_304 = arith.constant 16 : i32
      %mul3A_305 = arith.muli %scan3A_199, %mul3A_304 : i32
      %add3A_306 = arith.constant 9 : i32
      %add3A_307 = arith.addi %mul3A_305, %add3A_306 : i32
      %swap3A_308 = arith.index_cast %add3A_307 : i32 to index
      %swap3A_309 = arith.constant 0 : index
      %swap3A_310 = tpu.vector_load %arg14[%swap3A_308, %swap3A_309] {strides = array<i32>} : memref<2000x16xf32, #tpu.memory_space<vmem>>, vector<16xf32>,
      tpu.vector_store %arg14[%swap3A_308, %swap3A_309], %gather3A_303 {strides = array<i32>} : memref<2000x16xf32, #tpu.memory_space<vmem>>, vector<16xf32>,
      %broadcast_in_dim3A_311 = arith.constant 10 : i32
      %broadcast_in_dim3A_312 = vector.broadcast %broadcast_in_dim3A_311 : i32 to vector<16x1xi32>
      %gather3A_313 = vector.shape_cast %broadcast_in_dim3A_312 : vector<16x1xi32> to vector<16xi32>
      %gather3A_314 = tpu.dynamic_gather %get3A_203[%gather3A_313] in [0] : vector<16xf32>, vector<16xi32> -> vector<16xf32>
      %mul3A_315 = arith.constant 16 : i32
      %mul3A_316 = arith.muli %scan3A_199, %mul3A_315 : i32
      %add3A_317 = arith.constant 10 : i32
      %add3A_318 = arith.addi %mul3A_316, %add3A_317 : i32
      %swap3A_319 = arith.index_cast %add3A_318 : i32 to index
      %swap3A_320 = arith.constant 0 : index
      %swap3A_321 = tpu.vector_load %arg14[%swap3A_319, %swap3A_320] {strides = array<i32>} : memref<2000x16xf32, #tpu.memory_space<vmem>>, vector<16xf32>,
      tpu.vector_store %arg14[%swap3A_319, %swap3A_320], %gather3A_314 {strides = array<i32>} : memref<2000x16xf32, #tpu.memory_space<vmem>>, vector<16xf32>,
      %broadcast_in_dim3A_322 = arith.constant 11 : i32
      %broadcast_in_dim3A_323 = vector.broadcast %broadcast_in_dim3A_322 : i32 to vector<16x1xi32>
      %gather3A_324 = vector.shape_cast %broadcast_in_dim3A_323 : vector<16x1xi32> to vector<16xi32>
      %gather3A_325 = tpu.dynamic_gather %get3A_203[%gather3A_324] in [0] : vector<16xf32>, vector<16xi32> -> vector<16xf32>
      %mul3A_326 = arith.constant 16 : i32
      %mul3A_327 = arith.muli %scan3A_199, %mul3A_326 : i32
      %add3A_328 = arith.constant 11 : i32
      %add3A_329 = arith.addi %mul3A_327, %add3A_328 : i32
      %swap3A_330 = arith.index_cast %add3A_329 : i32 to index
      %swap3A_331 = arith.constant 0 : index
      %swap3A_332 = tpu.vector_load %arg14[%swap3A_330, %swap3A_331] {strides = array<i32>} : memref<2000x16xf32, #tpu.memory_space<vmem>>, vector<16xf32>,
      tpu.vector_store %arg14[%swap3A_330, %swap3A_331], %gather3A_325 {strides = array<i32>} : memref<2000x16xf32, #tpu.memory_space<vmem>>, vector<16xf32>,
      %broadcast_in_dim3A_333 = arith.constant 12 : i32
      %broadcast_in_dim3A_334 = vector.broadcast %broadcast_in_dim3A_333 : i32 to vector<16x1xi32>
      %gather3A_335 = vector.shape_cast %broadcast_in_dim3A_334 : vector<16x1xi32> to vector<16xi32>
      %gather3A_336 = tpu.dynamic_gather %get3A_203[%gather3A_335] in [0] : vector<16xf32>, vector<16xi32> -> vector<16xf32>
      %mul3A_337 = arith.constant 16 : i32
      %mul3A_338 = arith.muli %scan3A_199, %mul3A_337 : i32
      %add3A_339 = arith.constant 12 : i32
      %add3A_340 = arith.addi %mul3A_338, %add3A_339 : i32
      %swap3A_341 = arith.index_cast %add3A_340 : i32 to index
      %swap3A_342 = arith.constant 0 : index
      %swap3A_343 = tpu.vector_load %arg14[%swap3A_341, %swap3A_342] {strides = array<i32>} : memref<2000x16xf32, #tpu.memory_space<vmem>>, vector<16xf32>,
      tpu.vector_store %arg14[%swap3A_341, %swap3A_342], %gather3A_336 {strides = array<i32>} : memref<2000x16xf32, #tpu.memory_space<vmem>>, vector<16xf32>,
      %broadcast_in_dim3A_344 = arith.constant 13 : i32
      %broadcast_in_dim3A_345 = vector.broadcast %broadcast_in_dim3A_344 : i32 to vector<16x1xi32>
      %gather3A_346 = vector.shape_cast %broadcast_in_dim3A_345 : vector<16x1xi32> to vector<16xi32>
      %gather3A_347 = tpu.dynamic_gather %get3A_203[%gather3A_346] in [0] : vector<16xf32>, vector<16xi32> -> vector<16xf32>
      %mul3A_348 = arith.constant 16 : i32
      %mul3A_349 = arith.muli %scan3A_199, %mul3A_348 : i32
      %add3A_350 = arith.constant 13 : i32
      %add3A_351 = arith.addi %mul3A_349, %add3A_350 : i32
      %swap3A_352 = arith.index_cast %add3A_351 : i32 to index
      %swap3A_353 = arith.constant 0 : index
      %swap3A_354 = tpu.vector_load %arg14[%swap3A_352, %swap3A_353] {strides = array<i32>} : memref<2000x16xf32, #tpu.memory_space<vmem>>, vector<16xf32>,
      tpu.vector_store %arg14[%swap3A_352, %swap3A_353], %gather3A_347 {strides = array<i32>} : memref<2000x16xf32, #tpu.memory_space<vmem>>, vector<16xf32>,
      %broadcast_in_dim3A_355 = arith.constant 14 : i32
      %broadcast_in_dim3A_356 = vector.broadcast %broadcast_in_dim3A_355 : i32 to vector<16x1xi32>
      %gather3A_357 = vector.shape_cast %broadcast_in_dim3A_356 : vector<16x1xi32> to vector<16xi32>
      %gather3A_358 = tpu.dynamic_gather %get3A_203[%gather3A_357] in [0] : vector<16xf32>, vector<16xi32> -> vector<16xf32>
      %mul3A_359 = arith.constant 16 : i32
      %mul3A_360 = arith.muli %scan3A_199, %mul3A_359 : i32
      %add3A_361 = arith.constant 14 : i32
      %add3A_362 = arith.addi %mul3A_360, %add3A_361 : i32
      %swap3A_363 = arith.index_cast %add3A_362 : i32 to index
      %swap3A_364 = arith.constant 0 : index
      %swap3A_365 = tpu.vector_load %arg14[%swap3A_363, %swap3A_364] {strides = array<i32>} : memref<2000x16xf32, #tpu.memory_space<vmem>>, vector<16xf32>,
      tpu.vector_store %arg14[%swap3A_363, %swap3A_364], %gather3A_358 {strides = array<i32>} : memref<2000x16xf32, #tpu.memory_space<vmem>>, vector<16xf32>,
      %broadcast_in_dim3A_366 = arith.constant 15 : i32
      %broadcast_in_dim3A_367 = vector.broadcast %broadcast_in_dim3A_366 : i32 to vector<16x1xi32>
      %gather3A_368 = vector.shape_cast %broadcast_in_dim3A_367 : vector<16x1xi32> to vector<16xi32>
      %gather3A_369 = tpu.dynamic_gather %get3A_203[%gather3A_368] in [0] : vector<16xf32>, vector<16xi32> -> vector<16xf32>
      %mul3A_370 = arith.constant 16 : i32
      %mul3A_371 = arith.muli %scan3A_199, %mul3A_370 : i32
      %add3A_372 = arith.constant 15 : i32
      %add3A_373 = arith.addi %mul3A_371, %add3A_372 : i32
      %swap3A_374 = arith.index_cast %add3A_373 : i32 to index
      %swap3A_375 = arith.constant 0 : index
      %swap3A_376 = tpu.vector_load %arg14[%swap3A_374, %swap3A_375] {strides = array<i32>} : memref<2000x16xf32, #tpu.memory_space<vmem>>, vector<16xf32>,
      tpu.vector_store %arg14[%swap3A_374, %swap3A_375], %gather3A_369 {strides = array<i32>} : memref<2000x16xf32, #tpu.memory_space<vmem>>, vector<16xf32>,
      %scan3A_377 = arith.constant 0 : i32
      scf.yield %scan3A_377 : i32
    }
    %scan3A_191 = arith.constant 39 : i32
    %mul3A_192 = arith.constant 624 : i32
    %mul3A_193 = arith.muli %arg1, %mul3A_192 : i32
    "tpu.region"() ({
      %run_scoped3A = tpu.sem_alloc : memref<!tpu.dma_semaphore, #tpu.memory_space<semaphore_mem>>
      %dma_start3A_199 = arith.constant 0 : i32
      %dma_start3A_200 = arith.constant 0 : i32
      %dma_start3A_201 = tpu.memref_slice %arg14[%dma_start3A_199, %dma_start3A_200] : memref<2000x16xf32, #tpu.memory_space<vmem>> -> memref<624x16xf32, #tpu.memory_space<vmem>>
      %dma_start3A_202 = arith.constant 0 : i32
      %dma_start3A_203 = tpu.memref_slice %arg8[%arg0, %mul3A_193, %dma_start3A_202] : memref<2x10000x16xf32, #tpu.memory_space<hbm>> -> memref<1x624x16xf32, #tpu.memory_space<hbm>>
      %dma_start3A_204 = tpu.memref_squeeze %dma_start3A_203 : memref<1x624x16xf32, #tpu.memory_space<hbm>> -> memref<624x16xf32, #tpu.memory_space<hbm>>
      %dma_start3A_205 = arith.constant 0 : i32
      %dma_start3A_206 = tpu.memref_slice %arg8[%arg0, %mul3A_193, %dma_start3A_205] : memref<2x10000x16xf32, #tpu.memory_space<hbm>> -> memref<1x624x16xf32, #tpu.memory_space<hbm>>
      %dma_start3A_207 = tpu.memref_squeeze %dma_start3A_206 : memref<1x624x16xf32, #tpu.memory_space<hbm>> -> memref<624x16xf32, #tpu.memory_space<hbm>>
      %dma_start3A_208 = arith.constant 0 : i32
      %dma_start3A_209 = arith.constant 0 : i32
      %dma_start3A_210 = tpu.memref_slice %arg14[%dma_start3A_208, %dma_start3A_209] : memref<2000x16xf32, #tpu.memory_space<vmem>> -> memref<624x16xf32, #tpu.memory_space<vmem>>
      tpu.enqueue_dma source(%dma_start3A_210 : memref<624x16xf32, #tpu.memory_space<vmem>>) target(%dma_start3A_207 : memref<624x16xf32, #tpu.memory_space<hbm>>) target_semaphore(%run_scoped3A : memref<!tpu.dma_semaphore, #tpu.memory_space<semaphore_mem>>)
      %dma_wait3A_211 = arith.constant 0 : i32
      %dma_wait3A_212 = arith.constant 0 : i32
      %dma_wait3A_213 = tpu.memref_slice %arg14[%dma_wait3A_211, %dma_wait3A_212] : memref<2000x16xf32, #tpu.memory_space<vmem>> -> memref<624x16xf32, #tpu.memory_space<vmem>>
      %dma_wait3A_214 = arith.constant 0 : i32
      %dma_wait3A_215 = tpu.memref_slice %arg8[%arg0, %mul3A_193, %dma_wait3A_214] : memref<2x10000x16xf32, #tpu.memory_space<hbm>> -> memref<1x624x16xf32, #tpu.memory_space<hbm>>
      %dma_wait3A_216 = tpu.memref_squeeze %dma_wait3A_215 : memref<1x624x16xf32, #tpu.memory_space<hbm>> -> memref<624x16xf32, #tpu.memory_space<hbm>>
      %dma_wait3A_217 = arith.constant 0 : i32
      %dma_wait3A_218 = tpu.memref_slice %arg8[%arg0, %mul3A_193, %dma_wait3A_217] : memref<2x10000x16xf32, #tpu.memory_space<hbm>> -> memref<1x624x16xf32, #tpu.memory_space<hbm>>
      %dma_wait3A_219 = tpu.memref_squeeze %dma_wait3A_218 : memref<1x624x16xf32, #tpu.memory_space<hbm>> -> memref<624x16xf32, #tpu.memory_space<hbm>>
      %dma_wait3A_220 = arith.constant 0 : i32
      %dma_wait3A_221 = arith.constant 0 : i32
      %dma_wait3A_222 = tpu.memref_slice %arg14[%dma_wait3A_220, %dma_wait3A_221] : memref<2000x16xf32, #tpu.memory_space<vmem>> -> memref<624x16xf32, #tpu.memory_space<vmem>>
      tpu.wait_dma2 semaphore(%run_scoped3A : memref<!tpu.dma_semaphore, #tpu.memory_space<semaphore_mem>>) src(%dma_wait3A_222 : memref<624x16xf32, #tpu.memory_space<vmem>>) dst(%dma_wait3A_219 : memref<624x16xf32, #tpu.memory_space<hbm>>)
      tpu.yield
    }) : () -> ()
    %eq3A_194 = arith.constant 15 : i32
    %eq3A_195 = arith.cmpi eq, %arg1, %eq3A_194 : i32
    %convert_element_type3A_196 = arith.extui %eq3A_195 : i1 to i32
    %cond3A_197 = arith.constant 0 : i32
    %cond3A_198 = arith.cmpi ne, %convert_element_type3A_196, %cond3A_197 : i32
    scf.if %cond3A_198 {
      %get3A = arith.constant 624 : index
      %get3A_199 = tpu.vector_load %arg16[%get3A] {strides = array<i32>} : memref<640xf32, #tpu.memory_space<vmem>>, vector<16xf32>,
      %broadcast_in_dim3A = arith.constant 0 : i32
      %broadcast_in_dim3A_200 = vector.broadcast %broadcast_in_dim3A : i32 to vector<16x1xi32>
      %gather3A = vector.shape_cast %broadcast_in_dim3A_200 : vector<16x1xi32> to vector<16xi32>
      %gather3A_201 = tpu.dynamic_gather %get3A_199[%gather3A] in [0] : vector<16xf32>, vector<16xi32> -> vector<16xf32>
      %swap3A = arith.constant 0 : i32
      %swap3A_202 = arith.index_cast %swap3A : i32 to index
      %swap3A_203 = arith.constant 0 : index
      %swap3A_204 = tpu.vector_load %arg15[%swap3A_202, %swap3A_203] {strides = array<i32>} : memref<2000x16xf32, #tpu.memory_space<vmem>>, vector<16xf32>,
      tpu.vector_store %arg15[%swap3A_202, %swap3A_203], %gather3A_201 {strides = array<i32>} : memref<2000x16xf32, #tpu.memory_space<vmem>>, vector<16xf32>,
      %broadcast_in_dim3A_205 = arith.constant 1 : i32
      %broadcast_in_dim3A_206 = vector.broadcast %broadcast_in_dim3A_205 : i32 to vector<16x1xi32>
      %gather3A_207 = vector.shape_cast %broadcast_in_dim3A_206 : vector<16x1xi32> to vector<16xi32>
      %gather3A_208 = tpu.dynamic_gather %get3A_199[%gather3A_207] in [0] : vector<16xf32>, vector<16xi32> -> vector<16xf32>
      %swap3A_209 = arith.constant 1 : i32
      %swap3A_210 = arith.index_cast %swap3A_209 : i32 to index
      %swap3A_211 = arith.constant 0 : index
      %swap3A_212 = tpu.vector_load %arg15[%swap3A_210, %swap3A_211] {strides = array<i32>} : memref<2000x16xf32, #tpu.memory_space<vmem>>, vector<16xf32>,
      tpu.vector_store %arg15[%swap3A_210, %swap3A_211], %gather3A_208 {strides = array<i32>} : memref<2000x16xf32, #tpu.memory_space<vmem>>, vector<16xf32>,
      %broadcast_in_dim3A_213 = arith.constant 2 : i32
      %broadcast_in_dim3A_214 = vector.broadcast %broadcast_in_dim3A_213 : i32 to vector<16x1xi32>
      %gather3A_215 = vector.shape_cast %broadcast_in_dim3A_214 : vector<16x1xi32> to vector<16xi32>
      %gather3A_216 = tpu.dynamic_gather %get3A_199[%gather3A_215] in [0] : vector<16xf32>, vector<16xi32> -> vector<16xf32>
      %swap3A_217 = arith.constant 2 : i32
      %swap3A_218 = arith.index_cast %swap3A_217 : i32 to index
      %swap3A_219 = arith.constant 0 : index
      %swap3A_220 = tpu.vector_load %arg15[%swap3A_218, %swap3A_219] {strides = array<i32>} : memref<2000x16xf32, #tpu.memory_space<vmem>>, vector<16xf32>,
      tpu.vector_store %arg15[%swap3A_218, %swap3A_219], %gather3A_216 {strides = array<i32>} : memref<2000x16xf32, #tpu.memory_space<vmem>>, vector<16xf32>,
      %broadcast_in_dim3A_221 = arith.constant 3 : i32
      %broadcast_in_dim3A_222 = vector.broadcast %broadcast_in_dim3A_221 : i32 to vector<16x1xi32>
      %gather3A_223 = vector.shape_cast %broadcast_in_dim3A_222 : vector<16x1xi32> to vector<16xi32>
      %gather3A_224 = tpu.dynamic_gather %get3A_199[%gather3A_223] in [0] : vector<16xf32>, vector<16xi32> -> vector<16xf32>
      %swap3A_225 = arith.constant 3 : i32
      %swap3A_226 = arith.index_cast %swap3A_225 : i32 to index
      %swap3A_227 = arith.constant 0 : index
      %swap3A_228 = tpu.vector_load %arg15[%swap3A_226, %swap3A_227] {strides = array<i32>} : memref<2000x16xf32, #tpu.memory_space<vmem>>, vector<16xf32>,
      tpu.vector_store %arg15[%swap3A_226, %swap3A_227], %gather3A_224 {strides = array<i32>} : memref<2000x16xf32, #tpu.memory_space<vmem>>, vector<16xf32>,
      %broadcast_in_dim3A_229 = arith.constant 4 : i32
      %broadcast_in_dim3A_230 = vector.broadcast %broadcast_in_dim3A_229 : i32 to vector<16x1xi32>
      %gather3A_231 = vector.shape_cast %broadcast_in_dim3A_230 : vector<16x1xi32> to vector<16xi32>
      %gather3A_232 = tpu.dynamic_gather %get3A_199[%gather3A_231] in [0] : vector<16xf32>, vector<16xi32> -> vector<16xf32>
      %swap3A_233 = arith.constant 4 : i32
      %swap3A_234 = arith.index_cast %swap3A_233 : i32 to index
      %swap3A_235 = arith.constant 0 : index
      %swap3A_236 = tpu.vector_load %arg15[%swap3A_234, %swap3A_235] {strides = array<i32>} : memref<2000x16xf32, #tpu.memory_space<vmem>>, vector<16xf32>,
      tpu.vector_store %arg15[%swap3A_234, %swap3A_235], %gather3A_232 {strides = array<i32>} : memref<2000x16xf32, #tpu.memory_space<vmem>>, vector<16xf32>,
      %broadcast_in_dim3A_237 = arith.constant 5 : i32
      %broadcast_in_dim3A_238 = vector.broadcast %broadcast_in_dim3A_237 : i32 to vector<16x1xi32>
      %gather3A_239 = vector.shape_cast %broadcast_in_dim3A_238 : vector<16x1xi32> to vector<16xi32>
      %gather3A_240 = tpu.dynamic_gather %get3A_199[%gather3A_239] in [0] : vector<16xf32>, vector<16xi32> -> vector<16xf32>
      %swap3A_241 = arith.constant 5 : i32
      %swap3A_242 = arith.index_cast %swap3A_241 : i32 to index
      %swap3A_243 = arith.constant 0 : index
      %swap3A_244 = tpu.vector_load %arg15[%swap3A_242, %swap3A_243] {strides = array<i32>} : memref<2000x16xf32, #tpu.memory_space<vmem>>, vector<16xf32>,
      tpu.vector_store %arg15[%swap3A_242, %swap3A_243], %gather3A_240 {strides = array<i32>} : memref<2000x16xf32, #tpu.memory_space<vmem>>, vector<16xf32>,
      %broadcast_in_dim3A_245 = arith.constant 6 : i32
      %broadcast_in_dim3A_246 = vector.broadcast %broadcast_in_dim3A_245 : i32 to vector<16x1xi32>
      %gather3A_247 = vector.shape_cast %broadcast_in_dim3A_246 : vector<16x1xi32> to vector<16xi32>
      %gather3A_248 = tpu.dynamic_gather %get3A_199[%gather3A_247] in [0] : vector<16xf32>, vector<16xi32> -> vector<16xf32>
      %swap3A_249 = arith.constant 6 : i32
      %swap3A_250 = arith.index_cast %swap3A_249 : i32 to index
      %swap3A_251 = arith.constant 0 : index
      %swap3A_252 = tpu.vector_load %arg15[%swap3A_250, %swap3A_251] {strides = array<i32>} : memref<2000x16xf32, #tpu.memory_space<vmem>>, vector<16xf32>,
      tpu.vector_store %arg15[%swap3A_250, %swap3A_251], %gather3A_248 {strides = array<i32>} : memref<2000x16xf32, #tpu.memory_space<vmem>>, vector<16xf32>,
      %broadcast_in_dim3A_253 = arith.constant 7 : i32
      %broadcast_in_dim3A_254 = vector.broadcast %broadcast_in_dim3A_253 : i32 to vector<16x1xi32>
      %gather3A_255 = vector.shape_cast %broadcast_in_dim3A_254 : vector<16x1xi32> to vector<16xi32>
      %gather3A_256 = tpu.dynamic_gather %get3A_199[%gather3A_255] in [0] : vector<16xf32>, vector<16xi32> -> vector<16xf32>
      %swap3A_257 = arith.constant 7 : i32
      %swap3A_258 = arith.index_cast %swap3A_257 : i32 to index
      %swap3A_259 = arith.constant 0 : index
      %swap3A_260 = tpu.vector_load %arg15[%swap3A_258, %swap3A_259] {strides = array<i32>} : memref<2000x16xf32, #tpu.memory_space<vmem>>, vector<16xf32>,
      tpu.vector_store %arg15[%swap3A_258, %swap3A_259], %gather3A_256 {strides = array<i32>} : memref<2000x16xf32, #tpu.memory_space<vmem>>, vector<16xf32>,
      %broadcast_in_dim3A_261 = arith.constant 8 : i32
      %broadcast_in_dim3A_262 = vector.broadcast %broadcast_in_dim3A_261 : i32 to vector<16x1xi32>
      %gather3A_263 = vector.shape_cast %broadcast_in_dim3A_262 : vector<16x1xi32> to vector<16xi32>
      %gather3A_264 = tpu.dynamic_gather %get3A_199[%gather3A_263] in [0] : vector<16xf32>, vector<16xi32> -> vector<16xf32>
      %swap3A_265 = arith.constant 8 : i32
      %swap3A_266 = arith.index_cast %swap3A_265 : i32 to index
      %swap3A_267 = arith.constant 0 : index
      %swap3A_268 = tpu.vector_load %arg15[%swap3A_266, %swap3A_267] {strides = array<i32>} : memref<2000x16xf32, #tpu.memory_space<vmem>>, vector<16xf32>,
      tpu.vector_store %arg15[%swap3A_266, %swap3A_267], %gather3A_264 {strides = array<i32>} : memref<2000x16xf32, #tpu.memory_space<vmem>>, vector<16xf32>,
      %broadcast_in_dim3A_269 = arith.constant 9 : i32
      %broadcast_in_dim3A_270 = vector.broadcast %broadcast_in_dim3A_269 : i32 to vector<16x1xi32>
      %gather3A_271 = vector.shape_cast %broadcast_in_dim3A_270 : vector<16x1xi32> to vector<16xi32>
      %gather3A_272 = tpu.dynamic_gather %get3A_199[%gather3A_271] in [0] : vector<16xf32>, vector<16xi32> -> vector<16xf32>
      %swap3A_273 = arith.constant 9 : i32
      %swap3A_274 = arith.index_cast %swap3A_273 : i32 to index
      %swap3A_275 = arith.constant 0 : index
      %swap3A_276 = tpu.vector_load %arg15[%swap3A_274, %swap3A_275] {strides = array<i32>} : memref<2000x16xf32, #tpu.memory_space<vmem>>, vector<16xf32>,
      tpu.vector_store %arg15[%swap3A_274, %swap3A_275], %gather3A_272 {strides = array<i32>} : memref<2000x16xf32, #tpu.memory_space<vmem>>, vector<16xf32>,
      %broadcast_in_dim3A_277 = arith.constant 10 : i32
      %broadcast_in_dim3A_278 = vector.broadcast %broadcast_in_dim3A_277 : i32 to vector<16x1xi32>
      %gather3A_279 = vector.shape_cast %broadcast_in_dim3A_278 : vector<16x1xi32> to vector<16xi32>
      %gather3A_280 = tpu.dynamic_gather %get3A_199[%gather3A_279] in [0] : vector<16xf32>, vector<16xi32> -> vector<16xf32>
      %swap3A_281 = arith.constant 10 : i32
      %swap3A_282 = arith.index_cast %swap3A_281 : i32 to index
      %swap3A_283 = arith.constant 0 : index
      %swap3A_284 = tpu.vector_load %arg15[%swap3A_282, %swap3A_283] {strides = array<i32>} : memref<2000x16xf32, #tpu.memory_space<vmem>>, vector<16xf32>,
      tpu.vector_store %arg15[%swap3A_282, %swap3A_283], %gather3A_280 {strides = array<i32>} : memref<2000x16xf32, #tpu.memory_space<vmem>>, vector<16xf32>,
      %broadcast_in_dim3A_285 = arith.constant 11 : i32
      %broadcast_in_dim3A_286 = vector.broadcast %broadcast_in_dim3A_285 : i32 to vector<16x1xi32>
      %gather3A_287 = vector.shape_cast %broadcast_in_dim3A_286 : vector<16x1xi32> to vector<16xi32>
      %gather3A_288 = tpu.dynamic_gather %get3A_199[%gather3A_287] in [0] : vector<16xf32>, vector<16xi32> -> vector<16xf32>
      %swap3A_289 = arith.constant 11 : i32
      %swap3A_290 = arith.index_cast %swap3A_289 : i32 to index
      %swap3A_291 = arith.constant 0 : index
      %swap3A_292 = tpu.vector_load %arg15[%swap3A_290, %swap3A_291] {strides = array<i32>} : memref<2000x16xf32, #tpu.memory_space<vmem>>, vector<16xf32>,
      tpu.vector_store %arg15[%swap3A_290, %swap3A_291], %gather3A_288 {strides = array<i32>} : memref<2000x16xf32, #tpu.memory_space<vmem>>, vector<16xf32>,
      %broadcast_in_dim3A_293 = arith.constant 12 : i32
      %broadcast_in_dim3A_294 = vector.broadcast %broadcast_in_dim3A_293 : i32 to vector<16x1xi32>
      %gather3A_295 = vector.shape_cast %broadcast_in_dim3A_294 : vector<16x1xi32> to vector<16xi32>
      %gather3A_296 = tpu.dynamic_gather %get3A_199[%gather3A_295] in [0] : vector<16xf32>, vector<16xi32> -> vector<16xf32>
      %swap3A_297 = arith.constant 12 : i32
      %swap3A_298 = arith.index_cast %swap3A_297 : i32 to index
      %swap3A_299 = arith.constant 0 : index
      %swap3A_300 = tpu.vector_load %arg15[%swap3A_298, %swap3A_299] {strides = array<i32>} : memref<2000x16xf32, #tpu.memory_space<vmem>>, vector<16xf32>,
      tpu.vector_store %arg15[%swap3A_298, %swap3A_299], %gather3A_296 {strides = array<i32>} : memref<2000x16xf32, #tpu.memory_space<vmem>>, vector<16xf32>,
      %broadcast_in_dim3A_301 = arith.constant 13 : i32
      %broadcast_in_dim3A_302 = vector.broadcast %broadcast_in_dim3A_301 : i32 to vector<16x1xi32>
      %gather3A_303 = vector.shape_cast %broadcast_in_dim3A_302 : vector<16x1xi32> to vector<16xi32>
      %gather3A_304 = tpu.dynamic_gather %get3A_199[%gather3A_303] in [0] : vector<16xf32>, vector<16xi32> -> vector<16xf32>
      %swap3A_305 = arith.constant 13 : i32
      %swap3A_306 = arith.index_cast %swap3A_305 : i32 to index
      %swap3A_307 = arith.constant 0 : index
      %swap3A_308 = tpu.vector_load %arg15[%swap3A_306, %swap3A_307] {strides = array<i32>} : memref<2000x16xf32, #tpu.memory_space<vmem>>, vector<16xf32>,
      tpu.vector_store %arg15[%swap3A_306, %swap3A_307], %gather3A_304 {strides = array<i32>} : memref<2000x16xf32, #tpu.memory_space<vmem>>, vector<16xf32>,
      %broadcast_in_dim3A_309 = arith.constant 14 : i32
      %broadcast_in_dim3A_310 = vector.broadcast %broadcast_in_dim3A_309 : i32 to vector<16x1xi32>
      %gather3A_311 = vector.shape_cast %broadcast_in_dim3A_310 : vector<16x1xi32> to vector<16xi32>
      %gather3A_312 = tpu.dynamic_gather %get3A_199[%gather3A_311] in [0] : vector<16xf32>, vector<16xi32> -> vector<16xf32>
      %swap3A_313 = arith.constant 14 : i32
      %swap3A_314 = arith.index_cast %swap3A_313 : i32 to index
      %swap3A_315 = arith.constant 0 : index
      %swap3A_316 = tpu.vector_load %arg15[%swap3A_314, %swap3A_315] {strides = array<i32>} : memref<2000x16xf32, #tpu.memory_space<vmem>>, vector<16xf32>,
      tpu.vector_store %arg15[%swap3A_314, %swap3A_315], %gather3A_312 {strides = array<i32>} : memref<2000x16xf32, #tpu.memory_space<vmem>>, vector<16xf32>,
      %broadcast_in_dim3A_317 = arith.constant 15 : i32
      %broadcast_in_dim3A_318 = vector.broadcast %broadcast_in_dim3A_317 : i32 to vector<16x1xi32>
      %gather3A_319 = vector.shape_cast %broadcast_in_dim3A_318 : vector<16x1xi32> to vector<16xi32>
      %gather3A_320 = tpu.dynamic_gather %get3A_199[%gather3A_319] in [0] : vector<16xf32>, vector<16xi32> -> vector<16xf32>
      %swap3A_321 = arith.constant 15 : i32
      %swap3A_322 = arith.index_cast %swap3A_321 : i32 to index
      %swap3A_323 = arith.constant 0 : index
      %swap3A_324 = tpu.vector_load %arg15[%swap3A_322, %swap3A_323] {strides = array<i32>} : memref<2000x16xf32, #tpu.memory_space<vmem>>, vector<16xf32>,
      tpu.vector_store %arg15[%swap3A_322, %swap3A_323], %gather3A_320 {strides = array<i32>} : memref<2000x16xf32, #tpu.memory_space<vmem>>, vector<16xf32>,
      "tpu.region"() ({
        %run_scoped3A = tpu.sem_alloc : memref<!tpu.dma_semaphore, #tpu.memory_space<semaphore_mem>>
        %dma_start3A_325 = arith.constant 0 : i32
        %dma_start3A_326 = arith.constant 0 : i32
        %dma_start3A_327 = tpu.memref_slice %arg15[%dma_start3A_325, %dma_start3A_326] : memref<2000x16xf32, #tpu.memory_space<vmem>> -> memref<16x16xf32, #tpu.memory_space<vmem>>
        %dma_start3A_328 = arith.constant 9984 : i32
        %dma_start3A_329 = arith.constant 0 : i32
        %dma_start3A_330 = tpu.memref_slice %arg8[%arg0, %dma_start3A_328, %dma_start3A_329] : memref<2x10000x16xf32, #tpu.memory_space<hbm>> -> memref<1x16x16xf32, #tpu.memory_space<hbm>>
        %dma_start3A_331 = tpu.memref_squeeze %dma_start3A_330 : memref<1x16x16xf32, #tpu.memory_space<hbm>> -> memref<16x16xf32, #tpu.memory_space<hbm>>
        %dma_start3A_332 = arith.constant 9984 : i32
        %dma_start3A_333 = arith.constant 0 : i32
        %dma_start3A_334 = tpu.memref_slice %arg8[%arg0, %dma_start3A_332, %dma_start3A_333] : memref<2x10000x16xf32, #tpu.memory_space<hbm>> -> memref<1x16x16xf32, #tpu.memory_space<hbm>>
        %dma_start3A_335 = tpu.memref_squeeze %dma_start3A_334 : memref<1x16x16xf32, #tpu.memory_space<hbm>> -> memref<16x16xf32, #tpu.memory_space<hbm>>
        %dma_start3A_336 = arith.constant 0 : i32
        %dma_start3A_337 = arith.constant 0 : i32
        %dma_start3A_338 = tpu.memref_slice %arg15[%dma_start3A_336, %dma_start3A_337] : memref<2000x16xf32, #tpu.memory_space<vmem>> -> memref<16x16xf32, #tpu.memory_space<vmem>>
        tpu.enqueue_dma source(%dma_start3A_338 : memref<16x16xf32, #tpu.memory_space<vmem>>) target(%dma_start3A_335 : memref<16x16xf32, #tpu.memory_space<hbm>>) target_semaphore(%run_scoped3A : memref<!tpu.dma_semaphore, #tpu.memory_space<semaphore_mem>>)
        %dma_wait3A_339 = arith.constant 0 : i32
        %dma_wait3A_340 = arith.constant 0 : i32
        %dma_wait3A_341 = tpu.memref_slice %arg15[%dma_wait3A_339, %dma_wait3A_340] : memref<2000x16xf32, #tpu.memory_space<vmem>> -> memref<16x16xf32, #tpu.memory_space<vmem>>
        %dma_wait3A_342 = arith.constant 9984 : i32
        %dma_wait3A_343 = arith.constant 0 : i32
        %dma_wait3A_344 = tpu.memref_slice %arg8[%arg0, %dma_wait3A_342, %dma_wait3A_343] : memref<2x10000x16xf32, #tpu.memory_space<hbm>> -> memref<1x16x16xf32, #tpu.memory_space<hbm>>
        %dma_wait3A_345 = tpu.memref_squeeze %dma_wait3A_344 : memref<1x16x16xf32, #tpu.memory_space<hbm>> -> memref<16x16xf32, #tpu.memory_space<hbm>>
        %dma_wait3A_346 = arith.constant 9984 : i32
        %dma_wait3A_347 = arith.constant 0 : i32
        %dma_wait3A_348 = tpu.memref_slice %arg8[%arg0, %dma_wait3A_346, %dma_wait3A_347] : memref<2x10000x16xf32, #tpu.memory_space<hbm>> -> memref<1x16x16xf32, #tpu.memory_space<hbm>>
        %dma_wait3A_349 = tpu.memref_squeeze %dma_wait3A_348 : memref<1x16x16xf32, #tpu.memory_space<hbm>> -> memref<16x16xf32, #tpu.memory_space<hbm>>
        %dma_wait3A_350 = arith.constant 0 : i32
        %dma_wait3A_351 = arith.constant 0 : i32
        %dma_wait3A_352 = tpu.memref_slice %arg15[%dma_wait3A_350, %dma_wait3A_351] : memref<2000x16xf32, #tpu.memory_space<vmem>> -> memref<16x16xf32, #tpu.memory_space<vmem>>
        tpu.wait_dma2 semaphore(%run_scoped3A : memref<!tpu.dma_semaphore, #tpu.memory_space<semaphore_mem>>) src(%dma_wait3A_352 : memref<16x16xf32, #tpu.memory_space<vmem>>) dst(%dma_wait3A_349 : memref<16x16xf32, #tpu.memory_space<hbm>>)
        tpu.yield
      }) : () -> ()
    } else {
    }
    return
  }
}

module attributes {stable_mosaic.version = 14 : i64} {
  func.func @_pre_body(%arg0: memref<1250x1024xf32, #tpu.memory_space<vmem>>, %arg1: memref<1024x128xf32, #tpu.memory_space<vmem>>, %arg2: memref<128x16xf32, #tpu.memory_space<vmem>>, %arg3: memref<1250x128xf32, #tpu.memory_space<vmem>>, %arg4: memref<1250x16xf32, #tpu.memory_space<vmem>>) attributes {dimension_semantics = [], scalar_prefetch = 0 : i64, scratch_operands = 0 : i64, tpu.core_type = #tpu.core_type<tc>} {
    %get3A = arith.constant 0 : index
    %get3A_0 = arith.constant 0 : index
    %get3A_1 = vector.load %arg0[%get3A, %get3A_0] : memref<1250x1024xf32, #tpu.memory_space<vmem>>, vector<1250x1024xf32>
    %get3A_2 = arith.constant 0 : index
    %get3A_3 = arith.constant 0 : index
    %get3A_4 = vector.load %arg1[%get3A_2, %get3A_3] : memref<1024x128xf32, #tpu.memory_space<vmem>>, vector<1024x128xf32>
    %dot_general3A = arith.constant dense<0.000000e+00> : vector<1250x128xf32>
    %dot_general3A_5 = tpu.matmul %get3A_1, %get3A_4, %dot_general3A {dimension_numbers = #tpu.dot_dimension_numbers<[1], [0], [0], [1], [0, 0, 1, 1], [], []>, transpose_lhs_hint = false} : vector<1250x1024xf32>, vector<1024x128xf32>, vector<1250x128xf32> -> vector<1250x128xf32>
    %swap3A = arith.constant 0 : index
    %swap3A_6 = arith.constant 0 : index
    %swap3A_7 = vector.load %arg3[%swap3A, %swap3A_6] : memref<1250x128xf32, #tpu.memory_space<vmem>>, vector<1250x128xf32>
    tpu.vector_store %arg3[%swap3A, %swap3A_6], %dot_general3A_5 {strides = array<i32>} : memref<1250x128xf32, #tpu.memory_space<vmem>>, vector<1250x128xf32>,
    %get3A_8 = arith.constant 0 : index
    %get3A_9 = arith.constant 0 : index
    %get3A_10 = vector.load %arg2[%get3A_8, %get3A_9] : memref<128x16xf32, #tpu.memory_space<vmem>>, vector<128x16xf32>
    %dot_general3A_11 = arith.constant dense<0.000000e+00> : vector<1250x16xf32>
    %dot_general3A_12 = tpu.matmul %dot_general3A_5, %get3A_10, %dot_general3A_11 {dimension_numbers = #tpu.dot_dimension_numbers<[1], [0], [0], [1], [0, 0, 1, 1], [], []>, transpose_lhs_hint = false} : vector<1250x128xf32>, vector<128x16xf32>, vector<1250x16xf32> -> vector<1250x16xf32>
    %neg3A = arith.constant 0.000000e+00 : f32
    %neg3A_13 = vector.broadcast %neg3A : f32 to vector<1250x16xf32>
    %neg3A_14 = arith.subf %neg3A_13, %dot_general3A_12 : vector<1250x16xf32>
    %exp3A = math.exp %neg3A_14 : vector<1250x16xf32>
    %swap3A_15 = arith.constant 0 : index
    %swap3A_16 = arith.constant 0 : index
    %swap3A_17 = vector.load %arg4[%swap3A_15, %swap3A_16] : memref<1250x16xf32, #tpu.memory_space<vmem>>, vector<1250x16xf32>
    tpu.vector_store %arg4[%swap3A_15, %swap3A_16], %exp3A {strides = array<i32>} : memref<1250x16xf32, #tpu.memory_space<vmem>>, vector<1250x16xf32>,
    return
  }
}

module attributes {stable_mosaic.version = 14 : i64} {
  func.func @_post_body(%arg0: memref<1250x1024xf32, #tpu.memory_space<vmem>>, %arg1: memref<1024x128xf32, #tpu.memory_space<vmem>>, %arg2: memref<1024x128xf32, #tpu.memory_space<vmem>>, %arg3: memref<2x1250x128xf32, #tpu.memory_space<vmem>>, %arg4: memref<2x1250x128xf32, #tpu.memory_space<vmem>>, %arg5: memref<128x128xf32, #tpu.memory_space<vmem>>, %arg6: memref<128x128xf32, #tpu.memory_space<vmem>>, %arg7: memref<1x128xf32, #tpu.memory_space<vmem>>, %arg8: memref<1250x128xf32, #tpu.memory_space<vmem>>) attributes {dimension_semantics = [], scalar_prefetch = 0 : i64, scratch_operands = 0 : i64, tpu.core_type = #tpu.core_type<tc>} {
    %get3A = arith.constant 0 : index
    %get3A_0 = arith.constant 0 : index
    %get3A_1 = vector.load %arg0[%get3A, %get3A_0] : memref<1250x1024xf32, #tpu.memory_space<vmem>>, vector<1250x1024xf32>
    %get3A_2 = arith.constant 0 : index
    %get3A_3 = arith.constant 0 : index
    %get3A_4 = vector.load %arg1[%get3A_2, %get3A_3] : memref<1024x128xf32, #tpu.memory_space<vmem>>, vector<1024x128xf32>
    %dot_general3A = arith.constant dense<0.000000e+00> : vector<1250x128xf32>
    %dot_general3A_5 = tpu.matmul %get3A_1, %get3A_4, %dot_general3A {dimension_numbers = #tpu.dot_dimension_numbers<[1], [0], [0], [1], [0, 0, 1, 1], [], []>, transpose_lhs_hint = false} : vector<1250x1024xf32>, vector<1024x128xf32>, vector<1250x128xf32> -> vector<1250x128xf32>
    %get3A_6 = arith.constant 0 : index
    %get3A_7 = arith.constant 0 : index
    %get3A_8 = vector.load %arg2[%get3A_6, %get3A_7] : memref<1024x128xf32, #tpu.memory_space<vmem>>, vector<1024x128xf32>
    %dot_general3A_9 = arith.constant dense<0.000000e+00> : vector<1250x128xf32>
    %dot_general3A_10 = tpu.matmul %get3A_1, %get3A_8, %dot_general3A_9 {dimension_numbers = #tpu.dot_dimension_numbers<[1], [0], [0], [1], [0, 0, 1, 1], [], []>, transpose_lhs_hint = false} : vector<1250x1024xf32>, vector<1024x128xf32>, vector<1250x128xf32> -> vector<1250x128xf32>
    %mul3A = arith.mulf %dot_general3A_5, %dot_general3A_5 : vector<1250x128xf32>
    %sub3A = arith.subf %mul3A, %dot_general3A_10 : vector<1250x128xf32>
    %mul3A_11 = arith.constant 5.000000e-01 : f32
    %mul3A_12 = vector.broadcast %mul3A_11 : f32 to vector<1250x128xf32>
    %mul3A_13 = arith.mulf %mul3A_12, %sub3A : vector<1250x128xf32>
    %get3A_14 = arith.constant 0 : index
    %get3A_15 = arith.constant 0 : index
    %get3A_16 = arith.constant 0 : index
    %get3A_17 = vector.load %arg3[%get3A_14, %get3A_15, %get3A_16] : memref<2x1250x128xf32, #tpu.memory_space<vmem>>, vector<1x1250x128xf32>
    %get3A_18 = vector.shape_cast %get3A_17 : vector<1x1250x128xf32> to vector<1250x128xf32>
    %get3A_19 = arith.constant 1 : index
    %get3A_20 = arith.constant 0 : index
    %get3A_21 = arith.constant 0 : index
    %get3A_22 = vector.load %arg3[%get3A_19, %get3A_20, %get3A_21] : memref<2x1250x128xf32, #tpu.memory_space<vmem>>, vector<1x1250x128xf32>
    %get3A_23 = vector.shape_cast %get3A_22 : vector<1x1250x128xf32> to vector<1250x128xf32>
    %add3A = arith.addf %get3A_18, %get3A_23 : vector<1250x128xf32>
    %get3A_24 = arith.constant 0 : index
    %get3A_25 = arith.constant 0 : index
    %get3A_26 = arith.constant 0 : index
    %get3A_27 = vector.load %arg4[%get3A_24, %get3A_25, %get3A_26] : memref<2x1250x128xf32, #tpu.memory_space<vmem>>, vector<1x1250x128xf32>
    %get3A_28 = vector.shape_cast %get3A_27 : vector<1x1250x128xf32> to vector<1250x128xf32>
    %get3A_29 = arith.constant 1 : index
    %get3A_30 = arith.constant 0 : index
    %get3A_31 = arith.constant 0 : index
    %get3A_32 = vector.load %arg4[%get3A_29, %get3A_30, %get3A_31] : memref<2x1250x128xf32, #tpu.memory_space<vmem>>, vector<1x1250x128xf32>
    %get3A_33 = vector.shape_cast %get3A_32 : vector<1x1250x128xf32> to vector<1250x128xf32>
    %add3A_34 = arith.addf %get3A_28, %get3A_33 : vector<1250x128xf32>
    %add3A_35 = arith.constant 1.000000e-16 : f32
    %add3A_36 = vector.broadcast %add3A_35 : f32 to vector<1250x128xf32>
    %add3A_37 = arith.addf %add3A_34, %add3A_36 : vector<1250x128xf32>
    %div3A = arith.constant 1.000000e+00 : f32
    %div3A_38 = vector.broadcast %div3A : f32 to vector<1250x128xf32>
    %div3A_39 = arith.divf %div3A_38, %add3A_37 : vector<1250x128xf32>
    %mul3A_40 = arith.mulf %add3A, %div3A_39 : vector<1250x128xf32>
    %get3A_41 = arith.constant 0 : index
    %get3A_42 = arith.constant 0 : index
    %get3A_43 = vector.load %arg5[%get3A_41, %get3A_42] : memref<128x128xf32, #tpu.memory_space<vmem>>, vector<128x128xf32>
    %dot_general3A_44 = arith.constant dense<0.000000e+00> : vector<1250x128xf32>
    %dot_general3A_45 = tpu.matmul %mul3A_40, %get3A_43, %dot_general3A_44 {dimension_numbers = #tpu.dot_dimension_numbers<[1], [0], [0], [1], [0, 0, 1, 1], [], []>, transpose_lhs_hint = false} : vector<1250x128xf32>, vector<128x128xf32>, vector<1250x128xf32> -> vector<1250x128xf32>
    %get3A_46 = arith.constant 0 : index
    %get3A_47 = arith.constant 0 : index
    %get3A_48 = vector.load %arg6[%get3A_46, %get3A_47] : memref<128x128xf32, #tpu.memory_space<vmem>>, vector<128x128xf32>
    %dot_general3A_49 = arith.constant dense<0.000000e+00> : vector<1250x128xf32>
    %dot_general3A_50 = tpu.matmul %mul3A_13, %get3A_48, %dot_general3A_49 {dimension_numbers = #tpu.dot_dimension_numbers<[1], [0], [0], [1], [0, 0, 1, 1], [], []>, transpose_lhs_hint = false} : vector<1250x128xf32>, vector<128x128xf32>, vector<1250x128xf32> -> vector<1250x128xf32>
    %add3A_51 = arith.addf %dot_general3A_45, %dot_general3A_50 : vector<1250x128xf32>
    %get3A_52 = arith.constant 0 : index
    %get3A_53 = arith.constant 0 : index
    %get3A_54 = vector.load %arg7[%get3A_52, %get3A_53] : memref<1x128xf32, #tpu.memory_space<vmem>>, vector<1x128xf32>
    %add3A_55 = vector.broadcast %get3A_54 : vector<1x128xf32> to vector<1250x128xf32>
    %add3A_56 = arith.addf %add3A_51, %add3A_55 : vector<1250x128xf32>
    %swap3A = arith.constant 0 : index
    %swap3A_57 = arith.constant 0 : index
    %swap3A_58 = vector.load %arg8[%swap3A, %swap3A_57] : memref<1250x128xf32, #tpu.memory_space<vmem>>, vector<1250x128xf32>
    tpu.vector_store %arg8[%swap3A, %swap3A_57], %add3A_56 {strides = array<i32>} : memref<1250x128xf32, #tpu.memory_space<vmem>>, vector<1250x128xf32>,
    return
  }
}

</mosaic_0001>

<sc_bundles>
// kernel: kernel.5.cloned.1.call-start
scs
__scs_entry_jumppad:
0x0: {  	(pc) =	sbr.rel $0x88, $3  }
0x1: {  	(tag) =	ssettag $0x0;
	lr =	simm.s32 $0x1  }
0x2: {  	[smem:$0x3F99] =	sst lr;
	_ =	strace $0xD0000000  }
0x3: {  	_ = 	snop  }
0x4: {  	_ = 	snop  }
0x5: {  	_ = 	snop  }
0x6: {  	_ = 	snop  }
0x7: {  	_ = 	snop  }
__scs_overlays_trampoline_lowered:
0x8: {  	[smem:$0x3FA8] =	sst s0  }
0x9: {  	[smem:$0x3FA9] =	sst s1  }
0xa: {  	[smem:$0x3FAA] =	sst s2  }
0xb: {  	[smem:$0x3FAB] =	sst s3  }
0xc: {  	[smem:$0x3FAC] =	sst s4  }
0xd: {  	[smem:$0x3FAD] =	sst s5  }
0xe: {  	[smem:$0x3FAE] =	sst s6  }
0xf: {  	[smem:$0x3FAF] =	sst s7  }
0x10: {  	[smem:$0x3FB0] =	sst s8  }
0x11: {  	[smem:$0x3FB1] =	sst s9;
	s0 =	simm.s32 @!p0 $0x0  }
0x12: {  	s1 =	sld [smem:$0x3F97];
	s0 =	simm.s32 @p0 $0x1  }
0x13: {  	[smem:$0x3FB2] =	sst s0;
	s0 =	simm.s32 @!p1 $0x0  }
0x14: {  	s2 =	sld [smem:$0x3F96];
	s0 =	simm.s32 @p1 $0x1  }
0x15: {  	[smem:$0x3FB3] =	sst s0;
	s0 =	simm.s32 @!p2 $0x0  }
0x16: {  	s3 =	sld [smem:$0x3FDB];
	s0 =	simm.s32 @p2 $0x1  }
0x17: {  	s4 =	simm.s32 $0x1BF5;
	[smem:$0x3FB5] =	sst s0  }
0x18: {  	s0 =	sld [smem:$0x3F98];
	_ =	swait.ge [sflag:s4], $0x0  }
0x19: {  	s7 =	sld [smem:$0x3F99]  }
0x1a: {  	s8 =	sadd.s32 $0xFFFFE003, lr  }
0x1b: {  	s9 =	sadd.s32 $0xFFFFFEF7, lr;
	s5 =	simm.s32 $0xFFFFFFFF;
	p2 =	slt.u32 s8, $0xFFFFF086  }
0x1c: {  	p1 =	slt.u32 s9, $0xF7A;
	s5 =	simm.s32 @!p2 $0x0  }
0x1d: {  	s5 =	simm.s32 @p1 $0x1;
	p0 =	seq.s32 s7, s2  }
0x1e: {  	s7 =	smul.u32 @!p0 $0xF7A, s2;
	p2 =	seq.s32 @!p0 s5, $0x0  }
0x1f: {  	s9 =	smul.u32 $0xF7A, s1;
	s8 =	simm.s32 @!p0 $0x1BF5;
	p2 =	por !p2, p0  }
0x20: {  	[sflag:s8] =	ssyncset.s32 @!p0 $0xFFFFF086;
	s6 =	sadd.s32 @!p0 s3, s7;
	s7 =	simm.s32 @!p0 $0x108  }
0x21: {  	s3 =	sadd.s32 s3, s9;
	s6 =	sadd.s32 @!p0 $0x88, s6;
	s7 =	simm.s32 @p2 $0x1082  }
0x22: {  	[simem:s7], [sflag:s8] =	dma.local @!p0 [hbm:s6], $0xF7A  }
0x23: {  	s9 =	sor.u32 $0xD0000000, s2;
	s6 =	simm.s32 $0x108;
	_ =	swait.ge @!p0 [sflag:s8], $0x0  }
0x24: {  	s3 =	sadd.s32 $0x88, s3;
	s6 =	simm.s32 @!p1 $0x1082;
	[sflag:s4] =	ssyncset.s32 $0xFFFFF086  }
0x25: {  	[simem:s6], [sflag:s4] =	dma.local [hbm:s3], $0xF7A  }
0x26: {  	[smem:$0x3F99] =	sst s1;
	(tag) =	ssettag s2;
	_ =	strace s9  }
0x27: {  	s1 =	sld [smem:$0x3FA9]  }
0x28: {  	s2 =	sld [smem:$0x3FAA]  }
0x29: {  	s4 =	sld [smem:$0x3FAC]  }
0x2a: {  	p0 =	seq.s32 s5, $0x0;
	s5 =	sld [smem:$0x3FAD]  }
0x2b: {  	s6 =	sld [smem:$0x3FAE]  }
0x2c: {  	s7 =	sld [smem:$0x3FAF]  }
0x2d: {  	s3 =	simm.s32 $0x108;
	s8 =	sld [smem:$0x3FB0]  }
0x2e: {  	s3 =	simm.s32 @!p0 $0x1082;
	s9 =	sld [smem:$0x3FB1]  }
0x2f: {  	lr =	sadd.s32 s0, s3;
	s0 =	sld [smem:$0x3FA8]  }
0x30: {  	s3 =	sld [smem:$0x3FAB]  }
0x31: {  	[smem:$0x3FB4] =	sst s10  }
0x32: {  	s10 =	sld [smem:$0x3FB2];
	_ =	sdelay $0x3  }
0x33: {  	p0 =	seq.s32 s10, $0x1;
	s10 =	sld [smem:$0x3FB4];
	_ =	sdelay $0x3  }
0x34: {  	[smem:$0x3FB4] =	sst s10  }
0x35: {  	s10 =	sld [smem:$0x3FB3];
	_ =	sdelay $0x3  }
0x36: {  	p1 =	seq.s32 s10, $0x1;
	s10 =	sld [smem:$0x3FB4];
	_ =	sdelay $0x3  }
0x37: {  	[smem:$0x3FB4] =	sst s10  }
0x38: {  	s10 =	sld [smem:$0x3FB5]  }
0x39: {  	_ = 	snop;
	(pc) =	sbr.ind lr, $3  }
0x3a: {  	_ = 	snop  }
0x3b: {  	_ = 	snop  }
0x3c: {  	p2 =	seq.s32 s10, $0x1;
	s10 =	sld [smem:$0x3FB4]  }
0x3d: {  	_ =	shalt  }
0x3e: {  	_ =	shalt  }
0x3f: {  	_ =	shalt  }
0x40: {  	_ =	shalt  }
0x41: {  	_ =	shalt  }
0x42: {  	_ =	shalt  }
0x43: {  	_ =	shalt  }
0x44: {  	_ =	shalt  }
0x45: {  	_ =	shalt  }
0x46: {  	_ =	shalt  }
0x47: {  	_ =	shalt  }
0x48: {  	_ =	shalt  }
0x49: {  	_ =	shalt  }
0x4a: {  	_ =	shalt  }
0x4b: {  	_ =	shalt  }
0x4c: {  	_ =	shalt  }
0x4d: {  	_ =	shalt  }
0x4e: {  	_ =	shalt  }
0x4f: {  	_ =	shalt  }
0x50: {  	_ =	shalt  }
0x51: {  	_ =	shalt  }
0x52: {  	_ =	shalt  }
0x53: {  	_ =	shalt  }
0x54: {  	_ =	shalt  }
0x55: {  	_ =	shalt  }
0x56: {  	_ =	shalt  }
0x57: {  	_ =	shalt  }
0x58: {  	_ =	shalt  }
0x59: {  	_ =	shalt  }
0x5a: {  	_ =	shalt  }
0x5b: {  	_ =	shalt  }
0x5c: {  	_ =	shalt  }
0x5d: {  	_ =	shalt  }
0x5e: {  	_ =	shalt  }
0x5f: {  	_ =	shalt  }
0x60: {  	_ =	shalt  }
0x61: {  	_ =	shalt  }
0x62: {  	_ =	shalt  }
0x63: {  	_ =	shalt  }
0x64: {  	_ =	shalt  }
0x65: {  	_ =	shalt  }
0x66: {  	_ =	shalt  }
0x67: {  	_ =	shalt  }
0x68: {  	_ =	shalt  }
0x69: {  	_ =	shalt  }
0x6a: {  	_ =	shalt  }
0x6b: {  	_ =	shalt  }
0x6c: {  	_ =	shalt  }
0x6d: {  	_ =	shalt  }
0x6e: {  	_ =	shalt  }
0x6f: {  	_ =	shalt  }
0x70: {  	_ =	shalt  }
0x71: {  	_ =	shalt  }
0x72: {  	_ =	shalt  }
0x73: {  	_ =	shalt  }
0x74: {  	_ =	shalt  }
0x75: {  	_ =	shalt  }
0x76: {  	_ =	shalt  }
0x77: {  	_ =	shalt  }
0x78: {  	_ =	shalt  }
0x79: {  	_ =	shalt  }
0x7a: {  	_ =	shalt  }
0x7b: {  	_ =	shalt  }
0x7c: {  	_ =	shalt  }
0x7d: {  	_ =	shalt  }
0x7e: {  	_ =	shalt  }
0x7f: {  	_ =	shalt  }
0x80: {  	_ =	shalt  }
0x81: {  	_ =	shalt  }
0x82: {  	_ =	shalt  }
0x83: {  	_ =	shalt  }
0x84: {  	_ =	shalt  }
0x85: {  	_ =	shalt  }
0x86: {  	_ =	shalt  }
0x87: {  	_ =	shalt  }
.Lfunc_end0:
.L_simem_size_0:
called_computation_lowered:
.L_overlay_start_0:
0x88: {  	s2 =	sld [smem:$0x3FD9]  }
0x89: {  	s3 =	sld [smem:$0x3FFE];
	_ =	sdelay $0x1  }
0x8a: {  	s1 =	srdreg.scid  }
0x8b: {  	s0 =	sand.u32 $0x1, s1  }
0x8c: {  	s17 =	sshll.u32 s0, $0xA;
	s2 =	sadd.s32 s3, s2  }
0x8d: {  	s2 =	sadd.s32 s2, s17  }
0x8e: {  	[smem:$0x3FC0] =	sst s2  }
0x8f: {  	_ = 	snop  }
0x90: {  	s2 =	sld [smem:$0x3FD0];
	(tm) =	ssettm $0x1  }
0x91: {  	s18 =	sld [smem:$0x3FFB];
	_ =	sdelay $0x3  }
0x92: {  	_ =	strace s18  }
0x93: {  	s3 =	sld [smem:$0x3FFC];
	_ =	sdelay $0x3  }
0x94: {  	_ =	strace s3  }
0x95: {  	s3 =	sld [smem:$0x3FFD];
	_ =	sdelay $0x3  }
0x96: {  	_ =	strace s3  }
0x97: {  	_ =	strace $0x8FFFFFFF  }
0x98: {  	s19 =	sld [smem:$0x3FDB];
	_ =	sdelay $0x1  }
0x99: {  	s4 =	simm.s32 $_scs_section_size  }
0x9a: {  	s5 =	simm.s32 $_size__tile_overlayer_lowered;
	s6 =	simm.s32 $_tile_overlayer_lowered  }
0x9b: {  	s22 =	simm.s32 $0x1BFF;
	s21 =	sshll.u32 s6, $0x1;
	s3 =	sadd.s32 s4, s19  }
0x9c: {  	s7 =	simm.s32 $0x0;
	s20 =	sshll.u32 s5, $0x1;
	s5 =	sadd.s32 s21, s3  }
0x9d: {  	[timem:s7], [sflag:s22] =	dma.local [hbm:s5], s20  }
0x9e: {  	_ =	swait.ge [sflag:s22], s20  }
0x9f: {  	s4 =	ssub.s32 $0x0, s20;
	[sflag:s22] =	ssyncset.done $0x0  }
0xa0: {  	[sflag:s22] =	ssyncadd.s32 s4;
	_ =	sdelay $0x1  }
0xa1: {  	s23 =	simm.s32 $0x1B8B  }
0xa2: {  	_ =	swait.ge [sflag:s23], $0x1  }
0xa3: {  	[sflag:s23] =	ssyncset.done $0x0  }
0xa4: {  	s25 =	simm.s32 $0x1B8E;
	s24 =	sld [smem:$0x3FFE];
	[sflag:s23] =	ssyncadd.s32 $0xFFFFFFFF  }
0xa5: {  	s26 =	simm.s32 $execute0_lowered;
	[smem:$0x3FD2] =	sst s25  }
0xa6: {  	s5 =	sshll.u32 s26, $0x1;
	_ =	strace $0x80000046;
	[dreg:$0x1] =	wrdreg $0xFFFFFFFF  }
0xa7: {  	s28 =	simm.s32 $_size_execute0_lowered;
	s3 =	sadd.s32 s3, s5;
	[dreg:$0x0] =	wrdreg $0x0  }
0xa8: {  	s5 =	sshll.u32 s28, $0x1;
	[dreg:$0x2] =	wrdreg s3  }
0xa9: {  	[dreg:$0x3] =	wrdreg s5  }
0xaa: {  	[dreg:$0x4] =	wrdreg $0xC0  }
0xab: {  	_ =	task [dreg:s7], $0x5FFFF  }
0xac: {  	[dreg:$0x1] =	wrdreg $0xFFFFFFFF  }
0xad: {  	[dreg:$0x0] =	wrdreg $0x60  }
0xae: {  	[dreg:$0x2] =	wrdreg s24  }
0xaf: {  	[dreg:$0x3] =	wrdreg s2  }
0xb0: {  	[dreg:$0x4] =	wrdreg $0x1A8600  }
0xb1: {  	[dreg:$0x5] =	wrdreg $0x1CF700  }
0xb2: {  	[dreg:$0x6] =	wrdreg $0x9  }
0xb3: {  	_ =	task.clear_ibuf [dreg:s7], $0x7FFFF;
	_ =	strace $0x90000046  }
0xb4: {  	s29 =	simm.s32 $0x9;
	_ =	strace $0x80000048  }
0xb5: {  	_ =	swait.ge [sflag:s29], $0x1  }
0xb6: {  	[sflag:s29] =	ssyncadd.s32 $0xFFFFFFFF  }
0xb7: {  	_ =	strace $0x90000048  }
0xb8: {  	_ =	sfence  }
0xb9: {  	s30 =	sld [smem:$0x0];
	_ =	sdelay $0x2  }
0xba: {  	s31 =	sshll.u32 s1, $0xD;
	s1 =	sshrl.u32 s1, $0x2  }
0xbb: {  	s3 =	sand.u32 $0x4000, s31;
	s1 =	sadd.s32 s1, s30  }
0xbc: {  	s0 =	sor.u32 s3, s0;
	s1 =	sshll.u32 s1, $0x11  }
0xbd: {  	s0 =	sor.u32 s1, s0  }
0xbe: {  	s0 =	sadd.s32 $0x8F2B, s0  }
0xbf: {  	[sflag:s0] =	ssyncadd.remote.s32 $0x1  }
0xc0: {  	_ =	sfence.sel $0xFFFF  }
0xc1: {  	[dreg:$0x0] =	wrdreg $0xFFFFFFFF;
	(pc) =	sbr.abs _section_cstart, $3  }
0xc2: {  	[dreg:$0x1] =	wrdreg $0xFFFFFFFF  }
0xc3: {  	_ =	task.clear_ibuf [dreg:s7], $0x2FFFF;
	_ =	strace $0x9FFFFFFF  }
0xc4: {  	(tm) =	ssettm $0x7FFFFFFF  }
0xc5: {  	_ =	shalt  }
tec
execute0_lowered:
.L_overlay_start_1:
0x0: {  	(tag) =	ssettag $0x1  }
0x1: {  	s0 =	srdreg.scid  }
0x2: {  	s1 =	rddreg [dreg:$0x0];
	s6 =	stileid.u32  }
0x3: {  	s2 =	rddreg [dreg:$0x2];
	s12 =	simm.s32 $0x105E0;
	s13 =	simm.s32 $0x10AE0  }
0x4: {  	s14 =	simm.s32 $0x10FE0;
	s15 =	simm.s32 $0x114E0;
	s28 =	simm.s32 $0x123E0  }
0x5: {  	s30 =	simm.s32 $0x2;
	s29 =	simm.s32 $0x5;
	s16 =	simm.s32 $0x0  }
0x6: {  	s5 =	sand.u32 $0x1, s0;
	s0 =	rddreg [dreg:$0x1];
	s9 =	sadd.s32 $0x15C00, s1  }
0x7: {  	s17 =	sadd.s32 $0x16600, s1;
	s18 =	sadd.s32 $0x1B600, s1;
	s10 =	smul.u32 $0x9C0, s6  }
0x8: {  	s21 =	smul.u32 $0x2700, s6;
	p0 =	sne.s32 s6, $0x0;
	p1 =	sne.s32 s6, $0xF  }
0x9: {  	s3 =	sshll.u32 s5, $0x4;
	s8 =	smul.u32 $0x4E20, s5;
	s19 =	ssub.s32 $0x2, s5  }
0xa: {  	s5 =	smul.u32 $0x27100, s5;
	s4 =	sor.u32 s6, s3;
	s3 =	rddreg [dreg:$0x3]  }
0xb: {  	s11 =	sshrl.u32 s19, $0x1;
	s7 =	smul.u32 $0x2710, s4;
	s4 =	simm.s32 $0x0  }
0xc: {  	s23 =	sshrl.u32 s10, $0x2;
	s8 =	sadd.s32 s8, s1;
	[smem:$0x7FF] =	sst s4  }
0xd: {  	s24 =	sadd.s32 s21, s5;
	_ =	strace $0x80000047;
	[dreg:$0x5] =	wrdreg s9  }
0xe: {  	s5 =	sshrl.u32 s5, $0x3;
	s25 =	sadd.s32 $0x2700, s3;
	[dreg:$0x6] =	wrdreg s17  }
0xf: {  	s21 =	simm.s32 $0x1;
	s22 =	sadd.s32 $0x1BC00, s8;
	[dreg:$0x7] =	wrdreg s18  }
0x10: {  	s7 =	sshrl.u32 s7, $0x3;
	s9 =	ssub.s32 s19, s11;
	[dreg:$0xa] =	wrdreg s22  }
0x11: {  	[dreg:$0xc] =	wrdreg s25;
	s18 =	sshrl.u32 @!p0 s2, $0x3;
	s22 =	simm.s32 $0x50  }
0x12: {  	s19 =	simm.s32 $0x119E0;
	s7 =	sadd.s32 s7, s1;
	s31 =	smax.u32 s9, $0x1  }
0x13: {  	s25 =	simm.s32 $0x11EE0;
	s20 =	sadd.s32 $0x2200, s7;
	[dreg:$0xf] =	wrdreg s31  }
0x14: {  	v0 =	vimm.s32 $0x1;
	s1 =	sadd.s32 $0x25A00, s1;
	s7 =	sadd.s32 $0xBE40, s7;
	[dreg:$0x8] =	wrdreg s20  }
0x15: {  	v1 =	vimm.s32 $0x0;
	v2 =	vimm.s32 $0x2;
	v3 =	vimm.s32 $0x3;
	s5 =	sadd.s32 s1, s5;
	[dreg:$0x9] =	wrdreg s7;
	s7 =	sadd.s32 s23, s3  }
0x16: {  	v4 =	vimm.s32 $0x4;
	v5 =	vimm.s32 $0x5;
	v6 =	vimm.s32 $0x6;
	s26 =	sadd.s32 $0x4E00, s5;
	[dreg:$0xb] =	wrdreg s7;
	s7 =	sshrl.u32 s24, $0x3  }
0x17: {  	v7 =	vimm.s32 $0x7;
	v8 =	vimm.s32 $0x8;
	v9 =	vimm.s32 $0x9;
	s20 =	simm.s32 $0x6;
	[dreg:$0xe] =	wrdreg s26;
	s1 =	sadd.s32 s1, s7  }
0x18: {  	v10 =	vimm.s32 $0xA;
	v11 =	vimm.s32 $0xB;
	v12 =	vimm.s32 $0xC;
	s23 =	simm.s32 $0xABE0;
	[dreg:$0xd] =	wrdreg s1;
	s1 =	sshrl.u32 @!p0 s3, $0x3  }
0x19: {  	v13 =	vimm.s32 $0xD;
	v14 =	vimm.s32 $0xE;
	v15 =	vimm.s32 $0xF;
	s24 =	simm.s32 $0x3;
	[dreg:$0x10] =	wrdreg s1;
	s1 =	simm.s32 $0x4  }
.LBB2_1:
0x1a: {  	s5 =	rddreg [dreg:$0x8]  }
0x1b: {  	s6 =	simm.s32 $0x4E20;
	s7 =	rddreg [dreg:$0x9]  }
0x1c: {  	[tilespmem:s6], [sflag:$0x1] =	stream.linear.gather [hbm4b:s5+s4], $0x2710, $0x38;
	[tilespmem:$0x1D1E8] =	vst v63  }
0x1d: {  	s8 =	simm.s32 $0x7530;
	s5 =	simm.s32 @!p0 $0x1C06;
	s6 =	rddreg [dreg:$0x6]  }
0x1e: {  	[tilespmem:s8], [sflag:$0x1] =	stream.linear.gather [hbm4b:s7+s4], $0x2710, $0x38;
	[tilespmem:$0x1D1E8] =	vst v63  }
0x1f: {  	[spmem:s18], [sflag:s5] =	dma.local @!p0 [hbm:s6], $0x4E20  }
0x20: {  	s6 =	simm.s32 @!p0 $0x6  }
0x21: {  	_ =	swait.ge @!p0 [sflag:s6], $0x4E20  }
0x22: {  	[sflag:s6] =	ssyncset.done @!p0 $0x0;
	s7 =	rddreg [dreg:$0x7]  }
0x23: {  	s9 =	rddreg [dreg:$0x10];
	[sflag:s6] =	ssyncadd.s32 @!p0 $0xFFFFB1E0  }
0x24: {  	[spmem:s9], [sflag:s5] =	dma.local @!p0 [hbm:s7], $0x4E2  }
0x25: {  	_ =	swait.ge @!p0 [sflag:s6], $0x4E2  }
0x26: {  	[sflag:s6] =	ssyncset.done @!p0 $0x0  }
0x27: {  	s9 =	rddreg [dreg:$0x5];
	[sflag:s6] =	ssyncadd.s32 @!p0 $0xFFFFFB1E  }
0x28: {  	[tilespmem:s4], [sflag:$0x6] =	stream.linear.gather [hbm4b:s9+s4], $0x4E20, $0x38;
	[tilespmem:$0x1D1E8] =	vst v63  }
0x29: {  	_ =	swait.ge [sflag:s20], $0x4E20  }
0x2a: {  	[sflag:s20] =	ssyncset.done $0x0  }
0x2b: {  	[sflag:s20] =	ssyncadd.s32 $0xFFFFB1E0  }
0x2c: {  	_ =	swait.ge [sflag:s21], $0x2710  }
0x2d: {  	[sflag:s21] =	ssyncset.done $0x0  }
0x2e: {  	[sflag:s21] =	ssyncadd.s32 $0xFFFFD8F0  }
0x2f: {  	_ =	swait.ge [sflag:s21], $0x2710  }
0x30: {  	[sflag:s21] =	ssyncset.done $0x0  }
0x31: {  	[sflag:s21] =	ssyncadd.s32 $0xFFFFD8F0  }
0x32: {  	[bflag:$0x0] =	sbarrier.arrive $0xFFFF  }
0x33: {  	[tilespmem:s23], [sflag:$0x2] =	stream.indirect.gather [hbm4b:s0+s22], $0x10, s8, s22, $0xb8;
	[tilespmem:$0x1D1E8] =	vst v63  }
0x34: {  	s10 =	simm.s32 $0x7580;
	s11 =	simm.s32 $0xB0E0  }
0x35: {  	[tilespmem:s11], [sflag:$0x2] =	stream.indirect.gather [hbm4b:s0+s22], $0x10, s10, s22, $0xb8;
	[tilespmem:$0x1D1E8] =	vst v63  }
0x36: {  	s17 =	simm.s32 $0x75D0;
	s26 =	simm.s32 $0xB5E0  }
0x37: {  	[tilespmem:s26], [sflag:$0x2] =	stream.indirect.gather [hbm4b:s0+s22], $0x10, s17, s22, $0xb8;
	[tilespmem:$0x1D1E8] =	vst v63  }
0x38: {  	s7 =	simm.s32 $0xBAE0;
	s6 =	simm.s32 $0x7620  }
0x39: {  	[tilespmem:s7], [sflag:$0x2] =	stream.indirect.gather [hbm4b:s0+s22], $0x10, s6, s22, $0xb8;
	[tilespmem:$0x1D1E8] =	vst v63  }
0x3a: {  	s9 =	simm.s32 $0xBFE0;
	s8 =	simm.s32 $0x7670  }
0x3b: {  	[tilespmem:s9], [sflag:$0x2] =	stream.indirect.gather [hbm4b:s0+s22], $0x10, s8, s22, $0xb8;
	[tilespmem:$0x1D1E8] =	vst v63  }
0x3c: {  	s10 =	simm.s32 $0x76C0;
	s11 =	simm.s32 $0xC4E0  }
0x3d: {  	[tilespmem:s11], [sflag:$0x2] =	stream.indirect.gather [hbm4b:s0+s22], $0x10, s10, s22, $0xb8;
	[tilespmem:$0x1D1E8] =	vst v63  }
0x3e: {  	s17 =	simm.s32 $0x7710;
	s26 =	simm.s32 $0xC9E0  }
0x3f: {  	[tilespmem:s26], [sflag:$0x2] =	stream.indirect.gather [hbm4b:s0+s22], $0x10, s17, s22, $0xb8;
	[tilespmem:$0x1D1E8] =	vst v63  }
0x40: {  	s6 =	simm.s32 $0x7760;
	s7 =	simm.s32 $0xCEE0  }
0x41: {  	[tilespmem:s7], [sflag:$0x2] =	stream.indirect.gather [hbm4b:s0+s22], $0x10, s6, s22, $0xb8;
	[tilespmem:$0x1D1E8] =	vst v63  }
0x42: {  	s8 =	simm.s32 $0x77B0;
	s9 =	simm.s32 $0xD3E0  }
0x43: {  	[tilespmem:s9], [sflag:$0x2] =	stream.indirect.gather [hbm4b:s0+s22], $0x10, s8, s22, $0xb8;
	[tilespmem:$0x1D1E8] =	vst v63  }
0x44: {  	s10 =	simm.s32 $0x7800;
	s11 =	simm.s32 $0xD8E0  }
0x45: {  	[tilespmem:s11], [sflag:$0x2] =	stream.indirect.gather [hbm4b:s0+s22], $0x10, s10, s22, $0xb8;
	[tilespmem:$0x1D1E8] =	vst v63  }
0x46: {  	s17 =	simm.s32 $0x7850;
	s26 =	simm.s32 $0xDDE0  }
0x47: {  	[tilespmem:s26], [sflag:$0x2] =	stream.indirect.gather [hbm4b:s0+s22], $0x10, s17, s22, $0xb8;
	[tilespmem:$0x1D1E8] =	vst v63  }
0x48: {  	s6 =	simm.s32 $0x78A0;
	s7 =	simm.s32 $0xE2E0  }
0x49: {  	[tilespmem:s7], [sflag:$0x2] =	stream.indirect.gather [hbm4b:s0+s22], $0x10, s6, s22, $0xb8;
	[tilespmem:$0x1D1E8] =	vst v63  }
0x4a: {  	s8 =	simm.s32 $0x78F0;
	s9 =	simm.s32 $0xE7E0  }
0x4b: {  	[tilespmem:s9], [sflag:$0x2] =	stream.indirect.gather [hbm4b:s0+s22], $0x10, s8, s22, $0xb8;
	[tilespmem:$0x1D1E8] =	vst v63  }
0x4c: {  	s10 =	simm.s32 $0x7940;
	s11 =	simm.s32 $0xECE0  }
0x4d: {  	[tilespmem:s11], [sflag:$0x2] =	stream.indirect.gather [hbm4b:s0+s22], $0x10, s10, s22, $0xb8;
	[tilespmem:$0x1D1E8] =	vst v63  }
0x4e: {  	s17 =	simm.s32 $0x7990;
	s26 =	simm.s32 $0xF1E0  }
0x4f: {  	[tilespmem:s26], [sflag:$0x2] =	stream.indirect.gather [hbm4b:s0+s22], $0x10, s17, s22, $0xb8;
	[tilespmem:$0x1D1E8] =	vst v63  }
0x50: {  	s7 =	simm.s32 $0x79E0;
	s8 =	simm.s32 $0xF6E0  }
0x51: {  	[tilespmem:s8], [sflag:$0x2] =	stream.indirect.gather [hbm4b:s0+s22], $0x10, s7, s22, $0xb8;
	[tilespmem:$0x1D1E8] =	vst v63  }
0x52: {  	s9 =	simm.s32 $0x7A30;
	s10 =	simm.s32 $0xFBE0  }
0x53: {  	[tilespmem:s10], [sflag:$0x2] =	stream.indirect.gather [hbm4b:s0+s22], $0x10, s9, s22, $0xb8;
	[tilespmem:$0x1D1E8] =	vst v63  }
0x54: {  	s11 =	simm.s32 $0x7A80;
	s17 =	simm.s32 $0x100E0  }
0x55: {  	[tilespmem:s17], [sflag:$0x2] =	stream.indirect.gather [hbm4b:s0+s22], $0x10, s11, s22, $0xb8;
	[tilespmem:$0x1D1E8] =	vst v63  }
0x56: {  	s26 =	simm.s32 $0x7AD0  }
0x57: {  	[tilespmem:s12], [sflag:$0x2] =	stream.indirect.gather [hbm4b:s0+s22], $0x10, s26, s22, $0xb8;
	[tilespmem:$0x1D1E8] =	vst v63  }
0x58: {  	s6 =	simm.s32 $0x7B20  }
0x59: {  	[tilespmem:s13], [sflag:$0x2] =	stream.indirect.gather [hbm4b:s0+s22], $0x10, s6, s22, $0xb8;
	[tilespmem:$0x1D1E8] =	vst v63  }
0x5a: {  	s7 =	simm.s32 $0x7B70  }
0x5b: {  	[tilespmem:s14], [sflag:$0x2] =	stream.indirect.gather [hbm4b:s0+s22], $0x10, s7, s22, $0xb8;
	[tilespmem:$0x1D1E8] =	vst v63  }
0x5c: {  	s8 =	simm.s32 $0x7BC0  }
0x5d: {  	[tilespmem:s15], [sflag:$0x2] =	stream.indirect.gather [hbm4b:s0+s22], $0x10, s8, s22, $0xb8;
	[tilespmem:$0x1D1E8] =	vst v63  }
0x5e: {  	s9 =	simm.s32 $0x7C10  }
0x5f: {  	[tilespmem:s19], [sflag:$0x2] =	stream.indirect.gather [hbm4b:s0+s22], $0x10, s9, s22, $0xb8;
	[tilespmem:$0x1D1E8] =	vst v63  }
0x60: {  	s10 =	simm.s32 $0x7C60  }
0x61: {  	[tilespmem:s25], [sflag:$0x2] =	stream.indirect.gather [hbm4b:s0+s22], $0x10, s10, s22, $0xb8;
	[tilespmem:$0x1D1E8] =	vst v63  }
0x62: {  	s11 =	simm.s32 $0x7CB0  }
0x63: {  	[tilespmem:s28], [sflag:$0x2] =	stream.indirect.gather [hbm4b:s0+s22], $0x10, s11, s22, $0xb8;
	[tilespmem:$0x1D1E8] =	vst v63  }
0x64: {  	s17 =	simm.s32 $0x7D00;
	s26 =	simm.s32 $0x128E0  }
0x65: {  	[tilespmem:s26], [sflag:$0x3] =	stream.indirect.gather [hbm4b:s0+s22], $0x10, s17, s22, $0xb8;
	[tilespmem:$0x1D1E8] =	vst v63  }
0x66: {  	s6 =	simm.s32 $0x7D50;
	s7 =	simm.s32 $0x12DE0  }
0x67: {  	[tilespmem:s7], [sflag:$0x3] =	stream.indirect.gather [hbm4b:s0+s22], $0x10, s6, s22, $0xb8;
	[tilespmem:$0x1D1E8] =	vst v63  }
0x68: {  	s8 =	simm.s32 $0x7DA0;
	s9 =	simm.s32 $0x132E0  }
0x69: {  	[tilespmem:s9], [sflag:$0x3] =	stream.indirect.gather [hbm4b:s0+s22], $0x10, s8, s22, $0xb8;
	[tilespmem:$0x1D1E8] =	vst v63  }
0x6a: {  	s10 =	simm.s32 $0x7DF0;
	s11 =	simm.s32 $0x137E0  }
0x6b: {  	[tilespmem:s11], [sflag:$0x3] =	stream.indirect.gather [hbm4b:s0+s22], $0x10, s10, s22, $0xb8;
	[tilespmem:$0x1D1E8] =	vst v63  }
0x6c: {  	s17 =	simm.s32 $0x7E40;
	s26 =	simm.s32 $0x13CE0  }
0x6d: {  	[tilespmem:s26], [sflag:$0x3] =	stream.indirect.gather [hbm4b:s0+s22], $0x10, s17, s22, $0xb8;
	[tilespmem:$0x1D1E8] =	vst v63  }
0x6e: {  	s6 =	simm.s32 $0x7E90;
	s7 =	simm.s32 $0x141E0  }
0x6f: {  	[tilespmem:s7], [sflag:$0x3] =	stream.indirect.gather [hbm4b:s0+s22], $0x10, s6, s22, $0xb8;
	[tilespmem:$0x1D1E8] =	vst v63  }
0x70: {  	s8 =	simm.s32 $0x7EE0;
	s9 =	simm.s32 $0x146E0  }
0x71: {  	[tilespmem:s9], [sflag:$0x3] =	stream.indirect.gather [hbm4b:s0+s22], $0x10, s8, s22, $0xb8;
	[tilespmem:$0x1D1E8] =	vst v63  }
0x72: {  	s10 =	simm.s32 $0x7F30;
	s11 =	simm.s32 $0x14BE0  }
0x73: {  	[tilespmem:s11], [sflag:$0x3] =	stream.indirect.gather [hbm4b:s0+s22], $0x10, s10, s22, $0xb8;
	[tilespmem:$0x1D1E8] =	vst v63  }
0x74: {  	s17 =	simm.s32 $0x7F80;
	s26 =	simm.s32 $0x150E0  }
0x75: {  	[tilespmem:s26], [sflag:$0x3] =	stream.indirect.gather [hbm4b:s0+s22], $0x10, s17, s22, $0xb8;
	[tilespmem:$0x1D1E8] =	vst v63  }
0x76: {  	s6 =	simm.s32 $0x7FD0;
	s7 =	simm.s32 $0x155E0  }
0x77: {  	[tilespmem:s7], [sflag:$0x3] =	stream.indirect.gather [hbm4b:s0+s22], $0x10, s6, s22, $0xb8;
	[tilespmem:$0x1D1E8] =	vst v63  }
0x78: {  	s8 =	simm.s32 $0x8020;
	s9 =	simm.s32 $0x15AE0  }
0x79: {  	[tilespmem:s9], [sflag:$0x3] =	stream.indirect.gather [hbm4b:s0+s22], $0x10, s8, s22, $0xb8;
	[tilespmem:$0x1D1E8] =	vst v63  }
0x7a: {  	s10 =	simm.s32 $0x8070;
	s11 =	simm.s32 $0x15FE0  }
0x7b: {  	[tilespmem:s11], [sflag:$0x3] =	stream.indirect.gather [hbm4b:s0+s22], $0x10, s10, s22, $0xb8;
	[tilespmem:$0x1D1E8] =	vst v63  }
0x7c: {  	s17 =	simm.s32 $0x80C0;
	s26 =	simm.s32 $0x164E0  }
0x7d: {  	[tilespmem:s26], [sflag:$0x3] =	stream.indirect.gather [hbm4b:s0+s22], $0x10, s17, s22, $0xb8;
	[tilespmem:$0x1D1E8] =	vst v63  }
0x7e: {  	s6 =	simm.s32 $0x8110;
	s7 =	simm.s32 $0x169E0  }
0x7f: {  	[tilespmem:s7], [sflag:$0x3] =	stream.indirect.gather [hbm4b:s0+s22], $0x10, s6, s22, $0xb8;
	[tilespmem:$0x1D1E8] =	vst v63  }
0x80: {  	s8 =	simm.s32 $0x8160;
	s9 =	simm.s32 $0x16EE0  }
0x81: {  	[tilespmem:s9], [sflag:$0x3] =	stream.indirect.gather [hbm4b:s0+s22], $0x10, s8, s22, $0xb8;
	[tilespmem:$0x1D1E8] =	vst v63  }
0x82: {  	s10 =	simm.s32 $0x81B0;
	s11 =	simm.s32 $0x173E0  }
0x83: {  	[tilespmem:s11], [sflag:$0x3] =	stream.indirect.gather [hbm4b:s0+s22], $0x10, s10, s22, $0xb8;
	[tilespmem:$0x1D1E8] =	vst v63  }
0x84: {  	s17 =	simm.s32 $0x8200;
	s26 =	simm.s32 $0x178E0  }
0x85: {  	[tilespmem:s26], [sflag:$0x3] =	stream.indirect.gather [hbm4b:s0+s22], $0x10, s17, s22, $0xb8;
	[tilespmem:$0x1D1E8] =	vst v63  }
0x86: {  	s6 =	simm.s32 $0x8250;
	s7 =	simm.s32 $0x17DE0  }
0x87: {  	[tilespmem:s7], [sflag:$0x3] =	stream.indirect.gather [hbm4b:s0+s22], $0x10, s6, s22, $0xb8;
	[tilespmem:$0x1D1E8] =	vst v63  }
0x88: {  	s8 =	simm.s32 $0x82A0;
	s9 =	simm.s32 $0x182E0  }
0x89: {  	[tilespmem:s9], [sflag:$0x3] =	stream.indirect.gather [hbm4b:s0+s22], $0x10, s8, s22, $0xb8;
	[tilespmem:$0x1D1E8] =	vst v63  }
0x8a: {  	s10 =	simm.s32 $0x82F0;
	s11 =	simm.s32 $0x187E0  }
0x8b: {  	[tilespmem:s11], [sflag:$0x3] =	stream.indirect.gather [hbm4b:s0+s22], $0x10, s10, s22, $0xb8;
	[tilespmem:$0x1D1E8] =	vst v63  }
0x8c: {  	s17 =	simm.s32 $0x8340;
	s26 =	simm.s32 $0x18CE0  }
0x8d: {  	[tilespmem:s26], [sflag:$0x3] =	stream.indirect.gather [hbm4b:s0+s22], $0x10, s17, s22, $0xb8;
	[tilespmem:$0x1D1E8] =	vst v63  }
0x8e: {  	s6 =	simm.s32 $0x8390;
	s7 =	simm.s32 $0x191E0  }
0x8f: {  	[tilespmem:s7], [sflag:$0x3] =	stream.indirect.gather [hbm4b:s0+s22], $0x10, s6, s22, $0xb8;
	[tilespmem:$0x1D1E8] =	vst v63  }
0x90: {  	s8 =	simm.s32 $0x83E0;
	s9 =	simm.s32 $0x196E0  }
0x91: {  	[tilespmem:s9], [sflag:$0x3] =	stream.indirect.gather [hbm4b:s0+s22], $0x10, s8, s22, $0xb8;
	[tilespmem:$0x1D1E8] =	vst v63  }
0x92: {  	s10 =	simm.s32 $0x8430;
	s11 =	simm.s32 $0x19BE0  }
0x93: {  	[tilespmem:s11], [sflag:$0x3] =	stream.indirect.gather [hbm4b:s0+s22], $0x10, s10, s22, $0xb8;
	[tilespmem:$0x1D1E8] =	vst v63  }
0x94: {  	s17 =	simm.s32 $0x8480;
	s26 =	simm.s32 $0x1A0E0  }
0x95: {  	[tilespmem:s26], [sflag:$0x3] =	stream.indirect.gather [hbm4b:s0+s22], $0x10, s17, s22, $0xb8;
	[tilespmem:$0x1D1E8] =	vst v63  }
0x96: {  	s31 =	simm.s32 $0x9C40;
	_ =	swait.ge [sflag:s30], $0x7D00  }
0x97: {  	s5 =	simm.s32 $0x7530;
	s6 =	simm.s32 $0x0;
	[sflag:s30] =	ssyncset.done $0x0  }
0x98: {  	s10 =	simm.s32 $0xAC60;
	s17 =	simm.s32 $0x4E20;
	[sflag:s30] =	ssyncadd.s32 $0xFFFF8300  }
.LBB2_2:
0x99: {  	v16 =	vmov s17  }
0x9a: {  	v17 =	vmov s5;
	_ =	sdelay $0x2  }
0x9b: {  	s7 =	simm.s32 $0x0  }
0x9c: {  	v18 =	vld.idx.msk [tilespmem:v16+s7+$0x0 ss:$0x1], $0xffff  }
0x9d: {  	v19 =	vld.idx.msk [tilespmem:v17+s7+$0x0 ss:$0x1], $0xffff;
	_ =	sdelay $0x4  }
0x9e: {  	v18 =	vshll.u32 v18, $0x1;
	v19 =	vshll.u32 v19, $0x1  }
0x9f: {  	v19 =	vor.u32 $0x1, v19;
	_ =	sdelay $0x3  }
0xa0: {  	v18 =	vld.idx.msk [tilespmem:v18+s4+$0x0], $0xffff  }
0xa1: {  	v19 =	vld.idx.msk [tilespmem:v19+s4+$0x0], $0xffff;
	_ =	sdelay $0x4  }
0xa2: {  	v18 =	vmul.f32 v19, v18;
	_ =	sdelay $0x1  }
0xa3: {  	v18 =	vadd.f32 $1.000000000e+00, v18;
	_ =	sdelay $0x1  }
0xa4: {  	(erf) = vrcp.f32 v18;
	_ =	sdelay $0x8  }
0xa5: {  	v18 =	vpop (erf)  }
0xa6: {  	v18 =	vmul.f32 $1.442695020e+00, v18;
	_ =	sdelay $0x1  }
0xa7: {  	(erf) = vpow2.f32 v18;
	_ =	sdelay $0x4  }
0xa8: {  	v18 =	vmov s31;
	_ =	sdelay $0x3  }
0xa9: {  	v19 =	vpop (erf)  }
0xaa: {  	[tilespmem:v18+s7+$0x0 ss:$0x1] =	vst.idx.msk $0xffff, v19  }
0xab: {  	v24 =	vld [tilespmem:s10+$0x20]  }
0xac: {  	v25 =	vld [tilespmem:s10+$0xFFFFFF80]  }
0xad: {  	s9 =	simm.s32 $0x40;
	v22 =	vperm.xlane v19, v1;
	v23 =	vld [tilespmem:s10+$0xFFFFFF90]  }
0xae: {  	s26 =	smov.u32 s10;
	s8 =	smov.u32 s10;
	s7 =	smul.u32 $0x50, s6;
	v20 =	vperm.xlane v19, v5;
	v26 =	vperm.xlane v19, v10;
	v21 =	vld [tilespmem:s10+$0xFFFFFFA0]  }
.LBB2_3:
0xaf: {  	p2 =	sne.s32 s9, $0x100  }
0xb0: {  	v27 =	vld [tilespmem:s26+$0xFFFFFFB0];
	s8 =	sadd.s32 $0x100, s8;
	s11 =	smov.u32 s9;
	s9 =	sadd.s32 $0x40, s9  }
0xb1: {  	v28 =	vperm.xlane v19, v0;
	v29 =	vld [tilespmem:s26+$0xFFFFFFC0];
	v24 =	vmul.f32 v24, v26  }
0xb2: {  	v22 =	vmul.f32 v25, v22;
	v25 =	vperm.xlane v19, v2;
	v26 =	vld [tilespmem:s26+$0xFFFFFFD0]  }
0xb3: {  	v23 =	vmul.f32 v23, v28;
	v28 =	vperm.xlane v19, v3;
	v30 =	vld [tilespmem:s26+$0xFFFFFFE0];
	[tilespmem:s26+$0x20] =	vst v24  }
0xb4: {  	[tilespmem:s26+$0xFFFFFF80] =	vst v22;
	v21 =	vmul.f32 v21, v25;
	v22 =	vperm.xlane v19, v4;
	v24 =	vld [tilespmem:s26+$0xFFFFFFF0]  }
0xb5: {  	[tilespmem:s26+$0xFFFFFF90] =	vst v23;
	v23 =	vmul.f32 v27, v28;
	v25 =	vld [tilespmem:s26+$0x0]  }
0xb6: {  	[tilespmem:s26+$0xFFFFFFA0] =	vst v21;
	v21 =	vmul.f32 v29, v22;
	v22 =	vperm.xlane v19, v6;
	v27 =	vld [tilespmem:s26+$0x10]  }
0xb7: {  	[tilespmem:s26+$0xFFFFFFB0] =	vst v23;
	v20 =	vmul.f32 v26, v20;
	v23 =	vperm.xlane v19, v7;
	v26 =	vld [tilespmem:s26+$0x30]  }
0xb8: {  	[tilespmem:s26+$0xFFFFFFC0] =	vst v21;
	v21 =	vmul.f32 v30, v22;
	v22 =	vperm.xlane v19, v8;
	v28 =	vld [tilespmem:s26+$0x40]  }
0xb9: {  	[tilespmem:s26+$0xFFFFFFD0] =	vst v20;
	v20 =	vmul.f32 v24, v23;
	v23 =	vperm.xlane v19, v9;
	v24 =	vld [tilespmem:s26+$0x50]  }
0xba: {  	[tilespmem:s26+$0xFFFFFFE0] =	vst v21;
	v21 =	vmul.f32 v25, v22;
	v22 =	vperm.xlane v19, v11;
	v25 =	vld [tilespmem:s26+$0x60]  }
0xbb: {  	[tilespmem:s26+$0xFFFFFFF0] =	vst v20;
	v20 =	vmul.f32 v27, v23;
	v23 =	vperm.xlane v19, v12;
	v27 =	vld [tilespmem:s26+$0x70]  }
0xbc: {  	[tilespmem:s26+$0x0] =	vst v21;
	v21 =	vmul.f32 v26, v22;
	v22 =	vperm.xlane v19, v13  }
0xbd: {  	[tilespmem:s26+$0x10] =	vst v20;
	v20 =	vmul.f32 v28, v23;
	v23 =	vperm.xlane v19, v14  }
0xbe: {  	v19 =	vperm.xlane v19, v15;
	[tilespmem:s26+$0x30] =	vst v21;
	v21 =	vmul.f32 v24, v22  }
0xbf: {  	[tilespmem:s26+$0x40] =	vst v20;
	v20 =	vmul.f32 v25, v23  }
0xc0: {  	s11 =	sshra.s32 s11, $0x2;
	[tilespmem:s26+$0x50] =	vst v21;
	v19 =	vmul.f32 v27, v19  }
0xc1: {  	[tilespmem:s26+$0x60] =	vst v20  }
0xc2: {  	[tilespmem:s26+$0x70] =	vst v19;
	s26 =	smov.u32 s8  }
0xc3: {  	v19 =	vld.idx.msk [tilespmem:v16+s11+$0x0 ss:$0x1], $0xffff  }
0xc4: {  	v20 =	vld.idx.msk [tilespmem:v17+s11+$0x0 ss:$0x1], $0xffff;
	_ =	sdelay $0x4  }
0xc5: {  	v19 =	vshll.u32 v19, $0x1  }
0xc6: {  	v20 =	vshll.u32 v20, $0x1  }
0xc7: {  	v20 =	vor.u32 $0x1, v20;
	_ =	sdelay $0x2  }
0xc8: {  	v19 =	vld.idx.msk [tilespmem:v19+s4+$0x0], $0xffff;
	_ =	sdelay $0x1  }
0xc9: {  	v20 =	vld.idx.msk [tilespmem:v20+s4+$0x0], $0xffff;
	_ =	sdelay $0x5  }
0xca: {  	v19 =	vmul.f32 v20, v19;
	_ =	sdelay $0x1  }
0xcb: {  	v19 =	vadd.f32 $1.000000000e+00, v19;
	_ =	sdelay $0x1  }
0xcc: {  	(erf) = vrcp.f32 v19;
	_ =	sdelay $0x8  }
0xcd: {  	v19 =	vpop (erf)  }
0xce: {  	v19 =	vmul.f32 $1.442695020e+00, v19;
	_ =	sdelay $0x1  }
0xcf: {  	(erf) = vpow2.f32 v19;
	_ =	sdelay $0x8  }
0xd0: {  	v19 =	vpop (erf)  }
.Ltmp0:
0xd1: {  	[tilespmem:v18+s11+$0x0 ss:$0x1] =	vst.idx.msk $0xffff, v19;
	v22 =	vperm.xlane v19, v1;
	v20 =	vperm.xlane v19, v5;
	(pc) =	sbr.rel @p2 .LBB2_3-.Ltmp0, $4  }
0xd2: {  	v24 =	vld [tilespmem:s8+$0x20]  }
0xd3: {  	v25 =	vld [tilespmem:s8+$0xFFFFFF80]  }
0xd4: {  	v23 =	vld [tilespmem:s8+$0xFFFFFF90]  }
0xd5: {  	v26 =	vperm.xlane v19, v10;
	v21 =	vld [tilespmem:s8+$0xFFFFFFA0]  }
0xd6: {  	v16 =	vld [tilespmem:s26+$0xFFFFFFB0]  }
0xd7: {  	v17 =	vperm.xlane v19, v0;
	v18 =	vld [tilespmem:s26+$0xFFFFFFC0];
	v24 =	vmul.f32 v24, v26  }
0xd8: {  	v43 =	vperm.xlane v19, v2;
	v44 =	vld [tilespmem:s26+$0xFFFFFFD0];
	v22 =	vmul.f32 v25, v22  }
0xd9: {  	v45 =	vperm.xlane v19, v3;
	v27 =	vld [tilespmem:s26+$0xFFFFFFE0];
	v17 =	vmul.f32 v23, v17;
	[tilespmem:s26+$0x20] =	vst v24  }
0xda: {  	v46 =	vperm.xlane v19, v4;
	v47 =	vld [tilespmem:s26+$0xFFFFFFF0];
	[tilespmem:s26+$0xFFFFFF80] =	vst v22;
	v21 =	vmul.f32 v21, v43  }
0xdb: {  	[tilespmem:s26+$0xFFFFFF90] =	vst v17;
	v16 =	vmul.f32 v16, v45;
	v17 =	vld [tilespmem:s26+$0x0]  }
0xdc: {  	v48 =	vperm.xlane v19, v6;
	v49 =	vld [tilespmem:s26+$0x10];
	v18 =	vmul.f32 v18, v46;
	[tilespmem:s26+$0xFFFFFFA0] =	vst v21  }
0xdd: {  	v50 =	vperm.xlane v19, v7;
	v51 =	vld [tilespmem:s26+$0x30];
	[tilespmem:s26+$0xFFFFFFB0] =	vst v16;
	v16 =	vmul.f32 v44, v20  }
0xde: {  	v53 =	vperm.xlane v19, v8;
	v54 =	vld [tilespmem:s26+$0x40];
	v52 =	vmul.f32 v27, v48;
	[tilespmem:s26+$0xFFFFFFC0] =	vst v18  }
0xdf: {  	v55 =	vperm.xlane v19, v9;
	v56 =	vld [tilespmem:s26+$0x50];
	[tilespmem:s26+$0xFFFFFFD0] =	vst v16;
	v16 =	vmul.f32 v47, v50  }
0xe0: {  	v57 =	vperm.xlane v19, v11;
	v58 =	vld [tilespmem:s26+$0x60];
	[tilespmem:s26+$0xFFFFFFE0] =	vst v52;
	v17 =	vmul.f32 v17, v53  }
0xe1: {  	v59 =	vperm.xlane v19, v12;
	v60 =	vld [tilespmem:s26+$0x70];
	[tilespmem:s26+$0xFFFFFFF0] =	vst v16;
	v16 =	vmul.f32 v49, v55  }
0xe2: {  	v61 =	vperm.xlane v19, v13;
	[tilespmem:s26+$0x0] =	vst v17;
	v17 =	vmul.f32 v51, v57  }
0xe3: {  	v62 =	vperm.xlane v19, v14;
	[tilespmem:s26+$0x10] =	vst v16;
	v16 =	vmul.f32 v54, v59  }
0xe4: {  	v63 =	vperm.xlane v19, v15;
	[tilespmem:s26+$0x30] =	vst v17;
	v17 =	vmul.f32 v56, v61  }
0xe5: {  	s8 =	smul.u32 $0x1400, s6;
	s6 =	sadd.s32 $0x1, s6;
	[tilespmem:s26+$0x40] =	vst v16;
	v16 =	vmul.f32 v58, v62  }
0xe6: {  	p2 =	sne.s32 s6, $0x19;
	[tilespmem:s26+$0x50] =	vst v17;
	v17 =	vmul.f32 v60, v63  }
.Ltmp1:
0xe7: {  	s9 =	sadd.s32 $0x4E20, s7;
	s8 =	sshra.s32 s8, $0x2;
	[tilespmem:s26+$0x60] =	vst v16;
	(pc) =	sbr.rel @p2 .LBB2_2-.Ltmp1, $4  }
0xe8: {  	s31 =	sadd.s32 $0x50, s31;
	s5 =	sadd.s32 $0x50, s5;
	s8 =	sadd.s32 $0xABE0, s8;
	[tilespmem:s26+$0x70] =	vst v17  }
0xe9: {  	[spmem:s2] =	stream.indirect.scatter.add.f32 [tilespmem:s8], [sflag:$0x4], $0x10, s9, s22, $0xb8;
	[tilespmem:$0x1D1E8] =	vst v63  }
0xea: {  	s17 =	sadd.s32 $0x50, s17;
	s10 =	sadd.s32 $0x500, s10;
	s26 =	sadd.s32 $0x9C40, s7  }
0xeb: {  	[spmem:s3] =	stream.indirect.scatter.add.f32 [tilespmem:s26], [sflag:$0x4], $0x1, s9, s22, $0xb8;
	[tilespmem:$0x1D1E8] =	vst v63  }
0xec: {  	_ =	swait.ge [sflag:s1], $0x7D00  }
0xed: {  	[sflag:s1] =	ssyncset.done $0x0  }
0xee: {  	[sflag:s1] =	ssyncadd.s32 $0xFFFF8300  }
0xef: {  	_ =	swait.ge [sflag:s1], $0x7D0  }
0xf0: {  	[sflag:s1] =	ssyncset.done $0x0  }
0xf1: {  	s5 =	simm.s32 $0x84D0;
	[sflag:s1] =	ssyncadd.s32 $0xFFFFF830  }
0xf2: {  	[tilespmem:s23], [sflag:$0x2] =	stream.indirect.gather [hbm4b:s0+s22], $0x10, s5, s22, $0xb8;
	[tilespmem:$0x1D1E8] =	vst v63  }
0xf3: {  	s26 =	simm.s32 $0xB0E0;
	s6 =	simm.s32 $0x8520  }
0xf4: {  	[tilespmem:s26], [sflag:$0x2] =	stream.indirect.gather [hbm4b:s0+s22], $0x10, s6, s22, $0xb8;
	[tilespmem:$0x1D1E8] =	vst v63  }
0xf5: {  	s7 =	simm.s32 $0x8570;
	s6 =	simm.s32 $0xB5E0  }
0xf6: {  	[tilespmem:s6], [sflag:$0x2] =	stream.indirect.gather [hbm4b:s0+s22], $0x10, s7, s22, $0xb8;
	[tilespmem:$0x1D1E8] =	vst v63  }
0xf7: {  	s8 =	simm.s32 $0xBAE0;
	s9 =	simm.s32 $0x85C0  }
0xf8: {  	[tilespmem:s8], [sflag:$0x2] =	stream.indirect.gather [hbm4b:s0+s22], $0x10, s9, s22, $0xb8;
	[tilespmem:$0x1D1E8] =	vst v63  }
0xf9: {  	s10 =	simm.s32 $0xBFE0;
	s11 =	simm.s32 $0x8610  }
0xfa: {  	[tilespmem:s10], [sflag:$0x2] =	stream.indirect.gather [hbm4b:s0+s22], $0x10, s11, s22, $0xb8;
	[tilespmem:$0x1D1E8] =	vst v63  }
0xfb: {  	s17 =	simm.s32 $0xC4E0;
	s26 =	simm.s32 $0x8660  }
0xfc: {  	[tilespmem:s17], [sflag:$0x2] =	stream.indirect.gather [hbm4b:s0+s22], $0x10, s26, s22, $0xb8;
	[tilespmem:$0x1D1E8] =	vst v63  }
0xfd: {  	s6 =	simm.s32 $0xC9E0;
	s7 =	simm.s32 $0x86B0  }
0xfe: {  	[tilespmem:s6], [sflag:$0x2] =	stream.indirect.gather [hbm4b:s0+s22], $0x10, s7, s22, $0xb8;
	[tilespmem:$0x1D1E8] =	vst v63  }
0xff: {  	s8 =	simm.s32 $0xCEE0;
	s9 =	simm.s32 $0x8700  }
0x100: {  	[tilespmem:s8], [sflag:$0x2] =	stream.indirect.gather [hbm4b:s0+s22], $0x10, s9, s22, $0xb8;
	[tilespmem:$0x1D1E8] =	vst v63  }
0x101: {  	s10 =	simm.s32 $0xD3E0;
	s11 =	simm.s32 $0x8750  }
0x102: {  	[tilespmem:s10], [sflag:$0x2] =	stream.indirect.gather [hbm4b:s0+s22], $0x10, s11, s22, $0xb8;
	[tilespmem:$0x1D1E8] =	vst v63  }
0x103: {  	s17 =	simm.s32 $0xD8E0;
	s26 =	simm.s32 $0x87A0  }
0x104: {  	[tilespmem:s17], [sflag:$0x2] =	stream.indirect.gather [hbm4b:s0+s22], $0x10, s26, s22, $0xb8;
	[tilespmem:$0x1D1E8] =	vst v63  }
0x105: {  	s6 =	simm.s32 $0xDDE0;
	s7 =	simm.s32 $0x87F0  }
0x106: {  	[tilespmem:s6], [sflag:$0x2] =	stream.indirect.gather [hbm4b:s0+s22], $0x10, s7, s22, $0xb8;
	[tilespmem:$0x1D1E8] =	vst v63  }
0x107: {  	s8 =	simm.s32 $0xE2E0;
	s9 =	simm.s32 $0x8840  }
0x108: {  	[tilespmem:s8], [sflag:$0x2] =	stream.indirect.gather [hbm4b:s0+s22], $0x10, s9, s22, $0xb8;
	[tilespmem:$0x1D1E8] =	vst v63  }
0x109: {  	s10 =	simm.s32 $0xE7E0;
	s11 =	simm.s32 $0x8890  }
0x10a: {  	[tilespmem:s10], [sflag:$0x2] =	stream.indirect.gather [hbm4b:s0+s22], $0x10, s11, s22, $0xb8;
	[tilespmem:$0x1D1E8] =	vst v63  }
0x10b: {  	s17 =	simm.s32 $0xECE0;
	s26 =	simm.s32 $0x88E0  }
0x10c: {  	[tilespmem:s17], [sflag:$0x2] =	stream.indirect.gather [hbm4b:s0+s22], $0x10, s26, s22, $0xb8;
	[tilespmem:$0x1D1E8] =	vst v63  }
0x10d: {  	s6 =	simm.s32 $0xF1E0;
	s7 =	simm.s32 $0x8930  }
0x10e: {  	[tilespmem:s6], [sflag:$0x2] =	stream.indirect.gather [hbm4b:s0+s22], $0x10, s7, s22, $0xb8;
	[tilespmem:$0x1D1E8] =	vst v63  }
0x10f: {  	s8 =	simm.s32 $0xF6E0;
	s9 =	simm.s32 $0x8980  }
0x110: {  	[tilespmem:s8], [sflag:$0x2] =	stream.indirect.gather [hbm4b:s0+s22], $0x10, s9, s22, $0xb8;
	[tilespmem:$0x1D1E8] =	vst v63  }
0x111: {  	s10 =	simm.s32 $0xFBE0;
	s11 =	simm.s32 $0x89D0  }
0x112: {  	[tilespmem:s10], [sflag:$0x2] =	stream.indirect.gather [hbm4b:s0+s22], $0x10, s11, s22, $0xb8;
	[tilespmem:$0x1D1E8] =	vst v63  }
0x113: {  	s17 =	simm.s32 $0x100E0;
	s26 =	simm.s32 $0x8A20  }
0x114: {  	[tilespmem:s17], [sflag:$0x2] =	stream.indirect.gather [hbm4b:s0+s22], $0x10, s26, s22, $0xb8;
	[tilespmem:$0x1D1E8] =	vst v63  }
0x115: {  	s7 =	simm.s32 $0x8A70  }
0x116: {  	[tilespmem:s12], [sflag:$0x2] =	stream.indirect.gather [hbm4b:s0+s22], $0x10, s7, s22, $0xb8;
	[tilespmem:$0x1D1E8] =	vst v63  }
0x117: {  	s8 =	simm.s32 $0x8AC0  }
0x118: {  	[tilespmem:s13], [sflag:$0x2] =	stream.indirect.gather [hbm4b:s0+s22], $0x10, s8, s22, $0xb8;
	[tilespmem:$0x1D1E8] =	vst v63  }
0x119: {  	s9 =	simm.s32 $0x8B10  }
0x11a: {  	[tilespmem:s14], [sflag:$0x2] =	stream.indirect.gather [hbm4b:s0+s22], $0x10, s9, s22, $0xb8;
	[tilespmem:$0x1D1E8] =	vst v63  }
0x11b: {  	s10 =	simm.s32 $0x8B60  }
0x11c: {  	[tilespmem:s15], [sflag:$0x2] =	stream.indirect.gather [hbm4b:s0+s22], $0x10, s10, s22, $0xb8;
	[tilespmem:$0x1D1E8] =	vst v63  }
0x11d: {  	s11 =	simm.s32 $0x8BB0  }
0x11e: {  	[tilespmem:s19], [sflag:$0x2] =	stream.indirect.gather [hbm4b:s0+s22], $0x10, s11, s22, $0xb8;
	[tilespmem:$0x1D1E8] =	vst v63  }
0x11f: {  	s17 =	simm.s32 $0x8C00  }
0x120: {  	[tilespmem:s25], [sflag:$0x2] =	stream.indirect.gather [hbm4b:s0+s22], $0x10, s17, s22, $0xb8;
	[tilespmem:$0x1D1E8] =	vst v63  }
0x121: {  	s26 =	simm.s32 $0x8C50  }
0x122: {  	[tilespmem:s28], [sflag:$0x2] =	stream.indirect.gather [hbm4b:s0+s22], $0x10, s26, s22, $0xb8;
	[tilespmem:$0x1D1E8] =	vst v63  }
0x123: {  	s31 =	simm.s32 $0x0;
	_ =	swait.ge [sflag:s24], $0x7D00  }
0x124: {  	s5 =	simm.s32 $0xA410;
	s6 =	simm.s32 $0x12960;
	[sflag:s24] =	ssyncset.done $0x0  }
0x125: {  	s17 =	simm.s32 $0x55F0;
	s26 =	simm.s32 $0x7D00;
	[sflag:s24] =	ssyncadd.s32 $0xFFFF8300  }
.LBB2_6:
0x126: {  	v16 =	vmov s17  }
0x127: {  	v17 =	vmov s26;
	_ =	sdelay $0x2  }
0x128: {  	s7 =	simm.s32 $0x0  }
0x129: {  	v18 =	vld.idx.msk [tilespmem:v16+s7+$0x0 ss:$0x1], $0xffff  }
0x12a: {  	v19 =	vld.idx.msk [tilespmem:v17+s7+$0x0 ss:$0x1], $0xffff;
	_ =	sdelay $0x4  }
0x12b: {  	v18 =	vshll.u32 v18, $0x1;
	v19 =	vshll.u32 v19, $0x1  }
0x12c: {  	v19 =	vor.u32 $0x1, v19;
	_ =	sdelay $0x3  }
0x12d: {  	v18 =	vld.idx.msk [tilespmem:v18+s4+$0x0], $0xffff  }
0x12e: {  	v19 =	vld.idx.msk [tilespmem:v19+s4+$0x0], $0xffff;
	_ =	sdelay $0x4  }
0x12f: {  	v18 =	vmul.f32 v19, v18;
	_ =	sdelay $0x1  }
0x130: {  	v18 =	vadd.f32 $1.000000000e+00, v18;
	_ =	sdelay $0x1  }
0x131: {  	(erf) = vrcp.f32 v18;
	_ =	sdelay $0x8  }
0x132: {  	v18 =	vpop (erf)  }
0x133: {  	v18 =	vmul.f32 $1.442695020e+00, v18;
	_ =	sdelay $0x1  }
0x134: {  	(erf) = vpow2.f32 v18;
	_ =	sdelay $0x4  }
0x135: {  	v18 =	vmov s5;
	_ =	sdelay $0x3  }
0x136: {  	v19 =	vpop (erf)  }
0x137: {  	[tilespmem:v18+s7+$0x0 ss:$0x1] =	vst.idx.msk $0xffff, v19  }
0x138: {  	v24 =	vld [tilespmem:s6+$0x20]  }
0x139: {  	v25 =	vld [tilespmem:s6+$0xFFFFFF80]  }
0x13a: {  	s9 =	simm.s32 $0x40;
	v22 =	vperm.xlane v19, v1;
	v23 =	vld [tilespmem:s6+$0xFFFFFF90]  }
0x13b: {  	s8 =	smov.u32 s6;
	s10 =	smov.u32 s6;
	s7 =	smul.u32 $0x50, s31;
	v20 =	vperm.xlane v19, v5;
	v26 =	vperm.xlane v19, v10;
	v21 =	vld [tilespmem:s6+$0xFFFFFFA0]  }
.LBB2_7:
0x13c: {  	p2 =	sne.s32 s9, $0x100  }
0x13d: {  	v27 =	vld [tilespmem:s8+$0xFFFFFFB0];
	s10 =	sadd.s32 $0x100, s10;
	s11 =	smov.u32 s9;
	s9 =	sadd.s32 $0x40, s9  }
0x13e: {  	v28 =	vperm.xlane v19, v0;
	v29 =	vld [tilespmem:s8+$0xFFFFFFC0];
	v24 =	vmul.f32 v24, v26  }
0x13f: {  	v22 =	vmul.f32 v25, v22;
	v25 =	vperm.xlane v19, v2;
	v26 =	vld [tilespmem:s8+$0xFFFFFFD0]  }
0x140: {  	v23 =	vmul.f32 v23, v28;
	v28 =	vperm.xlane v19, v3;
	v30 =	vld [tilespmem:s8+$0xFFFFFFE0];
	[tilespmem:s8+$0x20] =	vst v24  }
0x141: {  	[tilespmem:s8+$0xFFFFFF80] =	vst v22;
	v21 =	vmul.f32 v21, v25;
	v22 =	vperm.xlane v19, v4;
	v24 =	vld [tilespmem:s8+$0xFFFFFFF0]  }
0x142: {  	[tilespmem:s8+$0xFFFFFF90] =	vst v23;
	v23 =	vmul.f32 v27, v28;
	v25 =	vld [tilespmem:s8+$0x0]  }
0x143: {  	[tilespmem:s8+$0xFFFFFFA0] =	vst v21;
	v21 =	vmul.f32 v29, v22;
	v22 =	vperm.xlane v19, v6;
	v27 =	vld [tilespmem:s8+$0x10]  }
0x144: {  	[tilespmem:s8+$0xFFFFFFB0] =	vst v23;
	v20 =	vmul.f32 v26, v20;
	v23 =	vperm.xlane v19, v7;
	v26 =	vld [tilespmem:s8+$0x30]  }
0x145: {  	[tilespmem:s8+$0xFFFFFFC0] =	vst v21;
	v21 =	vmul.f32 v30, v22;
	v22 =	vperm.xlane v19, v8;
	v28 =	vld [tilespmem:s8+$0x40]  }
0x146: {  	[tilespmem:s8+$0xFFFFFFD0] =	vst v20;
	v20 =	vmul.f32 v24, v23;
	v23 =	vperm.xlane v19, v9;
	v24 =	vld [tilespmem:s8+$0x50]  }
0x147: {  	[tilespmem:s8+$0xFFFFFFE0] =	vst v21;
	v21 =	vmul.f32 v25, v22;
	v22 =	vperm.xlane v19, v11;
	v25 =	vld [tilespmem:s8+$0x60]  }
0x148: {  	[tilespmem:s8+$0xFFFFFFF0] =	vst v20;
	v20 =	vmul.f32 v27, v23;
	v23 =	vperm.xlane v19, v12;
	v27 =	vld [tilespmem:s8+$0x70]  }
0x149: {  	[tilespmem:s8+$0x0] =	vst v21;
	v21 =	vmul.f32 v26, v22;
	v22 =	vperm.xlane v19, v13  }
0x14a: {  	[tilespmem:s8+$0x10] =	vst v20;
	v20 =	vmul.f32 v28, v23;
	v23 =	vperm.xlane v19, v14  }
0x14b: {  	v19 =	vperm.xlane v19, v15;
	[tilespmem:s8+$0x30] =	vst v21;
	v21 =	vmul.f32 v24, v22  }
0x14c: {  	[tilespmem:s8+$0x40] =	vst v20;
	v20 =	vmul.f32 v25, v23  }
0x14d: {  	s11 =	sshra.s32 s11, $0x2;
	[tilespmem:s8+$0x50] =	vst v21;
	v19 =	vmul.f32 v27, v19  }
0x14e: {  	[tilespmem:s8+$0x60] =	vst v20  }
0x14f: {  	[tilespmem:s8+$0x70] =	vst v19;
	s8 =	smov.u32 s10  }
0x150: {  	v19 =	vld.idx.msk [tilespmem:v16+s11+$0x0 ss:$0x1], $0xffff  }
0x151: {  	v20 =	vld.idx.msk [tilespmem:v17+s11+$0x0 ss:$0x1], $0xffff;
	_ =	sdelay $0x4  }
0x152: {  	v19 =	vshll.u32 v19, $0x1  }
0x153: {  	v20 =	vshll.u32 v20, $0x1  }
0x154: {  	v20 =	vor.u32 $0x1, v20;
	_ =	sdelay $0x2  }
0x155: {  	v19 =	vld.idx.msk [tilespmem:v19+s4+$0x0], $0xffff;
	_ =	sdelay $0x1  }
0x156: {  	v20 =	vld.idx.msk [tilespmem:v20+s4+$0x0], $0xffff;
	_ =	sdelay $0x5  }
0x157: {  	v19 =	vmul.f32 v20, v19;
	_ =	sdelay $0x1  }
0x158: {  	v19 =	vadd.f32 $1.000000000e+00, v19;
	_ =	sdelay $0x1  }
0x159: {  	(erf) = vrcp.f32 v19;
	_ =	sdelay $0x8  }
0x15a: {  	v19 =	vpop (erf)  }
0x15b: {  	v19 =	vmul.f32 $1.442695020e+00, v19;
	_ =	sdelay $0x1  }
0x15c: {  	(erf) = vpow2.f32 v19;
	_ =	sdelay $0x8  }
0x15d: {  	v19 =	vpop (erf)  }
.Ltmp2:
0x15e: {  	[tilespmem:v18+s11+$0x0 ss:$0x1] =	vst.idx.msk $0xffff, v19;
	v22 =	vperm.xlane v19, v1;
	v20 =	vperm.xlane v19, v5;
	(pc) =	sbr.rel @p2 .LBB2_7-.Ltmp2, $4  }
0x15f: {  	v24 =	vld [tilespmem:s10+$0x20]  }
0x160: {  	v25 =	vld [tilespmem:s10+$0xFFFFFF80]  }
0x161: {  	v23 =	vld [tilespmem:s10+$0xFFFFFF90]  }
0x162: {  	v26 =	vperm.xlane v19, v10;
	v21 =	vld [tilespmem:s10+$0xFFFFFFA0]  }
0x163: {  	v16 =	vld [tilespmem:s8+$0xFFFFFFB0]  }
0x164: {  	v17 =	vperm.xlane v19, v0;
	v18 =	vld [tilespmem:s8+$0xFFFFFFC0];
	v24 =	vmul.f32 v24, v26  }
0x165: {  	v43 =	vperm.xlane v19, v2;
	v44 =	vld [tilespmem:s8+$0xFFFFFFD0];
	v22 =	vmul.f32 v25, v22  }
0x166: {  	v45 =	vperm.xlane v19, v3;
	v27 =	vld [tilespmem:s8+$0xFFFFFFE0];
	v17 =	vmul.f32 v23, v17;
	[tilespmem:s8+$0x20] =	vst v24  }
0x167: {  	v46 =	vperm.xlane v19, v4;
	v47 =	vld [tilespmem:s8+$0xFFFFFFF0];
	[tilespmem:s8+$0xFFFFFF80] =	vst v22;
	v21 =	vmul.f32 v21, v43  }
0x168: {  	[tilespmem:s8+$0xFFFFFF90] =	vst v17;
	v16 =	vmul.f32 v16, v45;
	v17 =	vld [tilespmem:s8+$0x0]  }
0x169: {  	v48 =	vperm.xlane v19, v6;
	v49 =	vld [tilespmem:s8+$0x10];
	v18 =	vmul.f32 v18, v46;
	[tilespmem:s8+$0xFFFFFFA0] =	vst v21  }
0x16a: {  	v50 =	vperm.xlane v19, v7;
	v51 =	vld [tilespmem:s8+$0x30];
	[tilespmem:s8+$0xFFFFFFB0] =	vst v16;
	v16 =	vmul.f32 v44, v20  }
0x16b: {  	v53 =	vperm.xlane v19, v8;
	v54 =	vld [tilespmem:s8+$0x40];
	v52 =	vmul.f32 v27, v48;
	[tilespmem:s8+$0xFFFFFFC0] =	vst v18  }
0x16c: {  	v55 =	vperm.xlane v19, v9;
	v56 =	vld [tilespmem:s8+$0x50];
	[tilespmem:s8+$0xFFFFFFD0] =	vst v16;
	v16 =	vmul.f32 v47, v50  }
0x16d: {  	v57 =	vperm.xlane v19, v11;
	v58 =	vld [tilespmem:s8+$0x60];
	[tilespmem:s8+$0xFFFFFFE0] =	vst v52;
	v17 =	vmul.f32 v17, v53  }
0x16e: {  	v59 =	vperm.xlane v19, v12;
	v60 =	vld [tilespmem:s8+$0x70];
	[tilespmem:s8+$0xFFFFFFF0] =	vst v16;
	v16 =	vmul.f32 v49, v55  }
0x16f: {  	v61 =	vperm.xlane v19, v13;
	[tilespmem:s8+$0x0] =	vst v17;
	v17 =	vmul.f32 v51, v57  }
0x170: {  	v62 =	vperm.xlane v19, v14;
	[tilespmem:s8+$0x10] =	vst v16;
	v16 =	vmul.f32 v54, v59  }
0x171: {  	v63 =	vperm.xlane v19, v15;
	[tilespmem:s8+$0x30] =	vst v17;
	v17 =	vmul.f32 v56, v61  }
0x172: {  	s9 =	smul.u32 $0x1400, s31;
	s31 =	sadd.s32 $0x1, s31;
	[tilespmem:s8+$0x40] =	vst v16;
	v16 =	vmul.f32 v58, v62  }
0x173: {  	p2 =	sne.s32 s31, $0x19;
	[tilespmem:s8+$0x50] =	vst v17;
	v17 =	vmul.f32 v60, v63  }
.Ltmp3:
0x174: {  	s10 =	sadd.s32 $0x55F0, s7;
	s9 =	sshra.s32 s9, $0x2;
	[tilespmem:s8+$0x60] =	vst v16;
	(pc) =	sbr.rel @p2 .LBB2_6-.Ltmp3, $4  }
0x175: {  	s11 =	sadd.s32 $0xA410, s7;
	s26 =	sadd.s32 $0x50, s26;
	s9 =	sadd.s32 $0x128E0, s9;
	[tilespmem:s8+$0x70] =	vst v17  }
0x176: {  	[spmem:s2] =	stream.indirect.scatter.add.f32 [tilespmem:s9], [sflag:$0x5], $0x10, s10, s22, $0xb8;
	[tilespmem:$0x1D1E8] =	vst v63  }
0x177: {  	s17 =	sadd.s32 $0x50, s17;
	s5 =	sadd.s32 $0x50, s5;
	s6 =	sadd.s32 $0x500, s6  }
0x178: {  	[spmem:s3] =	stream.indirect.scatter.add.f32 [tilespmem:s11], [sflag:$0x5], $0x1, s10, s22, $0xb8;
	[tilespmem:$0x1D1E8] =	vst v63  }
0x179: {  	_ =	swait.ge [sflag:s29], $0x7D00  }
0x17a: {  	[sflag:s29] =	ssyncset.done $0x0  }
0x17b: {  	[sflag:s29] =	ssyncadd.s32 $0xFFFF8300  }
0x17c: {  	_ =	swait.ge [sflag:s29], $0x7D0  }
0x17d: {  	[sflag:s29] =	ssyncset.done $0x0  }
0x17e: {  	s5 =	simm.s32 $0x128E0;
	s6 =	simm.s32 $0x8CA0;
	[sflag:s29] =	ssyncadd.s32 $0xFFFFF830  }
0x17f: {  	[tilespmem:s5], [sflag:$0x3] =	stream.indirect.gather [hbm4b:s0+s22], $0x10, s6, s22, $0xb8;
	[tilespmem:$0x1D1E8] =	vst v63  }
0x180: {  	s7 =	simm.s32 $0x8CF0;
	s6 =	simm.s32 $0x12DE0  }
0x181: {  	[tilespmem:s6], [sflag:$0x3] =	stream.indirect.gather [hbm4b:s0+s22], $0x10, s7, s22, $0xb8;
	[tilespmem:$0x1D1E8] =	vst v63  }
0x182: {  	s8 =	simm.s32 $0x132E0;
	s9 =	simm.s32 $0x8D40  }
0x183: {  	[tilespmem:s8], [sflag:$0x3] =	stream.indirect.gather [hbm4b:s0+s22], $0x10, s9, s22, $0xb8;
	[tilespmem:$0x1D1E8] =	vst v63  }
0x184: {  	s10 =	simm.s32 $0x137E0;
	s11 =	simm.s32 $0x8D90  }
0x185: {  	[tilespmem:s10], [sflag:$0x3] =	stream.indirect.gather [hbm4b:s0+s22], $0x10, s11, s22, $0xb8;
	[tilespmem:$0x1D1E8] =	vst v63  }
0x186: {  	s17 =	simm.s32 $0x13CE0;
	s26 =	simm.s32 $0x8DE0  }
0x187: {  	[tilespmem:s17], [sflag:$0x3] =	stream.indirect.gather [hbm4b:s0+s22], $0x10, s26, s22, $0xb8;
	[tilespmem:$0x1D1E8] =	vst v63  }
0x188: {  	s6 =	simm.s32 $0x141E0;
	s7 =	simm.s32 $0x8E30  }
0x189: {  	[tilespmem:s6], [sflag:$0x3] =	stream.indirect.gather [hbm4b:s0+s22], $0x10, s7, s22, $0xb8;
	[tilespmem:$0x1D1E8] =	vst v63  }
0x18a: {  	s8 =	simm.s32 $0x146E0;
	s9 =	simm.s32 $0x8E80  }
0x18b: {  	[tilespmem:s8], [sflag:$0x3] =	stream.indirect.gather [hbm4b:s0+s22], $0x10, s9, s22, $0xb8;
	[tilespmem:$0x1D1E8] =	vst v63  }
0x18c: {  	s10 =	simm.s32 $0x14BE0;
	s11 =	simm.s32 $0x8ED0  }
0x18d: {  	[tilespmem:s10], [sflag:$0x3] =	stream.indirect.gather [hbm4b:s0+s22], $0x10, s11, s22, $0xb8;
	[tilespmem:$0x1D1E8] =	vst v63  }
0x18e: {  	s17 =	simm.s32 $0x150E0;
	s26 =	simm.s32 $0x8F20  }
0x18f: {  	[tilespmem:s17], [sflag:$0x3] =	stream.indirect.gather [hbm4b:s0+s22], $0x10, s26, s22, $0xb8;
	[tilespmem:$0x1D1E8] =	vst v63  }
0x190: {  	s6 =	simm.s32 $0x155E0;
	s7 =	simm.s32 $0x8F70  }
0x191: {  	[tilespmem:s6], [sflag:$0x3] =	stream.indirect.gather [hbm4b:s0+s22], $0x10, s7, s22, $0xb8;
	[tilespmem:$0x1D1E8] =	vst v63  }
0x192: {  	s8 =	simm.s32 $0x15AE0;
	s9 =	simm.s32 $0x8FC0  }
0x193: {  	[tilespmem:s8], [sflag:$0x3] =	stream.indirect.gather [hbm4b:s0+s22], $0x10, s9, s22, $0xb8;
	[tilespmem:$0x1D1E8] =	vst v63  }
0x194: {  	s10 =	simm.s32 $0x15FE0;
	s11 =	simm.s32 $0x9010  }
0x195: {  	[tilespmem:s10], [sflag:$0x3] =	stream.indirect.gather [hbm4b:s0+s22], $0x10, s11, s22, $0xb8;
	[tilespmem:$0x1D1E8] =	vst v63  }
0x196: {  	s17 =	simm.s32 $0x164E0;
	s26 =	simm.s32 $0x9060  }
0x197: {  	[tilespmem:s17], [sflag:$0x3] =	stream.indirect.gather [hbm4b:s0+s22], $0x10, s26, s22, $0xb8;
	[tilespmem:$0x1D1E8] =	vst v63  }
0x198: {  	s6 =	simm.s32 $0x169E0;
	s7 =	simm.s32 $0x90B0  }
0x199: {  	[tilespmem:s6], [sflag:$0x3] =	stream.indirect.gather [hbm4b:s0+s22], $0x10, s7, s22, $0xb8;
	[tilespmem:$0x1D1E8] =	vst v63  }
0x19a: {  	s8 =	simm.s32 $0x16EE0;
	s9 =	simm.s32 $0x9100  }
0x19b: {  	[tilespmem:s8], [sflag:$0x3] =	stream.indirect.gather [hbm4b:s0+s22], $0x10, s9, s22, $0xb8;
	[tilespmem:$0x1D1E8] =	vst v63  }
0x19c: {  	s10 =	simm.s32 $0x173E0;
	s11 =	simm.s32 $0x9150  }
0x19d: {  	[tilespmem:s10], [sflag:$0x3] =	stream.indirect.gather [hbm4b:s0+s22], $0x10, s11, s22, $0xb8;
	[tilespmem:$0x1D1E8] =	vst v63  }
0x19e: {  	s17 =	simm.s32 $0x178E0;
	s26 =	simm.s32 $0x91A0  }
0x19f: {  	[tilespmem:s17], [sflag:$0x3] =	stream.indirect.gather [hbm4b:s0+s22], $0x10, s26, s22, $0xb8;
	[tilespmem:$0x1D1E8] =	vst v63  }
0x1a0: {  	s6 =	simm.s32 $0x17DE0;
	s7 =	simm.s32 $0x91F0  }
0x1a1: {  	[tilespmem:s6], [sflag:$0x3] =	stream.indirect.gather [hbm4b:s0+s22], $0x10, s7, s22, $0xb8;
	[tilespmem:$0x1D1E8] =	vst v63  }
0x1a2: {  	s8 =	simm.s32 $0x182E0;
	s9 =	simm.s32 $0x9240  }
0x1a3: {  	[tilespmem:s8], [sflag:$0x3] =	stream.indirect.gather [hbm4b:s0+s22], $0x10, s9, s22, $0xb8;
	[tilespmem:$0x1D1E8] =	vst v63  }
0x1a4: {  	s10 =	simm.s32 $0x187E0;
	s11 =	simm.s32 $0x9290  }
0x1a5: {  	[tilespmem:s10], [sflag:$0x3] =	stream.indirect.gather [hbm4b:s0+s22], $0x10, s11, s22, $0xb8;
	[tilespmem:$0x1D1E8] =	vst v63  }
0x1a6: {  	s17 =	simm.s32 $0x18CE0;
	s26 =	simm.s32 $0x92E0  }
0x1a7: {  	[tilespmem:s17], [sflag:$0x3] =	stream.indirect.gather [hbm4b:s0+s22], $0x10, s26, s22, $0xb8;
	[tilespmem:$0x1D1E8] =	vst v63  }
0x1a8: {  	s6 =	simm.s32 $0x191E0;
	s7 =	simm.s32 $0x9330  }
0x1a9: {  	[tilespmem:s6], [sflag:$0x3] =	stream.indirect.gather [hbm4b:s0+s22], $0x10, s7, s22, $0xb8;
	[tilespmem:$0x1D1E8] =	vst v63  }
0x1aa: {  	s8 =	simm.s32 $0x196E0;
	s9 =	simm.s32 $0x9380  }
0x1ab: {  	[tilespmem:s8], [sflag:$0x3] =	stream.indirect.gather [hbm4b:s0+s22], $0x10, s9, s22, $0xb8;
	[tilespmem:$0x1D1E8] =	vst v63  }
0x1ac: {  	s10 =	simm.s32 $0x19BE0;
	s11 =	simm.s32 $0x93D0  }
0x1ad: {  	[tilespmem:s10], [sflag:$0x3] =	stream.indirect.gather [hbm4b:s0+s22], $0x10, s11, s22, $0xb8;
	[tilespmem:$0x1D1E8] =	vst v63  }
0x1ae: {  	s17 =	simm.s32 $0x1A0E0;
	s26 =	simm.s32 $0x9420  }
0x1af: {  	[tilespmem:s17], [sflag:$0x3] =	stream.indirect.gather [hbm4b:s0+s22], $0x10, s26, s22, $0xb8;
	[tilespmem:$0x1D1E8] =	vst v63  }
0x1b0: {  	s31 =	simm.s32 $0x0;
	_ =	swait.ge [sflag:s30], $0x7D00  }
0x1b1: {  	s5 =	simm.s32 $0x9C40;
	s6 =	simm.s32 $0xAC60;
	[sflag:s30] =	ssyncset.done $0x0  }
0x1b2: {  	s26 =	simm.s32 $0x84D0;
	s17 =	simm.s32 $0x5DC0;
	[sflag:s30] =	ssyncadd.s32 $0xFFFF8300  }
.LBB2_10:
0x1b3: {  	v16 =	vmov s17  }
0x1b4: {  	v17 =	vmov s26;
	_ =	sdelay $0x2  }
0x1b5: {  	s7 =	simm.s32 $0x0  }
0x1b6: {  	v18 =	vld.idx.msk [tilespmem:v16+s7+$0x0 ss:$0x1], $0xffff  }
0x1b7: {  	v19 =	vld.idx.msk [tilespmem:v17+s7+$0x0 ss:$0x1], $0xffff;
	_ =	sdelay $0x4  }
0x1b8: {  	v18 =	vshll.u32 v18, $0x1;
	v19 =	vshll.u32 v19, $0x1  }
0x1b9: {  	v19 =	vor.u32 $0x1, v19;
	_ =	sdelay $0x3  }
0x1ba: {  	v18 =	vld.idx.msk [tilespmem:v18+s4+$0x0], $0xffff  }
0x1bb: {  	v19 =	vld.idx.msk [tilespmem:v19+s4+$0x0], $0xffff;
	_ =	sdelay $0x4  }
0x1bc: {  	v18 =	vmul.f32 v19, v18;
	_ =	sdelay $0x1  }
0x1bd: {  	v18 =	vadd.f32 $1.000000000e+00, v18;
	_ =	sdelay $0x1  }
0x1be: {  	(erf) = vrcp.f32 v18;
	_ =	sdelay $0x8  }
0x1bf: {  	v18 =	vpop (erf)  }
0x1c0: {  	v18 =	vmul.f32 $1.442695020e+00, v18;
	_ =	sdelay $0x1  }
0x1c1: {  	(erf) = vpow2.f32 v18;
	_ =	sdelay $0x4  }
0x1c2: {  	v18 =	vmov s5;
	_ =	sdelay $0x3  }
0x1c3: {  	v19 =	vpop (erf)  }
0x1c4: {  	[tilespmem:v18+s7+$0x0 ss:$0x1] =	vst.idx.msk $0xffff, v19  }
0x1c5: {  	v24 =	vld [tilespmem:s6+$0x20]  }
0x1c6: {  	v25 =	vld [tilespmem:s6+$0xFFFFFF80]  }
0x1c7: {  	s9 =	simm.s32 $0x40;
	v22 =	vperm.xlane v19, v1;
	v23 =	vld [tilespmem:s6+$0xFFFFFF90]  }
0x1c8: {  	s8 =	smov.u32 s6;
	s10 =	smov.u32 s6;
	s7 =	smul.u32 $0x50, s31;
	v20 =	vperm.xlane v19, v5;
	v26 =	vperm.xlane v19, v10;
	v21 =	vld [tilespmem:s6+$0xFFFFFFA0]  }
.LBB2_11:
0x1c9: {  	p2 =	sne.s32 s9, $0x100  }
0x1ca: {  	v27 =	vld [tilespmem:s8+$0xFFFFFFB0];
	s10 =	sadd.s32 $0x100, s10;
	s11 =	smov.u32 s9;
	s9 =	sadd.s32 $0x40, s9  }
0x1cb: {  	v28 =	vperm.xlane v19, v0;
	v29 =	vld [tilespmem:s8+$0xFFFFFFC0];
	v24 =	vmul.f32 v24, v26  }
0x1cc: {  	v22 =	vmul.f32 v25, v22;
	v25 =	vperm.xlane v19, v2;
	v26 =	vld [tilespmem:s8+$0xFFFFFFD0]  }
0x1cd: {  	v23 =	vmul.f32 v23, v28;
	v28 =	vperm.xlane v19, v3;
	v30 =	vld [tilespmem:s8+$0xFFFFFFE0];
	[tilespmem:s8+$0x20] =	vst v24  }
0x1ce: {  	[tilespmem:s8+$0xFFFFFF80] =	vst v22;
	v21 =	vmul.f32 v21, v25;
	v22 =	vperm.xlane v19, v4;
	v24 =	vld [tilespmem:s8+$0xFFFFFFF0]  }
0x1cf: {  	[tilespmem:s8+$0xFFFFFF90] =	vst v23;
	v23 =	vmul.f32 v27, v28;
	v25 =	vld [tilespmem:s8+$0x0]  }
0x1d0: {  	[tilespmem:s8+$0xFFFFFFA0] =	vst v21;
	v21 =	vmul.f32 v29, v22;
	v22 =	vperm.xlane v19, v6;
	v27 =	vld [tilespmem:s8+$0x10]  }
0x1d1: {  	[tilespmem:s8+$0xFFFFFFB0] =	vst v23;
	v20 =	vmul.f32 v26, v20;
	v23 =	vperm.xlane v19, v7;
	v26 =	vld [tilespmem:s8+$0x30]  }
0x1d2: {  	[tilespmem:s8+$0xFFFFFFC0] =	vst v21;
	v21 =	vmul.f32 v30, v22;
	v22 =	vperm.xlane v19, v8;
	v28 =	vld [tilespmem:s8+$0x40]  }
0x1d3: {  	[tilespmem:s8+$0xFFFFFFD0] =	vst v20;
	v20 =	vmul.f32 v24, v23;
	v23 =	vperm.xlane v19, v9;
	v24 =	vld [tilespmem:s8+$0x50]  }
0x1d4: {  	[tilespmem:s8+$0xFFFFFFE0] =	vst v21;
	v21 =	vmul.f32 v25, v22;
	v22 =	vperm.xlane v19, v11;
	v25 =	vld [tilespmem:s8+$0x60]  }
0x1d5: {  	[tilespmem:s8+$0xFFFFFFF0] =	vst v20;
	v20 =	vmul.f32 v27, v23;
	v23 =	vperm.xlane v19, v12;
	v27 =	vld [tilespmem:s8+$0x70]  }
0x1d6: {  	[tilespmem:s8+$0x0] =	vst v21;
	v21 =	vmul.f32 v26, v22;
	v22 =	vperm.xlane v19, v13  }
0x1d7: {  	[tilespmem:s8+$0x10] =	vst v20;
	v20 =	vmul.f32 v28, v23;
	v23 =	vperm.xlane v19, v14  }
0x1d8: {  	v19 =	vperm.xlane v19, v15;
	[tilespmem:s8+$0x30] =	vst v21;
	v21 =	vmul.f32 v24, v22  }
0x1d9: {  	[tilespmem:s8+$0x40] =	vst v20;
	v20 =	vmul.f32 v25, v23  }
0x1da: {  	s11 =	sshra.s32 s11, $0x2;
	[tilespmem:s8+$0x50] =	vst v21;
	v19 =	vmul.f32 v27, v19  }
0x1db: {  	[tilespmem:s8+$0x60] =	vst v20  }
0x1dc: {  	[tilespmem:s8+$0x70] =	vst v19;
	s8 =	smov.u32 s10  }
0x1dd: {  	v19 =	vld.idx.msk [tilespmem:v16+s11+$0x0 ss:$0x1], $0xffff  }
0x1de: {  	v20 =	vld.idx.msk [tilespmem:v17+s11+$0x0 ss:$0x1], $0xffff;
	_ =	sdelay $0x4  }
0x1df: {  	v19 =	vshll.u32 v19, $0x1  }
0x1e0: {  	v20 =	vshll.u32 v20, $0x1  }
0x1e1: {  	v20 =	vor.u32 $0x1, v20;
	_ =	sdelay $0x2  }
0x1e2: {  	v19 =	vld.idx.msk [tilespmem:v19+s4+$0x0], $0xffff;
	_ =	sdelay $0x1  }
0x1e3: {  	v20 =	vld.idx.msk [tilespmem:v20+s4+$0x0], $0xffff;
	_ =	sdelay $0x5  }
0x1e4: {  	v19 =	vmul.f32 v20, v19;
	_ =	sdelay $0x1  }
0x1e5: {  	v19 =	vadd.f32 $1.000000000e+00, v19;
	_ =	sdelay $0x1  }
0x1e6: {  	(erf) = vrcp.f32 v19;
	_ =	sdelay $0x8  }
0x1e7: {  	v19 =	vpop (erf)  }
0x1e8: {  	v19 =	vmul.f32 $1.442695020e+00, v19;
	_ =	sdelay $0x1  }
0x1e9: {  	(erf) = vpow2.f32 v19;
	_ =	sdelay $0x8  }
0x1ea: {  	v19 =	vpop (erf)  }
.Ltmp4:
0x1eb: {  	[tilespmem:v18+s11+$0x0 ss:$0x1] =	vst.idx.msk $0xffff, v19;
	v22 =	vperm.xlane v19, v1;
	v20 =	vperm.xlane v19, v5;
	(pc) =	sbr.rel @p2 .LBB2_11-.Ltmp4, $4  }
0x1ec: {  	v24 =	vld [tilespmem:s10+$0x20]  }
0x1ed: {  	v25 =	vld [tilespmem:s10+$0xFFFFFF80]  }
0x1ee: {  	v23 =	vld [tilespmem:s10+$0xFFFFFF90]  }
0x1ef: {  	v26 =	vperm.xlane v19, v10;
	v21 =	vld [tilespmem:s10+$0xFFFFFFA0]  }
0x1f0: {  	v16 =	vld [tilespmem:s8+$0xFFFFFFB0]  }
0x1f1: {  	v17 =	vperm.xlane v19, v0;
	v18 =	vld [tilespmem:s8+$0xFFFFFFC0];
	v24 =	vmul.f32 v24, v26  }
0x1f2: {  	v43 =	vperm.xlane v19, v2;
	v44 =	vld [tilespmem:s8+$0xFFFFFFD0];
	v22 =	vmul.f32 v25, v22  }
0x1f3: {  	v45 =	vperm.xlane v19, v3;
	v27 =	vld [tilespmem:s8+$0xFFFFFFE0];
	v17 =	vmul.f32 v23, v17;
	[tilespmem:s8+$0x20] =	vst v24  }
0x1f4: {  	v46 =	vperm.xlane v19, v4;
	v47 =	vld [tilespmem:s8+$0xFFFFFFF0];
	[tilespmem:s8+$0xFFFFFF80] =	vst v22;
	v21 =	vmul.f32 v21, v43  }
0x1f5: {  	[tilespmem:s8+$0xFFFFFF90] =	vst v17;
	v16 =	vmul.f32 v16, v45;
	v17 =	vld [tilespmem:s8+$0x0]  }
0x1f6: {  	v48 =	vperm.xlane v19, v6;
	v49 =	vld [tilespmem:s8+$0x10];
	v18 =	vmul.f32 v18, v46;
	[tilespmem:s8+$0xFFFFFFA0] =	vst v21  }
0x1f7: {  	v50 =	vperm.xlane v19, v7;
	v51 =	vld [tilespmem:s8+$0x30];
	[tilespmem:s8+$0xFFFFFFB0] =	vst v16;
	v16 =	vmul.f32 v44, v20  }
0x1f8: {  	v53 =	vperm.xlane v19, v8;
	v54 =	vld [tilespmem:s8+$0x40];
	v52 =	vmul.f32 v27, v48;
	[tilespmem:s8+$0xFFFFFFC0] =	vst v18  }
0x1f9: {  	v55 =	vperm.xlane v19, v9;
	v56 =	vld [tilespmem:s8+$0x50];
	[tilespmem:s8+$0xFFFFFFD0] =	vst v16;
	v16 =	vmul.f32 v47, v50  }
0x1fa: {  	v57 =	vperm.xlane v19, v11;
	v58 =	vld [tilespmem:s8+$0x60];
	[tilespmem:s8+$0xFFFFFFE0] =	vst v52;
	v17 =	vmul.f32 v17, v53  }
0x1fb: {  	v59 =	vperm.xlane v19, v12;
	v60 =	vld [tilespmem:s8+$0x70];
	[tilespmem:s8+$0xFFFFFFF0] =	vst v16;
	v16 =	vmul.f32 v49, v55  }
0x1fc: {  	v61 =	vperm.xlane v19, v13;
	[tilespmem:s8+$0x0] =	vst v17;
	v17 =	vmul.f32 v51, v57  }
0x1fd: {  	v62 =	vperm.xlane v19, v14;
	[tilespmem:s8+$0x10] =	vst v16;
	v16 =	vmul.f32 v54, v59  }
0x1fe: {  	v63 =	vperm.xlane v19, v15;
	[tilespmem:s8+$0x30] =	vst v17;
	v17 =	vmul.f32 v56, v61  }
0x1ff: {  	s9 =	smul.u32 $0x1400, s31;
	s31 =	sadd.s32 $0x1, s31;
	[tilespmem:s8+$0x40] =	vst v16;
	v16 =	vmul.f32 v58, v62  }
0x200: {  	p2 =	sne.s32 s31, $0x19;
	[tilespmem:s8+$0x50] =	vst v17;
	v17 =	vmul.f32 v60, v63  }
.Ltmp5:
0x201: {  	s10 =	sadd.s32 $0x5DC0, s7;
	s9 =	sshra.s32 s9, $0x2;
	[tilespmem:s8+$0x60] =	vst v16;
	(pc) =	sbr.rel @p2 .LBB2_10-.Ltmp5, $4  }
0x202: {  	s11 =	sadd.s32 $0x9C40, s7;
	s26 =	sadd.s32 $0x50, s26;
	s9 =	sadd.s32 $0xABE0, s9;
	[tilespmem:s8+$0x70] =	vst v17  }
0x203: {  	[spmem:s2] =	stream.indirect.scatter.add.f32 [tilespmem:s9], [sflag:$0x4], $0x10, s10, s22, $0xb8;
	[tilespmem:$0x1D1E8] =	vst v63  }
0x204: {  	s17 =	sadd.s32 $0x50, s17;
	s5 =	sadd.s32 $0x50, s5;
	s6 =	sadd.s32 $0x500, s6  }
0x205: {  	[spmem:s3] =	stream.indirect.scatter.add.f32 [tilespmem:s11], [sflag:$0x4], $0x1, s10, s22, $0xb8;
	[tilespmem:$0x1D1E8] =	vst v63  }
0x206: {  	_ =	swait.ge [sflag:s1], $0x7D00  }
0x207: {  	[sflag:s1] =	ssyncset.done $0x0  }
0x208: {  	[sflag:s1] =	ssyncadd.s32 $0xFFFF8300  }
0x209: {  	_ =	swait.ge [sflag:s1], $0x7D0  }
0x20a: {  	[sflag:s1] =	ssyncset.done $0x0  }
0x20b: {  	s5 =	simm.s32 $0x9470;
	[sflag:s1] =	ssyncadd.s32 $0xFFFFF830  }
0x20c: {  	[tilespmem:s23], [sflag:$0x2] =	stream.indirect.gather [hbm4b:s0+s22], $0x10, s5, s22, $0xb8;
	[tilespmem:$0x1D1E8] =	vst v63  }
0x20d: {  	s26 =	simm.s32 $0xB0E0;
	s6 =	simm.s32 $0x94C0  }
0x20e: {  	[tilespmem:s26], [sflag:$0x2] =	stream.indirect.gather [hbm4b:s0+s22], $0x10, s6, s22, $0xb8;
	[tilespmem:$0x1D1E8] =	vst v63  }
0x20f: {  	s7 =	simm.s32 $0x9510;
	s6 =	simm.s32 $0xB5E0  }
0x210: {  	[tilespmem:s6], [sflag:$0x2] =	stream.indirect.gather [hbm4b:s0+s22], $0x10, s7, s22, $0xb8;
	[tilespmem:$0x1D1E8] =	vst v63  }
0x211: {  	s8 =	simm.s32 $0xBAE0;
	s9 =	simm.s32 $0x9560  }
0x212: {  	[tilespmem:s8], [sflag:$0x2] =	stream.indirect.gather [hbm4b:s0+s22], $0x10, s9, s22, $0xb8;
	[tilespmem:$0x1D1E8] =	vst v63  }
0x213: {  	s10 =	simm.s32 $0xBFE0;
	s11 =	simm.s32 $0x95B0  }
0x214: {  	[tilespmem:s10], [sflag:$0x2] =	stream.indirect.gather [hbm4b:s0+s22], $0x10, s11, s22, $0xb8;
	[tilespmem:$0x1D1E8] =	vst v63  }
0x215: {  	s17 =	simm.s32 $0xC4E0;
	s26 =	simm.s32 $0x9600  }
0x216: {  	[tilespmem:s17], [sflag:$0x2] =	stream.indirect.gather [hbm4b:s0+s22], $0x10, s26, s22, $0xb8;
	[tilespmem:$0x1D1E8] =	vst v63  }
0x217: {  	s6 =	simm.s32 $0xC9E0;
	s7 =	simm.s32 $0x9650  }
0x218: {  	[tilespmem:s6], [sflag:$0x2] =	stream.indirect.gather [hbm4b:s0+s22], $0x10, s7, s22, $0xb8;
	[tilespmem:$0x1D1E8] =	vst v63  }
0x219: {  	s8 =	simm.s32 $0xCEE0;
	s9 =	simm.s32 $0x96A0  }
0x21a: {  	[tilespmem:s8], [sflag:$0x2] =	stream.indirect.gather [hbm4b:s0+s22], $0x10, s9, s22, $0xb8;
	[tilespmem:$0x1D1E8] =	vst v63  }
0x21b: {  	s10 =	simm.s32 $0xD3E0;
	s11 =	simm.s32 $0x96F0  }
0x21c: {  	[tilespmem:s10], [sflag:$0x2] =	stream.indirect.gather [hbm4b:s0+s22], $0x10, s11, s22, $0xb8;
	[tilespmem:$0x1D1E8] =	vst v63  }
0x21d: {  	s17 =	simm.s32 $0xD8E0;
	s26 =	simm.s32 $0x9740  }
0x21e: {  	[tilespmem:s17], [sflag:$0x2] =	stream.indirect.gather [hbm4b:s0+s22], $0x10, s26, s22, $0xb8;
	[tilespmem:$0x1D1E8] =	vst v63  }
0x21f: {  	s6 =	simm.s32 $0xDDE0;
	s7 =	simm.s32 $0x9790  }
0x220: {  	[tilespmem:s6], [sflag:$0x2] =	stream.indirect.gather [hbm4b:s0+s22], $0x10, s7, s22, $0xb8;
	[tilespmem:$0x1D1E8] =	vst v63  }
0x221: {  	s8 =	simm.s32 $0xE2E0;
	s9 =	simm.s32 $0x97E0  }
0x222: {  	[tilespmem:s8], [sflag:$0x2] =	stream.indirect.gather [hbm4b:s0+s22], $0x10, s9, s22, $0xb8;
	[tilespmem:$0x1D1E8] =	vst v63  }
0x223: {  	s10 =	simm.s32 $0xE7E0;
	s11 =	simm.s32 $0x9830  }
0x224: {  	[tilespmem:s10], [sflag:$0x2] =	stream.indirect.gather [hbm4b:s0+s22], $0x10, s11, s22, $0xb8;
	[tilespmem:$0x1D1E8] =	vst v63  }
0x225: {  	s17 =	simm.s32 $0xECE0;
	s26 =	simm.s32 $0x9880  }
0x226: {  	[tilespmem:s17], [sflag:$0x2] =	stream.indirect.gather [hbm4b:s0+s22], $0x10, s26, s22, $0xb8;
	[tilespmem:$0x1D1E8] =	vst v63  }
0x227: {  	s6 =	simm.s32 $0xF1E0;
	s7 =	simm.s32 $0x98D0  }
0x228: {  	[tilespmem:s6], [sflag:$0x2] =	stream.indirect.gather [hbm4b:s0+s22], $0x10, s7, s22, $0xb8;
	[tilespmem:$0x1D1E8] =	vst v63  }
0x229: {  	s8 =	simm.s32 $0xF6E0;
	s9 =	simm.s32 $0x9920  }
0x22a: {  	[tilespmem:s8], [sflag:$0x2] =	stream.indirect.gather [hbm4b:s0+s22], $0x10, s9, s22, $0xb8;
	[tilespmem:$0x1D1E8] =	vst v63  }
0x22b: {  	s10 =	simm.s32 $0xFBE0;
	s11 =	simm.s32 $0x9970  }
0x22c: {  	[tilespmem:s10], [sflag:$0x2] =	stream.indirect.gather [hbm4b:s0+s22], $0x10, s11, s22, $0xb8;
	[tilespmem:$0x1D1E8] =	vst v63  }
0x22d: {  	s17 =	simm.s32 $0x100E0;
	s26 =	simm.s32 $0x99C0  }
0x22e: {  	[tilespmem:s17], [sflag:$0x2] =	stream.indirect.gather [hbm4b:s0+s22], $0x10, s26, s22, $0xb8;
	[tilespmem:$0x1D1E8] =	vst v63  }
0x22f: {  	s7 =	simm.s32 $0x9A10  }
0x230: {  	[tilespmem:s12], [sflag:$0x2] =	stream.indirect.gather [hbm4b:s0+s22], $0x10, s7, s22, $0xb8;
	[tilespmem:$0x1D1E8] =	vst v63  }
0x231: {  	s8 =	simm.s32 $0x9A60  }
0x232: {  	[tilespmem:s13], [sflag:$0x2] =	stream.indirect.gather [hbm4b:s0+s22], $0x10, s8, s22, $0xb8;
	[tilespmem:$0x1D1E8] =	vst v63  }
0x233: {  	s9 =	simm.s32 $0x9AB0  }
0x234: {  	[tilespmem:s14], [sflag:$0x2] =	stream.indirect.gather [hbm4b:s0+s22], $0x10, s9, s22, $0xb8;
	[tilespmem:$0x1D1E8] =	vst v63  }
0x235: {  	s10 =	simm.s32 $0x9B00  }
0x236: {  	[tilespmem:s15], [sflag:$0x2] =	stream.indirect.gather [hbm4b:s0+s22], $0x10, s10, s22, $0xb8;
	[tilespmem:$0x1D1E8] =	vst v63  }
0x237: {  	s11 =	simm.s32 $0x9B50  }
0x238: {  	[tilespmem:s19], [sflag:$0x2] =	stream.indirect.gather [hbm4b:s0+s22], $0x10, s11, s22, $0xb8;
	[tilespmem:$0x1D1E8] =	vst v63  }
0x239: {  	s17 =	simm.s32 $0x9BA0  }
0x23a: {  	[tilespmem:s25], [sflag:$0x2] =	stream.indirect.gather [hbm4b:s0+s22], $0x10, s17, s22, $0xb8;
	[tilespmem:$0x1D1E8] =	vst v63  }
0x23b: {  	s26 =	simm.s32 $0x9BF0  }
0x23c: {  	[tilespmem:s28], [sflag:$0x2] =	stream.indirect.gather [hbm4b:s0+s22], $0x10, s26, s22, $0xb8;
	[tilespmem:$0x1D1E8] =	vst v63  }
0x23d: {  	s31 =	simm.s32 $0x0;
	_ =	swait.ge [sflag:s24], $0x7D00  }
0x23e: {  	s5 =	simm.s32 $0xA410;
	s6 =	simm.s32 $0x12960;
	[sflag:s24] =	ssyncset.done $0x0  }
0x23f: {  	s17 =	simm.s32 $0x6590;
	s26 =	simm.s32 $0x8CA0;
	[sflag:s24] =	ssyncadd.s32 $0xFFFF8300  }
.LBB2_14:
0x240: {  	v16 =	vmov s17  }
0x241: {  	v17 =	vmov s26;
	_ =	sdelay $0x2  }
0x242: {  	s7 =	simm.s32 $0x0  }
0x243: {  	v18 =	vld.idx.msk [tilespmem:v16+s7+$0x0 ss:$0x1], $0xffff  }
0x244: {  	v19 =	vld.idx.msk [tilespmem:v17+s7+$0x0 ss:$0x1], $0xffff;
	_ =	sdelay $0x4  }
0x245: {  	v18 =	vshll.u32 v18, $0x1;
	v19 =	vshll.u32 v19, $0x1  }
0x246: {  	v19 =	vor.u32 $0x1, v19;
	_ =	sdelay $0x3  }
0x247: {  	v18 =	vld.idx.msk [tilespmem:v18+s4+$0x0], $0xffff  }
0x248: {  	v19 =	vld.idx.msk [tilespmem:v19+s4+$0x0], $0xffff;
	_ =	sdelay $0x4  }
0x249: {  	v18 =	vmul.f32 v19, v18;
	_ =	sdelay $0x1  }
0x24a: {  	v18 =	vadd.f32 $1.000000000e+00, v18;
	_ =	sdelay $0x1  }
0x24b: {  	(erf) = vrcp.f32 v18;
	_ =	sdelay $0x8  }
0x24c: {  	v18 =	vpop (erf)  }
0x24d: {  	v18 =	vmul.f32 $1.442695020e+00, v18;
	_ =	sdelay $0x1  }
0x24e: {  	(erf) = vpow2.f32 v18;
	_ =	sdelay $0x4  }
0x24f: {  	v18 =	vmov s5;
	_ =	sdelay $0x3  }
0x250: {  	v19 =	vpop (erf)  }
0x251: {  	[tilespmem:v18+s7+$0x0 ss:$0x1] =	vst.idx.msk $0xffff, v19  }
0x252: {  	v24 =	vld [tilespmem:s6+$0x20]  }
0x253: {  	v25 =	vld [tilespmem:s6+$0xFFFFFF80]  }
0x254: {  	s9 =	simm.s32 $0x40;
	v22 =	vperm.xlane v19, v1;
	v23 =	vld [tilespmem:s6+$0xFFFFFF90]  }
0x255: {  	s8 =	smov.u32 s6;
	s10 =	smov.u32 s6;
	s7 =	smul.u32 $0x50, s31;
	v20 =	vperm.xlane v19, v5;
	v26 =	vperm.xlane v19, v10;
	v21 =	vld [tilespmem:s6+$0xFFFFFFA0]  }
.LBB2_15:
0x256: {  	p2 =	sne.s32 s9, $0x100  }
0x257: {  	v27 =	vld [tilespmem:s8+$0xFFFFFFB0];
	s10 =	sadd.s32 $0x100, s10;
	s11 =	smov.u32 s9;
	s9 =	sadd.s32 $0x40, s9  }
0x258: {  	v28 =	vperm.xlane v19, v0;
	v29 =	vld [tilespmem:s8+$0xFFFFFFC0];
	v24 =	vmul.f32 v24, v26  }
0x259: {  	v22 =	vmul.f32 v25, v22;
	v25 =	vperm.xlane v19, v2;
	v26 =	vld [tilespmem:s8+$0xFFFFFFD0]  }
0x25a: {  	v23 =	vmul.f32 v23, v28;
	v28 =	vperm.xlane v19, v3;
	v30 =	vld [tilespmem:s8+$0xFFFFFFE0];
	[tilespmem:s8+$0x20] =	vst v24  }
0x25b: {  	[tilespmem:s8+$0xFFFFFF80] =	vst v22;
	v21 =	vmul.f32 v21, v25;
	v22 =	vperm.xlane v19, v4;
	v24 =	vld [tilespmem:s8+$0xFFFFFFF0]  }
0x25c: {  	[tilespmem:s8+$0xFFFFFF90] =	vst v23;
	v23 =	vmul.f32 v27, v28;
	v25 =	vld [tilespmem:s8+$0x0]  }
0x25d: {  	[tilespmem:s8+$0xFFFFFFA0] =	vst v21;
	v21 =	vmul.f32 v29, v22;
	v22 =	vperm.xlane v19, v6;
	v27 =	vld [tilespmem:s8+$0x10]  }
0x25e: {  	[tilespmem:s8+$0xFFFFFFB0] =	vst v23;
	v20 =	vmul.f32 v26, v20;
	v23 =	vperm.xlane v19, v7;
	v26 =	vld [tilespmem:s8+$0x30]  }
0x25f: {  	[tilespmem:s8+$0xFFFFFFC0] =	vst v21;
	v21 =	vmul.f32 v30, v22;
	v22 =	vperm.xlane v19, v8;
	v28 =	vld [tilespmem:s8+$0x40]  }
0x260: {  	[tilespmem:s8+$0xFFFFFFD0] =	vst v20;
	v20 =	vmul.f32 v24, v23;
	v23 =	vperm.xlane v19, v9;
	v24 =	vld [tilespmem:s8+$0x50]  }
0x261: {  	[tilespmem:s8+$0xFFFFFFE0] =	vst v21;
	v21 =	vmul.f32 v25, v22;
	v22 =	vperm.xlane v19, v11;
	v25 =	vld [tilespmem:s8+$0x60]  }
0x262: {  	[tilespmem:s8+$0xFFFFFFF0] =	vst v20;
	v20 =	vmul.f32 v27, v23;
	v23 =	vperm.xlane v19, v12;
	v27 =	vld [tilespmem:s8+$0x70]  }
0x263: {  	[tilespmem:s8+$0x0] =	vst v21;
	v21 =	vmul.f32 v26, v22;
	v22 =	vperm.xlane v19, v13  }
0x264: {  	[tilespmem:s8+$0x10] =	vst v20;
	v20 =	vmul.f32 v28, v23;
	v23 =	vperm.xlane v19, v14  }
0x265: {  	v19 =	vperm.xlane v19, v15;
	[tilespmem:s8+$0x30] =	vst v21;
	v21 =	vmul.f32 v24, v22  }
0x266: {  	[tilespmem:s8+$0x40] =	vst v20;
	v20 =	vmul.f32 v25, v23  }
0x267: {  	s11 =	sshra.s32 s11, $0x2;
	[tilespmem:s8+$0x50] =	vst v21;
	v19 =	vmul.f32 v27, v19  }
0x268: {  	[tilespmem:s8+$0x60] =	vst v20  }
0x269: {  	[tilespmem:s8+$0x70] =	vst v19;
	s8 =	smov.u32 s10  }
0x26a: {  	v19 =	vld.idx.msk [tilespmem:v16+s11+$0x0 ss:$0x1], $0xffff  }
0x26b: {  	v20 =	vld.idx.msk [tilespmem:v17+s11+$0x0 ss:$0x1], $0xffff;
	_ =	sdelay $0x4  }
0x26c: {  	v19 =	vshll.u32 v19, $0x1  }
0x26d: {  	v20 =	vshll.u32 v20, $0x1  }
0x26e: {  	v20 =	vor.u32 $0x1, v20;
	_ =	sdelay $0x2  }
0x26f: {  	v19 =	vld.idx.msk [tilespmem:v19+s4+$0x0], $0xffff;
	_ =	sdelay $0x1  }
0x270: {  	v20 =	vld.idx.msk [tilespmem:v20+s4+$0x0], $0xffff;
	_ =	sdelay $0x5  }
0x271: {  	v19 =	vmul.f32 v20, v19;
	_ =	sdelay $0x1  }
0x272: {  	v19 =	vadd.f32 $1.000000000e+00, v19;
	_ =	sdelay $0x1  }
0x273: {  	(erf) = vrcp.f32 v19;
	_ =	sdelay $0x8  }
0x274: {  	v19 =	vpop (erf)  }
0x275: {  	v19 =	vmul.f32 $1.442695020e+00, v19;
	_ =	sdelay $0x1  }
0x276: {  	(erf) = vpow2.f32 v19;
	_ =	sdelay $0x8  }
0x277: {  	v19 =	vpop (erf)  }
.Ltmp6:
0x278: {  	[tilespmem:v18+s11+$0x0 ss:$0x1] =	vst.idx.msk $0xffff, v19;
	v22 =	vperm.xlane v19, v1;
	v20 =	vperm.xlane v19, v5;
	(pc) =	sbr.rel @p2 .LBB2_15-.Ltmp6, $4  }
0x279: {  	v24 =	vld [tilespmem:s10+$0x20]  }
0x27a: {  	v25 =	vld [tilespmem:s10+$0xFFFFFF80]  }
0x27b: {  	v23 =	vld [tilespmem:s10+$0xFFFFFF90]  }
0x27c: {  	v26 =	vperm.xlane v19, v10;
	v21 =	vld [tilespmem:s10+$0xFFFFFFA0]  }
0x27d: {  	v16 =	vld [tilespmem:s8+$0xFFFFFFB0]  }
0x27e: {  	v17 =	vperm.xlane v19, v0;
	v18 =	vld [tilespmem:s8+$0xFFFFFFC0];
	v24 =	vmul.f32 v24, v26  }
0x27f: {  	v43 =	vperm.xlane v19, v2;
	v44 =	vld [tilespmem:s8+$0xFFFFFFD0];
	v22 =	vmul.f32 v25, v22  }
0x280: {  	v45 =	vperm.xlane v19, v3;
	v27 =	vld [tilespmem:s8+$0xFFFFFFE0];
	v17 =	vmul.f32 v23, v17;
	[tilespmem:s8+$0x20] =	vst v24  }
0x281: {  	v46 =	vperm.xlane v19, v4;
	v47 =	vld [tilespmem:s8+$0xFFFFFFF0];
	[tilespmem:s8+$0xFFFFFF80] =	vst v22;
	v21 =	vmul.f32 v21, v43  }
0x282: {  	[tilespmem:s8+$0xFFFFFF90] =	vst v17;
	v16 =	vmul.f32 v16, v45;
	v17 =	vld [tilespmem:s8+$0x0]  }
0x283: {  	v48 =	vperm.xlane v19, v6;
	v49 =	vld [tilespmem:s8+$0x10];
	v18 =	vmul.f32 v18, v46;
	[tilespmem:s8+$0xFFFFFFA0] =	vst v21  }
0x284: {  	v50 =	vperm.xlane v19, v7;
	v51 =	vld [tilespmem:s8+$0x30];
	[tilespmem:s8+$0xFFFFFFB0] =	vst v16;
	v16 =	vmul.f32 v44, v20  }
0x285: {  	v53 =	vperm.xlane v19, v8;
	v54 =	vld [tilespmem:s8+$0x40];
	v52 =	vmul.f32 v27, v48;
	[tilespmem:s8+$0xFFFFFFC0] =	vst v18  }
0x286: {  	v55 =	vperm.xlane v19, v9;
	v56 =	vld [tilespmem:s8+$0x50];
	[tilespmem:s8+$0xFFFFFFD0] =	vst v16;
	v16 =	vmul.f32 v47, v50  }
0x287: {  	v57 =	vperm.xlane v19, v11;
	v58 =	vld [tilespmem:s8+$0x60];
	[tilespmem:s8+$0xFFFFFFE0] =	vst v52;
	v17 =	vmul.f32 v17, v53  }
0x288: {  	v59 =	vperm.xlane v19, v12;
	v60 =	vld [tilespmem:s8+$0x70];
	[tilespmem:s8+$0xFFFFFFF0] =	vst v16;
	v16 =	vmul.f32 v49, v55  }
0x289: {  	v61 =	vperm.xlane v19, v13;
	[tilespmem:s8+$0x0] =	vst v17;
	v17 =	vmul.f32 v51, v57  }
0x28a: {  	v62 =	vperm.xlane v19, v14;
	[tilespmem:s8+$0x10] =	vst v16;
	v16 =	vmul.f32 v54, v59  }
0x28b: {  	v63 =	vperm.xlane v19, v15;
	[tilespmem:s8+$0x30] =	vst v17;
	v17 =	vmul.f32 v56, v61  }
0x28c: {  	s9 =	smul.u32 $0x1400, s31;
	s31 =	sadd.s32 $0x1, s31;
	[tilespmem:s8+$0x40] =	vst v16;
	v16 =	vmul.f32 v58, v62  }
0x28d: {  	p2 =	sne.s32 s31, $0x19;
	[tilespmem:s8+$0x50] =	vst v17;
	v17 =	vmul.f32 v60, v63  }
.Ltmp7:
0x28e: {  	s10 =	sadd.s32 $0x6590, s7;
	s9 =	sshra.s32 s9, $0x2;
	[tilespmem:s8+$0x60] =	vst v16;
	(pc) =	sbr.rel @p2 .LBB2_14-.Ltmp7, $4  }
0x28f: {  	s11 =	sadd.s32 $0xA410, s7;
	s26 =	sadd.s32 $0x50, s26;
	s9 =	sadd.s32 $0x128E0, s9;
	[tilespmem:s8+$0x70] =	vst v17  }
0x290: {  	[spmem:s2] =	stream.indirect.scatter.add.f32 [tilespmem:s9], [sflag:$0x5], $0x10, s10, s22, $0xb8;
	[tilespmem:$0x1D1E8] =	vst v63  }
0x291: {  	s17 =	sadd.s32 $0x50, s17;
	s5 =	sadd.s32 $0x50, s5;
	s6 =	sadd.s32 $0x500, s6  }
0x292: {  	[spmem:s3] =	stream.indirect.scatter.add.f32 [tilespmem:s11], [sflag:$0x5], $0x1, s10, s22, $0xb8;
	[tilespmem:$0x1D1E8] =	vst v63  }
0x293: {  	_ =	swait.ge [sflag:s29], $0x7D00  }
0x294: {  	[sflag:s29] =	ssyncset.done $0x0  }
0x295: {  	[sflag:s29] =	ssyncadd.s32 $0xFFFF8300  }
0x296: {  	_ =	swait.ge [sflag:s29], $0x7D0  }
0x297: {  	[sflag:s29] =	ssyncset.done $0x0  }
0x298: {  	[sflag:s29] =	ssyncadd.s32 $0xFFFFF830  }
0x299: {  	s31 =	simm.s32 $0x0;
	_ =	swait.ge [sflag:s30], $0x7D00  }
0x29a: {  	s26 =	simm.s32 $0x9470;
	s17 =	simm.s32 $0x6D60;
	[sflag:s30] =	ssyncset.done $0x0  }
0x29b: {  	s5 =	simm.s32 $0x9C40;
	s6 =	simm.s32 $0xAC60;
	[sflag:s30] =	ssyncadd.s32 $0xFFFF8300  }
.LBB2_18:
0x29c: {  	v16 =	vmov s17  }
0x29d: {  	v17 =	vmov s26;
	_ =	sdelay $0x2  }
0x29e: {  	s7 =	simm.s32 $0x0  }
0x29f: {  	v18 =	vld.idx.msk [tilespmem:v16+s7+$0x0 ss:$0x1], $0xffff  }
0x2a0: {  	v19 =	vld.idx.msk [tilespmem:v17+s7+$0x0 ss:$0x1], $0xffff;
	_ =	sdelay $0x4  }
0x2a1: {  	v18 =	vshll.u32 v18, $0x1;
	v19 =	vshll.u32 v19, $0x1  }
0x2a2: {  	v19 =	vor.u32 $0x1, v19;
	_ =	sdelay $0x3  }
0x2a3: {  	v18 =	vld.idx.msk [tilespmem:v18+s4+$0x0], $0xffff  }
0x2a4: {  	v19 =	vld.idx.msk [tilespmem:v19+s4+$0x0], $0xffff;
	_ =	sdelay $0x4  }
0x2a5: {  	v18 =	vmul.f32 v19, v18;
	_ =	sdelay $0x1  }
0x2a6: {  	v18 =	vadd.f32 $1.000000000e+00, v18;
	_ =	sdelay $0x1  }
0x2a7: {  	(erf) = vrcp.f32 v18;
	_ =	sdelay $0x8  }
0x2a8: {  	v18 =	vpop (erf)  }
0x2a9: {  	v18 =	vmul.f32 $1.442695020e+00, v18;
	_ =	sdelay $0x1  }
0x2aa: {  	(erf) = vpow2.f32 v18;
	_ =	sdelay $0x4  }
0x2ab: {  	v18 =	vmov s5;
	_ =	sdelay $0x3  }
0x2ac: {  	v19 =	vpop (erf)  }
0x2ad: {  	[tilespmem:v18+s7+$0x0 ss:$0x1] =	vst.idx.msk $0xffff, v19  }
0x2ae: {  	v24 =	vld [tilespmem:s6+$0x20]  }
0x2af: {  	v25 =	vld [tilespmem:s6+$0xFFFFFF80]  }
0x2b0: {  	s9 =	simm.s32 $0x40;
	v22 =	vperm.xlane v19, v1;
	v23 =	vld [tilespmem:s6+$0xFFFFFF90]  }
0x2b1: {  	s8 =	smov.u32 s6;
	s10 =	smov.u32 s6;
	s7 =	smul.u32 $0x50, s31;
	v20 =	vperm.xlane v19, v5;
	v26 =	vperm.xlane v19, v10;
	v21 =	vld [tilespmem:s6+$0xFFFFFFA0]  }
.LBB2_19:
0x2b2: {  	p2 =	sne.s32 s9, $0x100  }
0x2b3: {  	v27 =	vld [tilespmem:s8+$0xFFFFFFB0];
	s10 =	sadd.s32 $0x100, s10;
	s11 =	smov.u32 s9;
	s9 =	sadd.s32 $0x40, s9  }
0x2b4: {  	v28 =	vperm.xlane v19, v0;
	v29 =	vld [tilespmem:s8+$0xFFFFFFC0];
	v24 =	vmul.f32 v24, v26  }
0x2b5: {  	v22 =	vmul.f32 v25, v22;
	v25 =	vperm.xlane v19, v2;
	v26 =	vld [tilespmem:s8+$0xFFFFFFD0]  }
0x2b6: {  	v23 =	vmul.f32 v23, v28;
	v28 =	vperm.xlane v19, v3;
	v30 =	vld [tilespmem:s8+$0xFFFFFFE0];
	[tilespmem:s8+$0x20] =	vst v24  }
0x2b7: {  	[tilespmem:s8+$0xFFFFFF80] =	vst v22;
	v21 =	vmul.f32 v21, v25;
	v22 =	vperm.xlane v19, v4;
	v24 =	vld [tilespmem:s8+$0xFFFFFFF0]  }
0x2b8: {  	[tilespmem:s8+$0xFFFFFF90] =	vst v23;
	v23 =	vmul.f32 v27, v28;
	v25 =	vld [tilespmem:s8+$0x0]  }
0x2b9: {  	[tilespmem:s8+$0xFFFFFFA0] =	vst v21;
	v21 =	vmul.f32 v29, v22;
	v22 =	vperm.xlane v19, v6;
	v27 =	vld [tilespmem:s8+$0x10]  }
0x2ba: {  	[tilespmem:s8+$0xFFFFFFB0] =	vst v23;
	v20 =	vmul.f32 v26, v20;
	v23 =	vperm.xlane v19, v7;
	v26 =	vld [tilespmem:s8+$0x30]  }
0x2bb: {  	[tilespmem:s8+$0xFFFFFFC0] =	vst v21;
	v21 =	vmul.f32 v30, v22;
	v22 =	vperm.xlane v19, v8;
	v28 =	vld [tilespmem:s8+$0x40]  }
0x2bc: {  	[tilespmem:s8+$0xFFFFFFD0] =	vst v20;
	v20 =	vmul.f32 v24, v23;
	v23 =	vperm.xlane v19, v9;
	v24 =	vld [tilespmem:s8+$0x50]  }
0x2bd: {  	[tilespmem:s8+$0xFFFFFFE0] =	vst v21;
	v21 =	vmul.f32 v25, v22;
	v22 =	vperm.xlane v19, v11;
	v25 =	vld [tilespmem:s8+$0x60]  }
0x2be: {  	[tilespmem:s8+$0xFFFFFFF0] =	vst v20;
	v20 =	vmul.f32 v27, v23;
	v23 =	vperm.xlane v19, v12;
	v27 =	vld [tilespmem:s8+$0x70]  }
0x2bf: {  	[tilespmem:s8+$0x0] =	vst v21;
	v21 =	vmul.f32 v26, v22;
	v22 =	vperm.xlane v19, v13  }
0x2c0: {  	[tilespmem:s8+$0x10] =	vst v20;
	v20 =	vmul.f32 v28, v23;
	v23 =	vperm.xlane v19, v14  }
0x2c1: {  	v19 =	vperm.xlane v19, v15;
	[tilespmem:s8+$0x30] =	vst v21;
	v21 =	vmul.f32 v24, v22  }
0x2c2: {  	[tilespmem:s8+$0x40] =	vst v20;
	v20 =	vmul.f32 v25, v23  }
0x2c3: {  	s11 =	sshra.s32 s11, $0x2;
	[tilespmem:s8+$0x50] =	vst v21;
	v19 =	vmul.f32 v27, v19  }
0x2c4: {  	[tilespmem:s8+$0x60] =	vst v20  }
0x2c5: {  	[tilespmem:s8+$0x70] =	vst v19;
	s8 =	smov.u32 s10  }
0x2c6: {  	v19 =	vld.idx.msk [tilespmem:v16+s11+$0x0 ss:$0x1], $0xffff  }
0x2c7: {  	v20 =	vld.idx.msk [tilespmem:v17+s11+$0x0 ss:$0x1], $0xffff;
	_ =	sdelay $0x4  }
0x2c8: {  	v19 =	vshll.u32 v19, $0x1  }
0x2c9: {  	v20 =	vshll.u32 v20, $0x1  }
0x2ca: {  	v20 =	vor.u32 $0x1, v20;
	_ =	sdelay $0x2  }
0x2cb: {  	v19 =	vld.idx.msk [tilespmem:v19+s4+$0x0], $0xffff;
	_ =	sdelay $0x1  }
0x2cc: {  	v20 =	vld.idx.msk [tilespmem:v20+s4+$0x0], $0xffff;
	_ =	sdelay $0x5  }
0x2cd: {  	v19 =	vmul.f32 v20, v19;
	_ =	sdelay $0x1  }
0x2ce: {  	v19 =	vadd.f32 $1.000000000e+00, v19;
	_ =	sdelay $0x1  }
0x2cf: {  	(erf) = vrcp.f32 v19;
	_ =	sdelay $0x8  }
0x2d0: {  	v19 =	vpop (erf)  }
0x2d1: {  	v19 =	vmul.f32 $1.442695020e+00, v19;
	_ =	sdelay $0x1  }
0x2d2: {  	(erf) = vpow2.f32 v19;
	_ =	sdelay $0x8  }
0x2d3: {  	v19 =	vpop (erf)  }
.Ltmp8:
0x2d4: {  	[tilespmem:v18+s11+$0x0 ss:$0x1] =	vst.idx.msk $0xffff, v19;
	v22 =	vperm.xlane v19, v1;
	v20 =	vperm.xlane v19, v5;
	(pc) =	sbr.rel @p2 .LBB2_19-.Ltmp8, $4  }
0x2d5: {  	v24 =	vld [tilespmem:s10+$0x20]  }
0x2d6: {  	v25 =	vld [tilespmem:s10+$0xFFFFFF80]  }
0x2d7: {  	v23 =	vld [tilespmem:s10+$0xFFFFFF90]  }
0x2d8: {  	v26 =	vperm.xlane v19, v10;
	v21 =	vld [tilespmem:s10+$0xFFFFFFA0]  }
0x2d9: {  	v16 =	vld [tilespmem:s8+$0xFFFFFFB0]  }
0x2da: {  	v17 =	vperm.xlane v19, v0;
	v18 =	vld [tilespmem:s8+$0xFFFFFFC0];
	v24 =	vmul.f32 v24, v26  }
0x2db: {  	v43 =	vperm.xlane v19, v2;
	v44 =	vld [tilespmem:s8+$0xFFFFFFD0];
	v22 =	vmul.f32 v25, v22  }
0x2dc: {  	v45 =	vperm.xlane v19, v3;
	v27 =	vld [tilespmem:s8+$0xFFFFFFE0];
	v17 =	vmul.f32 v23, v17;
	[tilespmem:s8+$0x20] =	vst v24  }
0x2dd: {  	v46 =	vperm.xlane v19, v4;
	v47 =	vld [tilespmem:s8+$0xFFFFFFF0];
	[tilespmem:s8+$0xFFFFFF80] =	vst v22;
	v21 =	vmul.f32 v21, v43  }
0x2de: {  	[tilespmem:s8+$0xFFFFFF90] =	vst v17;
	v16 =	vmul.f32 v16, v45;
	v17 =	vld [tilespmem:s8+$0x0]  }
0x2df: {  	v48 =	vperm.xlane v19, v6;
	v49 =	vld [tilespmem:s8+$0x10];
	v18 =	vmul.f32 v18, v46;
	[tilespmem:s8+$0xFFFFFFA0] =	vst v21  }
0x2e0: {  	v50 =	vperm.xlane v19, v7;
	v51 =	vld [tilespmem:s8+$0x30];
	[tilespmem:s8+$0xFFFFFFB0] =	vst v16;
	v16 =	vmul.f32 v44, v20  }
0x2e1: {  	v53 =	vperm.xlane v19, v8;
	v54 =	vld [tilespmem:s8+$0x40];
	v52 =	vmul.f32 v27, v48;
	[tilespmem:s8+$0xFFFFFFC0] =	vst v18  }
0x2e2: {  	v55 =	vperm.xlane v19, v9;
	v56 =	vld [tilespmem:s8+$0x50];
	[tilespmem:s8+$0xFFFFFFD0] =	vst v16;
	v16 =	vmul.f32 v47, v50  }
0x2e3: {  	v57 =	vperm.xlane v19, v11;
	v58 =	vld [tilespmem:s8+$0x60];
	[tilespmem:s8+$0xFFFFFFE0] =	vst v52;
	v17 =	vmul.f32 v17, v53  }
0x2e4: {  	v59 =	vperm.xlane v19, v12;
	v60 =	vld [tilespmem:s8+$0x70];
	[tilespmem:s8+$0xFFFFFFF0] =	vst v16;
	v16 =	vmul.f32 v49, v55  }
0x2e5: {  	v61 =	vperm.xlane v19, v13;
	[tilespmem:s8+$0x0] =	vst v17;
	v17 =	vmul.f32 v51, v57  }
0x2e6: {  	v62 =	vperm.xlane v19, v14;
	[tilespmem:s8+$0x10] =	vst v16;
	v16 =	vmul.f32 v54, v59  }
0x2e7: {  	v63 =	vperm.xlane v19, v15;
	[tilespmem:s8+$0x30] =	vst v17;
	v17 =	vmul.f32 v56, v61  }
0x2e8: {  	s9 =	smul.u32 $0x1400, s31;
	s31 =	sadd.s32 $0x1, s31;
	[tilespmem:s8+$0x40] =	vst v16;
	v16 =	vmul.f32 v58, v62  }
0x2e9: {  	p2 =	sne.s32 s31, $0x19;
	[tilespmem:s8+$0x50] =	vst v17;
	v17 =	vmul.f32 v60, v63  }
.Ltmp9:
0x2ea: {  	s10 =	sadd.s32 $0x6D60, s7;
	s9 =	sshra.s32 s9, $0x2;
	[tilespmem:s8+$0x60] =	vst v16;
	(pc) =	sbr.rel @p2 .LBB2_18-.Ltmp9, $4  }
0x2eb: {  	s11 =	sadd.s32 $0x9C40, s7;
	s26 =	sadd.s32 $0x50, s26;
	s9 =	sadd.s32 $0xABE0, s9;
	[tilespmem:s8+$0x70] =	vst v17  }
0x2ec: {  	[spmem:s2] =	stream.indirect.scatter.add.f32 [tilespmem:s9], [sflag:$0x4], $0x10, s10, s22, $0xb8;
	[tilespmem:$0x1D1E8] =	vst v63  }
0x2ed: {  	s17 =	sadd.s32 $0x50, s17;
	s5 =	sadd.s32 $0x50, s5;
	s6 =	sadd.s32 $0x500, s6  }
0x2ee: {  	[spmem:s3] =	stream.indirect.scatter.add.f32 [tilespmem:s11], [sflag:$0x4], $0x1, s10, s22, $0xb8;
	[tilespmem:$0x1D1E8] =	vst v63  }
0x2ef: {  	_ =	swait.ge [sflag:s1], $0x7D00  }
0x2f0: {  	[sflag:s1] =	ssyncset.done $0x0  }
0x2f1: {  	[sflag:s1] =	ssyncadd.s32 $0xFFFF8300  }
0x2f2: {  	_ =	swait.ge [sflag:s1], $0x7D0  }
0x2f3: {  	[sflag:s1] =	ssyncset.done $0x0  }
0x2f4: {  	[sflag:s1] =	ssyncadd.s32 $0xFFFFF830  }
0x2f5: {  	[bflag:$0x0] =	sbarrier.arrive $0xFFFF  }
0x2f6: {  	s5 =	simm.s32 @!p0 $0x1C06;
	s6 =	rddreg [dreg:$0xa]  }
0x2f7: {  	[hbm:s6], [sflag:s5] =	dma.local @!p0 [spmem:s18], $0x4E20  }
0x2f8: {  	s5 =	simm.s32 @!p0 $0x6  }
0x2f9: {  	_ =	swait.ge @!p0 [sflag:s5], $0x4E20  }
0x2fa: {  	[sflag:s5] =	ssyncset.done @!p0 $0x0  }
0x2fb: {  	s26 =	simm.s32 $0x1A5E0;
	s17 =	rddreg [dreg:$0xb];
	[sflag:s5] =	ssyncadd.s32 @!p0 $0xFFFFB1E0  }
0x2fc: {  	[tilespmem:s26], [sflag:$0x6] =	stream.linear.gather [spmem:s17], $0x270, $0x38;
	[tilespmem:$0x1D1E8] =	vst v63  }
0x2fd: {  	_ =	swait.ge [sflag:s20], $0x270  }
0x2fe: {  	[sflag:s20] =	ssyncset.done $0x0  }
0x2ff: {  	s5 =	simm.s32 @!p1 $0x1A850;
	s6 =	rddreg [dreg:$0xc];
	[sflag:s20] =	ssyncadd.s32 $0xFFFFFD90  }
0x300: {  	[tilespmem:s5], [sflag:$0x6] =	stream.linear.gather @!p1 [spmem:s6], $0x10, $0x38;
	[tilespmem:$0x1D1E8] =	vst v63  }
0x301: {  	s5 =	simm.s32 @!p1 $0x6  }
0x302: {  	_ =	swait.ge @!p1 [sflag:s5], $0x10  }
0x303: {  	[sflag:s5] =	ssyncset.done @!p1 $0x0  }
0x304: {  	s31 =	simm.s32 $0x0;
	[sflag:s5] =	ssyncadd.s32 @!p1 $0xFFFFFFF0  }
0x305: {  	v16 =	vld [tilespmem:s31+$0x1A5E0];
	_ =	sdelay $0x4  }
0x306: {  	v17 =	vperm.xlane v16, v1  }
0x307: {  	s5 =	simm.s32 $0xAC60;
	v18 =	vperm.xlane v16, v0  }
0x308: {  	v19 =	vperm.xlane v16, v2;
	[tilespmem:s5+$0xFFFFFF80] =	vst v17  }
0x309: {  	v56 =	vperm.xlane v16, v4;
	[tilespmem:s5+$0xFFFFFF90] =	vst v18  }
0x30a: {  	v57 =	vperm.xlane v16, v5;
	[tilespmem:s5+$0xFFFFFFA0] =	vst v19  }
0x30b: {  	v58 =	vperm.xlane v16, v7;
	[tilespmem:s5+$0xFFFFFFC0] =	vst v56  }
0x30c: {  	v59 =	vperm.xlane v16, v8;
	[tilespmem:s5+$0xFFFFFFD0] =	vst v57  }
0x30d: {  	v60 =	vperm.xlane v16, v10;
	[tilespmem:s5+$0xFFFFFFF0] =	vst v58  }
0x30e: {  	v17 =	vperm.xlane v16, v3;
	[tilespmem:s5+$0x0] =	vst v59  }
0x30f: {  	v61 =	vperm.xlane v16, v11;
	[tilespmem:s5+$0x20] =	vst v60  }
0x310: {  	[tilespmem:s5+$0xFFFFFFB0] =	vst v17;
	v17 =	vperm.xlane v16, v6  }
0x311: {  	v62 =	vperm.xlane v16, v13;
	[tilespmem:s5+$0x30] =	vst v61  }
0x312: {  	[tilespmem:s5+$0xFFFFFFE0] =	vst v17;
	v17 =	vperm.xlane v16, v9  }
0x313: {  	v63 =	vperm.xlane v16, v14;
	[tilespmem:s5+$0x50] =	vst v62  }
0x314: {  	[tilespmem:s5+$0x10] =	vst v17;
	v17 =	vperm.xlane v16, v12  }
0x315: {  	[tilespmem:s5+$0x60] =	vst v63;
	v16 =	vperm.xlane v16, v15  }
0x316: {  	[tilespmem:s5+$0x40] =	vst v17  }
0x317: {  	s7 =	simm.s32 $0x10;
	s6 =	simm.s32 $0x80;
	[tilespmem:s5+$0x70] =	vst v16  }
.LBB2_22:
0x318: {  	p2 =	sne.s32 s6, $0x980;
	v16 =	vld [tilespmem:s7+$0x1A5E0];
	_ =	sdelay $0x4  }
0x319: {  	v17 =	vperm.xlane v16, v1;
	v18 =	vperm.xlane v16, v0  }
0x31a: {  	s5 =	sadd.s32 $0x100, s5;
	v19 =	vperm.xlane v16, v2;
	v20 =	vperm.xlane v16, v3  }
0x31b: {  	v21 =	vperm.xlane v16, v5;
	[tilespmem:s5+$0xFFFFFF80] =	vst v17;
	v17 =	vperm.xlane v16, v4  }
0x31c: {  	v22 =	vperm.xlane v16, v7;
	[tilespmem:s5+$0xFFFFFF90] =	vst v18;
	v18 =	vperm.xlane v16, v6  }
0x31d: {  	v23 =	vperm.xlane v16, v9;
	[tilespmem:s5+$0xFFFFFFA0] =	vst v19;
	v19 =	vperm.xlane v16, v8  }
0x31e: {  	v24 =	vperm.xlane v16, v11;
	[tilespmem:s5+$0xFFFFFFB0] =	vst v20;
	v20 =	vperm.xlane v16, v10  }
0x31f: {  	v25 =	vperm.xlane v16, v13;
	[tilespmem:s5+$0xFFFFFFC0] =	vst v17;
	v17 =	vperm.xlane v16, v12  }
0x320: {  	[tilespmem:s5+$0xFFFFFFD0] =	vst v21;
	v21 =	vperm.xlane v16, v14;
	v16 =	vperm.xlane v16, v15  }
0x321: {  	[tilespmem:s5+$0xFFFFFFE0] =	vst v18  }
0x322: {  	[tilespmem:s5+$0xFFFFFFF0] =	vst v22  }
0x323: {  	[tilespmem:s5+$0x0] =	vst v19  }
0x324: {  	[tilespmem:s5+$0x10] =	vst v23  }
0x325: {  	[tilespmem:s5+$0x20] =	vst v20  }
.Ltmp10:
0x326: {  	[tilespmem:s5+$0x30] =	vst v24;
	(pc) =	sbr.rel @p2 .LBB2_22-.Ltmp10, $4  }
0x327: {  	[tilespmem:s5+$0x40] =	vst v17  }
0x328: {  	[tilespmem:s5+$0x50] =	vst v25  }
0x329: {  	[tilespmem:s5+$0x60] =	vst v21  }
0x32a: {  	s7 =	sshra.s32 s6, $0x2;
	s6 =	sadd.s32 $0x40, s6;
	[tilespmem:s5+$0x70] =	vst v16  }
0x32b: {  	v16 =	vld [tilespmem:s7+$0x1A5E0];
	_ =	sdelay $0x4  }
0x32c: {  	v17 =	vperm.xlane v16, v1  }
0x32d: {  	s5 =	sadd.s32 $0x100, s5;
	v18 =	vperm.xlane v16, v0  }
0x32e: {  	v19 =	vperm.xlane v16, v2;
	[tilespmem:s5+$0xFFFFFF80] =	vst v17  }
0x32f: {  	v56 =	vperm.xlane v16, v4;
	[tilespmem:s5+$0xFFFFFF90] =	vst v18  }
0x330: {  	v57 =	vperm.xlane v16, v5;
	[tilespmem:s5+$0xFFFFFFA0] =	vst v19  }
0x331: {  	v58 =	vperm.xlane v16, v7;
	[tilespmem:s5+$0xFFFFFFC0] =	vst v56  }
0x332: {  	v59 =	vperm.xlane v16, v8;
	[tilespmem:s5+$0xFFFFFFD0] =	vst v57  }
0x333: {  	v60 =	vperm.xlane v16, v10;
	[tilespmem:s5+$0xFFFFFFF0] =	vst v58  }
0x334: {  	v17 =	vperm.xlane v16, v3;
	[tilespmem:s5+$0x0] =	vst v59  }
0x335: {  	v61 =	vperm.xlane v16, v11;
	[tilespmem:s5+$0x20] =	vst v60  }
0x336: {  	[tilespmem:s5+$0xFFFFFFB0] =	vst v17;
	v17 =	vperm.xlane v16, v6  }
0x337: {  	v62 =	vperm.xlane v16, v13;
	[tilespmem:s5+$0x30] =	vst v61  }
0x338: {  	[tilespmem:s5+$0xFFFFFFE0] =	vst v17;
	v17 =	vperm.xlane v16, v9  }
0x339: {  	v63 =	vperm.xlane v16, v14;
	[tilespmem:s5+$0x50] =	vst v62  }
0x33a: {  	[tilespmem:s5+$0x10] =	vst v17;
	v17 =	vperm.xlane v16, v12  }
0x33b: {  	[tilespmem:s5+$0x60] =	vst v63;
	v16 =	vperm.xlane v16, v15  }
0x33c: {  	[tilespmem:s5+$0x40] =	vst v17  }
0x33d: {  	s26 =	rddreg [dreg:$0xd];
	[tilespmem:s5+$0x70] =	vst v16  }
0x33e: {  	[hbm4b:s26+s4] =	stream.linear.scatter [tilespmem:s23], [sflag:$0x6], $0x2700, $0x38;
	[tilespmem:$0x1D1E8] =	vst v63  }
0x33f: {  	_ =	swait.ge [sflag:s20], $0x2700  }
0x340: {  	[sflag:s20] =	ssyncset.done $0x0  }
0x341: {  	[sflag:s20] =	ssyncadd.s32 $0xFFFFD900  }
0x342: {  	v16 =	vld @!p1 [tilespmem:$0x1A850];
	_ =	sdelay $0x3  }
0x343: {  	v17 =	vimm.s32 @!p1 $0x0  }
0x344: {  	v18 =	vimm.s32 @!p1 $0x1;
	v17 =	vperm.xlane @!p1 v16, v17  }
0x345: {  	v19 =	vimm.s32 @!p1 $0x2;
	v18 =	vperm.xlane @!p1 v16, v18  }
0x346: {  	[tilespmem:$0x128E0] =	vst @!p1 v17;
	v17 =	vperm.xlane @!p1 v16, v19;
	v19 =	vimm.s32 @!p1 $0x3  }
0x347: {  	[tilespmem:$0x128F0] =	vst @!p1 v18;
	v18 =	vperm.xlane @!p1 v16, v19;
	v19 =	vimm.s32 @!p1 $0x4  }
0x348: {  	[tilespmem:$0x12900] =	vst @!p1 v17;
	v17 =	vperm.xlane @!p1 v16, v19;
	v19 =	vimm.s32 @!p1 $0x5  }
0x349: {  	[tilespmem:$0x12910] =	vst @!p1 v18;
	v18 =	vperm.xlane @!p1 v16, v19;
	v19 =	vimm.s32 @!p1 $0x6  }
0x34a: {  	[tilespmem:$0x12920] =	vst @!p1 v17;
	v17 =	vperm.xlane @!p1 v16, v19;
	v19 =	vimm.s32 @!p1 $0x7  }
0x34b: {  	[tilespmem:$0x12930] =	vst @!p1 v18;
	v18 =	vperm.xlane @!p1 v16, v19;
	v19 =	vimm.s32 @!p1 $0x8  }
0x34c: {  	[tilespmem:$0x12940] =	vst @!p1 v17;
	v17 =	vperm.xlane @!p1 v16, v19;
	v19 =	vimm.s32 @!p1 $0x9  }
0x34d: {  	[tilespmem:$0x12950] =	vst @!p1 v18;
	v18 =	vperm.xlane @!p1 v16, v19;
	v19 =	vimm.s32 @!p1 $0xA  }
0x34e: {  	[tilespmem:$0x12960] =	vst @!p1 v17;
	v17 =	vperm.xlane @!p1 v16, v19;
	v19 =	vimm.s32 @!p1 $0xB  }
0x34f: {  	[tilespmem:$0x12970] =	vst @!p1 v18;
	v18 =	vperm.xlane @!p1 v16, v19;
	v19 =	vimm.s32 @!p1 $0xC  }
0x350: {  	[tilespmem:$0x12980] =	vst @!p1 v17;
	v17 =	vperm.xlane @!p1 v16, v19;
	v19 =	vimm.s32 @!p1 $0xD  }
0x351: {  	[tilespmem:$0x12990] =	vst @!p1 v18;
	v18 =	vperm.xlane @!p1 v16, v19;
	v19 =	vimm.s32 @!p1 $0xE  }
0x352: {  	[tilespmem:$0x129A0] =	vst @!p1 v17;
	v17 =	vperm.xlane @!p1 v16, v19;
	v19 =	vimm.s32 @!p1 $0xF  }
0x353: {  	[tilespmem:$0x129B0] =	vst @!p1 v18;
	v16 =	vperm.xlane @!p1 v16, v19  }
0x354: {  	[tilespmem:$0x129C0] =	vst @!p1 v17  }
0x355: {  	s6 =	simm.s32 @!p1 $0x128E0;
	s5 =	simm.s32 @!p1 $0x0;
	s7 =	rddreg [dreg:$0xe];
	[tilespmem:$0x129D0] =	vst @!p1 v16  }
0x356: {  	[hbm4b:s7+s5] =	stream.linear.scatter @!p1 [tilespmem:s6], [sflag:$0x6], $0x100, $0x38;
	[tilespmem:$0x1D1E8] =	vst v63  }
0x357: {  	s5 =	simm.s32 @!p1 $0x6  }
0x358: {  	_ =	swait.ge @!p1 [sflag:s5], $0x100  }
0x359: {  	s16 =	sadd.s32 $0x1, s16;
	s31 =	rddreg [dreg:$0xf]  }
0x35a: {  	p2 =	sne.s32 s16, s31  }
.Ltmp11:
0x35b: {  	_ = 	snop;
	(pc) =	sbr.rel @p2 .LBB2_1-.Ltmp11, $3  }
0x35c: {  	_ =	sdelay $0x1  }
0x35d: {  	[sflag:s5] =	ssyncset.done @!p1 $0x0  }
0x35e: {  	[sflag:s5] =	ssyncadd.s32 @!p1 $0xFFFFFF00  }
0x35f: {  	_ =	sfence.sel $0x180000  }
0x360: {  	[bflag:$0x0] =	sbarrier.arrive $0xFFFF  }
0x361: {  	_ =	strace $0x90000047  }
0x362: {  	[bflag:$0x2] =	sbarrier.arrive $0xFFFF  }
0x363: {  	s0 =	rddreg [dreg:$0x4]  }
0x364: {  	s0 =	sadd.s32 @!p0 $0x100000, s0  }
0x365: {  	[sflag:s0] =	ssyncadd.tile.s32 @!p0 $0x1;
	_ =	shalt  }
.Lfunc_end2:
_tile_overlayer_lowered:
.L_overlay_start_2:
0x366: {  	(tag) =	ssettag $0x2  }
0x367: {  	s0 =	rddreg [dreg:$0x0];
	s2 =	stileid.u32  }
0x368: {  	s1 =	rddreg [dreg:$0x1];
	p0 =	sne.s32 s2, $0x0  }
0x369: {  	s3 =	rddreg [dreg:$0x2];
	[bflag:$0x3] =	sbarrier.arrive $0xFFFF;
	s2 =	simm.s32 @!p0 $0x1C06  }
0x36a: {  	[timem:s3], [sflag:s2] =	dma.local @!p0 [hbm:s0], s1  }
0x36b: {  	s0 =	simm.s32 @!p0 $0x6  }
0x36c: {  	_ =	swait.ge @!p0 [sflag:s0], s1  }
0x36d: {  	s1 =	ssub.s32 @!p0 $0x0, s1;
	[sflag:s0] =	ssyncset.done @!p0 $0x0  }
0x36e: {  	[sflag:s0] =	ssyncadd.s32 @!p0 s1  }
0x36f: {  	[bflag:$0x3] =	sbarrier.arrive $0xFFFF  }
0x370: {  	_ =	shalt  }

</sc_bundles>
